<compile_context>
chip_gen: v7x
topology: tpu7x:2x2x1
jax: 0.10.2.dev20260603
libtpu: 0.0.44.dev20260713+nightly
codegen_flags: <defaults>
</compile_context>

<pallas_src>
import functools

import jax
import jax.numpy as jnp
from jax import lax
from jax.experimental import pallas as pl
from jax.experimental.pallas import tpu as pltpu
from jax.experimental.pallas import tpu_sc as plsc

L = 16
NC, NS = 2, 16
NW = NC * NS
B, D = 128, 32768
ROWS_PER_W = B // NW
CHUNK = 16384
CHUNKS_PER_ROW = D // CHUNK
NCHUNK = ROWS_PER_W * CHUNKS_PER_ROW
UNROLL = 8


def _shuffle(x, idx):
    return lax.gather(
        x,
        idx[:, None],
        lax.GatherDimensionNumbers(
            offset_dims=(), collapsed_slice_dims=(0,), start_index_map=(0,)
        ),
        slice_sizes=(1,),
        mode=lax.GatherScatterMode.PROMISE_IN_BOUNDS,
    )


def _lwta_vreg(x):
    iota = lax.iota(jnp.int32, L)
    i1 = iota ^ 1
    i2 = iota ^ 2
    rpos = (~iota) & 3
    s = lax.bitcast_convert_type(x, jnp.int32)
    ordv = s ^ (lax.shift_right_arithmetic(s, 31) & jnp.int32(0x7FFFFFFF))
    key = (ordv & jnp.int32(~3)) | rpos
    km = jnp.maximum(key, _shuffle(key, i1))
    km = jnp.maximum(km, _shuffle(km, i2))
    return jnp.where(key == km, x, 0.0)


def _compute_chunk(in_v, out_v):
    def body(j, _):
        o = j * (UNROLL * L)
        for k in range(UNROLL):
            s = pl.ds(o + k * L, L)
            out_v[s] = _lwta_vreg(in_v[s])
        return 0

    lax.fori_loop(0, CHUNK // (UNROLL * L), body, 0)


@functools.partial(
    pl.kernel,
    mesh=plsc.VectorSubcoreMesh(core_axis_name="c", subcore_axis_name="s"),
    compiler_params=pltpu.CompilerParams(skip_device_barrier=True),
    out_type=jax.ShapeDtypeStruct((B, D), jnp.float32),
    scratch_types=[
        pltpu.VMEM((CHUNK,), jnp.float32),
        pltpu.VMEM((CHUNK,), jnp.float32),
        pltpu.VMEM((CHUNK,), jnp.float32),
        pltpu.VMEM((CHUNK,), jnp.float32),
        pltpu.SemaphoreType.DMA,
        pltpu.SemaphoreType.DMA,
        pltpu.SemaphoreType.DMA,
        pltpu.SemaphoreType.DMA,
    ],
)
def _lwta_sc(x_hbm, o_hbm, in0, in1, out0, out1, s_in0, s_in1, s_out0, s_out1):
    wid = lax.axis_index("s") * NC + lax.axis_index("c")
    row0 = wid * ROWS_PER_W
    ins, outs = [in0, in1], [out0, out1]
    s_ins, s_outs = [s_in0, s_in1], [s_out0, s_out1]
    in_h = [None] * NCHUNK
    out_h = [None] * NCHUNK

    def src(c):
        return x_hbm.at[row0 + c // CHUNKS_PER_ROW,
                        pl.ds((c % CHUNKS_PER_ROW) * CHUNK, CHUNK)]

    def dst(c):
        return o_hbm.at[row0 + c // CHUNKS_PER_ROW,
                        pl.ds((c % CHUNKS_PER_ROW) * CHUNK, CHUNK)]

    in_h[0] = pltpu.async_copy(src(0), ins[0], s_ins[0])
    for c in range(NCHUNK):
        b = c % 2
        if c + 1 < NCHUNK:
            nb = (c + 1) % 2
            in_h[c + 1] = pltpu.async_copy(src(c + 1), ins[nb], s_ins[nb])
        in_h[c].wait()
        if c >= 2:
            out_h[c - 2].wait()
        _compute_chunk(ins[b], outs[b])
        out_h[c] = pltpu.async_copy(outs[b], dst(c), s_outs[b])
    out_h[NCHUNK - 2].wait()
    out_h[NCHUNK - 1].wait()


def kernel(inputs):
    return _lwta_sc(inputs)

# --- scband reference (transcript-rebuilt; emitter-appended) ---
"""Pipeline reference for scband-lwta-38929583571343 (READ-ONLY COPY).

The authoritative reference and input builder live on the scoring server;
editing this copy changes nothing except your own understanding.
"""

import jax, jax.numpy as jnp
import numpy as np

POOL_SIZE = 4

def setup_inputs(seed: int = 0) -> dict:
    key = jax.random.key(seed)
    inputs = jax.random.normal(key, (128, 32768), dtype=jnp.float32)
    return {"inputs": inputs}

def reference(inputs):
    # LWTA: within each consecutive group of POOL_SIZE features, keep only the max
    # (winner-take-all). Mask is built from data (no gradient through mask).
    B, d = inputs.shape
    g = d // POOL_SIZE
    y = inputs.reshape(B, g, POOL_SIZE)
    idx = jnp.argmax(y, axis=2)  # torch max returns first max index; jnp.argmax matches
    mask = (jnp.arange(POOL_SIZE)[None, None, :] == idx[:, :, None]).astype(inputs.dtype)
    mask = mask.reshape(B, d)
    return mask * inputs

if __name__ == "__main__":
    import jax
    _d = setup_inputs()
    print(jax.jit(kernel)(*tuple(_d.values())))

</pallas_src>

<mosaic_0001>
#map = affine_map<(d0, d1) -> (0, 0)>
module attributes {stable_mosaic.version = 14 : i64} {
  func.func @_lwta_sc(%arg0: i32, %arg1: i32, %arg2: memref<128x32768xf32, #tpu.memory_space<hbm>>, %arg3: memref<128x32768xf32, #tpu.memory_space<hbm>>, %arg4: memref<16384xf32, #tpu.memory_space<vmem>>, %arg5: memref<16384xf32, #tpu.memory_space<vmem>>, %arg6: memref<16384xf32, #tpu.memory_space<vmem>>, %arg7: memref<16384xf32, #tpu.memory_space<vmem>>, %arg8: memref<!tpu.dma_semaphore, #tpu.memory_space<semaphore_mem>>, %arg9: memref<!tpu.dma_semaphore, #tpu.memory_space<semaphore_mem>>, %arg10: memref<!tpu.dma_semaphore, #tpu.memory_space<semaphore_mem>>, %arg11: memref<!tpu.dma_semaphore, #tpu.memory_space<semaphore_mem>>) attributes {dimension_semantics = [#tpu.dimension_semantics<core_parallel>, #tpu.dimension_semantics<subcore_parallel>], iteration_bounds = array<i64: 2, 16>, scalar_prefetch = 0 : i64, scratch_operands = 8 : i64, tpu.core_type = #tpu.core_type<sc_vector_subcore>, window_params = [{transform_indices = #map}, {transform_indices = #map}]} {
    %mul3A = arith.constant 2 : i32
    %mul3A_0 = arith.muli %arg1, %mul3A : i32
    %add3A = arith.addi %mul3A_0, %arg0 : i32
    %mul3A_1 = arith.constant 4 : i32
    %mul3A_2 = arith.muli %add3A, %mul3A_1 : i32
    %add3A_3 = arith.constant 0 : i32
    %add3A_4 = arith.addi %mul3A_2, %add3A_3 : i32
    %dma_start3A = arith.constant 0 : i32
    %dma_start3A_5 = tpu.memref_slice %arg2[%add3A_4, %dma_start3A] : memref<128x32768xf32, #tpu.memory_space<hbm>> -> memref<1x16384xf32, #tpu.memory_space<hbm>>
    %dma_start3A_6 = tpu.memref_squeeze %dma_start3A_5 : memref<1x16384xf32, #tpu.memory_space<hbm>> -> memref<16384xf32, #tpu.memory_space<hbm>>
    %dma_start3A_7 = arith.constant 0 : i32
    %dma_start3A_8 = tpu.memref_slice %arg2[%add3A_4, %dma_start3A_7] : memref<128x32768xf32, #tpu.memory_space<hbm>> -> memref<1x16384xf32, #tpu.memory_space<hbm>>
    %dma_start3A_9 = tpu.memref_squeeze %dma_start3A_8 : memref<1x16384xf32, #tpu.memory_space<hbm>> -> memref<16384xf32, #tpu.memory_space<hbm>>
    tpu.enqueue_dma source(%dma_start3A_9 : memref<16384xf32, #tpu.memory_space<hbm>>) target(%arg4 : memref<16384xf32, #tpu.memory_space<vmem>>) target_semaphore(%arg8 : memref<!tpu.dma_semaphore, #tpu.memory_space<semaphore_mem>>)
    %add3A_10 = arith.constant 0 : i32
    %add3A_11 = arith.addi %mul3A_2, %add3A_10 : i32
    %dma_start3A_12 = arith.constant 16384 : i32
    %dma_start3A_13 = tpu.memref_slice %arg2[%add3A_11, %dma_start3A_12] : memref<128x32768xf32, #tpu.memory_space<hbm>> -> memref<1x16384xf32, #tpu.memory_space<hbm>>
    %dma_start3A_14 = tpu.memref_squeeze %dma_start3A_13 : memref<1x16384xf32, #tpu.memory_space<hbm>> -> memref<16384xf32, #tpu.memory_space<hbm>>
    %dma_start3A_15 = arith.constant 16384 : i32
    %dma_start3A_16 = tpu.memref_slice %arg2[%add3A_11, %dma_start3A_15] : memref<128x32768xf32, #tpu.memory_space<hbm>> -> memref<1x16384xf32, #tpu.memory_space<hbm>>
    %dma_start3A_17 = tpu.memref_squeeze %dma_start3A_16 : memref<1x16384xf32, #tpu.memory_space<hbm>> -> memref<16384xf32, #tpu.memory_space<hbm>>
    tpu.enqueue_dma source(%dma_start3A_17 : memref<16384xf32, #tpu.memory_space<hbm>>) target(%arg5 : memref<16384xf32, #tpu.memory_space<vmem>>) target_semaphore(%arg9 : memref<!tpu.dma_semaphore, #tpu.memory_space<semaphore_mem>>)
    %dma_wait3A = arith.constant 0 : i32
    %dma_wait3A_18 = tpu.memref_slice %arg2[%add3A_4, %dma_wait3A] : memref<128x32768xf32, #tpu.memory_space<hbm>> -> memref<1x16384xf32, #tpu.memory_space<hbm>>
    %dma_wait3A_19 = tpu.memref_squeeze %dma_wait3A_18 : memref<1x16384xf32, #tpu.memory_space<hbm>> -> memref<16384xf32, #tpu.memory_space<hbm>>
    %dma_wait3A_20 = arith.constant 0 : i32
    %dma_wait3A_21 = tpu.memref_slice %arg2[%add3A_4, %dma_wait3A_20] : memref<128x32768xf32, #tpu.memory_space<hbm>> -> memref<1x16384xf32, #tpu.memory_space<hbm>>
    %dma_wait3A_22 = tpu.memref_squeeze %dma_wait3A_21 : memref<1x16384xf32, #tpu.memory_space<hbm>> -> memref<16384xf32, #tpu.memory_space<hbm>>
    tpu.wait_dma2 semaphore(%arg8 : memref<!tpu.dma_semaphore, #tpu.memory_space<semaphore_mem>>) src(%dma_wait3A_22 : memref<16384xf32, #tpu.memory_space<hbm>>) dst(%arg4 : memref<16384xf32, #tpu.memory_space<vmem>>)
    %scan3A = arith.constant 0 : i32
    %scan3A_23 = arith.constant 0 : i32
    %scan3A_24 = arith.constant 128 : i32
    %scan3A_25 = arith.addi %scan3A_23, %scan3A_24 : i32
    %scan3A_26 = arith.constant 1 : i32
    %scan3A_27 = scf.for %scan3A_280 = %scan3A_23 to %scan3A_25 step %scan3A_26 iter_args(%scan3A_281 = %scan3A) -> (i32)  : i32 {
      %mul3A_282 = arith.constant 128 : i32
      %mul3A_283 = arith.muli %scan3A_280, %mul3A_282 : i32
      %add3A_284 = arith.constant 0 : i32
      %add3A_285 = arith.addi %mul3A_283, %add3A_284 : i32
      %get3A = arith.index_cast %add3A_285 : i32 to index
      %get3A_286 = tpu.vector_load %arg4[%get3A] {strides = array<i32>} : memref<16384xf32, #tpu.memory_space<vmem>>, vector<16xf32>,
      %get3A_287 = vector.shape_cast %get3A_286 : vector<16xf32> to vector<16xf32>
      %iota3A = tpu.iota {dimensions = array<i32: 0>} : vector<16xi32>
      %xor3A = arith.constant 1 : i32
      %xor3A_288 = vector.broadcast %xor3A : i32 to vector<16xi32>
      %xor3A_289 = arith.xori %iota3A, %xor3A_288 : vector<16xi32>
      %xor3A_290 = arith.constant 2 : i32
      %xor3A_291 = vector.broadcast %xor3A_290 : i32 to vector<16xi32>
      %xor3A_292 = arith.xori %iota3A, %xor3A_291 : vector<16xi32>
      %not3A = arith.constant dense<-1> : vector<16xi32>
      %not3A_293 = arith.xori %iota3A, %not3A : vector<16xi32>
      %and3A = arith.constant 3 : i32
      %and3A_294 = vector.broadcast %and3A : i32 to vector<16xi32>
      %and3A_295 = arith.andi %not3A_293, %and3A_294 : vector<16xi32>
      %bitcast_convert_type3A = tpu.bitcast %get3A_287 : vector<16xf32> -> vector<16xi32>
      %shift_right_arithmetic3A = arith.constant 31 : i32
      %shift_right_arithmetic3A_296 = vector.broadcast %shift_right_arithmetic3A : i32 to vector<16xi32>
      %shift_right_arithmetic3A_297 = arith.shrsi %bitcast_convert_type3A, %shift_right_arithmetic3A_296 : vector<16xi32>
      %and3A_298 = arith.constant 2147483647 : i32
      %and3A_299 = vector.broadcast %and3A_298 : i32 to vector<16xi32>
      %and3A_300 = arith.andi %shift_right_arithmetic3A_297, %and3A_299 : vector<16xi32>
      %xor3A_301 = arith.xori %bitcast_convert_type3A, %and3A_300 : vector<16xi32>
      %and3A_302 = arith.constant -4 : i32
      %and3A_303 = vector.broadcast %and3A_302 : i32 to vector<16xi32>
      %and3A_304 = arith.andi %xor3A_301, %and3A_303 : vector<16xi32>
      %or3A = arith.ori %and3A_304, %and3A_295 : vector<16xi32>
      %broadcast_in_dim3A = vector.shape_cast %xor3A_289 : vector<16xi32> to vector<16x1xi32>
      %gather3A = vector.shape_cast %broadcast_in_dim3A : vector<16x1xi32> to vector<16xi32>
      %gather3A_305 = tpu.dynamic_gather %or3A[%gather3A] in [0] : vector<16xi32>, vector<16xi32> -> vector<16xi32>
      %max3A = arith.maxsi %or3A, %gather3A_305 : vector<16xi32>
      %broadcast_in_dim3A_306 = vector.shape_cast %xor3A_292 : vector<16xi32> to vector<16x1xi32>
      %gather3A_307 = vector.shape_cast %broadcast_in_dim3A_306 : vector<16x1xi32> to vector<16xi32>
      %gather3A_308 = tpu.dynamic_gather %max3A[%gather3A_307] in [0] : vector<16xi32>, vector<16xi32> -> vector<16xi32>
      %max3A_309 = arith.maxsi %max3A, %gather3A_308 : vector<16xi32>
      %eq3A = arith.cmpi eq, %or3A, %max3A_309 : vector<16xi32>
      %jit3A = arith.constant 0.000000e+00 : f32
      %broadcast_in_dim3A_310 = vector.broadcast %jit3A : f32 to vector<16xf32>
      %select_n3A = arith.select %eq3A, %get3A_287, %broadcast_in_dim3A_310 : vector<16xi1>, vector<16xf32>
      %swap3A = arith.index_cast %add3A_285 : i32 to index
      %swap3A_311 = tpu.vector_load %arg6[%swap3A] {strides = array<i32>} : memref<16384xf32, #tpu.memory_space<vmem>>, vector<16xf32>,
      %swap3A_312 = vector.shape_cast %swap3A_311 : vector<16xf32> to vector<16xf32>
      %swap3A_313 = vector.shape_cast %select_n3A : vector<16xf32> to vector<16xf32>
      tpu.vector_store %arg6[%swap3A], %swap3A_313 {strides = array<i32>} : memref<16384xf32, #tpu.memory_space<vmem>>, vector<16xf32>,
      %add3A_314 = arith.constant 16 : i32
      %add3A_315 = arith.addi %mul3A_283, %add3A_314 : i32
      %get3A_316 = arith.index_cast %add3A_315 : i32 to index
      %get3A_317 = tpu.vector_load %arg4[%get3A_316] {strides = array<i32>} : memref<16384xf32, #tpu.memory_space<vmem>>, vector<16xf32>,
      %get3A_318 = vector.shape_cast %get3A_317 : vector<16xf32> to vector<16xf32>
      %iota3A_319 = tpu.iota {dimensions = array<i32: 0>} : vector<16xi32>
      %xor3A_320 = arith.constant 1 : i32
      %xor3A_321 = vector.broadcast %xor3A_320 : i32 to vector<16xi32>
      %xor3A_322 = arith.xori %iota3A_319, %xor3A_321 : vector<16xi32>
      %xor3A_323 = arith.constant 2 : i32
      %xor3A_324 = vector.broadcast %xor3A_323 : i32 to vector<16xi32>
      %xor3A_325 = arith.xori %iota3A_319, %xor3A_324 : vector<16xi32>
      %not3A_326 = arith.constant dense<-1> : vector<16xi32>
      %not3A_327 = arith.xori %iota3A_319, %not3A_326 : vector<16xi32>
      %and3A_328 = arith.constant 3 : i32
      %and3A_329 = vector.broadcast %and3A_328 : i32 to vector<16xi32>
      %and3A_330 = arith.andi %not3A_327, %and3A_329 : vector<16xi32>
      %bitcast_convert_type3A_331 = tpu.bitcast %get3A_318 : vector<16xf32> -> vector<16xi32>
      %shift_right_arithmetic3A_332 = arith.constant 31 : i32
      %shift_right_arithmetic3A_333 = vector.broadcast %shift_right_arithmetic3A_332 : i32 to vector<16xi32>
      %shift_right_arithmetic3A_334 = arith.shrsi %bitcast_convert_type3A_331, %shift_right_arithmetic3A_333 : vector<16xi32>
      %and3A_335 = arith.constant 2147483647 : i32
      %and3A_336 = vector.broadcast %and3A_335 : i32 to vector<16xi32>
      %and3A_337 = arith.andi %shift_right_arithmetic3A_334, %and3A_336 : vector<16xi32>
      %xor3A_338 = arith.xori %bitcast_convert_type3A_331, %and3A_337 : vector<16xi32>
      %and3A_339 = arith.constant -4 : i32
      %and3A_340 = vector.broadcast %and3A_339 : i32 to vector<16xi32>
      %and3A_341 = arith.andi %xor3A_338, %and3A_340 : vector<16xi32>
      %or3A_342 = arith.ori %and3A_341, %and3A_330 : vector<16xi32>
      %broadcast_in_dim3A_343 = vector.shape_cast %xor3A_322 : vector<16xi32> to vector<16x1xi32>
      %gather3A_344 = vector.shape_cast %broadcast_in_dim3A_343 : vector<16x1xi32> to vector<16xi32>
      %gather3A_345 = tpu.dynamic_gather %or3A_342[%gather3A_344] in [0] : vector<16xi32>, vector<16xi32> -> vector<16xi32>
      %max3A_346 = arith.maxsi %or3A_342, %gather3A_345 : vector<16xi32>
      %broadcast_in_dim3A_347 = vector.shape_cast %xor3A_325 : vector<16xi32> to vector<16x1xi32>
      %gather3A_348 = vector.shape_cast %broadcast_in_dim3A_347 : vector<16x1xi32> to vector<16xi32>
      %gather3A_349 = tpu.dynamic_gather %max3A_346[%gather3A_348] in [0] : vector<16xi32>, vector<16xi32> -> vector<16xi32>
      %max3A_350 = arith.maxsi %max3A_346, %gather3A_349 : vector<16xi32>
      %eq3A_351 = arith.cmpi eq, %or3A_342, %max3A_350 : vector<16xi32>
      %jit3A_352 = arith.constant 0.000000e+00 : f32
      %broadcast_in_dim3A_353 = vector.broadcast %jit3A_352 : f32 to vector<16xf32>
      %select_n3A_354 = arith.select %eq3A_351, %get3A_318, %broadcast_in_dim3A_353 : vector<16xi1>, vector<16xf32>
      %swap3A_355 = arith.index_cast %add3A_315 : i32 to index
      %swap3A_356 = tpu.vector_load %arg6[%swap3A_355] {strides = array<i32>} : memref<16384xf32, #tpu.memory_space<vmem>>, vector<16xf32>,
      %swap3A_357 = vector.shape_cast %swap3A_356 : vector<16xf32> to vector<16xf32>
      %swap3A_358 = vector.shape_cast %select_n3A_354 : vector<16xf32> to vector<16xf32>
      tpu.vector_store %arg6[%swap3A_355], %swap3A_358 {strides = array<i32>} : memref<16384xf32, #tpu.memory_space<vmem>>, vector<16xf32>,
      %add3A_359 = arith.constant 32 : i32
      %add3A_360 = arith.addi %mul3A_283, %add3A_359 : i32
      %get3A_361 = arith.index_cast %add3A_360 : i32 to index
      %get3A_362 = tpu.vector_load %arg4[%get3A_361] {strides = array<i32>} : memref<16384xf32, #tpu.memory_space<vmem>>, vector<16xf32>,
      %get3A_363 = vector.shape_cast %get3A_362 : vector<16xf32> to vector<16xf32>
      %iota3A_364 = tpu.iota {dimensions = array<i32: 0>} : vector<16xi32>
      %xor3A_365 = arith.constant 1 : i32
      %xor3A_366 = vector.broadcast %xor3A_365 : i32 to vector<16xi32>
      %xor3A_367 = arith.xori %iota3A_364, %xor3A_366 : vector<16xi32>
      %xor3A_368 = arith.constant 2 : i32
      %xor3A_369 = vector.broadcast %xor3A_368 : i32 to vector<16xi32>
      %xor3A_370 = arith.xori %iota3A_364, %xor3A_369 : vector<16xi32>
      %not3A_371 = arith.constant dense<-1> : vector<16xi32>
      %not3A_372 = arith.xori %iota3A_364, %not3A_371 : vector<16xi32>
      %and3A_373 = arith.constant 3 : i32
      %and3A_374 = vector.broadcast %and3A_373 : i32 to vector<16xi32>
      %and3A_375 = arith.andi %not3A_372, %and3A_374 : vector<16xi32>
      %bitcast_convert_type3A_376 = tpu.bitcast %get3A_363 : vector<16xf32> -> vector<16xi32>
      %shift_right_arithmetic3A_377 = arith.constant 31 : i32
      %shift_right_arithmetic3A_378 = vector.broadcast %shift_right_arithmetic3A_377 : i32 to vector<16xi32>
      %shift_right_arithmetic3A_379 = arith.shrsi %bitcast_convert_type3A_376, %shift_right_arithmetic3A_378 : vector<16xi32>
      %and3A_380 = arith.constant 2147483647 : i32
      %and3A_381 = vector.broadcast %and3A_380 : i32 to vector<16xi32>
      %and3A_382 = arith.andi %shift_right_arithmetic3A_379, %and3A_381 : vector<16xi32>
      %xor3A_383 = arith.xori %bitcast_convert_type3A_376, %and3A_382 : vector<16xi32>
      %and3A_384 = arith.constant -4 : i32
      %and3A_385 = vector.broadcast %and3A_384 : i32 to vector<16xi32>
      %and3A_386 = arith.andi %xor3A_383, %and3A_385 : vector<16xi32>
      %or3A_387 = arith.ori %and3A_386, %and3A_375 : vector<16xi32>
      %broadcast_in_dim3A_388 = vector.shape_cast %xor3A_367 : vector<16xi32> to vector<16x1xi32>
      %gather3A_389 = vector.shape_cast %broadcast_in_dim3A_388 : vector<16x1xi32> to vector<16xi32>
      %gather3A_390 = tpu.dynamic_gather %or3A_387[%gather3A_389] in [0] : vector<16xi32>, vector<16xi32> -> vector<16xi32>
      %max3A_391 = arith.maxsi %or3A_387, %gather3A_390 : vector<16xi32>
      %broadcast_in_dim3A_392 = vector.shape_cast %xor3A_370 : vector<16xi32> to vector<16x1xi32>
      %gather3A_393 = vector.shape_cast %broadcast_in_dim3A_392 : vector<16x1xi32> to vector<16xi32>
      %gather3A_394 = tpu.dynamic_gather %max3A_391[%gather3A_393] in [0] : vector<16xi32>, vector<16xi32> -> vector<16xi32>
      %max3A_395 = arith.maxsi %max3A_391, %gather3A_394 : vector<16xi32>
      %eq3A_396 = arith.cmpi eq, %or3A_387, %max3A_395 : vector<16xi32>
      %jit3A_397 = arith.constant 0.000000e+00 : f32
      %broadcast_in_dim3A_398 = vector.broadcast %jit3A_397 : f32 to vector<16xf32>
      %select_n3A_399 = arith.select %eq3A_396, %get3A_363, %broadcast_in_dim3A_398 : vector<16xi1>, vector<16xf32>
      %swap3A_400 = arith.index_cast %add3A_360 : i32 to index
      %swap3A_401 = tpu.vector_load %arg6[%swap3A_400] {strides = array<i32>} : memref<16384xf32, #tpu.memory_space<vmem>>, vector<16xf32>,
      %swap3A_402 = vector.shape_cast %swap3A_401 : vector<16xf32> to vector<16xf32>
      %swap3A_403 = vector.shape_cast %select_n3A_399 : vector<16xf32> to vector<16xf32>
      tpu.vector_store %arg6[%swap3A_400], %swap3A_403 {strides = array<i32>} : memref<16384xf32, #tpu.memory_space<vmem>>, vector<16xf32>,
      %add3A_404 = arith.constant 48 : i32
      %add3A_405 = arith.addi %mul3A_283, %add3A_404 : i32
      %get3A_406 = arith.index_cast %add3A_405 : i32 to index
      %get3A_407 = tpu.vector_load %arg4[%get3A_406] {strides = array<i32>} : memref<16384xf32, #tpu.memory_space<vmem>>, vector<16xf32>,
      %get3A_408 = vector.shape_cast %get3A_407 : vector<16xf32> to vector<16xf32>
      %iota3A_409 = tpu.iota {dimensions = array<i32: 0>} : vector<16xi32>
      %xor3A_410 = arith.constant 1 : i32
      %xor3A_411 = vector.broadcast %xor3A_410 : i32 to vector<16xi32>
      %xor3A_412 = arith.xori %iota3A_409, %xor3A_411 : vector<16xi32>
      %xor3A_413 = arith.constant 2 : i32
      %xor3A_414 = vector.broadcast %xor3A_413 : i32 to vector<16xi32>
      %xor3A_415 = arith.xori %iota3A_409, %xor3A_414 : vector<16xi32>
      %not3A_416 = arith.constant dense<-1> : vector<16xi32>
      %not3A_417 = arith.xori %iota3A_409, %not3A_416 : vector<16xi32>
      %and3A_418 = arith.constant 3 : i32
      %and3A_419 = vector.broadcast %and3A_418 : i32 to vector<16xi32>
      %and3A_420 = arith.andi %not3A_417, %and3A_419 : vector<16xi32>
      %bitcast_convert_type3A_421 = tpu.bitcast %get3A_408 : vector<16xf32> -> vector<16xi32>
      %shift_right_arithmetic3A_422 = arith.constant 31 : i32
      %shift_right_arithmetic3A_423 = vector.broadcast %shift_right_arithmetic3A_422 : i32 to vector<16xi32>
      %shift_right_arithmetic3A_424 = arith.shrsi %bitcast_convert_type3A_421, %shift_right_arithmetic3A_423 : vector<16xi32>
      %and3A_425 = arith.constant 2147483647 : i32
      %and3A_426 = vector.broadcast %and3A_425 : i32 to vector<16xi32>
      %and3A_427 = arith.andi %shift_right_arithmetic3A_424, %and3A_426 : vector<16xi32>
      %xor3A_428 = arith.xori %bitcast_convert_type3A_421, %and3A_427 : vector<16xi32>
      %and3A_429 = arith.constant -4 : i32
      %and3A_430 = vector.broadcast %and3A_429 : i32 to vector<16xi32>
      %and3A_431 = arith.andi %xor3A_428, %and3A_430 : vector<16xi32>
      %or3A_432 = arith.ori %and3A_431, %and3A_420 : vector<16xi32>
      %broadcast_in_dim3A_433 = vector.shape_cast %xor3A_412 : vector<16xi32> to vector<16x1xi32>
      %gather3A_434 = vector.shape_cast %broadcast_in_dim3A_433 : vector<16x1xi32> to vector<16xi32>
      %gather3A_435 = tpu.dynamic_gather %or3A_432[%gather3A_434] in [0] : vector<16xi32>, vector<16xi32> -> vector<16xi32>
      %max3A_436 = arith.maxsi %or3A_432, %gather3A_435 : vector<16xi32>
      %broadcast_in_dim3A_437 = vector.shape_cast %xor3A_415 : vector<16xi32> to vector<16x1xi32>
      %gather3A_438 = vector.shape_cast %broadcast_in_dim3A_437 : vector<16x1xi32> to vector<16xi32>
      %gather3A_439 = tpu.dynamic_gather %max3A_436[%gather3A_438] in [0] : vector<16xi32>, vector<16xi32> -> vector<16xi32>
      %max3A_440 = arith.maxsi %max3A_436, %gather3A_439 : vector<16xi32>
      %eq3A_441 = arith.cmpi eq, %or3A_432, %max3A_440 : vector<16xi32>
      %jit3A_442 = arith.constant 0.000000e+00 : f32
      %broadcast_in_dim3A_443 = vector.broadcast %jit3A_442 : f32 to vector<16xf32>
      %select_n3A_444 = arith.select %eq3A_441, %get3A_408, %broadcast_in_dim3A_443 : vector<16xi1>, vector<16xf32>
      %swap3A_445 = arith.index_cast %add3A_405 : i32 to index
      %swap3A_446 = tpu.vector_load %arg6[%swap3A_445] {strides = array<i32>} : memref<16384xf32, #tpu.memory_space<vmem>>, vector<16xf32>,
      %swap3A_447 = vector.shape_cast %swap3A_446 : vector<16xf32> to vector<16xf32>
      %swap3A_448 = vector.shape_cast %select_n3A_444 : vector<16xf32> to vector<16xf32>
      tpu.vector_store %arg6[%swap3A_445], %swap3A_448 {strides = array<i32>} : memref<16384xf32, #tpu.memory_space<vmem>>, vector<16xf32>,
      %add3A_449 = arith.constant 64 : i32
      %add3A_450 = arith.addi %mul3A_283, %add3A_449 : i32
      %get3A_451 = arith.index_cast %add3A_450 : i32 to index
      %get3A_452 = tpu.vector_load %arg4[%get3A_451] {strides = array<i32>} : memref<16384xf32, #tpu.memory_space<vmem>>, vector<16xf32>,
      %get3A_453 = vector.shape_cast %get3A_452 : vector<16xf32> to vector<16xf32>
      %iota3A_454 = tpu.iota {dimensions = array<i32: 0>} : vector<16xi32>
      %xor3A_455 = arith.constant 1 : i32
      %xor3A_456 = vector.broadcast %xor3A_455 : i32 to vector<16xi32>
      %xor3A_457 = arith.xori %iota3A_454, %xor3A_456 : vector<16xi32>
      %xor3A_458 = arith.constant 2 : i32
      %xor3A_459 = vector.broadcast %xor3A_458 : i32 to vector<16xi32>
      %xor3A_460 = arith.xori %iota3A_454, %xor3A_459 : vector<16xi32>
      %not3A_461 = arith.constant dense<-1> : vector<16xi32>
      %not3A_462 = arith.xori %iota3A_454, %not3A_461 : vector<16xi32>
      %and3A_463 = arith.constant 3 : i32
      %and3A_464 = vector.broadcast %and3A_463 : i32 to vector<16xi32>
      %and3A_465 = arith.andi %not3A_462, %and3A_464 : vector<16xi32>
      %bitcast_convert_type3A_466 = tpu.bitcast %get3A_453 : vector<16xf32> -> vector<16xi32>
      %shift_right_arithmetic3A_467 = arith.constant 31 : i32
      %shift_right_arithmetic3A_468 = vector.broadcast %shift_right_arithmetic3A_467 : i32 to vector<16xi32>
      %shift_right_arithmetic3A_469 = arith.shrsi %bitcast_convert_type3A_466, %shift_right_arithmetic3A_468 : vector<16xi32>
      %and3A_470 = arith.constant 2147483647 : i32
      %and3A_471 = vector.broadcast %and3A_470 : i32 to vector<16xi32>
      %and3A_472 = arith.andi %shift_right_arithmetic3A_469, %and3A_471 : vector<16xi32>
      %xor3A_473 = arith.xori %bitcast_convert_type3A_466, %and3A_472 : vector<16xi32>
      %and3A_474 = arith.constant -4 : i32
      %and3A_475 = vector.broadcast %and3A_474 : i32 to vector<16xi32>
      %and3A_476 = arith.andi %xor3A_473, %and3A_475 : vector<16xi32>
      %or3A_477 = arith.ori %and3A_476, %and3A_465 : vector<16xi32>
      %broadcast_in_dim3A_478 = vector.shape_cast %xor3A_457 : vector<16xi32> to vector<16x1xi32>
      %gather3A_479 = vector.shape_cast %broadcast_in_dim3A_478 : vector<16x1xi32> to vector<16xi32>
      %gather3A_480 = tpu.dynamic_gather %or3A_477[%gather3A_479] in [0] : vector<16xi32>, vector<16xi32> -> vector<16xi32>
      %max3A_481 = arith.maxsi %or3A_477, %gather3A_480 : vector<16xi32>
      %broadcast_in_dim3A_482 = vector.shape_cast %xor3A_460 : vector<16xi32> to vector<16x1xi32>
      %gather3A_483 = vector.shape_cast %broadcast_in_dim3A_482 : vector<16x1xi32> to vector<16xi32>
      %gather3A_484 = tpu.dynamic_gather %max3A_481[%gather3A_483] in [0] : vector<16xi32>, vector<16xi32> -> vector<16xi32>
      %max3A_485 = arith.maxsi %max3A_481, %gather3A_484 : vector<16xi32>
      %eq3A_486 = arith.cmpi eq, %or3A_477, %max3A_485 : vector<16xi32>
      %jit3A_487 = arith.constant 0.000000e+00 : f32
      %broadcast_in_dim3A_488 = vector.broadcast %jit3A_487 : f32 to vector<16xf32>
      %select_n3A_489 = arith.select %eq3A_486, %get3A_453, %broadcast_in_dim3A_488 : vector<16xi1>, vector<16xf32>
      %swap3A_490 = arith.index_cast %add3A_450 : i32 to index
      %swap3A_491 = tpu.vector_load %arg6[%swap3A_490] {strides = array<i32>} : memref<16384xf32, #tpu.memory_space<vmem>>, vector<16xf32>,
      %swap3A_492 = vector.shape_cast %swap3A_491 : vector<16xf32> to vector<16xf32>
      %swap3A_493 = vector.shape_cast %select_n3A_489 : vector<16xf32> to vector<16xf32>
      tpu.vector_store %arg6[%swap3A_490], %swap3A_493 {strides = array<i32>} : memref<16384xf32, #tpu.memory_space<vmem>>, vector<16xf32>,
      %add3A_494 = arith.constant 80 : i32
      %add3A_495 = arith.addi %mul3A_283, %add3A_494 : i32
      %get3A_496 = arith.index_cast %add3A_495 : i32 to index
      %get3A_497 = tpu.vector_load %arg4[%get3A_496] {strides = array<i32>} : memref<16384xf32, #tpu.memory_space<vmem>>, vector<16xf32>,
      %get3A_498 = vector.shape_cast %get3A_497 : vector<16xf32> to vector<16xf32>
      %iota3A_499 = tpu.iota {dimensions = array<i32: 0>} : vector<16xi32>
      %xor3A_500 = arith.constant 1 : i32
      %xor3A_501 = vector.broadcast %xor3A_500 : i32 to vector<16xi32>
      %xor3A_502 = arith.xori %iota3A_499, %xor3A_501 : vector<16xi32>
      %xor3A_503 = arith.constant 2 : i32
      %xor3A_504 = vector.broadcast %xor3A_503 : i32 to vector<16xi32>
      %xor3A_505 = arith.xori %iota3A_499, %xor3A_504 : vector<16xi32>
      %not3A_506 = arith.constant dense<-1> : vector<16xi32>
      %not3A_507 = arith.xori %iota3A_499, %not3A_506 : vector<16xi32>
      %and3A_508 = arith.constant 3 : i32
      %and3A_509 = vector.broadcast %and3A_508 : i32 to vector<16xi32>
      %and3A_510 = arith.andi %not3A_507, %and3A_509 : vector<16xi32>
      %bitcast_convert_type3A_511 = tpu.bitcast %get3A_498 : vector<16xf32> -> vector<16xi32>
      %shift_right_arithmetic3A_512 = arith.constant 31 : i32
      %shift_right_arithmetic3A_513 = vector.broadcast %shift_right_arithmetic3A_512 : i32 to vector<16xi32>
      %shift_right_arithmetic3A_514 = arith.shrsi %bitcast_convert_type3A_511, %shift_right_arithmetic3A_513 : vector<16xi32>
      %and3A_515 = arith.constant 2147483647 : i32
      %and3A_516 = vector.broadcast %and3A_515 : i32 to vector<16xi32>
      %and3A_517 = arith.andi %shift_right_arithmetic3A_514, %and3A_516 : vector<16xi32>
      %xor3A_518 = arith.xori %bitcast_convert_type3A_511, %and3A_517 : vector<16xi32>
      %and3A_519 = arith.constant -4 : i32
      %and3A_520 = vector.broadcast %and3A_519 : i32 to vector<16xi32>
      %and3A_521 = arith.andi %xor3A_518, %and3A_520 : vector<16xi32>
      %or3A_522 = arith.ori %and3A_521, %and3A_510 : vector<16xi32>
      %broadcast_in_dim3A_523 = vector.shape_cast %xor3A_502 : vector<16xi32> to vector<16x1xi32>
      %gather3A_524 = vector.shape_cast %broadcast_in_dim3A_523 : vector<16x1xi32> to vector<16xi32>
      %gather3A_525 = tpu.dynamic_gather %or3A_522[%gather3A_524] in [0] : vector<16xi32>, vector<16xi32> -> vector<16xi32>
      %max3A_526 = arith.maxsi %or3A_522, %gather3A_525 : vector<16xi32>
      %broadcast_in_dim3A_527 = vector.shape_cast %xor3A_505 : vector<16xi32> to vector<16x1xi32>
      %gather3A_528 = vector.shape_cast %broadcast_in_dim3A_527 : vector<16x1xi32> to vector<16xi32>
      %gather3A_529 = tpu.dynamic_gather %max3A_526[%gather3A_528] in [0] : vector<16xi32>, vector<16xi32> -> vector<16xi32>
      %max3A_530 = arith.maxsi %max3A_526, %gather3A_529 : vector<16xi32>
      %eq3A_531 = arith.cmpi eq, %or3A_522, %max3A_530 : vector<16xi32>
      %jit3A_532 = arith.constant 0.000000e+00 : f32
      %broadcast_in_dim3A_533 = vector.broadcast %jit3A_532 : f32 to vector<16xf32>
      %select_n3A_534 = arith.select %eq3A_531, %get3A_498, %broadcast_in_dim3A_533 : vector<16xi1>, vector<16xf32>
      %swap3A_535 = arith.index_cast %add3A_495 : i32 to index
      %swap3A_536 = tpu.vector_load %arg6[%swap3A_535] {strides = array<i32>} : memref<16384xf32, #tpu.memory_space<vmem>>, vector<16xf32>,
      %swap3A_537 = vector.shape_cast %swap3A_536 : vector<16xf32> to vector<16xf32>
      %swap3A_538 = vector.shape_cast %select_n3A_534 : vector<16xf32> to vector<16xf32>
      tpu.vector_store %arg6[%swap3A_535], %swap3A_538 {strides = array<i32>} : memref<16384xf32, #tpu.memory_space<vmem>>, vector<16xf32>,
      %add3A_539 = arith.constant 96 : i32
      %add3A_540 = arith.addi %mul3A_283, %add3A_539 : i32
      %get3A_541 = arith.index_cast %add3A_540 : i32 to index
      %get3A_542 = tpu.vector_load %arg4[%get3A_541] {strides = array<i32>} : memref<16384xf32, #tpu.memory_space<vmem>>, vector<16xf32>,
      %get3A_543 = vector.shape_cast %get3A_542 : vector<16xf32> to vector<16xf32>
      %iota3A_544 = tpu.iota {dimensions = array<i32: 0>} : vector<16xi32>
      %xor3A_545 = arith.constant 1 : i32
      %xor3A_546 = vector.broadcast %xor3A_545 : i32 to vector<16xi32>
      %xor3A_547 = arith.xori %iota3A_544, %xor3A_546 : vector<16xi32>
      %xor3A_548 = arith.constant 2 : i32
      %xor3A_549 = vector.broadcast %xor3A_548 : i32 to vector<16xi32>
      %xor3A_550 = arith.xori %iota3A_544, %xor3A_549 : vector<16xi32>
      %not3A_551 = arith.constant dense<-1> : vector<16xi32>
      %not3A_552 = arith.xori %iota3A_544, %not3A_551 : vector<16xi32>
      %and3A_553 = arith.constant 3 : i32
      %and3A_554 = vector.broadcast %and3A_553 : i32 to vector<16xi32>
      %and3A_555 = arith.andi %not3A_552, %and3A_554 : vector<16xi32>
      %bitcast_convert_type3A_556 = tpu.bitcast %get3A_543 : vector<16xf32> -> vector<16xi32>
      %shift_right_arithmetic3A_557 = arith.constant 31 : i32
      %shift_right_arithmetic3A_558 = vector.broadcast %shift_right_arithmetic3A_557 : i32 to vector<16xi32>
      %shift_right_arithmetic3A_559 = arith.shrsi %bitcast_convert_type3A_556, %shift_right_arithmetic3A_558 : vector<16xi32>
      %and3A_560 = arith.constant 2147483647 : i32
      %and3A_561 = vector.broadcast %and3A_560 : i32 to vector<16xi32>
      %and3A_562 = arith.andi %shift_right_arithmetic3A_559, %and3A_561 : vector<16xi32>
      %xor3A_563 = arith.xori %bitcast_convert_type3A_556, %and3A_562 : vector<16xi32>
      %and3A_564 = arith.constant -4 : i32
      %and3A_565 = vector.broadcast %and3A_564 : i32 to vector<16xi32>
      %and3A_566 = arith.andi %xor3A_563, %and3A_565 : vector<16xi32>
      %or3A_567 = arith.ori %and3A_566, %and3A_555 : vector<16xi32>
      %broadcast_in_dim3A_568 = vector.shape_cast %xor3A_547 : vector<16xi32> to vector<16x1xi32>
      %gather3A_569 = vector.shape_cast %broadcast_in_dim3A_568 : vector<16x1xi32> to vector<16xi32>
      %gather3A_570 = tpu.dynamic_gather %or3A_567[%gather3A_569] in [0] : vector<16xi32>, vector<16xi32> -> vector<16xi32>
      %max3A_571 = arith.maxsi %or3A_567, %gather3A_570 : vector<16xi32>
      %broadcast_in_dim3A_572 = vector.shape_cast %xor3A_550 : vector<16xi32> to vector<16x1xi32>
      %gather3A_573 = vector.shape_cast %broadcast_in_dim3A_572 : vector<16x1xi32> to vector<16xi32>
      %gather3A_574 = tpu.dynamic_gather %max3A_571[%gather3A_573] in [0] : vector<16xi32>, vector<16xi32> -> vector<16xi32>
      %max3A_575 = arith.maxsi %max3A_571, %gather3A_574 : vector<16xi32>
      %eq3A_576 = arith.cmpi eq, %or3A_567, %max3A_575 : vector<16xi32>
      %jit3A_577 = arith.constant 0.000000e+00 : f32
      %broadcast_in_dim3A_578 = vector.broadcast %jit3A_577 : f32 to vector<16xf32>
      %select_n3A_579 = arith.select %eq3A_576, %get3A_543, %broadcast_in_dim3A_578 : vector<16xi1>, vector<16xf32>
      %swap3A_580 = arith.index_cast %add3A_540 : i32 to index
      %swap3A_581 = tpu.vector_load %arg6[%swap3A_580] {strides = array<i32>} : memref<16384xf32, #tpu.memory_space<vmem>>, vector<16xf32>,
      %swap3A_582 = vector.shape_cast %swap3A_581 : vector<16xf32> to vector<16xf32>
      %swap3A_583 = vector.shape_cast %select_n3A_579 : vector<16xf32> to vector<16xf32>
      tpu.vector_store %arg6[%swap3A_580], %swap3A_583 {strides = array<i32>} : memref<16384xf32, #tpu.memory_space<vmem>>, vector<16xf32>,
      %add3A_584 = arith.constant 112 : i32
      %add3A_585 = arith.addi %mul3A_283, %add3A_584 : i32
      %get3A_586 = arith.index_cast %add3A_585 : i32 to index
      %get3A_587 = tpu.vector_load %arg4[%get3A_586] {strides = array<i32>} : memref<16384xf32, #tpu.memory_space<vmem>>, vector<16xf32>,
      %get3A_588 = vector.shape_cast %get3A_587 : vector<16xf32> to vector<16xf32>
      %iota3A_589 = tpu.iota {dimensions = array<i32: 0>} : vector<16xi32>
      %xor3A_590 = arith.constant 1 : i32
      %xor3A_591 = vector.broadcast %xor3A_590 : i32 to vector<16xi32>
      %xor3A_592 = arith.xori %iota3A_589, %xor3A_591 : vector<16xi32>
      %xor3A_593 = arith.constant 2 : i32
      %xor3A_594 = vector.broadcast %xor3A_593 : i32 to vector<16xi32>
      %xor3A_595 = arith.xori %iota3A_589, %xor3A_594 : vector<16xi32>
      %not3A_596 = arith.constant dense<-1> : vector<16xi32>
      %not3A_597 = arith.xori %iota3A_589, %not3A_596 : vector<16xi32>
      %and3A_598 = arith.constant 3 : i32
      %and3A_599 = vector.broadcast %and3A_598 : i32 to vector<16xi32>
      %and3A_600 = arith.andi %not3A_597, %and3A_599 : vector<16xi32>
      %bitcast_convert_type3A_601 = tpu.bitcast %get3A_588 : vector<16xf32> -> vector<16xi32>
      %shift_right_arithmetic3A_602 = arith.constant 31 : i32
      %shift_right_arithmetic3A_603 = vector.broadcast %shift_right_arithmetic3A_602 : i32 to vector<16xi32>
      %shift_right_arithmetic3A_604 = arith.shrsi %bitcast_convert_type3A_601, %shift_right_arithmetic3A_603 : vector<16xi32>
      %and3A_605 = arith.constant 2147483647 : i32
      %and3A_606 = vector.broadcast %and3A_605 : i32 to vector<16xi32>
      %and3A_607 = arith.andi %shift_right_arithmetic3A_604, %and3A_606 : vector<16xi32>
      %xor3A_608 = arith.xori %bitcast_convert_type3A_601, %and3A_607 : vector<16xi32>
      %and3A_609 = arith.constant -4 : i32
      %and3A_610 = vector.broadcast %and3A_609 : i32 to vector<16xi32>
      %and3A_611 = arith.andi %xor3A_608, %and3A_610 : vector<16xi32>
      %or3A_612 = arith.ori %and3A_611, %and3A_600 : vector<16xi32>
      %broadcast_in_dim3A_613 = vector.shape_cast %xor3A_592 : vector<16xi32> to vector<16x1xi32>
      %gather3A_614 = vector.shape_cast %broadcast_in_dim3A_613 : vector<16x1xi32> to vector<16xi32>
      %gather3A_615 = tpu.dynamic_gather %or3A_612[%gather3A_614] in [0] : vector<16xi32>, vector<16xi32> -> vector<16xi32>
      %max3A_616 = arith.maxsi %or3A_612, %gather3A_615 : vector<16xi32>
      %broadcast_in_dim3A_617 = vector.shape_cast %xor3A_595 : vector<16xi32> to vector<16x1xi32>
      %gather3A_618 = vector.shape_cast %broadcast_in_dim3A_617 : vector<16x1xi32> to vector<16xi32>
      %gather3A_619 = tpu.dynamic_gather %max3A_616[%gather3A_618] in [0] : vector<16xi32>, vector<16xi32> -> vector<16xi32>
      %max3A_620 = arith.maxsi %max3A_616, %gather3A_619 : vector<16xi32>
      %eq3A_621 = arith.cmpi eq, %or3A_612, %max3A_620 : vector<16xi32>
      %jit3A_622 = arith.constant 0.000000e+00 : f32
      %broadcast_in_dim3A_623 = vector.broadcast %jit3A_622 : f32 to vector<16xf32>
      %select_n3A_624 = arith.select %eq3A_621, %get3A_588, %broadcast_in_dim3A_623 : vector<16xi1>, vector<16xf32>
      %swap3A_625 = arith.index_cast %add3A_585 : i32 to index
      %swap3A_626 = tpu.vector_load %arg6[%swap3A_625] {strides = array<i32>} : memref<16384xf32, #tpu.memory_space<vmem>>, vector<16xf32>,
      %swap3A_627 = vector.shape_cast %swap3A_626 : vector<16xf32> to vector<16xf32>
      %swap3A_628 = vector.shape_cast %select_n3A_624 : vector<16xf32> to vector<16xf32>
      tpu.vector_store %arg6[%swap3A_625], %swap3A_628 {strides = array<i32>} : memref<16384xf32, #tpu.memory_space<vmem>>, vector<16xf32>,
      %scan3A_629 = arith.constant 0 : i32
      scf.yield %scan3A_629 : i32
    }
    %scan3A_28 = arith.constant 128 : i32
    %add3A_29 = arith.constant 0 : i32
    %add3A_30 = arith.addi %mul3A_2, %add3A_29 : i32
    %dma_start3A_31 = arith.constant 0 : i32
    %dma_start3A_32 = tpu.memref_slice %arg3[%add3A_30, %dma_start3A_31] : memref<128x32768xf32, #tpu.memory_space<hbm>> -> memref<1x16384xf32, #tpu.memory_space<hbm>>
    %dma_start3A_33 = tpu.memref_squeeze %dma_start3A_32 : memref<1x16384xf32, #tpu.memory_space<hbm>> -> memref<16384xf32, #tpu.memory_space<hbm>>
    %dma_start3A_34 = arith.constant 0 : i32
    %dma_start3A_35 = tpu.memref_slice %arg3[%add3A_30, %dma_start3A_34] : memref<128x32768xf32, #tpu.memory_space<hbm>> -> memref<1x16384xf32, #tpu.memory_space<hbm>>
    %dma_start3A_36 = tpu.memref_squeeze %dma_start3A_35 : memref<1x16384xf32, #tpu.memory_space<hbm>> -> memref<16384xf32, #tpu.memory_space<hbm>>
    tpu.enqueue_dma source(%arg6 : memref<16384xf32, #tpu.memory_space<vmem>>) target(%dma_start3A_36 : memref<16384xf32, #tpu.memory_space<hbm>>) target_semaphore(%arg10 : memref<!tpu.dma_semaphore, #tpu.memory_space<semaphore_mem>>)
    %add3A_37 = arith.constant 1 : i32
    %add3A_38 = arith.addi %mul3A_2, %add3A_37 : i32
    %dma_start3A_39 = arith.constant 0 : i32
    %dma_start3A_40 = tpu.memref_slice %arg2[%add3A_38, %dma_start3A_39] : memref<128x32768xf32, #tpu.memory_space<hbm>> -> memref<1x16384xf32, #tpu.memory_space<hbm>>
    %dma_start3A_41 = tpu.memref_squeeze %dma_start3A_40 : memref<1x16384xf32, #tpu.memory_space<hbm>> -> memref<16384xf32, #tpu.memory_space<hbm>>
    %dma_start3A_42 = arith.constant 0 : i32
    %dma_start3A_43 = tpu.memref_slice %arg2[%add3A_38, %dma_start3A_42] : memref<128x32768xf32, #tpu.memory_space<hbm>> -> memref<1x16384xf32, #tpu.memory_space<hbm>>
    %dma_start3A_44 = tpu.memref_squeeze %dma_start3A_43 : memref<1x16384xf32, #tpu.memory_space<hbm>> -> memref<16384xf32, #tpu.memory_space<hbm>>
    tpu.enqueue_dma source(%dma_start3A_44 : memref<16384xf32, #tpu.memory_space<hbm>>) target(%arg4 : memref<16384xf32, #tpu.memory_space<vmem>>) target_semaphore(%arg8 : memref<!tpu.dma_semaphore, #tpu.memory_space<semaphore_mem>>)
    %dma_wait3A_45 = arith.constant 16384 : i32
    %dma_wait3A_46 = tpu.memref_slice %arg2[%add3A_11, %dma_wait3A_45] : memref<128x32768xf32, #tpu.memory_space<hbm>> -> memref<1x16384xf32, #tpu.memory_space<hbm>>
    %dma_wait3A_47 = tpu.memref_squeeze %dma_wait3A_46 : memref<1x16384xf32, #tpu.memory_space<hbm>> -> memref<16384xf32, #tpu.memory_space<hbm>>
    %dma_wait3A_48 = arith.constant 16384 : i32
    %dma_wait3A_49 = tpu.memref_slice %arg2[%add3A_11, %dma_wait3A_48] : memref<128x32768xf32, #tpu.memory_space<hbm>> -> memref<1x16384xf32, #tpu.memory_space<hbm>>
    %dma_wait3A_50 = tpu.memref_squeeze %dma_wait3A_49 : memref<1x16384xf32, #tpu.memory_space<hbm>> -> memref<16384xf32, #tpu.memory_space<hbm>>
    tpu.wait_dma2 semaphore(%arg9 : memref<!tpu.dma_semaphore, #tpu.memory_space<semaphore_mem>>) src(%dma_wait3A_50 : memref<16384xf32, #tpu.memory_space<hbm>>) dst(%arg5 : memref<16384xf32, #tpu.memory_space<vmem>>)
    %scan3A_51 = arith.constant 0 : i32
    %scan3A_52 = arith.constant 0 : i32
    %scan3A_53 = arith.constant 128 : i32
    %scan3A_54 = arith.addi %scan3A_52, %scan3A_53 : i32
    %scan3A_55 = arith.constant 1 : i32
    %scan3A_56 = scf.for %scan3A_280 = %scan3A_52 to %scan3A_54 step %scan3A_55 iter_args(%scan3A_281 = %scan3A_51) -> (i32)  : i32 {
      %mul3A_282 = arith.constant 128 : i32
      %mul3A_283 = arith.muli %scan3A_280, %mul3A_282 : i32
      %add3A_284 = arith.constant 0 : i32
      %add3A_285 = arith.addi %mul3A_283, %add3A_284 : i32
      %get3A = arith.index_cast %add3A_285 : i32 to index
      %get3A_286 = tpu.vector_load %arg5[%get3A] {strides = array<i32>} : memref<16384xf32, #tpu.memory_space<vmem>>, vector<16xf32>,
      %get3A_287 = vector.shape_cast %get3A_286 : vector<16xf32> to vector<16xf32>
      %iota3A = tpu.iota {dimensions = array<i32: 0>} : vector<16xi32>
      %xor3A = arith.constant 1 : i32
      %xor3A_288 = vector.broadcast %xor3A : i32 to vector<16xi32>
      %xor3A_289 = arith.xori %iota3A, %xor3A_288 : vector<16xi32>
      %xor3A_290 = arith.constant 2 : i32
      %xor3A_291 = vector.broadcast %xor3A_290 : i32 to vector<16xi32>
      %xor3A_292 = arith.xori %iota3A, %xor3A_291 : vector<16xi32>
      %not3A = arith.constant dense<-1> : vector<16xi32>
      %not3A_293 = arith.xori %iota3A, %not3A : vector<16xi32>
      %and3A = arith.constant 3 : i32
      %and3A_294 = vector.broadcast %and3A : i32 to vector<16xi32>
      %and3A_295 = arith.andi %not3A_293, %and3A_294 : vector<16xi32>
      %bitcast_convert_type3A = tpu.bitcast %get3A_287 : vector<16xf32> -> vector<16xi32>
      %shift_right_arithmetic3A = arith.constant 31 : i32
      %shift_right_arithmetic3A_296 = vector.broadcast %shift_right_arithmetic3A : i32 to vector<16xi32>
      %shift_right_arithmetic3A_297 = arith.shrsi %bitcast_convert_type3A, %shift_right_arithmetic3A_296 : vector<16xi32>
      %and3A_298 = arith.constant 2147483647 : i32
      %and3A_299 = vector.broadcast %and3A_298 : i32 to vector<16xi32>
      %and3A_300 = arith.andi %shift_right_arithmetic3A_297, %and3A_299 : vector<16xi32>
      %xor3A_301 = arith.xori %bitcast_convert_type3A, %and3A_300 : vector<16xi32>
      %and3A_302 = arith.constant -4 : i32
      %and3A_303 = vector.broadcast %and3A_302 : i32 to vector<16xi32>
      %and3A_304 = arith.andi %xor3A_301, %and3A_303 : vector<16xi32>
      %or3A = arith.ori %and3A_304, %and3A_295 : vector<16xi32>
      %broadcast_in_dim3A = vector.shape_cast %xor3A_289 : vector<16xi32> to vector<16x1xi32>
      %gather3A = vector.shape_cast %broadcast_in_dim3A : vector<16x1xi32> to vector<16xi32>
      %gather3A_305 = tpu.dynamic_gather %or3A[%gather3A] in [0] : vector<16xi32>, vector<16xi32> -> vector<16xi32>
      %max3A = arith.maxsi %or3A, %gather3A_305 : vector<16xi32>
      %broadcast_in_dim3A_306 = vector.shape_cast %xor3A_292 : vector<16xi32> to vector<16x1xi32>
      %gather3A_307 = vector.shape_cast %broadcast_in_dim3A_306 : vector<16x1xi32> to vector<16xi32>
      %gather3A_308 = tpu.dynamic_gather %max3A[%gather3A_307] in [0] : vector<16xi32>, vector<16xi32> -> vector<16xi32>
      %max3A_309 = arith.maxsi %max3A, %gather3A_308 : vector<16xi32>
      %eq3A = arith.cmpi eq, %or3A, %max3A_309 : vector<16xi32>
      %jit3A = arith.constant 0.000000e+00 : f32
      %broadcast_in_dim3A_310 = vector.broadcast %jit3A : f32 to vector<16xf32>
      %select_n3A = arith.select %eq3A, %get3A_287, %broadcast_in_dim3A_310 : vector<16xi1>, vector<16xf32>
      %swap3A = arith.index_cast %add3A_285 : i32 to index
      %swap3A_311 = tpu.vector_load %arg7[%swap3A] {strides = array<i32>} : memref<16384xf32, #tpu.memory_space<vmem>>, vector<16xf32>,
      %swap3A_312 = vector.shape_cast %swap3A_311 : vector<16xf32> to vector<16xf32>
      %swap3A_313 = vector.shape_cast %select_n3A : vector<16xf32> to vector<16xf32>
      tpu.vector_store %arg7[%swap3A], %swap3A_313 {strides = array<i32>} : memref<16384xf32, #tpu.memory_space<vmem>>, vector<16xf32>,
      %add3A_314 = arith.constant 16 : i32
      %add3A_315 = arith.addi %mul3A_283, %add3A_314 : i32
      %get3A_316 = arith.index_cast %add3A_315 : i32 to index
      %get3A_317 = tpu.vector_load %arg5[%get3A_316] {strides = array<i32>} : memref<16384xf32, #tpu.memory_space<vmem>>, vector<16xf32>,
      %get3A_318 = vector.shape_cast %get3A_317 : vector<16xf32> to vector<16xf32>
      %iota3A_319 = tpu.iota {dimensions = array<i32: 0>} : vector<16xi32>
      %xor3A_320 = arith.constant 1 : i32
      %xor3A_321 = vector.broadcast %xor3A_320 : i32 to vector<16xi32>
      %xor3A_322 = arith.xori %iota3A_319, %xor3A_321 : vector<16xi32>
      %xor3A_323 = arith.constant 2 : i32
      %xor3A_324 = vector.broadcast %xor3A_323 : i32 to vector<16xi32>
      %xor3A_325 = arith.xori %iota3A_319, %xor3A_324 : vector<16xi32>
      %not3A_326 = arith.constant dense<-1> : vector<16xi32>
      %not3A_327 = arith.xori %iota3A_319, %not3A_326 : vector<16xi32>
      %and3A_328 = arith.constant 3 : i32
      %and3A_329 = vector.broadcast %and3A_328 : i32 to vector<16xi32>
      %and3A_330 = arith.andi %not3A_327, %and3A_329 : vector<16xi32>
      %bitcast_convert_type3A_331 = tpu.bitcast %get3A_318 : vector<16xf32> -> vector<16xi32>
      %shift_right_arithmetic3A_332 = arith.constant 31 : i32
      %shift_right_arithmetic3A_333 = vector.broadcast %shift_right_arithmetic3A_332 : i32 to vector<16xi32>
      %shift_right_arithmetic3A_334 = arith.shrsi %bitcast_convert_type3A_331, %shift_right_arithmetic3A_333 : vector<16xi32>
      %and3A_335 = arith.constant 2147483647 : i32
      %and3A_336 = vector.broadcast %and3A_335 : i32 to vector<16xi32>
      %and3A_337 = arith.andi %shift_right_arithmetic3A_334, %and3A_336 : vector<16xi32>
      %xor3A_338 = arith.xori %bitcast_convert_type3A_331, %and3A_337 : vector<16xi32>
      %and3A_339 = arith.constant -4 : i32
      %and3A_340 = vector.broadcast %and3A_339 : i32 to vector<16xi32>
      %and3A_341 = arith.andi %xor3A_338, %and3A_340 : vector<16xi32>
      %or3A_342 = arith.ori %and3A_341, %and3A_330 : vector<16xi32>
      %broadcast_in_dim3A_343 = vector.shape_cast %xor3A_322 : vector<16xi32> to vector<16x1xi32>
      %gather3A_344 = vector.shape_cast %broadcast_in_dim3A_343 : vector<16x1xi32> to vector<16xi32>
      %gather3A_345 = tpu.dynamic_gather %or3A_342[%gather3A_344] in [0] : vector<16xi32>, vector<16xi32> -> vector<16xi32>
      %max3A_346 = arith.maxsi %or3A_342, %gather3A_345 : vector<16xi32>
      %broadcast_in_dim3A_347 = vector.shape_cast %xor3A_325 : vector<16xi32> to vector<16x1xi32>
      %gather3A_348 = vector.shape_cast %broadcast_in_dim3A_347 : vector<16x1xi32> to vector<16xi32>
      %gather3A_349 = tpu.dynamic_gather %max3A_346[%gather3A_348] in [0] : vector<16xi32>, vector<16xi32> -> vector<16xi32>
      %max3A_350 = arith.maxsi %max3A_346, %gather3A_349 : vector<16xi32>
      %eq3A_351 = arith.cmpi eq, %or3A_342, %max3A_350 : vector<16xi32>
      %jit3A_352 = arith.constant 0.000000e+00 : f32
      %broadcast_in_dim3A_353 = vector.broadcast %jit3A_352 : f32 to vector<16xf32>
      %select_n3A_354 = arith.select %eq3A_351, %get3A_318, %broadcast_in_dim3A_353 : vector<16xi1>, vector<16xf32>
      %swap3A_355 = arith.index_cast %add3A_315 : i32 to index
      %swap3A_356 = tpu.vector_load %arg7[%swap3A_355] {strides = array<i32>} : memref<16384xf32, #tpu.memory_space<vmem>>, vector<16xf32>,
      %swap3A_357 = vector.shape_cast %swap3A_356 : vector<16xf32> to vector<16xf32>
      %swap3A_358 = vector.shape_cast %select_n3A_354 : vector<16xf32> to vector<16xf32>
      tpu.vector_store %arg7[%swap3A_355], %swap3A_358 {strides = array<i32>} : memref<16384xf32, #tpu.memory_space<vmem>>, vector<16xf32>,
      %add3A_359 = arith.constant 32 : i32
      %add3A_360 = arith.addi %mul3A_283, %add3A_359 : i32
      %get3A_361 = arith.index_cast %add3A_360 : i32 to index
      %get3A_362 = tpu.vector_load %arg5[%get3A_361] {strides = array<i32>} : memref<16384xf32, #tpu.memory_space<vmem>>, vector<16xf32>,
      %get3A_363 = vector.shape_cast %get3A_362 : vector<16xf32> to vector<16xf32>
      %iota3A_364 = tpu.iota {dimensions = array<i32: 0>} : vector<16xi32>
      %xor3A_365 = arith.constant 1 : i32
      %xor3A_366 = vector.broadcast %xor3A_365 : i32 to vector<16xi32>
      %xor3A_367 = arith.xori %iota3A_364, %xor3A_366 : vector<16xi32>
      %xor3A_368 = arith.constant 2 : i32
      %xor3A_369 = vector.broadcast %xor3A_368 : i32 to vector<16xi32>
      %xor3A_370 = arith.xori %iota3A_364, %xor3A_369 : vector<16xi32>
      %not3A_371 = arith.constant dense<-1> : vector<16xi32>
      %not3A_372 = arith.xori %iota3A_364, %not3A_371 : vector<16xi32>
      %and3A_373 = arith.constant 3 : i32
      %and3A_374 = vector.broadcast %and3A_373 : i32 to vector<16xi32>
      %and3A_375 = arith.andi %not3A_372, %and3A_374 : vector<16xi32>
      %bitcast_convert_type3A_376 = tpu.bitcast %get3A_363 : vector<16xf32> -> vector<16xi32>
      %shift_right_arithmetic3A_377 = arith.constant 31 : i32
      %shift_right_arithmetic3A_378 = vector.broadcast %shift_right_arithmetic3A_377 : i32 to vector<16xi32>
      %shift_right_arithmetic3A_379 = arith.shrsi %bitcast_convert_type3A_376, %shift_right_arithmetic3A_378 : vector<16xi32>
      %and3A_380 = arith.constant 2147483647 : i32
      %and3A_381 = vector.broadcast %and3A_380 : i32 to vector<16xi32>
      %and3A_382 = arith.andi %shift_right_arithmetic3A_379, %and3A_381 : vector<16xi32>
      %xor3A_383 = arith.xori %bitcast_convert_type3A_376, %and3A_382 : vector<16xi32>
      %and3A_384 = arith.constant -4 : i32
      %and3A_385 = vector.broadcast %and3A_384 : i32 to vector<16xi32>
      %and3A_386 = arith.andi %xor3A_383, %and3A_385 : vector<16xi32>
      %or3A_387 = arith.ori %and3A_386, %and3A_375 : vector<16xi32>
      %broadcast_in_dim3A_388 = vector.shape_cast %xor3A_367 : vector<16xi32> to vector<16x1xi32>
      %gather3A_389 = vector.shape_cast %broadcast_in_dim3A_388 : vector<16x1xi32> to vector<16xi32>
      %gather3A_390 = tpu.dynamic_gather %or3A_387[%gather3A_389] in [0] : vector<16xi32>, vector<16xi32> -> vector<16xi32>
      %max3A_391 = arith.maxsi %or3A_387, %gather3A_390 : vector<16xi32>
      %broadcast_in_dim3A_392 = vector.shape_cast %xor3A_370 : vector<16xi32> to vector<16x1xi32>
      %gather3A_393 = vector.shape_cast %broadcast_in_dim3A_392 : vector<16x1xi32> to vector<16xi32>
      %gather3A_394 = tpu.dynamic_gather %max3A_391[%gather3A_393] in [0] : vector<16xi32>, vector<16xi32> -> vector<16xi32>
      %max3A_395 = arith.maxsi %max3A_391, %gather3A_394 : vector<16xi32>
      %eq3A_396 = arith.cmpi eq, %or3A_387, %max3A_395 : vector<16xi32>
      %jit3A_397 = arith.constant 0.000000e+00 : f32
      %broadcast_in_dim3A_398 = vector.broadcast %jit3A_397 : f32 to vector<16xf32>
      %select_n3A_399 = arith.select %eq3A_396, %get3A_363, %broadcast_in_dim3A_398 : vector<16xi1>, vector<16xf32>
      %swap3A_400 = arith.index_cast %add3A_360 : i32 to index
      %swap3A_401 = tpu.vector_load %arg7[%swap3A_400] {strides = array<i32>} : memref<16384xf32, #tpu.memory_space<vmem>>, vector<16xf32>,
      %swap3A_402 = vector.shape_cast %swap3A_401 : vector<16xf32> to vector<16xf32>
      %swap3A_403 = vector.shape_cast %select_n3A_399 : vector<16xf32> to vector<16xf32>
      tpu.vector_store %arg7[%swap3A_400], %swap3A_403 {strides = array<i32>} : memref<16384xf32, #tpu.memory_space<vmem>>, vector<16xf32>,
      %add3A_404 = arith.constant 48 : i32
      %add3A_405 = arith.addi %mul3A_283, %add3A_404 : i32
      %get3A_406 = arith.index_cast %add3A_405 : i32 to index
      %get3A_407 = tpu.vector_load %arg5[%get3A_406] {strides = array<i32>} : memref<16384xf32, #tpu.memory_space<vmem>>, vector<16xf32>,
      %get3A_408 = vector.shape_cast %get3A_407 : vector<16xf32> to vector<16xf32>
      %iota3A_409 = tpu.iota {dimensions = array<i32: 0>} : vector<16xi32>
      %xor3A_410 = arith.constant 1 : i32
      %xor3A_411 = vector.broadcast %xor3A_410 : i32 to vector<16xi32>
      %xor3A_412 = arith.xori %iota3A_409, %xor3A_411 : vector<16xi32>
      %xor3A_413 = arith.constant 2 : i32
      %xor3A_414 = vector.broadcast %xor3A_413 : i32 to vector<16xi32>
      %xor3A_415 = arith.xori %iota3A_409, %xor3A_414 : vector<16xi32>
      %not3A_416 = arith.constant dense<-1> : vector<16xi32>
      %not3A_417 = arith.xori %iota3A_409, %not3A_416 : vector<16xi32>
      %and3A_418 = arith.constant 3 : i32
      %and3A_419 = vector.broadcast %and3A_418 : i32 to vector<16xi32>
      %and3A_420 = arith.andi %not3A_417, %and3A_419 : vector<16xi32>
      %bitcast_convert_type3A_421 = tpu.bitcast %get3A_408 : vector<16xf32> -> vector<16xi32>
      %shift_right_arithmetic3A_422 = arith.constant 31 : i32
      %shift_right_arithmetic3A_423 = vector.broadcast %shift_right_arithmetic3A_422 : i32 to vector<16xi32>
      %shift_right_arithmetic3A_424 = arith.shrsi %bitcast_convert_type3A_421, %shift_right_arithmetic3A_423 : vector<16xi32>
      %and3A_425 = arith.constant 2147483647 : i32
      %and3A_426 = vector.broadcast %and3A_425 : i32 to vector<16xi32>
      %and3A_427 = arith.andi %shift_right_arithmetic3A_424, %and3A_426 : vector<16xi32>
      %xor3A_428 = arith.xori %bitcast_convert_type3A_421, %and3A_427 : vector<16xi32>
      %and3A_429 = arith.constant -4 : i32
      %and3A_430 = vector.broadcast %and3A_429 : i32 to vector<16xi32>
      %and3A_431 = arith.andi %xor3A_428, %and3A_430 : vector<16xi32>
      %or3A_432 = arith.ori %and3A_431, %and3A_420 : vector<16xi32>
      %broadcast_in_dim3A_433 = vector.shape_cast %xor3A_412 : vector<16xi32> to vector<16x1xi32>
      %gather3A_434 = vector.shape_cast %broadcast_in_dim3A_433 : vector<16x1xi32> to vector<16xi32>
      %gather3A_435 = tpu.dynamic_gather %or3A_432[%gather3A_434] in [0] : vector<16xi32>, vector<16xi32> -> vector<16xi32>
      %max3A_436 = arith.maxsi %or3A_432, %gather3A_435 : vector<16xi32>
      %broadcast_in_dim3A_437 = vector.shape_cast %xor3A_415 : vector<16xi32> to vector<16x1xi32>
      %gather3A_438 = vector.shape_cast %broadcast_in_dim3A_437 : vector<16x1xi32> to vector<16xi32>
      %gather3A_439 = tpu.dynamic_gather %max3A_436[%gather3A_438] in [0] : vector<16xi32>, vector<16xi32> -> vector<16xi32>
      %max3A_440 = arith.maxsi %max3A_436, %gather3A_439 : vector<16xi32>
      %eq3A_441 = arith.cmpi eq, %or3A_432, %max3A_440 : vector<16xi32>
      %jit3A_442 = arith.constant 0.000000e+00 : f32
      %broadcast_in_dim3A_443 = vector.broadcast %jit3A_442 : f32 to vector<16xf32>
      %select_n3A_444 = arith.select %eq3A_441, %get3A_408, %broadcast_in_dim3A_443 : vector<16xi1>, vector<16xf32>
      %swap3A_445 = arith.index_cast %add3A_405 : i32 to index
      %swap3A_446 = tpu.vector_load %arg7[%swap3A_445] {strides = array<i32>} : memref<16384xf32, #tpu.memory_space<vmem>>, vector<16xf32>,
      %swap3A_447 = vector.shape_cast %swap3A_446 : vector<16xf32> to vector<16xf32>
      %swap3A_448 = vector.shape_cast %select_n3A_444 : vector<16xf32> to vector<16xf32>
      tpu.vector_store %arg7[%swap3A_445], %swap3A_448 {strides = array<i32>} : memref<16384xf32, #tpu.memory_space<vmem>>, vector<16xf32>,
      %add3A_449 = arith.constant 64 : i32
      %add3A_450 = arith.addi %mul3A_283, %add3A_449 : i32
      %get3A_451 = arith.index_cast %add3A_450 : i32 to index
      %get3A_452 = tpu.vector_load %arg5[%get3A_451] {strides = array<i32>} : memref<16384xf32, #tpu.memory_space<vmem>>, vector<16xf32>,
      %get3A_453 = vector.shape_cast %get3A_452 : vector<16xf32> to vector<16xf32>
      %iota3A_454 = tpu.iota {dimensions = array<i32: 0>} : vector<16xi32>
      %xor3A_455 = arith.constant 1 : i32
      %xor3A_456 = vector.broadcast %xor3A_455 : i32 to vector<16xi32>
      %xor3A_457 = arith.xori %iota3A_454, %xor3A_456 : vector<16xi32>
      %xor3A_458 = arith.constant 2 : i32
      %xor3A_459 = vector.broadcast %xor3A_458 : i32 to vector<16xi32>
      %xor3A_460 = arith.xori %iota3A_454, %xor3A_459 : vector<16xi32>
      %not3A_461 = arith.constant dense<-1> : vector<16xi32>
      %not3A_462 = arith.xori %iota3A_454, %not3A_461 : vector<16xi32>
      %and3A_463 = arith.constant 3 : i32
      %and3A_464 = vector.broadcast %and3A_463 : i32 to vector<16xi32>
      %and3A_465 = arith.andi %not3A_462, %and3A_464 : vector<16xi32>
      %bitcast_convert_type3A_466 = tpu.bitcast %get3A_453 : vector<16xf32> -> vector<16xi32>
      %shift_right_arithmetic3A_467 = arith.constant 31 : i32
      %shift_right_arithmetic3A_468 = vector.broadcast %shift_right_arithmetic3A_467 : i32 to vector<16xi32>
      %shift_right_arithmetic3A_469 = arith.shrsi %bitcast_convert_type3A_466, %shift_right_arithmetic3A_468 : vector<16xi32>
      %and3A_470 = arith.constant 2147483647 : i32
      %and3A_471 = vector.broadcast %and3A_470 : i32 to vector<16xi32>
      %and3A_472 = arith.andi %shift_right_arithmetic3A_469, %and3A_471 : vector<16xi32>
      %xor3A_473 = arith.xori %bitcast_convert_type3A_466, %and3A_472 : vector<16xi32>
      %and3A_474 = arith.constant -4 : i32
      %and3A_475 = vector.broadcast %and3A_474 : i32 to vector<16xi32>
      %and3A_476 = arith.andi %xor3A_473, %and3A_475 : vector<16xi32>
      %or3A_477 = arith.ori %and3A_476, %and3A_465 : vector<16xi32>
      %broadcast_in_dim3A_478 = vector.shape_cast %xor3A_457 : vector<16xi32> to vector<16x1xi32>
      %gather3A_479 = vector.shape_cast %broadcast_in_dim3A_478 : vector<16x1xi32> to vector<16xi32>
      %gather3A_480 = tpu.dynamic_gather %or3A_477[%gather3A_479] in [0] : vector<16xi32>, vector<16xi32> -> vector<16xi32>
      %max3A_481 = arith.maxsi %or3A_477, %gather3A_480 : vector<16xi32>
      %broadcast_in_dim3A_482 = vector.shape_cast %xor3A_460 : vector<16xi32> to vector<16x1xi32>
      %gather3A_483 = vector.shape_cast %broadcast_in_dim3A_482 : vector<16x1xi32> to vector<16xi32>
      %gather3A_484 = tpu.dynamic_gather %max3A_481[%gather3A_483] in [0] : vector<16xi32>, vector<16xi32> -> vector<16xi32>
      %max3A_485 = arith.maxsi %max3A_481, %gather3A_484 : vector<16xi32>
      %eq3A_486 = arith.cmpi eq, %or3A_477, %max3A_485 : vector<16xi32>
      %jit3A_487 = arith.constant 0.000000e+00 : f32
      %broadcast_in_dim3A_488 = vector.broadcast %jit3A_487 : f32 to vector<16xf32>
      %select_n3A_489 = arith.select %eq3A_486, %get3A_453, %broadcast_in_dim3A_488 : vector<16xi1>, vector<16xf32>
      %swap3A_490 = arith.index_cast %add3A_450 : i32 to index
      %swap3A_491 = tpu.vector_load %arg7[%swap3A_490] {strides = array<i32>} : memref<16384xf32, #tpu.memory_space<vmem>>, vector<16xf32>,
      %swap3A_492 = vector.shape_cast %swap3A_491 : vector<16xf32> to vector<16xf32>
      %swap3A_493 = vector.shape_cast %select_n3A_489 : vector<16xf32> to vector<16xf32>
      tpu.vector_store %arg7[%swap3A_490], %swap3A_493 {strides = array<i32>} : memref<16384xf32, #tpu.memory_space<vmem>>, vector<16xf32>,
      %add3A_494 = arith.constant 80 : i32
      %add3A_495 = arith.addi %mul3A_283, %add3A_494 : i32
      %get3A_496 = arith.index_cast %add3A_495 : i32 to index
      %get3A_497 = tpu.vector_load %arg5[%get3A_496] {strides = array<i32>} : memref<16384xf32, #tpu.memory_space<vmem>>, vector<16xf32>,
      %get3A_498 = vector.shape_cast %get3A_497 : vector<16xf32> to vector<16xf32>
      %iota3A_499 = tpu.iota {dimensions = array<i32: 0>} : vector<16xi32>
      %xor3A_500 = arith.constant 1 : i32
      %xor3A_501 = vector.broadcast %xor3A_500 : i32 to vector<16xi32>
      %xor3A_502 = arith.xori %iota3A_499, %xor3A_501 : vector<16xi32>
      %xor3A_503 = arith.constant 2 : i32
      %xor3A_504 = vector.broadcast %xor3A_503 : i32 to vector<16xi32>
      %xor3A_505 = arith.xori %iota3A_499, %xor3A_504 : vector<16xi32>
      %not3A_506 = arith.constant dense<-1> : vector<16xi32>
      %not3A_507 = arith.xori %iota3A_499, %not3A_506 : vector<16xi32>
      %and3A_508 = arith.constant 3 : i32
      %and3A_509 = vector.broadcast %and3A_508 : i32 to vector<16xi32>
      %and3A_510 = arith.andi %not3A_507, %and3A_509 : vector<16xi32>
      %bitcast_convert_type3A_511 = tpu.bitcast %get3A_498 : vector<16xf32> -> vector<16xi32>
      %shift_right_arithmetic3A_512 = arith.constant 31 : i32
      %shift_right_arithmetic3A_513 = vector.broadcast %shift_right_arithmetic3A_512 : i32 to vector<16xi32>
      %shift_right_arithmetic3A_514 = arith.shrsi %bitcast_convert_type3A_511, %shift_right_arithmetic3A_513 : vector<16xi32>
      %and3A_515 = arith.constant 2147483647 : i32
      %and3A_516 = vector.broadcast %and3A_515 : i32 to vector<16xi32>
      %and3A_517 = arith.andi %shift_right_arithmetic3A_514, %and3A_516 : vector<16xi32>
      %xor3A_518 = arith.xori %bitcast_convert_type3A_511, %and3A_517 : vector<16xi32>
      %and3A_519 = arith.constant -4 : i32
      %and3A_520 = vector.broadcast %and3A_519 : i32 to vector<16xi32>
      %and3A_521 = arith.andi %xor3A_518, %and3A_520 : vector<16xi32>
      %or3A_522 = arith.ori %and3A_521, %and3A_510 : vector<16xi32>
      %broadcast_in_dim3A_523 = vector.shape_cast %xor3A_502 : vector<16xi32> to vector<16x1xi32>
      %gather3A_524 = vector.shape_cast %broadcast_in_dim3A_523 : vector<16x1xi32> to vector<16xi32>
      %gather3A_525 = tpu.dynamic_gather %or3A_522[%gather3A_524] in [0] : vector<16xi32>, vector<16xi32> -> vector<16xi32>
      %max3A_526 = arith.maxsi %or3A_522, %gather3A_525 : vector<16xi32>
      %broadcast_in_dim3A_527 = vector.shape_cast %xor3A_505 : vector<16xi32> to vector<16x1xi32>
      %gather3A_528 = vector.shape_cast %broadcast_in_dim3A_527 : vector<16x1xi32> to vector<16xi32>
      %gather3A_529 = tpu.dynamic_gather %max3A_526[%gather3A_528] in [0] : vector<16xi32>, vector<16xi32> -> vector<16xi32>
      %max3A_530 = arith.maxsi %max3A_526, %gather3A_529 : vector<16xi32>
      %eq3A_531 = arith.cmpi eq, %or3A_522, %max3A_530 : vector<16xi32>
      %jit3A_532 = arith.constant 0.000000e+00 : f32
      %broadcast_in_dim3A_533 = vector.broadcast %jit3A_532 : f32 to vector<16xf32>
      %select_n3A_534 = arith.select %eq3A_531, %get3A_498, %broadcast_in_dim3A_533 : vector<16xi1>, vector<16xf32>
      %swap3A_535 = arith.index_cast %add3A_495 : i32 to index
      %swap3A_536 = tpu.vector_load %arg7[%swap3A_535] {strides = array<i32>} : memref<16384xf32, #tpu.memory_space<vmem>>, vector<16xf32>,
      %swap3A_537 = vector.shape_cast %swap3A_536 : vector<16xf32> to vector<16xf32>
      %swap3A_538 = vector.shape_cast %select_n3A_534 : vector<16xf32> to vector<16xf32>
      tpu.vector_store %arg7[%swap3A_535], %swap3A_538 {strides = array<i32>} : memref<16384xf32, #tpu.memory_space<vmem>>, vector<16xf32>,
      %add3A_539 = arith.constant 96 : i32
      %add3A_540 = arith.addi %mul3A_283, %add3A_539 : i32
      %get3A_541 = arith.index_cast %add3A_540 : i32 to index
      %get3A_542 = tpu.vector_load %arg5[%get3A_541] {strides = array<i32>} : memref<16384xf32, #tpu.memory_space<vmem>>, vector<16xf32>,
      %get3A_543 = vector.shape_cast %get3A_542 : vector<16xf32> to vector<16xf32>
      %iota3A_544 = tpu.iota {dimensions = array<i32: 0>} : vector<16xi32>
      %xor3A_545 = arith.constant 1 : i32
      %xor3A_546 = vector.broadcast %xor3A_545 : i32 to vector<16xi32>
      %xor3A_547 = arith.xori %iota3A_544, %xor3A_546 : vector<16xi32>
      %xor3A_548 = arith.constant 2 : i32
      %xor3A_549 = vector.broadcast %xor3A_548 : i32 to vector<16xi32>
      %xor3A_550 = arith.xori %iota3A_544, %xor3A_549 : vector<16xi32>
      %not3A_551 = arith.constant dense<-1> : vector<16xi32>
      %not3A_552 = arith.xori %iota3A_544, %not3A_551 : vector<16xi32>
      %and3A_553 = arith.constant 3 : i32
      %and3A_554 = vector.broadcast %and3A_553 : i32 to vector<16xi32>
      %and3A_555 = arith.andi %not3A_552, %and3A_554 : vector<16xi32>
      %bitcast_convert_type3A_556 = tpu.bitcast %get3A_543 : vector<16xf32> -> vector<16xi32>
      %shift_right_arithmetic3A_557 = arith.constant 31 : i32
      %shift_right_arithmetic3A_558 = vector.broadcast %shift_right_arithmetic3A_557 : i32 to vector<16xi32>
      %shift_right_arithmetic3A_559 = arith.shrsi %bitcast_convert_type3A_556, %shift_right_arithmetic3A_558 : vector<16xi32>
      %and3A_560 = arith.constant 2147483647 : i32
      %and3A_561 = vector.broadcast %and3A_560 : i32 to vector<16xi32>
      %and3A_562 = arith.andi %shift_right_arithmetic3A_559, %and3A_561 : vector<16xi32>
      %xor3A_563 = arith.xori %bitcast_convert_type3A_556, %and3A_562 : vector<16xi32>
      %and3A_564 = arith.constant -4 : i32
      %and3A_565 = vector.broadcast %and3A_564 : i32 to vector<16xi32>
      %and3A_566 = arith.andi %xor3A_563, %and3A_565 : vector<16xi32>
      %or3A_567 = arith.ori %and3A_566, %and3A_555 : vector<16xi32>
      %broadcast_in_dim3A_568 = vector.shape_cast %xor3A_547 : vector<16xi32> to vector<16x1xi32>
      %gather3A_569 = vector.shape_cast %broadcast_in_dim3A_568 : vector<16x1xi32> to vector<16xi32>
      %gather3A_570 = tpu.dynamic_gather %or3A_567[%gather3A_569] in [0] : vector<16xi32>, vector<16xi32> -> vector<16xi32>
      %max3A_571 = arith.maxsi %or3A_567, %gather3A_570 : vector<16xi32>
      %broadcast_in_dim3A_572 = vector.shape_cast %xor3A_550 : vector<16xi32> to vector<16x1xi32>
      %gather3A_573 = vector.shape_cast %broadcast_in_dim3A_572 : vector<16x1xi32> to vector<16xi32>
      %gather3A_574 = tpu.dynamic_gather %max3A_571[%gather3A_573] in [0] : vector<16xi32>, vector<16xi32> -> vector<16xi32>
      %max3A_575 = arith.maxsi %max3A_571, %gather3A_574 : vector<16xi32>
      %eq3A_576 = arith.cmpi eq, %or3A_567, %max3A_575 : vector<16xi32>
      %jit3A_577 = arith.constant 0.000000e+00 : f32
      %broadcast_in_dim3A_578 = vector.broadcast %jit3A_577 : f32 to vector<16xf32>
      %select_n3A_579 = arith.select %eq3A_576, %get3A_543, %broadcast_in_dim3A_578 : vector<16xi1>, vector<16xf32>
      %swap3A_580 = arith.index_cast %add3A_540 : i32 to index
      %swap3A_581 = tpu.vector_load %arg7[%swap3A_580] {strides = array<i32>} : memref<16384xf32, #tpu.memory_space<vmem>>, vector<16xf32>,
      %swap3A_582 = vector.shape_cast %swap3A_581 : vector<16xf32> to vector<16xf32>
      %swap3A_583 = vector.shape_cast %select_n3A_579 : vector<16xf32> to vector<16xf32>
      tpu.vector_store %arg7[%swap3A_580], %swap3A_583 {strides = array<i32>} : memref<16384xf32, #tpu.memory_space<vmem>>, vector<16xf32>,
      %add3A_584 = arith.constant 112 : i32
      %add3A_585 = arith.addi %mul3A_283, %add3A_584 : i32
      %get3A_586 = arith.index_cast %add3A_585 : i32 to index
      %get3A_587 = tpu.vector_load %arg5[%get3A_586] {strides = array<i32>} : memref<16384xf32, #tpu.memory_space<vmem>>, vector<16xf32>,
      %get3A_588 = vector.shape_cast %get3A_587 : vector<16xf32> to vector<16xf32>
      %iota3A_589 = tpu.iota {dimensions = array<i32: 0>} : vector<16xi32>
      %xor3A_590 = arith.constant 1 : i32
      %xor3A_591 = vector.broadcast %xor3A_590 : i32 to vector<16xi32>
      %xor3A_592 = arith.xori %iota3A_589, %xor3A_591 : vector<16xi32>
      %xor3A_593 = arith.constant 2 : i32
      %xor3A_594 = vector.broadcast %xor3A_593 : i32 to vector<16xi32>
      %xor3A_595 = arith.xori %iota3A_589, %xor3A_594 : vector<16xi32>
      %not3A_596 = arith.constant dense<-1> : vector<16xi32>
      %not3A_597 = arith.xori %iota3A_589, %not3A_596 : vector<16xi32>
      %and3A_598 = arith.constant 3 : i32
      %and3A_599 = vector.broadcast %and3A_598 : i32 to vector<16xi32>
      %and3A_600 = arith.andi %not3A_597, %and3A_599 : vector<16xi32>
      %bitcast_convert_type3A_601 = tpu.bitcast %get3A_588 : vector<16xf32> -> vector<16xi32>
      %shift_right_arithmetic3A_602 = arith.constant 31 : i32
      %shift_right_arithmetic3A_603 = vector.broadcast %shift_right_arithmetic3A_602 : i32 to vector<16xi32>
      %shift_right_arithmetic3A_604 = arith.shrsi %bitcast_convert_type3A_601, %shift_right_arithmetic3A_603 : vector<16xi32>
      %and3A_605 = arith.constant 2147483647 : i32
      %and3A_606 = vector.broadcast %and3A_605 : i32 to vector<16xi32>
      %and3A_607 = arith.andi %shift_right_arithmetic3A_604, %and3A_606 : vector<16xi32>
      %xor3A_608 = arith.xori %bitcast_convert_type3A_601, %and3A_607 : vector<16xi32>
      %and3A_609 = arith.constant -4 : i32
      %and3A_610 = vector.broadcast %and3A_609 : i32 to vector<16xi32>
      %and3A_611 = arith.andi %xor3A_608, %and3A_610 : vector<16xi32>
      %or3A_612 = arith.ori %and3A_611, %and3A_600 : vector<16xi32>
      %broadcast_in_dim3A_613 = vector.shape_cast %xor3A_592 : vector<16xi32> to vector<16x1xi32>
      %gather3A_614 = vector.shape_cast %broadcast_in_dim3A_613 : vector<16x1xi32> to vector<16xi32>
      %gather3A_615 = tpu.dynamic_gather %or3A_612[%gather3A_614] in [0] : vector<16xi32>, vector<16xi32> -> vector<16xi32>
      %max3A_616 = arith.maxsi %or3A_612, %gather3A_615 : vector<16xi32>
      %broadcast_in_dim3A_617 = vector.shape_cast %xor3A_595 : vector<16xi32> to vector<16x1xi32>
      %gather3A_618 = vector.shape_cast %broadcast_in_dim3A_617 : vector<16x1xi32> to vector<16xi32>
      %gather3A_619 = tpu.dynamic_gather %max3A_616[%gather3A_618] in [0] : vector<16xi32>, vector<16xi32> -> vector<16xi32>
      %max3A_620 = arith.maxsi %max3A_616, %gather3A_619 : vector<16xi32>
      %eq3A_621 = arith.cmpi eq, %or3A_612, %max3A_620 : vector<16xi32>
      %jit3A_622 = arith.constant 0.000000e+00 : f32
      %broadcast_in_dim3A_623 = vector.broadcast %jit3A_622 : f32 to vector<16xf32>
      %select_n3A_624 = arith.select %eq3A_621, %get3A_588, %broadcast_in_dim3A_623 : vector<16xi1>, vector<16xf32>
      %swap3A_625 = arith.index_cast %add3A_585 : i32 to index
      %swap3A_626 = tpu.vector_load %arg7[%swap3A_625] {strides = array<i32>} : memref<16384xf32, #tpu.memory_space<vmem>>, vector<16xf32>,
      %swap3A_627 = vector.shape_cast %swap3A_626 : vector<16xf32> to vector<16xf32>
      %swap3A_628 = vector.shape_cast %select_n3A_624 : vector<16xf32> to vector<16xf32>
      tpu.vector_store %arg7[%swap3A_625], %swap3A_628 {strides = array<i32>} : memref<16384xf32, #tpu.memory_space<vmem>>, vector<16xf32>,
      %scan3A_629 = arith.constant 0 : i32
      scf.yield %scan3A_629 : i32
    }
    %scan3A_57 = arith.constant 128 : i32
    %add3A_58 = arith.constant 0 : i32
    %add3A_59 = arith.addi %mul3A_2, %add3A_58 : i32
    %dma_start3A_60 = arith.constant 16384 : i32
    %dma_start3A_61 = tpu.memref_slice %arg3[%add3A_59, %dma_start3A_60] : memref<128x32768xf32, #tpu.memory_space<hbm>> -> memref<1x16384xf32, #tpu.memory_space<hbm>>
    %dma_start3A_62 = tpu.memref_squeeze %dma_start3A_61 : memref<1x16384xf32, #tpu.memory_space<hbm>> -> memref<16384xf32, #tpu.memory_space<hbm>>
    %dma_start3A_63 = arith.constant 16384 : i32
    %dma_start3A_64 = tpu.memref_slice %arg3[%add3A_59, %dma_start3A_63] : memref<128x32768xf32, #tpu.memory_space<hbm>> -> memref<1x16384xf32, #tpu.memory_space<hbm>>
    %dma_start3A_65 = tpu.memref_squeeze %dma_start3A_64 : memref<1x16384xf32, #tpu.memory_space<hbm>> -> memref<16384xf32, #tpu.memory_space<hbm>>
    tpu.enqueue_dma source(%arg7 : memref<16384xf32, #tpu.memory_space<vmem>>) target(%dma_start3A_65 : memref<16384xf32, #tpu.memory_space<hbm>>) target_semaphore(%arg11 : memref<!tpu.dma_semaphore, #tpu.memory_space<semaphore_mem>>)
    %add3A_66 = arith.constant 1 : i32
    %add3A_67 = arith.addi %mul3A_2, %add3A_66 : i32
    %dma_start3A_68 = arith.constant 16384 : i32
    %dma_start3A_69 = tpu.memref_slice %arg2[%add3A_67, %dma_start3A_68] : memref<128x32768xf32, #tpu.memory_space<hbm>> -> memref<1x16384xf32, #tpu.memory_space<hbm>>
    %dma_start3A_70 = tpu.memref_squeeze %dma_start3A_69 : memref<1x16384xf32, #tpu.memory_space<hbm>> -> memref<16384xf32, #tpu.memory_space<hbm>>
    %dma_start3A_71 = arith.constant 16384 : i32
    %dma_start3A_72 = tpu.memref_slice %arg2[%add3A_67, %dma_start3A_71] : memref<128x32768xf32, #tpu.memory_space<hbm>> -> memref<1x16384xf32, #tpu.memory_space<hbm>>
    %dma_start3A_73 = tpu.memref_squeeze %dma_start3A_72 : memref<1x16384xf32, #tpu.memory_space<hbm>> -> memref<16384xf32, #tpu.memory_space<hbm>>
    tpu.enqueue_dma source(%dma_start3A_73 : memref<16384xf32, #tpu.memory_space<hbm>>) target(%arg5 : memref<16384xf32, #tpu.memory_space<vmem>>) target_semaphore(%arg9 : memref<!tpu.dma_semaphore, #tpu.memory_space<semaphore_mem>>)
    %dma_wait3A_74 = arith.constant 0 : i32
    %dma_wait3A_75 = tpu.memref_slice %arg2[%add3A_38, %dma_wait3A_74] : memref<128x32768xf32, #tpu.memory_space<hbm>> -> memref<1x16384xf32, #tpu.memory_space<hbm>>
    %dma_wait3A_76 = tpu.memref_squeeze %dma_wait3A_75 : memref<1x16384xf32, #tpu.memory_space<hbm>> -> memref<16384xf32, #tpu.memory_space<hbm>>
    %dma_wait3A_77 = arith.constant 0 : i32
    %dma_wait3A_78 = tpu.memref_slice %arg2[%add3A_38, %dma_wait3A_77] : memref<128x32768xf32, #tpu.memory_space<hbm>> -> memref<1x16384xf32, #tpu.memory_space<hbm>>
    %dma_wait3A_79 = tpu.memref_squeeze %dma_wait3A_78 : memref<1x16384xf32, #tpu.memory_space<hbm>> -> memref<16384xf32, #tpu.memory_space<hbm>>
    tpu.wait_dma2 semaphore(%arg8 : memref<!tpu.dma_semaphore, #tpu.memory_space<semaphore_mem>>) src(%dma_wait3A_79 : memref<16384xf32, #tpu.memory_space<hbm>>) dst(%arg4 : memref<16384xf32, #tpu.memory_space<vmem>>)
    %dma_wait3A_80 = arith.constant 0 : i32
    %dma_wait3A_81 = tpu.memref_slice %arg3[%add3A_30, %dma_wait3A_80] : memref<128x32768xf32, #tpu.memory_space<hbm>> -> memref<1x16384xf32, #tpu.memory_space<hbm>>
    %dma_wait3A_82 = tpu.memref_squeeze %dma_wait3A_81 : memref<1x16384xf32, #tpu.memory_space<hbm>> -> memref<16384xf32, #tpu.memory_space<hbm>>
    %dma_wait3A_83 = arith.constant 0 : i32
    %dma_wait3A_84 = tpu.memref_slice %arg3[%add3A_30, %dma_wait3A_83] : memref<128x32768xf32, #tpu.memory_space<hbm>> -> memref<1x16384xf32, #tpu.memory_space<hbm>>
    %dma_wait3A_85 = tpu.memref_squeeze %dma_wait3A_84 : memref<1x16384xf32, #tpu.memory_space<hbm>> -> memref<16384xf32, #tpu.memory_space<hbm>>
    tpu.wait_dma2 semaphore(%arg10 : memref<!tpu.dma_semaphore, #tpu.memory_space<semaphore_mem>>) src(%arg6 : memref<16384xf32, #tpu.memory_space<vmem>>) dst(%dma_wait3A_85 : memref<16384xf32, #tpu.memory_space<hbm>>)
    %scan3A_86 = arith.constant 0 : i32
    %scan3A_87 = arith.constant 0 : i32
    %scan3A_88 = arith.constant 128 : i32
    %scan3A_89 = arith.addi %scan3A_87, %scan3A_88 : i32
    %scan3A_90 = arith.constant 1 : i32
    %scan3A_91 = scf.for %scan3A_280 = %scan3A_87 to %scan3A_89 step %scan3A_90 iter_args(%scan3A_281 = %scan3A_86) -> (i32)  : i32 {
      %mul3A_282 = arith.constant 128 : i32
      %mul3A_283 = arith.muli %scan3A_280, %mul3A_282 : i32
      %add3A_284 = arith.constant 0 : i32
      %add3A_285 = arith.addi %mul3A_283, %add3A_284 : i32
      %get3A = arith.index_cast %add3A_285 : i32 to index
      %get3A_286 = tpu.vector_load %arg4[%get3A] {strides = array<i32>} : memref<16384xf32, #tpu.memory_space<vmem>>, vector<16xf32>,
      %get3A_287 = vector.shape_cast %get3A_286 : vector<16xf32> to vector<16xf32>
      %iota3A = tpu.iota {dimensions = array<i32: 0>} : vector<16xi32>
      %xor3A = arith.constant 1 : i32
      %xor3A_288 = vector.broadcast %xor3A : i32 to vector<16xi32>
      %xor3A_289 = arith.xori %iota3A, %xor3A_288 : vector<16xi32>
      %xor3A_290 = arith.constant 2 : i32
      %xor3A_291 = vector.broadcast %xor3A_290 : i32 to vector<16xi32>
      %xor3A_292 = arith.xori %iota3A, %xor3A_291 : vector<16xi32>
      %not3A = arith.constant dense<-1> : vector<16xi32>
      %not3A_293 = arith.xori %iota3A, %not3A : vector<16xi32>
      %and3A = arith.constant 3 : i32
      %and3A_294 = vector.broadcast %and3A : i32 to vector<16xi32>
      %and3A_295 = arith.andi %not3A_293, %and3A_294 : vector<16xi32>
      %bitcast_convert_type3A = tpu.bitcast %get3A_287 : vector<16xf32> -> vector<16xi32>
      %shift_right_arithmetic3A = arith.constant 31 : i32
      %shift_right_arithmetic3A_296 = vector.broadcast %shift_right_arithmetic3A : i32 to vector<16xi32>
      %shift_right_arithmetic3A_297 = arith.shrsi %bitcast_convert_type3A, %shift_right_arithmetic3A_296 : vector<16xi32>
      %and3A_298 = arith.constant 2147483647 : i32
      %and3A_299 = vector.broadcast %and3A_298 : i32 to vector<16xi32>
      %and3A_300 = arith.andi %shift_right_arithmetic3A_297, %and3A_299 : vector<16xi32>
      %xor3A_301 = arith.xori %bitcast_convert_type3A, %and3A_300 : vector<16xi32>
      %and3A_302 = arith.constant -4 : i32
      %and3A_303 = vector.broadcast %and3A_302 : i32 to vector<16xi32>
      %and3A_304 = arith.andi %xor3A_301, %and3A_303 : vector<16xi32>
      %or3A = arith.ori %and3A_304, %and3A_295 : vector<16xi32>
      %broadcast_in_dim3A = vector.shape_cast %xor3A_289 : vector<16xi32> to vector<16x1xi32>
      %gather3A = vector.shape_cast %broadcast_in_dim3A : vector<16x1xi32> to vector<16xi32>
      %gather3A_305 = tpu.dynamic_gather %or3A[%gather3A] in [0] : vector<16xi32>, vector<16xi32> -> vector<16xi32>
      %max3A = arith.maxsi %or3A, %gather3A_305 : vector<16xi32>
      %broadcast_in_dim3A_306 = vector.shape_cast %xor3A_292 : vector<16xi32> to vector<16x1xi32>
      %gather3A_307 = vector.shape_cast %broadcast_in_dim3A_306 : vector<16x1xi32> to vector<16xi32>
      %gather3A_308 = tpu.dynamic_gather %max3A[%gather3A_307] in [0] : vector<16xi32>, vector<16xi32> -> vector<16xi32>
      %max3A_309 = arith.maxsi %max3A, %gather3A_308 : vector<16xi32>
      %eq3A = arith.cmpi eq, %or3A, %max3A_309 : vector<16xi32>
      %jit3A = arith.constant 0.000000e+00 : f32
      %broadcast_in_dim3A_310 = vector.broadcast %jit3A : f32 to vector<16xf32>
      %select_n3A = arith.select %eq3A, %get3A_287, %broadcast_in_dim3A_310 : vector<16xi1>, vector<16xf32>
      %swap3A = arith.index_cast %add3A_285 : i32 to index
      %swap3A_311 = tpu.vector_load %arg6[%swap3A] {strides = array<i32>} : memref<16384xf32, #tpu.memory_space<vmem>>, vector<16xf32>,
      %swap3A_312 = vector.shape_cast %swap3A_311 : vector<16xf32> to vector<16xf32>
      %swap3A_313 = vector.shape_cast %select_n3A : vector<16xf32> to vector<16xf32>
      tpu.vector_store %arg6[%swap3A], %swap3A_313 {strides = array<i32>} : memref<16384xf32, #tpu.memory_space<vmem>>, vector<16xf32>,
      %add3A_314 = arith.constant 16 : i32
      %add3A_315 = arith.addi %mul3A_283, %add3A_314 : i32
      %get3A_316 = arith.index_cast %add3A_315 : i32 to index
      %get3A_317 = tpu.vector_load %arg4[%get3A_316] {strides = array<i32>} : memref<16384xf32, #tpu.memory_space<vmem>>, vector<16xf32>,
      %get3A_318 = vector.shape_cast %get3A_317 : vector<16xf32> to vector<16xf32>
      %iota3A_319 = tpu.iota {dimensions = array<i32: 0>} : vector<16xi32>
      %xor3A_320 = arith.constant 1 : i32
      %xor3A_321 = vector.broadcast %xor3A_320 : i32 to vector<16xi32>
      %xor3A_322 = arith.xori %iota3A_319, %xor3A_321 : vector<16xi32>
      %xor3A_323 = arith.constant 2 : i32
      %xor3A_324 = vector.broadcast %xor3A_323 : i32 to vector<16xi32>
      %xor3A_325 = arith.xori %iota3A_319, %xor3A_324 : vector<16xi32>
      %not3A_326 = arith.constant dense<-1> : vector<16xi32>
      %not3A_327 = arith.xori %iota3A_319, %not3A_326 : vector<16xi32>
      %and3A_328 = arith.constant 3 : i32
      %and3A_329 = vector.broadcast %and3A_328 : i32 to vector<16xi32>
      %and3A_330 = arith.andi %not3A_327, %and3A_329 : vector<16xi32>
      %bitcast_convert_type3A_331 = tpu.bitcast %get3A_318 : vector<16xf32> -> vector<16xi32>
      %shift_right_arithmetic3A_332 = arith.constant 31 : i32
      %shift_right_arithmetic3A_333 = vector.broadcast %shift_right_arithmetic3A_332 : i32 to vector<16xi32>
      %shift_right_arithmetic3A_334 = arith.shrsi %bitcast_convert_type3A_331, %shift_right_arithmetic3A_333 : vector<16xi32>
      %and3A_335 = arith.constant 2147483647 : i32
      %and3A_336 = vector.broadcast %and3A_335 : i32 to vector<16xi32>
      %and3A_337 = arith.andi %shift_right_arithmetic3A_334, %and3A_336 : vector<16xi32>
      %xor3A_338 = arith.xori %bitcast_convert_type3A_331, %and3A_337 : vector<16xi32>
      %and3A_339 = arith.constant -4 : i32
      %and3A_340 = vector.broadcast %and3A_339 : i32 to vector<16xi32>
      %and3A_341 = arith.andi %xor3A_338, %and3A_340 : vector<16xi32>
      %or3A_342 = arith.ori %and3A_341, %and3A_330 : vector<16xi32>
      %broadcast_in_dim3A_343 = vector.shape_cast %xor3A_322 : vector<16xi32> to vector<16x1xi32>
      %gather3A_344 = vector.shape_cast %broadcast_in_dim3A_343 : vector<16x1xi32> to vector<16xi32>
      %gather3A_345 = tpu.dynamic_gather %or3A_342[%gather3A_344] in [0] : vector<16xi32>, vector<16xi32> -> vector<16xi32>
      %max3A_346 = arith.maxsi %or3A_342, %gather3A_345 : vector<16xi32>
      %broadcast_in_dim3A_347 = vector.shape_cast %xor3A_325 : vector<16xi32> to vector<16x1xi32>
      %gather3A_348 = vector.shape_cast %broadcast_in_dim3A_347 : vector<16x1xi32> to vector<16xi32>
      %gather3A_349 = tpu.dynamic_gather %max3A_346[%gather3A_348] in [0] : vector<16xi32>, vector<16xi32> -> vector<16xi32>
      %max3A_350 = arith.maxsi %max3A_346, %gather3A_349 : vector<16xi32>
      %eq3A_351 = arith.cmpi eq, %or3A_342, %max3A_350 : vector<16xi32>
      %jit3A_352 = arith.constant 0.000000e+00 : f32
      %broadcast_in_dim3A_353 = vector.broadcast %jit3A_352 : f32 to vector<16xf32>
      %select_n3A_354 = arith.select %eq3A_351, %get3A_318, %broadcast_in_dim3A_353 : vector<16xi1>, vector<16xf32>
      %swap3A_355 = arith.index_cast %add3A_315 : i32 to index
      %swap3A_356 = tpu.vector_load %arg6[%swap3A_355] {strides = array<i32>} : memref<16384xf32, #tpu.memory_space<vmem>>, vector<16xf32>,
      %swap3A_357 = vector.shape_cast %swap3A_356 : vector<16xf32> to vector<16xf32>
      %swap3A_358 = vector.shape_cast %select_n3A_354 : vector<16xf32> to vector<16xf32>
      tpu.vector_store %arg6[%swap3A_355], %swap3A_358 {strides = array<i32>} : memref<16384xf32, #tpu.memory_space<vmem>>, vector<16xf32>,
      %add3A_359 = arith.constant 32 : i32
      %add3A_360 = arith.addi %mul3A_283, %add3A_359 : i32
      %get3A_361 = arith.index_cast %add3A_360 : i32 to index
      %get3A_362 = tpu.vector_load %arg4[%get3A_361] {strides = array<i32>} : memref<16384xf32, #tpu.memory_space<vmem>>, vector<16xf32>,
      %get3A_363 = vector.shape_cast %get3A_362 : vector<16xf32> to vector<16xf32>
      %iota3A_364 = tpu.iota {dimensions = array<i32: 0>} : vector<16xi32>
      %xor3A_365 = arith.constant 1 : i32
      %xor3A_366 = vector.broadcast %xor3A_365 : i32 to vector<16xi32>
      %xor3A_367 = arith.xori %iota3A_364, %xor3A_366 : vector<16xi32>
      %xor3A_368 = arith.constant 2 : i32
      %xor3A_369 = vector.broadcast %xor3A_368 : i32 to vector<16xi32>
      %xor3A_370 = arith.xori %iota3A_364, %xor3A_369 : vector<16xi32>
      %not3A_371 = arith.constant dense<-1> : vector<16xi32>
      %not3A_372 = arith.xori %iota3A_364, %not3A_371 : vector<16xi32>
      %and3A_373 = arith.constant 3 : i32
      %and3A_374 = vector.broadcast %and3A_373 : i32 to vector<16xi32>
      %and3A_375 = arith.andi %not3A_372, %and3A_374 : vector<16xi32>
      %bitcast_convert_type3A_376 = tpu.bitcast %get3A_363 : vector<16xf32> -> vector<16xi32>
      %shift_right_arithmetic3A_377 = arith.constant 31 : i32
      %shift_right_arithmetic3A_378 = vector.broadcast %shift_right_arithmetic3A_377 : i32 to vector<16xi32>
      %shift_right_arithmetic3A_379 = arith.shrsi %bitcast_convert_type3A_376, %shift_right_arithmetic3A_378 : vector<16xi32>
      %and3A_380 = arith.constant 2147483647 : i32
      %and3A_381 = vector.broadcast %and3A_380 : i32 to vector<16xi32>
      %and3A_382 = arith.andi %shift_right_arithmetic3A_379, %and3A_381 : vector<16xi32>
      %xor3A_383 = arith.xori %bitcast_convert_type3A_376, %and3A_382 : vector<16xi32>
      %and3A_384 = arith.constant -4 : i32
      %and3A_385 = vector.broadcast %and3A_384 : i32 to vector<16xi32>
      %and3A_386 = arith.andi %xor3A_383, %and3A_385 : vector<16xi32>
      %or3A_387 = arith.ori %and3A_386, %and3A_375 : vector<16xi32>
      %broadcast_in_dim3A_388 = vector.shape_cast %xor3A_367 : vector<16xi32> to vector<16x1xi32>
      %gather3A_389 = vector.shape_cast %broadcast_in_dim3A_388 : vector<16x1xi32> to vector<16xi32>
      %gather3A_390 = tpu.dynamic_gather %or3A_387[%gather3A_389] in [0] : vector<16xi32>, vector<16xi32> -> vector<16xi32>
      %max3A_391 = arith.maxsi %or3A_387, %gather3A_390 : vector<16xi32>
      %broadcast_in_dim3A_392 = vector.shape_cast %xor3A_370 : vector<16xi32> to vector<16x1xi32>
      %gather3A_393 = vector.shape_cast %broadcast_in_dim3A_392 : vector<16x1xi32> to vector<16xi32>
      %gather3A_394 = tpu.dynamic_gather %max3A_391[%gather3A_393] in [0] : vector<16xi32>, vector<16xi32> -> vector<16xi32>
      %max3A_395 = arith.maxsi %max3A_391, %gather3A_394 : vector<16xi32>
      %eq3A_396 = arith.cmpi eq, %or3A_387, %max3A_395 : vector<16xi32>
      %jit3A_397 = arith.constant 0.000000e+00 : f32
      %broadcast_in_dim3A_398 = vector.broadcast %jit3A_397 : f32 to vector<16xf32>
      %select_n3A_399 = arith.select %eq3A_396, %get3A_363, %broadcast_in_dim3A_398 : vector<16xi1>, vector<16xf32>
      %swap3A_400 = arith.index_cast %add3A_360 : i32 to index
      %swap3A_401 = tpu.vector_load %arg6[%swap3A_400] {strides = array<i32>} : memref<16384xf32, #tpu.memory_space<vmem>>, vector<16xf32>,
      %swap3A_402 = vector.shape_cast %swap3A_401 : vector<16xf32> to vector<16xf32>
      %swap3A_403 = vector.shape_cast %select_n3A_399 : vector<16xf32> to vector<16xf32>
      tpu.vector_store %arg6[%swap3A_400], %swap3A_403 {strides = array<i32>} : memref<16384xf32, #tpu.memory_space<vmem>>, vector<16xf32>,
      %add3A_404 = arith.constant 48 : i32
      %add3A_405 = arith.addi %mul3A_283, %add3A_404 : i32
      %get3A_406 = arith.index_cast %add3A_405 : i32 to index
      %get3A_407 = tpu.vector_load %arg4[%get3A_406] {strides = array<i32>} : memref<16384xf32, #tpu.memory_space<vmem>>, vector<16xf32>,
      %get3A_408 = vector.shape_cast %get3A_407 : vector<16xf32> to vector<16xf32>
      %iota3A_409 = tpu.iota {dimensions = array<i32: 0>} : vector<16xi32>
      %xor3A_410 = arith.constant 1 : i32
      %xor3A_411 = vector.broadcast %xor3A_410 : i32 to vector<16xi32>
      %xor3A_412 = arith.xori %iota3A_409, %xor3A_411 : vector<16xi32>
      %xor3A_413 = arith.constant 2 : i32
      %xor3A_414 = vector.broadcast %xor3A_413 : i32 to vector<16xi32>
      %xor3A_415 = arith.xori %iota3A_409, %xor3A_414 : vector<16xi32>
      %not3A_416 = arith.constant dense<-1> : vector<16xi32>
      %not3A_417 = arith.xori %iota3A_409, %not3A_416 : vector<16xi32>
      %and3A_418 = arith.constant 3 : i32
      %and3A_419 = vector.broadcast %and3A_418 : i32 to vector<16xi32>
      %and3A_420 = arith.andi %not3A_417, %and3A_419 : vector<16xi32>
      %bitcast_convert_type3A_421 = tpu.bitcast %get3A_408 : vector<16xf32> -> vector<16xi32>
      %shift_right_arithmetic3A_422 = arith.constant 31 : i32
      %shift_right_arithmetic3A_423 = vector.broadcast %shift_right_arithmetic3A_422 : i32 to vector<16xi32>
      %shift_right_arithmetic3A_424 = arith.shrsi %bitcast_convert_type3A_421, %shift_right_arithmetic3A_423 : vector<16xi32>
      %and3A_425 = arith.constant 2147483647 : i32
      %and3A_426 = vector.broadcast %and3A_425 : i32 to vector<16xi32>
      %and3A_427 = arith.andi %shift_right_arithmetic3A_424, %and3A_426 : vector<16xi32>
      %xor3A_428 = arith.xori %bitcast_convert_type3A_421, %and3A_427 : vector<16xi32>
      %and3A_429 = arith.constant -4 : i32
      %and3A_430 = vector.broadcast %and3A_429 : i32 to vector<16xi32>
      %and3A_431 = arith.andi %xor3A_428, %and3A_430 : vector<16xi32>
      %or3A_432 = arith.ori %and3A_431, %and3A_420 : vector<16xi32>
      %broadcast_in_dim3A_433 = vector.shape_cast %xor3A_412 : vector<16xi32> to vector<16x1xi32>
      %gather3A_434 = vector.shape_cast %broadcast_in_dim3A_433 : vector<16x1xi32> to vector<16xi32>
      %gather3A_435 = tpu.dynamic_gather %or3A_432[%gather3A_434] in [0] : vector<16xi32>, vector<16xi32> -> vector<16xi32>
      %max3A_436 = arith.maxsi %or3A_432, %gather3A_435 : vector<16xi32>
      %broadcast_in_dim3A_437 = vector.shape_cast %xor3A_415 : vector<16xi32> to vector<16x1xi32>
      %gather3A_438 = vector.shape_cast %broadcast_in_dim3A_437 : vector<16x1xi32> to vector<16xi32>
      %gather3A_439 = tpu.dynamic_gather %max3A_436[%gather3A_438] in [0] : vector<16xi32>, vector<16xi32> -> vector<16xi32>
      %max3A_440 = arith.maxsi %max3A_436, %gather3A_439 : vector<16xi32>
      %eq3A_441 = arith.cmpi eq, %or3A_432, %max3A_440 : vector<16xi32>
      %jit3A_442 = arith.constant 0.000000e+00 : f32
      %broadcast_in_dim3A_443 = vector.broadcast %jit3A_442 : f32 to vector<16xf32>
      %select_n3A_444 = arith.select %eq3A_441, %get3A_408, %broadcast_in_dim3A_443 : vector<16xi1>, vector<16xf32>
      %swap3A_445 = arith.index_cast %add3A_405 : i32 to index
      %swap3A_446 = tpu.vector_load %arg6[%swap3A_445] {strides = array<i32>} : memref<16384xf32, #tpu.memory_space<vmem>>, vector<16xf32>,
      %swap3A_447 = vector.shape_cast %swap3A_446 : vector<16xf32> to vector<16xf32>
      %swap3A_448 = vector.shape_cast %select_n3A_444 : vector<16xf32> to vector<16xf32>
      tpu.vector_store %arg6[%swap3A_445], %swap3A_448 {strides = array<i32>} : memref<16384xf32, #tpu.memory_space<vmem>>, vector<16xf32>,
      %add3A_449 = arith.constant 64 : i32
      %add3A_450 = arith.addi %mul3A_283, %add3A_449 : i32
      %get3A_451 = arith.index_cast %add3A_450 : i32 to index
      %get3A_452 = tpu.vector_load %arg4[%get3A_451] {strides = array<i32>} : memref<16384xf32, #tpu.memory_space<vmem>>, vector<16xf32>,
      %get3A_453 = vector.shape_cast %get3A_452 : vector<16xf32> to vector<16xf32>
      %iota3A_454 = tpu.iota {dimensions = array<i32: 0>} : vector<16xi32>
      %xor3A_455 = arith.constant 1 : i32
      %xor3A_456 = vector.broadcast %xor3A_455 : i32 to vector<16xi32>
      %xor3A_457 = arith.xori %iota3A_454, %xor3A_456 : vector<16xi32>
      %xor3A_458 = arith.constant 2 : i32
      %xor3A_459 = vector.broadcast %xor3A_458 : i32 to vector<16xi32>
      %xor3A_460 = arith.xori %iota3A_454, %xor3A_459 : vector<16xi32>
      %not3A_461 = arith.constant dense<-1> : vector<16xi32>
      %not3A_462 = arith.xori %iota3A_454, %not3A_461 : vector<16xi32>
      %and3A_463 = arith.constant 3 : i32
      %and3A_464 = vector.broadcast %and3A_463 : i32 to vector<16xi32>
      %and3A_465 = arith.andi %not3A_462, %and3A_464 : vector<16xi32>
      %bitcast_convert_type3A_466 = tpu.bitcast %get3A_453 : vector<16xf32> -> vector<16xi32>
      %shift_right_arithmetic3A_467 = arith.constant 31 : i32
      %shift_right_arithmetic3A_468 = vector.broadcast %shift_right_arithmetic3A_467 : i32 to vector<16xi32>
      %shift_right_arithmetic3A_469 = arith.shrsi %bitcast_convert_type3A_466, %shift_right_arithmetic3A_468 : vector<16xi32>
      %and3A_470 = arith.constant 2147483647 : i32
      %and3A_471 = vector.broadcast %and3A_470 : i32 to vector<16xi32>
      %and3A_472 = arith.andi %shift_right_arithmetic3A_469, %and3A_471 : vector<16xi32>
      %xor3A_473 = arith.xori %bitcast_convert_type3A_466, %and3A_472 : vector<16xi32>
      %and3A_474 = arith.constant -4 : i32
      %and3A_475 = vector.broadcast %and3A_474 : i32 to vector<16xi32>
      %and3A_476 = arith.andi %xor3A_473, %and3A_475 : vector<16xi32>
      %or3A_477 = arith.ori %and3A_476, %and3A_465 : vector<16xi32>
      %broadcast_in_dim3A_478 = vector.shape_cast %xor3A_457 : vector<16xi32> to vector<16x1xi32>
      %gather3A_479 = vector.shape_cast %broadcast_in_dim3A_478 : vector<16x1xi32> to vector<16xi32>
      %gather3A_480 = tpu.dynamic_gather %or3A_477[%gather3A_479] in [0] : vector<16xi32>, vector<16xi32> -> vector<16xi32>
      %max3A_481 = arith.maxsi %or3A_477, %gather3A_480 : vector<16xi32>
      %broadcast_in_dim3A_482 = vector.shape_cast %xor3A_460 : vector<16xi32> to vector<16x1xi32>
      %gather3A_483 = vector.shape_cast %broadcast_in_dim3A_482 : vector<16x1xi32> to vector<16xi32>
      %gather3A_484 = tpu.dynamic_gather %max3A_481[%gather3A_483] in [0] : vector<16xi32>, vector<16xi32> -> vector<16xi32>
      %max3A_485 = arith.maxsi %max3A_481, %gather3A_484 : vector<16xi32>
      %eq3A_486 = arith.cmpi eq, %or3A_477, %max3A_485 : vector<16xi32>
      %jit3A_487 = arith.constant 0.000000e+00 : f32
      %broadcast_in_dim3A_488 = vector.broadcast %jit3A_487 : f32 to vector<16xf32>
      %select_n3A_489 = arith.select %eq3A_486, %get3A_453, %broadcast_in_dim3A_488 : vector<16xi1>, vector<16xf32>
      %swap3A_490 = arith.index_cast %add3A_450 : i32 to index
      %swap3A_491 = tpu.vector_load %arg6[%swap3A_490] {strides = array<i32>} : memref<16384xf32, #tpu.memory_space<vmem>>, vector<16xf32>,
      %swap3A_492 = vector.shape_cast %swap3A_491 : vector<16xf32> to vector<16xf32>
      %swap3A_493 = vector.shape_cast %select_n3A_489 : vector<16xf32> to vector<16xf32>
      tpu.vector_store %arg6[%swap3A_490], %swap3A_493 {strides = array<i32>} : memref<16384xf32, #tpu.memory_space<vmem>>, vector<16xf32>,
      %add3A_494 = arith.constant 80 : i32
      %add3A_495 = arith.addi %mul3A_283, %add3A_494 : i32
      %get3A_496 = arith.index_cast %add3A_495 : i32 to index
      %get3A_497 = tpu.vector_load %arg4[%get3A_496] {strides = array<i32>} : memref<16384xf32, #tpu.memory_space<vmem>>, vector<16xf32>,
      %get3A_498 = vector.shape_cast %get3A_497 : vector<16xf32> to vector<16xf32>
      %iota3A_499 = tpu.iota {dimensions = array<i32: 0>} : vector<16xi32>
      %xor3A_500 = arith.constant 1 : i32
      %xor3A_501 = vector.broadcast %xor3A_500 : i32 to vector<16xi32>
      %xor3A_502 = arith.xori %iota3A_499, %xor3A_501 : vector<16xi32>
      %xor3A_503 = arith.constant 2 : i32
      %xor3A_504 = vector.broadcast %xor3A_503 : i32 to vector<16xi32>
      %xor3A_505 = arith.xori %iota3A_499, %xor3A_504 : vector<16xi32>
      %not3A_506 = arith.constant dense<-1> : vector<16xi32>
      %not3A_507 = arith.xori %iota3A_499, %not3A_506 : vector<16xi32>
      %and3A_508 = arith.constant 3 : i32
      %and3A_509 = vector.broadcast %and3A_508 : i32 to vector<16xi32>
      %and3A_510 = arith.andi %not3A_507, %and3A_509 : vector<16xi32>
      %bitcast_convert_type3A_511 = tpu.bitcast %get3A_498 : vector<16xf32> -> vector<16xi32>
      %shift_right_arithmetic3A_512 = arith.constant 31 : i32
      %shift_right_arithmetic3A_513 = vector.broadcast %shift_right_arithmetic3A_512 : i32 to vector<16xi32>
      %shift_right_arithmetic3A_514 = arith.shrsi %bitcast_convert_type3A_511, %shift_right_arithmetic3A_513 : vector<16xi32>
      %and3A_515 = arith.constant 2147483647 : i32
      %and3A_516 = vector.broadcast %and3A_515 : i32 to vector<16xi32>
      %and3A_517 = arith.andi %shift_right_arithmetic3A_514, %and3A_516 : vector<16xi32>
      %xor3A_518 = arith.xori %bitcast_convert_type3A_511, %and3A_517 : vector<16xi32>
      %and3A_519 = arith.constant -4 : i32
      %and3A_520 = vector.broadcast %and3A_519 : i32 to vector<16xi32>
      %and3A_521 = arith.andi %xor3A_518, %and3A_520 : vector<16xi32>
      %or3A_522 = arith.ori %and3A_521, %and3A_510 : vector<16xi32>
      %broadcast_in_dim3A_523 = vector.shape_cast %xor3A_502 : vector<16xi32> to vector<16x1xi32>
      %gather3A_524 = vector.shape_cast %broadcast_in_dim3A_523 : vector<16x1xi32> to vector<16xi32>
      %gather3A_525 = tpu.dynamic_gather %or3A_522[%gather3A_524] in [0] : vector<16xi32>, vector<16xi32> -> vector<16xi32>
      %max3A_526 = arith.maxsi %or3A_522, %gather3A_525 : vector<16xi32>
      %broadcast_in_dim3A_527 = vector.shape_cast %xor3A_505 : vector<16xi32> to vector<16x1xi32>
      %gather3A_528 = vector.shape_cast %broadcast_in_dim3A_527 : vector<16x1xi32> to vector<16xi32>
      %gather3A_529 = tpu.dynamic_gather %max3A_526[%gather3A_528] in [0] : vector<16xi32>, vector<16xi32> -> vector<16xi32>
      %max3A_530 = arith.maxsi %max3A_526, %gather3A_529 : vector<16xi32>
      %eq3A_531 = arith.cmpi eq, %or3A_522, %max3A_530 : vector<16xi32>
      %jit3A_532 = arith.constant 0.000000e+00 : f32
      %broadcast_in_dim3A_533 = vector.broadcast %jit3A_532 : f32 to vector<16xf32>
      %select_n3A_534 = arith.select %eq3A_531, %get3A_498, %broadcast_in_dim3A_533 : vector<16xi1>, vector<16xf32>
      %swap3A_535 = arith.index_cast %add3A_495 : i32 to index
      %swap3A_536 = tpu.vector_load %arg6[%swap3A_535] {strides = array<i32>} : memref<16384xf32, #tpu.memory_space<vmem>>, vector<16xf32>,
      %swap3A_537 = vector.shape_cast %swap3A_536 : vector<16xf32> to vector<16xf32>
      %swap3A_538 = vector.shape_cast %select_n3A_534 : vector<16xf32> to vector<16xf32>
      tpu.vector_store %arg6[%swap3A_535], %swap3A_538 {strides = array<i32>} : memref<16384xf32, #tpu.memory_space<vmem>>, vector<16xf32>,
      %add3A_539 = arith.constant 96 : i32
      %add3A_540 = arith.addi %mul3A_283, %add3A_539 : i32
      %get3A_541 = arith.index_cast %add3A_540 : i32 to index
      %get3A_542 = tpu.vector_load %arg4[%get3A_541] {strides = array<i32>} : memref<16384xf32, #tpu.memory_space<vmem>>, vector<16xf32>,
      %get3A_543 = vector.shape_cast %get3A_542 : vector<16xf32> to vector<16xf32>
      %iota3A_544 = tpu.iota {dimensions = array<i32: 0>} : vector<16xi32>
      %xor3A_545 = arith.constant 1 : i32
      %xor3A_546 = vector.broadcast %xor3A_545 : i32 to vector<16xi32>
      %xor3A_547 = arith.xori %iota3A_544, %xor3A_546 : vector<16xi32>
      %xor3A_548 = arith.constant 2 : i32
      %xor3A_549 = vector.broadcast %xor3A_548 : i32 to vector<16xi32>
      %xor3A_550 = arith.xori %iota3A_544, %xor3A_549 : vector<16xi32>
      %not3A_551 = arith.constant dense<-1> : vector<16xi32>
      %not3A_552 = arith.xori %iota3A_544, %not3A_551 : vector<16xi32>
      %and3A_553 = arith.constant 3 : i32
      %and3A_554 = vector.broadcast %and3A_553 : i32 to vector<16xi32>
      %and3A_555 = arith.andi %not3A_552, %and3A_554 : vector<16xi32>
      %bitcast_convert_type3A_556 = tpu.bitcast %get3A_543 : vector<16xf32> -> vector<16xi32>
      %shift_right_arithmetic3A_557 = arith.constant 31 : i32
      %shift_right_arithmetic3A_558 = vector.broadcast %shift_right_arithmetic3A_557 : i32 to vector<16xi32>
      %shift_right_arithmetic3A_559 = arith.shrsi %bitcast_convert_type3A_556, %shift_right_arithmetic3A_558 : vector<16xi32>
      %and3A_560 = arith.constant 2147483647 : i32
      %and3A_561 = vector.broadcast %and3A_560 : i32 to vector<16xi32>
      %and3A_562 = arith.andi %shift_right_arithmetic3A_559, %and3A_561 : vector<16xi32>
      %xor3A_563 = arith.xori %bitcast_convert_type3A_556, %and3A_562 : vector<16xi32>
      %and3A_564 = arith.constant -4 : i32
      %and3A_565 = vector.broadcast %and3A_564 : i32 to vector<16xi32>
      %and3A_566 = arith.andi %xor3A_563, %and3A_565 : vector<16xi32>
      %or3A_567 = arith.ori %and3A_566, %and3A_555 : vector<16xi32>
      %broadcast_in_dim3A_568 = vector.shape_cast %xor3A_547 : vector<16xi32> to vector<16x1xi32>
      %gather3A_569 = vector.shape_cast %broadcast_in_dim3A_568 : vector<16x1xi32> to vector<16xi32>
      %gather3A_570 = tpu.dynamic_gather %or3A_567[%gather3A_569] in [0] : vector<16xi32>, vector<16xi32> -> vector<16xi32>
      %max3A_571 = arith.maxsi %or3A_567, %gather3A_570 : vector<16xi32>
      %broadcast_in_dim3A_572 = vector.shape_cast %xor3A_550 : vector<16xi32> to vector<16x1xi32>
      %gather3A_573 = vector.shape_cast %broadcast_in_dim3A_572 : vector<16x1xi32> to vector<16xi32>
      %gather3A_574 = tpu.dynamic_gather %max3A_571[%gather3A_573] in [0] : vector<16xi32>, vector<16xi32> -> vector<16xi32>
      %max3A_575 = arith.maxsi %max3A_571, %gather3A_574 : vector<16xi32>
      %eq3A_576 = arith.cmpi eq, %or3A_567, %max3A_575 : vector<16xi32>
      %jit3A_577 = arith.constant 0.000000e+00 : f32
      %broadcast_in_dim3A_578 = vector.broadcast %jit3A_577 : f32 to vector<16xf32>
      %select_n3A_579 = arith.select %eq3A_576, %get3A_543, %broadcast_in_dim3A_578 : vector<16xi1>, vector<16xf32>
      %swap3A_580 = arith.index_cast %add3A_540 : i32 to index
      %swap3A_581 = tpu.vector_load %arg6[%swap3A_580] {strides = array<i32>} : memref<16384xf32, #tpu.memory_space<vmem>>, vector<16xf32>,
      %swap3A_582 = vector.shape_cast %swap3A_581 : vector<16xf32> to vector<16xf32>
      %swap3A_583 = vector.shape_cast %select_n3A_579 : vector<16xf32> to vector<16xf32>
      tpu.vector_store %arg6[%swap3A_580], %swap3A_583 {strides = array<i32>} : memref<16384xf32, #tpu.memory_space<vmem>>, vector<16xf32>,
      %add3A_584 = arith.constant 112 : i32
      %add3A_585 = arith.addi %mul3A_283, %add3A_584 : i32
      %get3A_586 = arith.index_cast %add3A_585 : i32 to index
      %get3A_587 = tpu.vector_load %arg4[%get3A_586] {strides = array<i32>} : memref<16384xf32, #tpu.memory_space<vmem>>, vector<16xf32>,
      %get3A_588 = vector.shape_cast %get3A_587 : vector<16xf32> to vector<16xf32>
      %iota3A_589 = tpu.iota {dimensions = array<i32: 0>} : vector<16xi32>
      %xor3A_590 = arith.constant 1 : i32
      %xor3A_591 = vector.broadcast %xor3A_590 : i32 to vector<16xi32>
      %xor3A_592 = arith.xori %iota3A_589, %xor3A_591 : vector<16xi32>
      %xor3A_593 = arith.constant 2 : i32
      %xor3A_594 = vector.broadcast %xor3A_593 : i32 to vector<16xi32>
      %xor3A_595 = arith.xori %iota3A_589, %xor3A_594 : vector<16xi32>
      %not3A_596 = arith.constant dense<-1> : vector<16xi32>
      %not3A_597 = arith.xori %iota3A_589, %not3A_596 : vector<16xi32>
      %and3A_598 = arith.constant 3 : i32
      %and3A_599 = vector.broadcast %and3A_598 : i32 to vector<16xi32>
      %and3A_600 = arith.andi %not3A_597, %and3A_599 : vector<16xi32>
      %bitcast_convert_type3A_601 = tpu.bitcast %get3A_588 : vector<16xf32> -> vector<16xi32>
      %shift_right_arithmetic3A_602 = arith.constant 31 : i32
      %shift_right_arithmetic3A_603 = vector.broadcast %shift_right_arithmetic3A_602 : i32 to vector<16xi32>
      %shift_right_arithmetic3A_604 = arith.shrsi %bitcast_convert_type3A_601, %shift_right_arithmetic3A_603 : vector<16xi32>
      %and3A_605 = arith.constant 2147483647 : i32
      %and3A_606 = vector.broadcast %and3A_605 : i32 to vector<16xi32>
      %and3A_607 = arith.andi %shift_right_arithmetic3A_604, %and3A_606 : vector<16xi32>
      %xor3A_608 = arith.xori %bitcast_convert_type3A_601, %and3A_607 : vector<16xi32>
      %and3A_609 = arith.constant -4 : i32
      %and3A_610 = vector.broadcast %and3A_609 : i32 to vector<16xi32>
      %and3A_611 = arith.andi %xor3A_608, %and3A_610 : vector<16xi32>
      %or3A_612 = arith.ori %and3A_611, %and3A_600 : vector<16xi32>
      %broadcast_in_dim3A_613 = vector.shape_cast %xor3A_592 : vector<16xi32> to vector<16x1xi32>
      %gather3A_614 = vector.shape_cast %broadcast_in_dim3A_613 : vector<16x1xi32> to vector<16xi32>
      %gather3A_615 = tpu.dynamic_gather %or3A_612[%gather3A_614] in [0] : vector<16xi32>, vector<16xi32> -> vector<16xi32>
      %max3A_616 = arith.maxsi %or3A_612, %gather3A_615 : vector<16xi32>
      %broadcast_in_dim3A_617 = vector.shape_cast %xor3A_595 : vector<16xi32> to vector<16x1xi32>
      %gather3A_618 = vector.shape_cast %broadcast_in_dim3A_617 : vector<16x1xi32> to vector<16xi32>
      %gather3A_619 = tpu.dynamic_gather %max3A_616[%gather3A_618] in [0] : vector<16xi32>, vector<16xi32> -> vector<16xi32>
      %max3A_620 = arith.maxsi %max3A_616, %gather3A_619 : vector<16xi32>
      %eq3A_621 = arith.cmpi eq, %or3A_612, %max3A_620 : vector<16xi32>
      %jit3A_622 = arith.constant 0.000000e+00 : f32
      %broadcast_in_dim3A_623 = vector.broadcast %jit3A_622 : f32 to vector<16xf32>
      %select_n3A_624 = arith.select %eq3A_621, %get3A_588, %broadcast_in_dim3A_623 : vector<16xi1>, vector<16xf32>
      %swap3A_625 = arith.index_cast %add3A_585 : i32 to index
      %swap3A_626 = tpu.vector_load %arg6[%swap3A_625] {strides = array<i32>} : memref<16384xf32, #tpu.memory_space<vmem>>, vector<16xf32>,
      %swap3A_627 = vector.shape_cast %swap3A_626 : vector<16xf32> to vector<16xf32>
      %swap3A_628 = vector.shape_cast %select_n3A_624 : vector<16xf32> to vector<16xf32>
      tpu.vector_store %arg6[%swap3A_625], %swap3A_628 {strides = array<i32>} : memref<16384xf32, #tpu.memory_space<vmem>>, vector<16xf32>,
      %scan3A_629 = arith.constant 0 : i32
      scf.yield %scan3A_629 : i32
    }
    %scan3A_92 = arith.constant 128 : i32
    %add3A_93 = arith.constant 1 : i32
    %add3A_94 = arith.addi %mul3A_2, %add3A_93 : i32
    %dma_start3A_95 = arith.constant 0 : i32
    %dma_start3A_96 = tpu.memref_slice %arg3[%add3A_94, %dma_start3A_95] : memref<128x32768xf32, #tpu.memory_space<hbm>> -> memref<1x16384xf32, #tpu.memory_space<hbm>>
    %dma_start3A_97 = tpu.memref_squeeze %dma_start3A_96 : memref<1x16384xf32, #tpu.memory_space<hbm>> -> memref<16384xf32, #tpu.memory_space<hbm>>
    %dma_start3A_98 = arith.constant 0 : i32
    %dma_start3A_99 = tpu.memref_slice %arg3[%add3A_94, %dma_start3A_98] : memref<128x32768xf32, #tpu.memory_space<hbm>> -> memref<1x16384xf32, #tpu.memory_space<hbm>>
    %dma_start3A_100 = tpu.memref_squeeze %dma_start3A_99 : memref<1x16384xf32, #tpu.memory_space<hbm>> -> memref<16384xf32, #tpu.memory_space<hbm>>
    tpu.enqueue_dma source(%arg6 : memref<16384xf32, #tpu.memory_space<vmem>>) target(%dma_start3A_100 : memref<16384xf32, #tpu.memory_space<hbm>>) target_semaphore(%arg10 : memref<!tpu.dma_semaphore, #tpu.memory_space<semaphore_mem>>)
    %add3A_101 = arith.constant 2 : i32
    %add3A_102 = arith.addi %mul3A_2, %add3A_101 : i32
    %dma_start3A_103 = arith.constant 0 : i32
    %dma_start3A_104 = tpu.memref_slice %arg2[%add3A_102, %dma_start3A_103] : memref<128x32768xf32, #tpu.memory_space<hbm>> -> memref<1x16384xf32, #tpu.memory_space<hbm>>
    %dma_start3A_105 = tpu.memref_squeeze %dma_start3A_104 : memref<1x16384xf32, #tpu.memory_space<hbm>> -> memref<16384xf32, #tpu.memory_space<hbm>>
    %dma_start3A_106 = arith.constant 0 : i32
    %dma_start3A_107 = tpu.memref_slice %arg2[%add3A_102, %dma_start3A_106] : memref<128x32768xf32, #tpu.memory_space<hbm>> -> memref<1x16384xf32, #tpu.memory_space<hbm>>
    %dma_start3A_108 = tpu.memref_squeeze %dma_start3A_107 : memref<1x16384xf32, #tpu.memory_space<hbm>> -> memref<16384xf32, #tpu.memory_space<hbm>>
    tpu.enqueue_dma source(%dma_start3A_108 : memref<16384xf32, #tpu.memory_space<hbm>>) target(%arg4 : memref<16384xf32, #tpu.memory_space<vmem>>) target_semaphore(%arg8 : memref<!tpu.dma_semaphore, #tpu.memory_space<semaphore_mem>>)
    %dma_wait3A_109 = arith.constant 16384 : i32
    %dma_wait3A_110 = tpu.memref_slice %arg2[%add3A_67, %dma_wait3A_109] : memref<128x32768xf32, #tpu.memory_space<hbm>> -> memref<1x16384xf32, #tpu.memory_space<hbm>>
    %dma_wait3A_111 = tpu.memref_squeeze %dma_wait3A_110 : memref<1x16384xf32, #tpu.memory_space<hbm>> -> memref<16384xf32, #tpu.memory_space<hbm>>
    %dma_wait3A_112 = arith.constant 16384 : i32
    %dma_wait3A_113 = tpu.memref_slice %arg2[%add3A_67, %dma_wait3A_112] : memref<128x32768xf32, #tpu.memory_space<hbm>> -> memref<1x16384xf32, #tpu.memory_space<hbm>>
    %dma_wait3A_114 = tpu.memref_squeeze %dma_wait3A_113 : memref<1x16384xf32, #tpu.memory_space<hbm>> -> memref<16384xf32, #tpu.memory_space<hbm>>
    tpu.wait_dma2 semaphore(%arg9 : memref<!tpu.dma_semaphore, #tpu.memory_space<semaphore_mem>>) src(%dma_wait3A_114 : memref<16384xf32, #tpu.memory_space<hbm>>) dst(%arg5 : memref<16384xf32, #tpu.memory_space<vmem>>)
    %dma_wait3A_115 = arith.constant 16384 : i32
    %dma_wait3A_116 = tpu.memref_slice %arg3[%add3A_59, %dma_wait3A_115] : memref<128x32768xf32, #tpu.memory_space<hbm>> -> memref<1x16384xf32, #tpu.memory_space<hbm>>
    %dma_wait3A_117 = tpu.memref_squeeze %dma_wait3A_116 : memref<1x16384xf32, #tpu.memory_space<hbm>> -> memref<16384xf32, #tpu.memory_space<hbm>>
    %dma_wait3A_118 = arith.constant 16384 : i32
    %dma_wait3A_119 = tpu.memref_slice %arg3[%add3A_59, %dma_wait3A_118] : memref<128x32768xf32, #tpu.memory_space<hbm>> -> memref<1x16384xf32, #tpu.memory_space<hbm>>
    %dma_wait3A_120 = tpu.memref_squeeze %dma_wait3A_119 : memref<1x16384xf32, #tpu.memory_space<hbm>> -> memref<16384xf32, #tpu.memory_space<hbm>>
    tpu.wait_dma2 semaphore(%arg11 : memref<!tpu.dma_semaphore, #tpu.memory_space<semaphore_mem>>) src(%arg7 : memref<16384xf32, #tpu.memory_space<vmem>>) dst(%dma_wait3A_120 : memref<16384xf32, #tpu.memory_space<hbm>>)
    %scan3A_121 = arith.constant 0 : i32
    %scan3A_122 = arith.constant 0 : i32
    %scan3A_123 = arith.constant 128 : i32
    %scan3A_124 = arith.addi %scan3A_122, %scan3A_123 : i32
    %scan3A_125 = arith.constant 1 : i32
    %scan3A_126 = scf.for %scan3A_280 = %scan3A_122 to %scan3A_124 step %scan3A_125 iter_args(%scan3A_281 = %scan3A_121) -> (i32)  : i32 {
      %mul3A_282 = arith.constant 128 : i32
      %mul3A_283 = arith.muli %scan3A_280, %mul3A_282 : i32
      %add3A_284 = arith.constant 0 : i32
      %add3A_285 = arith.addi %mul3A_283, %add3A_284 : i32
      %get3A = arith.index_cast %add3A_285 : i32 to index
      %get3A_286 = tpu.vector_load %arg5[%get3A] {strides = array<i32>} : memref<16384xf32, #tpu.memory_space<vmem>>, vector<16xf32>,
      %get3A_287 = vector.shape_cast %get3A_286 : vector<16xf32> to vector<16xf32>
      %iota3A = tpu.iota {dimensions = array<i32: 0>} : vector<16xi32>
      %xor3A = arith.constant 1 : i32
      %xor3A_288 = vector.broadcast %xor3A : i32 to vector<16xi32>
      %xor3A_289 = arith.xori %iota3A, %xor3A_288 : vector<16xi32>
      %xor3A_290 = arith.constant 2 : i32
      %xor3A_291 = vector.broadcast %xor3A_290 : i32 to vector<16xi32>
      %xor3A_292 = arith.xori %iota3A, %xor3A_291 : vector<16xi32>
      %not3A = arith.constant dense<-1> : vector<16xi32>
      %not3A_293 = arith.xori %iota3A, %not3A : vector<16xi32>
      %and3A = arith.constant 3 : i32
      %and3A_294 = vector.broadcast %and3A : i32 to vector<16xi32>
      %and3A_295 = arith.andi %not3A_293, %and3A_294 : vector<16xi32>
      %bitcast_convert_type3A = tpu.bitcast %get3A_287 : vector<16xf32> -> vector<16xi32>
      %shift_right_arithmetic3A = arith.constant 31 : i32
      %shift_right_arithmetic3A_296 = vector.broadcast %shift_right_arithmetic3A : i32 to vector<16xi32>
      %shift_right_arithmetic3A_297 = arith.shrsi %bitcast_convert_type3A, %shift_right_arithmetic3A_296 : vector<16xi32>
      %and3A_298 = arith.constant 2147483647 : i32
      %and3A_299 = vector.broadcast %and3A_298 : i32 to vector<16xi32>
      %and3A_300 = arith.andi %shift_right_arithmetic3A_297, %and3A_299 : vector<16xi32>
      %xor3A_301 = arith.xori %bitcast_convert_type3A, %and3A_300 : vector<16xi32>
      %and3A_302 = arith.constant -4 : i32
      %and3A_303 = vector.broadcast %and3A_302 : i32 to vector<16xi32>
      %and3A_304 = arith.andi %xor3A_301, %and3A_303 : vector<16xi32>
      %or3A = arith.ori %and3A_304, %and3A_295 : vector<16xi32>
      %broadcast_in_dim3A = vector.shape_cast %xor3A_289 : vector<16xi32> to vector<16x1xi32>
      %gather3A = vector.shape_cast %broadcast_in_dim3A : vector<16x1xi32> to vector<16xi32>
      %gather3A_305 = tpu.dynamic_gather %or3A[%gather3A] in [0] : vector<16xi32>, vector<16xi32> -> vector<16xi32>
      %max3A = arith.maxsi %or3A, %gather3A_305 : vector<16xi32>
      %broadcast_in_dim3A_306 = vector.shape_cast %xor3A_292 : vector<16xi32> to vector<16x1xi32>
      %gather3A_307 = vector.shape_cast %broadcast_in_dim3A_306 : vector<16x1xi32> to vector<16xi32>
      %gather3A_308 = tpu.dynamic_gather %max3A[%gather3A_307] in [0] : vector<16xi32>, vector<16xi32> -> vector<16xi32>
      %max3A_309 = arith.maxsi %max3A, %gather3A_308 : vector<16xi32>
      %eq3A = arith.cmpi eq, %or3A, %max3A_309 : vector<16xi32>
      %jit3A = arith.constant 0.000000e+00 : f32
      %broadcast_in_dim3A_310 = vector.broadcast %jit3A : f32 to vector<16xf32>
      %select_n3A = arith.select %eq3A, %get3A_287, %broadcast_in_dim3A_310 : vector<16xi1>, vector<16xf32>
      %swap3A = arith.index_cast %add3A_285 : i32 to index
      %swap3A_311 = tpu.vector_load %arg7[%swap3A] {strides = array<i32>} : memref<16384xf32, #tpu.memory_space<vmem>>, vector<16xf32>,
      %swap3A_312 = vector.shape_cast %swap3A_311 : vector<16xf32> to vector<16xf32>
      %swap3A_313 = vector.shape_cast %select_n3A : vector<16xf32> to vector<16xf32>
      tpu.vector_store %arg7[%swap3A], %swap3A_313 {strides = array<i32>} : memref<16384xf32, #tpu.memory_space<vmem>>, vector<16xf32>,
      %add3A_314 = arith.constant 16 : i32
      %add3A_315 = arith.addi %mul3A_283, %add3A_314 : i32
      %get3A_316 = arith.index_cast %add3A_315 : i32 to index
      %get3A_317 = tpu.vector_load %arg5[%get3A_316] {strides = array<i32>} : memref<16384xf32, #tpu.memory_space<vmem>>, vector<16xf32>,
      %get3A_318 = vector.shape_cast %get3A_317 : vector<16xf32> to vector<16xf32>
      %iota3A_319 = tpu.iota {dimensions = array<i32: 0>} : vector<16xi32>
      %xor3A_320 = arith.constant 1 : i32
      %xor3A_321 = vector.broadcast %xor3A_320 : i32 to vector<16xi32>
      %xor3A_322 = arith.xori %iota3A_319, %xor3A_321 : vector<16xi32>
      %xor3A_323 = arith.constant 2 : i32
      %xor3A_324 = vector.broadcast %xor3A_323 : i32 to vector<16xi32>
      %xor3A_325 = arith.xori %iota3A_319, %xor3A_324 : vector<16xi32>
      %not3A_326 = arith.constant dense<-1> : vector<16xi32>
      %not3A_327 = arith.xori %iota3A_319, %not3A_326 : vector<16xi32>
      %and3A_328 = arith.constant 3 : i32
      %and3A_329 = vector.broadcast %and3A_328 : i32 to vector<16xi32>
      %and3A_330 = arith.andi %not3A_327, %and3A_329 : vector<16xi32>
      %bitcast_convert_type3A_331 = tpu.bitcast %get3A_318 : vector<16xf32> -> vector<16xi32>
      %shift_right_arithmetic3A_332 = arith.constant 31 : i32
      %shift_right_arithmetic3A_333 = vector.broadcast %shift_right_arithmetic3A_332 : i32 to vector<16xi32>
      %shift_right_arithmetic3A_334 = arith.shrsi %bitcast_convert_type3A_331, %shift_right_arithmetic3A_333 : vector<16xi32>
      %and3A_335 = arith.constant 2147483647 : i32
      %and3A_336 = vector.broadcast %and3A_335 : i32 to vector<16xi32>
      %and3A_337 = arith.andi %shift_right_arithmetic3A_334, %and3A_336 : vector<16xi32>
      %xor3A_338 = arith.xori %bitcast_convert_type3A_331, %and3A_337 : vector<16xi32>
      %and3A_339 = arith.constant -4 : i32
      %and3A_340 = vector.broadcast %and3A_339 : i32 to vector<16xi32>
      %and3A_341 = arith.andi %xor3A_338, %and3A_340 : vector<16xi32>
      %or3A_342 = arith.ori %and3A_341, %and3A_330 : vector<16xi32>
      %broadcast_in_dim3A_343 = vector.shape_cast %xor3A_322 : vector<16xi32> to vector<16x1xi32>
      %gather3A_344 = vector.shape_cast %broadcast_in_dim3A_343 : vector<16x1xi32> to vector<16xi32>
      %gather3A_345 = tpu.dynamic_gather %or3A_342[%gather3A_344] in [0] : vector<16xi32>, vector<16xi32> -> vector<16xi32>
      %max3A_346 = arith.maxsi %or3A_342, %gather3A_345 : vector<16xi32>
      %broadcast_in_dim3A_347 = vector.shape_cast %xor3A_325 : vector<16xi32> to vector<16x1xi32>
      %gather3A_348 = vector.shape_cast %broadcast_in_dim3A_347 : vector<16x1xi32> to vector<16xi32>
      %gather3A_349 = tpu.dynamic_gather %max3A_346[%gather3A_348] in [0] : vector<16xi32>, vector<16xi32> -> vector<16xi32>
      %max3A_350 = arith.maxsi %max3A_346, %gather3A_349 : vector<16xi32>
      %eq3A_351 = arith.cmpi eq, %or3A_342, %max3A_350 : vector<16xi32>
      %jit3A_352 = arith.constant 0.000000e+00 : f32
      %broadcast_in_dim3A_353 = vector.broadcast %jit3A_352 : f32 to vector<16xf32>
      %select_n3A_354 = arith.select %eq3A_351, %get3A_318, %broadcast_in_dim3A_353 : vector<16xi1>, vector<16xf32>
      %swap3A_355 = arith.index_cast %add3A_315 : i32 to index
      %swap3A_356 = tpu.vector_load %arg7[%swap3A_355] {strides = array<i32>} : memref<16384xf32, #tpu.memory_space<vmem>>, vector<16xf32>,
      %swap3A_357 = vector.shape_cast %swap3A_356 : vector<16xf32> to vector<16xf32>
      %swap3A_358 = vector.shape_cast %select_n3A_354 : vector<16xf32> to vector<16xf32>
      tpu.vector_store %arg7[%swap3A_355], %swap3A_358 {strides = array<i32>} : memref<16384xf32, #tpu.memory_space<vmem>>, vector<16xf32>,
      %add3A_359 = arith.constant 32 : i32
      %add3A_360 = arith.addi %mul3A_283, %add3A_359 : i32
      %get3A_361 = arith.index_cast %add3A_360 : i32 to index
      %get3A_362 = tpu.vector_load %arg5[%get3A_361] {strides = array<i32>} : memref<16384xf32, #tpu.memory_space<vmem>>, vector<16xf32>,
      %get3A_363 = vector.shape_cast %get3A_362 : vector<16xf32> to vector<16xf32>
      %iota3A_364 = tpu.iota {dimensions = array<i32: 0>} : vector<16xi32>
      %xor3A_365 = arith.constant 1 : i32
      %xor3A_366 = vector.broadcast %xor3A_365 : i32 to vector<16xi32>
      %xor3A_367 = arith.xori %iota3A_364, %xor3A_366 : vector<16xi32>
      %xor3A_368 = arith.constant 2 : i32
      %xor3A_369 = vector.broadcast %xor3A_368 : i32 to vector<16xi32>
      %xor3A_370 = arith.xori %iota3A_364, %xor3A_369 : vector<16xi32>
      %not3A_371 = arith.constant dense<-1> : vector<16xi32>
      %not3A_372 = arith.xori %iota3A_364, %not3A_371 : vector<16xi32>
      %and3A_373 = arith.constant 3 : i32
      %and3A_374 = vector.broadcast %and3A_373 : i32 to vector<16xi32>
      %and3A_375 = arith.andi %not3A_372, %and3A_374 : vector<16xi32>
      %bitcast_convert_type3A_376 = tpu.bitcast %get3A_363 : vector<16xf32> -> vector<16xi32>
      %shift_right_arithmetic3A_377 = arith.constant 31 : i32
      %shift_right_arithmetic3A_378 = vector.broadcast %shift_right_arithmetic3A_377 : i32 to vector<16xi32>
      %shift_right_arithmetic3A_379 = arith.shrsi %bitcast_convert_type3A_376, %shift_right_arithmetic3A_378 : vector<16xi32>
      %and3A_380 = arith.constant 2147483647 : i32
      %and3A_381 = vector.broadcast %and3A_380 : i32 to vector<16xi32>
      %and3A_382 = arith.andi %shift_right_arithmetic3A_379, %and3A_381 : vector<16xi32>
      %xor3A_383 = arith.xori %bitcast_convert_type3A_376, %and3A_382 : vector<16xi32>
      %and3A_384 = arith.constant -4 : i32
      %and3A_385 = vector.broadcast %and3A_384 : i32 to vector<16xi32>
      %and3A_386 = arith.andi %xor3A_383, %and3A_385 : vector<16xi32>
      %or3A_387 = arith.ori %and3A_386, %and3A_375 : vector<16xi32>
      %broadcast_in_dim3A_388 = vector.shape_cast %xor3A_367 : vector<16xi32> to vector<16x1xi32>
      %gather3A_389 = vector.shape_cast %broadcast_in_dim3A_388 : vector<16x1xi32> to vector<16xi32>
      %gather3A_390 = tpu.dynamic_gather %or3A_387[%gather3A_389] in [0] : vector<16xi32>, vector<16xi32> -> vector<16xi32>
      %max3A_391 = arith.maxsi %or3A_387, %gather3A_390 : vector<16xi32>
      %broadcast_in_dim3A_392 = vector.shape_cast %xor3A_370 : vector<16xi32> to vector<16x1xi32>
      %gather3A_393 = vector.shape_cast %broadcast_in_dim3A_392 : vector<16x1xi32> to vector<16xi32>
      %gather3A_394 = tpu.dynamic_gather %max3A_391[%gather3A_393] in [0] : vector<16xi32>, vector<16xi32> -> vector<16xi32>
      %max3A_395 = arith.maxsi %max3A_391, %gather3A_394 : vector<16xi32>
      %eq3A_396 = arith.cmpi eq, %or3A_387, %max3A_395 : vector<16xi32>
      %jit3A_397 = arith.constant 0.000000e+00 : f32
      %broadcast_in_dim3A_398 = vector.broadcast %jit3A_397 : f32 to vector<16xf32>
      %select_n3A_399 = arith.select %eq3A_396, %get3A_363, %broadcast_in_dim3A_398 : vector<16xi1>, vector<16xf32>
      %swap3A_400 = arith.index_cast %add3A_360 : i32 to index
      %swap3A_401 = tpu.vector_load %arg7[%swap3A_400] {strides = array<i32>} : memref<16384xf32, #tpu.memory_space<vmem>>, vector<16xf32>,
      %swap3A_402 = vector.shape_cast %swap3A_401 : vector<16xf32> to vector<16xf32>
      %swap3A_403 = vector.shape_cast %select_n3A_399 : vector<16xf32> to vector<16xf32>
      tpu.vector_store %arg7[%swap3A_400], %swap3A_403 {strides = array<i32>} : memref<16384xf32, #tpu.memory_space<vmem>>, vector<16xf32>,
      %add3A_404 = arith.constant 48 : i32
      %add3A_405 = arith.addi %mul3A_283, %add3A_404 : i32
      %get3A_406 = arith.index_cast %add3A_405 : i32 to index
      %get3A_407 = tpu.vector_load %arg5[%get3A_406] {strides = array<i32>} : memref<16384xf32, #tpu.memory_space<vmem>>, vector<16xf32>,
      %get3A_408 = vector.shape_cast %get3A_407 : vector<16xf32> to vector<16xf32>
      %iota3A_409 = tpu.iota {dimensions = array<i32: 0>} : vector<16xi32>
      %xor3A_410 = arith.constant 1 : i32
      %xor3A_411 = vector.broadcast %xor3A_410 : i32 to vector<16xi32>
      %xor3A_412 = arith.xori %iota3A_409, %xor3A_411 : vector<16xi32>
      %xor3A_413 = arith.constant 2 : i32
      %xor3A_414 = vector.broadcast %xor3A_413 : i32 to vector<16xi32>
      %xor3A_415 = arith.xori %iota3A_409, %xor3A_414 : vector<16xi32>
      %not3A_416 = arith.constant dense<-1> : vector<16xi32>
      %not3A_417 = arith.xori %iota3A_409, %not3A_416 : vector<16xi32>
      %and3A_418 = arith.constant 3 : i32
      %and3A_419 = vector.broadcast %and3A_418 : i32 to vector<16xi32>
      %and3A_420 = arith.andi %not3A_417, %and3A_419 : vector<16xi32>
      %bitcast_convert_type3A_421 = tpu.bitcast %get3A_408 : vector<16xf32> -> vector<16xi32>
      %shift_right_arithmetic3A_422 = arith.constant 31 : i32
      %shift_right_arithmetic3A_423 = vector.broadcast %shift_right_arithmetic3A_422 : i32 to vector<16xi32>
      %shift_right_arithmetic3A_424 = arith.shrsi %bitcast_convert_type3A_421, %shift_right_arithmetic3A_423 : vector<16xi32>
      %and3A_425 = arith.constant 2147483647 : i32
      %and3A_426 = vector.broadcast %and3A_425 : i32 to vector<16xi32>
      %and3A_427 = arith.andi %shift_right_arithmetic3A_424, %and3A_426 : vector<16xi32>
      %xor3A_428 = arith.xori %bitcast_convert_type3A_421, %and3A_427 : vector<16xi32>
      %and3A_429 = arith.constant -4 : i32
      %and3A_430 = vector.broadcast %and3A_429 : i32 to vector<16xi32>
      %and3A_431 = arith.andi %xor3A_428, %and3A_430 : vector<16xi32>
      %or3A_432 = arith.ori %and3A_431, %and3A_420 : vector<16xi32>
      %broadcast_in_dim3A_433 = vector.shape_cast %xor3A_412 : vector<16xi32> to vector<16x1xi32>
      %gather3A_434 = vector.shape_cast %broadcast_in_dim3A_433 : vector<16x1xi32> to vector<16xi32>
      %gather3A_435 = tpu.dynamic_gather %or3A_432[%gather3A_434] in [0] : vector<16xi32>, vector<16xi32> -> vector<16xi32>
      %max3A_436 = arith.maxsi %or3A_432, %gather3A_435 : vector<16xi32>
      %broadcast_in_dim3A_437 = vector.shape_cast %xor3A_415 : vector<16xi32> to vector<16x1xi32>
      %gather3A_438 = vector.shape_cast %broadcast_in_dim3A_437 : vector<16x1xi32> to vector<16xi32>
      %gather3A_439 = tpu.dynamic_gather %max3A_436[%gather3A_438] in [0] : vector<16xi32>, vector<16xi32> -> vector<16xi32>
      %max3A_440 = arith.maxsi %max3A_436, %gather3A_439 : vector<16xi32>
      %eq3A_441 = arith.cmpi eq, %or3A_432, %max3A_440 : vector<16xi32>
      %jit3A_442 = arith.constant 0.000000e+00 : f32
      %broadcast_in_dim3A_443 = vector.broadcast %jit3A_442 : f32 to vector<16xf32>
      %select_n3A_444 = arith.select %eq3A_441, %get3A_408, %broadcast_in_dim3A_443 : vector<16xi1>, vector<16xf32>
      %swap3A_445 = arith.index_cast %add3A_405 : i32 to index
      %swap3A_446 = tpu.vector_load %arg7[%swap3A_445] {strides = array<i32>} : memref<16384xf32, #tpu.memory_space<vmem>>, vector<16xf32>,
      %swap3A_447 = vector.shape_cast %swap3A_446 : vector<16xf32> to vector<16xf32>
      %swap3A_448 = vector.shape_cast %select_n3A_444 : vector<16xf32> to vector<16xf32>
      tpu.vector_store %arg7[%swap3A_445], %swap3A_448 {strides = array<i32>} : memref<16384xf32, #tpu.memory_space<vmem>>, vector<16xf32>,
      %add3A_449 = arith.constant 64 : i32
      %add3A_450 = arith.addi %mul3A_283, %add3A_449 : i32
      %get3A_451 = arith.index_cast %add3A_450 : i32 to index
      %get3A_452 = tpu.vector_load %arg5[%get3A_451] {strides = array<i32>} : memref<16384xf32, #tpu.memory_space<vmem>>, vector<16xf32>,
      %get3A_453 = vector.shape_cast %get3A_452 : vector<16xf32> to vector<16xf32>
      %iota3A_454 = tpu.iota {dimensions = array<i32: 0>} : vector<16xi32>
      %xor3A_455 = arith.constant 1 : i32
      %xor3A_456 = vector.broadcast %xor3A_455 : i32 to vector<16xi32>
      %xor3A_457 = arith.xori %iota3A_454, %xor3A_456 : vector<16xi32>
      %xor3A_458 = arith.constant 2 : i32
      %xor3A_459 = vector.broadcast %xor3A_458 : i32 to vector<16xi32>
      %xor3A_460 = arith.xori %iota3A_454, %xor3A_459 : vector<16xi32>
      %not3A_461 = arith.constant dense<-1> : vector<16xi32>
      %not3A_462 = arith.xori %iota3A_454, %not3A_461 : vector<16xi32>
      %and3A_463 = arith.constant 3 : i32
      %and3A_464 = vector.broadcast %and3A_463 : i32 to vector<16xi32>
      %and3A_465 = arith.andi %not3A_462, %and3A_464 : vector<16xi32>
      %bitcast_convert_type3A_466 = tpu.bitcast %get3A_453 : vector<16xf32> -> vector<16xi32>
      %shift_right_arithmetic3A_467 = arith.constant 31 : i32
      %shift_right_arithmetic3A_468 = vector.broadcast %shift_right_arithmetic3A_467 : i32 to vector<16xi32>
      %shift_right_arithmetic3A_469 = arith.shrsi %bitcast_convert_type3A_466, %shift_right_arithmetic3A_468 : vector<16xi32>
      %and3A_470 = arith.constant 2147483647 : i32
      %and3A_471 = vector.broadcast %and3A_470 : i32 to vector<16xi32>
      %and3A_472 = arith.andi %shift_right_arithmetic3A_469, %and3A_471 : vector<16xi32>
      %xor3A_473 = arith.xori %bitcast_convert_type3A_466, %and3A_472 : vector<16xi32>
      %and3A_474 = arith.constant -4 : i32
      %and3A_475 = vector.broadcast %and3A_474 : i32 to vector<16xi32>
      %and3A_476 = arith.andi %xor3A_473, %and3A_475 : vector<16xi32>
      %or3A_477 = arith.ori %and3A_476, %and3A_465 : vector<16xi32>
      %broadcast_in_dim3A_478 = vector.shape_cast %xor3A_457 : vector<16xi32> to vector<16x1xi32>
      %gather3A_479 = vector.shape_cast %broadcast_in_dim3A_478 : vector<16x1xi32> to vector<16xi32>
      %gather3A_480 = tpu.dynamic_gather %or3A_477[%gather3A_479] in [0] : vector<16xi32>, vector<16xi32> -> vector<16xi32>
      %max3A_481 = arith.maxsi %or3A_477, %gather3A_480 : vector<16xi32>
      %broadcast_in_dim3A_482 = vector.shape_cast %xor3A_460 : vector<16xi32> to vector<16x1xi32>
      %gather3A_483 = vector.shape_cast %broadcast_in_dim3A_482 : vector<16x1xi32> to vector<16xi32>
      %gather3A_484 = tpu.dynamic_gather %max3A_481[%gather3A_483] in [0] : vector<16xi32>, vector<16xi32> -> vector<16xi32>
      %max3A_485 = arith.maxsi %max3A_481, %gather3A_484 : vector<16xi32>
      %eq3A_486 = arith.cmpi eq, %or3A_477, %max3A_485 : vector<16xi32>
      %jit3A_487 = arith.constant 0.000000e+00 : f32
      %broadcast_in_dim3A_488 = vector.broadcast %jit3A_487 : f32 to vector<16xf32>
      %select_n3A_489 = arith.select %eq3A_486, %get3A_453, %broadcast_in_dim3A_488 : vector<16xi1>, vector<16xf32>
      %swap3A_490 = arith.index_cast %add3A_450 : i32 to index
      %swap3A_491 = tpu.vector_load %arg7[%swap3A_490] {strides = array<i32>} : memref<16384xf32, #tpu.memory_space<vmem>>, vector<16xf32>,
      %swap3A_492 = vector.shape_cast %swap3A_491 : vector<16xf32> to vector<16xf32>
      %swap3A_493 = vector.shape_cast %select_n3A_489 : vector<16xf32> to vector<16xf32>
      tpu.vector_store %arg7[%swap3A_490], %swap3A_493 {strides = array<i32>} : memref<16384xf32, #tpu.memory_space<vmem>>, vector<16xf32>,
      %add3A_494 = arith.constant 80 : i32
      %add3A_495 = arith.addi %mul3A_283, %add3A_494 : i32
      %get3A_496 = arith.index_cast %add3A_495 : i32 to index
      %get3A_497 = tpu.vector_load %arg5[%get3A_496] {strides = array<i32>} : memref<16384xf32, #tpu.memory_space<vmem>>, vector<16xf32>,
      %get3A_498 = vector.shape_cast %get3A_497 : vector<16xf32> to vector<16xf32>
      %iota3A_499 = tpu.iota {dimensions = array<i32: 0>} : vector<16xi32>
      %xor3A_500 = arith.constant 1 : i32
      %xor3A_501 = vector.broadcast %xor3A_500 : i32 to vector<16xi32>
      %xor3A_502 = arith.xori %iota3A_499, %xor3A_501 : vector<16xi32>
      %xor3A_503 = arith.constant 2 : i32
      %xor3A_504 = vector.broadcast %xor3A_503 : i32 to vector<16xi32>
      %xor3A_505 = arith.xori %iota3A_499, %xor3A_504 : vector<16xi32>
      %not3A_506 = arith.constant dense<-1> : vector<16xi32>
      %not3A_507 = arith.xori %iota3A_499, %not3A_506 : vector<16xi32>
      %and3A_508 = arith.constant 3 : i32
      %and3A_509 = vector.broadcast %and3A_508 : i32 to vector<16xi32>
      %and3A_510 = arith.andi %not3A_507, %and3A_509 : vector<16xi32>
      %bitcast_convert_type3A_511 = tpu.bitcast %get3A_498 : vector<16xf32> -> vector<16xi32>
      %shift_right_arithmetic3A_512 = arith.constant 31 : i32
      %shift_right_arithmetic3A_513 = vector.broadcast %shift_right_arithmetic3A_512 : i32 to vector<16xi32>
      %shift_right_arithmetic3A_514 = arith.shrsi %bitcast_convert_type3A_511, %shift_right_arithmetic3A_513 : vector<16xi32>
      %and3A_515 = arith.constant 2147483647 : i32
      %and3A_516 = vector.broadcast %and3A_515 : i32 to vector<16xi32>
      %and3A_517 = arith.andi %shift_right_arithmetic3A_514, %and3A_516 : vector<16xi32>
      %xor3A_518 = arith.xori %bitcast_convert_type3A_511, %and3A_517 : vector<16xi32>
      %and3A_519 = arith.constant -4 : i32
      %and3A_520 = vector.broadcast %and3A_519 : i32 to vector<16xi32>
      %and3A_521 = arith.andi %xor3A_518, %and3A_520 : vector<16xi32>
      %or3A_522 = arith.ori %and3A_521, %and3A_510 : vector<16xi32>
      %broadcast_in_dim3A_523 = vector.shape_cast %xor3A_502 : vector<16xi32> to vector<16x1xi32>
      %gather3A_524 = vector.shape_cast %broadcast_in_dim3A_523 : vector<16x1xi32> to vector<16xi32>
      %gather3A_525 = tpu.dynamic_gather %or3A_522[%gather3A_524] in [0] : vector<16xi32>, vector<16xi32> -> vector<16xi32>
      %max3A_526 = arith.maxsi %or3A_522, %gather3A_525 : vector<16xi32>
      %broadcast_in_dim3A_527 = vector.shape_cast %xor3A_505 : vector<16xi32> to vector<16x1xi32>
      %gather3A_528 = vector.shape_cast %broadcast_in_dim3A_527 : vector<16x1xi32> to vector<16xi32>
      %gather3A_529 = tpu.dynamic_gather %max3A_526[%gather3A_528] in [0] : vector<16xi32>, vector<16xi32> -> vector<16xi32>
      %max3A_530 = arith.maxsi %max3A_526, %gather3A_529 : vector<16xi32>
      %eq3A_531 = arith.cmpi eq, %or3A_522, %max3A_530 : vector<16xi32>
      %jit3A_532 = arith.constant 0.000000e+00 : f32
      %broadcast_in_dim3A_533 = vector.broadcast %jit3A_532 : f32 to vector<16xf32>
      %select_n3A_534 = arith.select %eq3A_531, %get3A_498, %broadcast_in_dim3A_533 : vector<16xi1>, vector<16xf32>
      %swap3A_535 = arith.index_cast %add3A_495 : i32 to index
      %swap3A_536 = tpu.vector_load %arg7[%swap3A_535] {strides = array<i32>} : memref<16384xf32, #tpu.memory_space<vmem>>, vector<16xf32>,
      %swap3A_537 = vector.shape_cast %swap3A_536 : vector<16xf32> to vector<16xf32>
      %swap3A_538 = vector.shape_cast %select_n3A_534 : vector<16xf32> to vector<16xf32>
      tpu.vector_store %arg7[%swap3A_535], %swap3A_538 {strides = array<i32>} : memref<16384xf32, #tpu.memory_space<vmem>>, vector<16xf32>,
      %add3A_539 = arith.constant 96 : i32
      %add3A_540 = arith.addi %mul3A_283, %add3A_539 : i32
      %get3A_541 = arith.index_cast %add3A_540 : i32 to index
      %get3A_542 = tpu.vector_load %arg5[%get3A_541] {strides = array<i32>} : memref<16384xf32, #tpu.memory_space<vmem>>, vector<16xf32>,
      %get3A_543 = vector.shape_cast %get3A_542 : vector<16xf32> to vector<16xf32>
      %iota3A_544 = tpu.iota {dimensions = array<i32: 0>} : vector<16xi32>
      %xor3A_545 = arith.constant 1 : i32
      %xor3A_546 = vector.broadcast %xor3A_545 : i32 to vector<16xi32>
      %xor3A_547 = arith.xori %iota3A_544, %xor3A_546 : vector<16xi32>
      %xor3A_548 = arith.constant 2 : i32
      %xor3A_549 = vector.broadcast %xor3A_548 : i32 to vector<16xi32>
      %xor3A_550 = arith.xori %iota3A_544, %xor3A_549 : vector<16xi32>
      %not3A_551 = arith.constant dense<-1> : vector<16xi32>
      %not3A_552 = arith.xori %iota3A_544, %not3A_551 : vector<16xi32>
      %and3A_553 = arith.constant 3 : i32
      %and3A_554 = vector.broadcast %and3A_553 : i32 to vector<16xi32>
      %and3A_555 = arith.andi %not3A_552, %and3A_554 : vector<16xi32>
      %bitcast_convert_type3A_556 = tpu.bitcast %get3A_543 : vector<16xf32> -> vector<16xi32>
      %shift_right_arithmetic3A_557 = arith.constant 31 : i32
      %shift_right_arithmetic3A_558 = vector.broadcast %shift_right_arithmetic3A_557 : i32 to vector<16xi32>
      %shift_right_arithmetic3A_559 = arith.shrsi %bitcast_convert_type3A_556, %shift_right_arithmetic3A_558 : vector<16xi32>
      %and3A_560 = arith.constant 2147483647 : i32
      %and3A_561 = vector.broadcast %and3A_560 : i32 to vector<16xi32>
      %and3A_562 = arith.andi %shift_right_arithmetic3A_559, %and3A_561 : vector<16xi32>
      %xor3A_563 = arith.xori %bitcast_convert_type3A_556, %and3A_562 : vector<16xi32>
      %and3A_564 = arith.constant -4 : i32
      %and3A_565 = vector.broadcast %and3A_564 : i32 to vector<16xi32>
      %and3A_566 = arith.andi %xor3A_563, %and3A_565 : vector<16xi32>
      %or3A_567 = arith.ori %and3A_566, %and3A_555 : vector<16xi32>
      %broadcast_in_dim3A_568 = vector.shape_cast %xor3A_547 : vector<16xi32> to vector<16x1xi32>
      %gather3A_569 = vector.shape_cast %broadcast_in_dim3A_568 : vector<16x1xi32> to vector<16xi32>
      %gather3A_570 = tpu.dynamic_gather %or3A_567[%gather3A_569] in [0] : vector<16xi32>, vector<16xi32> -> vector<16xi32>
      %max3A_571 = arith.maxsi %or3A_567, %gather3A_570 : vector<16xi32>
      %broadcast_in_dim3A_572 = vector.shape_cast %xor3A_550 : vector<16xi32> to vector<16x1xi32>
      %gather3A_573 = vector.shape_cast %broadcast_in_dim3A_572 : vector<16x1xi32> to vector<16xi32>
      %gather3A_574 = tpu.dynamic_gather %max3A_571[%gather3A_573] in [0] : vector<16xi32>, vector<16xi32> -> vector<16xi32>
      %max3A_575 = arith.maxsi %max3A_571, %gather3A_574 : vector<16xi32>
      %eq3A_576 = arith.cmpi eq, %or3A_567, %max3A_575 : vector<16xi32>
      %jit3A_577 = arith.constant 0.000000e+00 : f32
      %broadcast_in_dim3A_578 = vector.broadcast %jit3A_577 : f32 to vector<16xf32>
      %select_n3A_579 = arith.select %eq3A_576, %get3A_543, %broadcast_in_dim3A_578 : vector<16xi1>, vector<16xf32>
      %swap3A_580 = arith.index_cast %add3A_540 : i32 to index
      %swap3A_581 = tpu.vector_load %arg7[%swap3A_580] {strides = array<i32>} : memref<16384xf32, #tpu.memory_space<vmem>>, vector<16xf32>,
      %swap3A_582 = vector.shape_cast %swap3A_581 : vector<16xf32> to vector<16xf32>
      %swap3A_583 = vector.shape_cast %select_n3A_579 : vector<16xf32> to vector<16xf32>
      tpu.vector_store %arg7[%swap3A_580], %swap3A_583 {strides = array<i32>} : memref<16384xf32, #tpu.memory_space<vmem>>, vector<16xf32>,
      %add3A_584 = arith.constant 112 : i32
      %add3A_585 = arith.addi %mul3A_283, %add3A_584 : i32
      %get3A_586 = arith.index_cast %add3A_585 : i32 to index
      %get3A_587 = tpu.vector_load %arg5[%get3A_586] {strides = array<i32>} : memref<16384xf32, #tpu.memory_space<vmem>>, vector<16xf32>,
      %get3A_588 = vector.shape_cast %get3A_587 : vector<16xf32> to vector<16xf32>
      %iota3A_589 = tpu.iota {dimensions = array<i32: 0>} : vector<16xi32>
      %xor3A_590 = arith.constant 1 : i32
      %xor3A_591 = vector.broadcast %xor3A_590 : i32 to vector<16xi32>
      %xor3A_592 = arith.xori %iota3A_589, %xor3A_591 : vector<16xi32>
      %xor3A_593 = arith.constant 2 : i32
      %xor3A_594 = vector.broadcast %xor3A_593 : i32 to vector<16xi32>
      %xor3A_595 = arith.xori %iota3A_589, %xor3A_594 : vector<16xi32>
      %not3A_596 = arith.constant dense<-1> : vector<16xi32>
      %not3A_597 = arith.xori %iota3A_589, %not3A_596 : vector<16xi32>
      %and3A_598 = arith.constant 3 : i32
      %and3A_599 = vector.broadcast %and3A_598 : i32 to vector<16xi32>
      %and3A_600 = arith.andi %not3A_597, %and3A_599 : vector<16xi32>
      %bitcast_convert_type3A_601 = tpu.bitcast %get3A_588 : vector<16xf32> -> vector<16xi32>
      %shift_right_arithmetic3A_602 = arith.constant 31 : i32
      %shift_right_arithmetic3A_603 = vector.broadcast %shift_right_arithmetic3A_602 : i32 to vector<16xi32>
      %shift_right_arithmetic3A_604 = arith.shrsi %bitcast_convert_type3A_601, %shift_right_arithmetic3A_603 : vector<16xi32>
      %and3A_605 = arith.constant 2147483647 : i32
      %and3A_606 = vector.broadcast %and3A_605 : i32 to vector<16xi32>
      %and3A_607 = arith.andi %shift_right_arithmetic3A_604, %and3A_606 : vector<16xi32>
      %xor3A_608 = arith.xori %bitcast_convert_type3A_601, %and3A_607 : vector<16xi32>
      %and3A_609 = arith.constant -4 : i32
      %and3A_610 = vector.broadcast %and3A_609 : i32 to vector<16xi32>
      %and3A_611 = arith.andi %xor3A_608, %and3A_610 : vector<16xi32>
      %or3A_612 = arith.ori %and3A_611, %and3A_600 : vector<16xi32>
      %broadcast_in_dim3A_613 = vector.shape_cast %xor3A_592 : vector<16xi32> to vector<16x1xi32>
      %gather3A_614 = vector.shape_cast %broadcast_in_dim3A_613 : vector<16x1xi32> to vector<16xi32>
      %gather3A_615 = tpu.dynamic_gather %or3A_612[%gather3A_614] in [0] : vector<16xi32>, vector<16xi32> -> vector<16xi32>
      %max3A_616 = arith.maxsi %or3A_612, %gather3A_615 : vector<16xi32>
      %broadcast_in_dim3A_617 = vector.shape_cast %xor3A_595 : vector<16xi32> to vector<16x1xi32>
      %gather3A_618 = vector.shape_cast %broadcast_in_dim3A_617 : vector<16x1xi32> to vector<16xi32>
      %gather3A_619 = tpu.dynamic_gather %max3A_616[%gather3A_618] in [0] : vector<16xi32>, vector<16xi32> -> vector<16xi32>
      %max3A_620 = arith.maxsi %max3A_616, %gather3A_619 : vector<16xi32>
      %eq3A_621 = arith.cmpi eq, %or3A_612, %max3A_620 : vector<16xi32>
      %jit3A_622 = arith.constant 0.000000e+00 : f32
      %broadcast_in_dim3A_623 = vector.broadcast %jit3A_622 : f32 to vector<16xf32>
      %select_n3A_624 = arith.select %eq3A_621, %get3A_588, %broadcast_in_dim3A_623 : vector<16xi1>, vector<16xf32>
      %swap3A_625 = arith.index_cast %add3A_585 : i32 to index
      %swap3A_626 = tpu.vector_load %arg7[%swap3A_625] {strides = array<i32>} : memref<16384xf32, #tpu.memory_space<vmem>>, vector<16xf32>,
      %swap3A_627 = vector.shape_cast %swap3A_626 : vector<16xf32> to vector<16xf32>
      %swap3A_628 = vector.shape_cast %select_n3A_624 : vector<16xf32> to vector<16xf32>
      tpu.vector_store %arg7[%swap3A_625], %swap3A_628 {strides = array<i32>} : memref<16384xf32, #tpu.memory_space<vmem>>, vector<16xf32>,
      %scan3A_629 = arith.constant 0 : i32
      scf.yield %scan3A_629 : i32
    }
    %scan3A_127 = arith.constant 128 : i32
    %add3A_128 = arith.constant 1 : i32
    %add3A_129 = arith.addi %mul3A_2, %add3A_128 : i32
    %dma_start3A_130 = arith.constant 16384 : i32
    %dma_start3A_131 = tpu.memref_slice %arg3[%add3A_129, %dma_start3A_130] : memref<128x32768xf32, #tpu.memory_space<hbm>> -> memref<1x16384xf32, #tpu.memory_space<hbm>>
    %dma_start3A_132 = tpu.memref_squeeze %dma_start3A_131 : memref<1x16384xf32, #tpu.memory_space<hbm>> -> memref<16384xf32, #tpu.memory_space<hbm>>
    %dma_start3A_133 = arith.constant 16384 : i32
    %dma_start3A_134 = tpu.memref_slice %arg3[%add3A_129, %dma_start3A_133] : memref<128x32768xf32, #tpu.memory_space<hbm>> -> memref<1x16384xf32, #tpu.memory_space<hbm>>
    %dma_start3A_135 = tpu.memref_squeeze %dma_start3A_134 : memref<1x16384xf32, #tpu.memory_space<hbm>> -> memref<16384xf32, #tpu.memory_space<hbm>>
    tpu.enqueue_dma source(%arg7 : memref<16384xf32, #tpu.memory_space<vmem>>) target(%dma_start3A_135 : memref<16384xf32, #tpu.memory_space<hbm>>) target_semaphore(%arg11 : memref<!tpu.dma_semaphore, #tpu.memory_space<semaphore_mem>>)
    %add3A_136 = arith.constant 2 : i32
    %add3A_137 = arith.addi %mul3A_2, %add3A_136 : i32
    %dma_start3A_138 = arith.constant 16384 : i32
    %dma_start3A_139 = tpu.memref_slice %arg2[%add3A_137, %dma_start3A_138] : memref<128x32768xf32, #tpu.memory_space<hbm>> -> memref<1x16384xf32, #tpu.memory_space<hbm>>
    %dma_start3A_140 = tpu.memref_squeeze %dma_start3A_139 : memref<1x16384xf32, #tpu.memory_space<hbm>> -> memref<16384xf32, #tpu.memory_space<hbm>>
    %dma_start3A_141 = arith.constant 16384 : i32
    %dma_start3A_142 = tpu.memref_slice %arg2[%add3A_137, %dma_start3A_141] : memref<128x32768xf32, #tpu.memory_space<hbm>> -> memref<1x16384xf32, #tpu.memory_space<hbm>>
    %dma_start3A_143 = tpu.memref_squeeze %dma_start3A_142 : memref<1x16384xf32, #tpu.memory_space<hbm>> -> memref<16384xf32, #tpu.memory_space<hbm>>
    tpu.enqueue_dma source(%dma_start3A_143 : memref<16384xf32, #tpu.memory_space<hbm>>) target(%arg5 : memref<16384xf32, #tpu.memory_space<vmem>>) target_semaphore(%arg9 : memref<!tpu.dma_semaphore, #tpu.memory_space<semaphore_mem>>)
    %dma_wait3A_144 = arith.constant 0 : i32
    %dma_wait3A_145 = tpu.memref_slice %arg2[%add3A_102, %dma_wait3A_144] : memref<128x32768xf32, #tpu.memory_space<hbm>> -> memref<1x16384xf32, #tpu.memory_space<hbm>>
    %dma_wait3A_146 = tpu.memref_squeeze %dma_wait3A_145 : memref<1x16384xf32, #tpu.memory_space<hbm>> -> memref<16384xf32, #tpu.memory_space<hbm>>
    %dma_wait3A_147 = arith.constant 0 : i32
    %dma_wait3A_148 = tpu.memref_slice %arg2[%add3A_102, %dma_wait3A_147] : memref<128x32768xf32, #tpu.memory_space<hbm>> -> memref<1x16384xf32, #tpu.memory_space<hbm>>
    %dma_wait3A_149 = tpu.memref_squeeze %dma_wait3A_148 : memref<1x16384xf32, #tpu.memory_space<hbm>> -> memref<16384xf32, #tpu.memory_space<hbm>>
    tpu.wait_dma2 semaphore(%arg8 : memref<!tpu.dma_semaphore, #tpu.memory_space<semaphore_mem>>) src(%dma_wait3A_149 : memref<16384xf32, #tpu.memory_space<hbm>>) dst(%arg4 : memref<16384xf32, #tpu.memory_space<vmem>>)
    %dma_wait3A_150 = arith.constant 0 : i32
    %dma_wait3A_151 = tpu.memref_slice %arg3[%add3A_94, %dma_wait3A_150] : memref<128x32768xf32, #tpu.memory_space<hbm>> -> memref<1x16384xf32, #tpu.memory_space<hbm>>
    %dma_wait3A_152 = tpu.memref_squeeze %dma_wait3A_151 : memref<1x16384xf32, #tpu.memory_space<hbm>> -> memref<16384xf32, #tpu.memory_space<hbm>>
    %dma_wait3A_153 = arith.constant 0 : i32
    %dma_wait3A_154 = tpu.memref_slice %arg3[%add3A_94, %dma_wait3A_153] : memref<128x32768xf32, #tpu.memory_space<hbm>> -> memref<1x16384xf32, #tpu.memory_space<hbm>>
    %dma_wait3A_155 = tpu.memref_squeeze %dma_wait3A_154 : memref<1x16384xf32, #tpu.memory_space<hbm>> -> memref<16384xf32, #tpu.memory_space<hbm>>
    tpu.wait_dma2 semaphore(%arg10 : memref<!tpu.dma_semaphore, #tpu.memory_space<semaphore_mem>>) src(%arg6 : memref<16384xf32, #tpu.memory_space<vmem>>) dst(%dma_wait3A_155 : memref<16384xf32, #tpu.memory_space<hbm>>)
    %scan3A_156 = arith.constant 0 : i32
    %scan3A_157 = arith.constant 0 : i32
    %scan3A_158 = arith.constant 128 : i32
    %scan3A_159 = arith.addi %scan3A_157, %scan3A_158 : i32
    %scan3A_160 = arith.constant 1 : i32
    %scan3A_161 = scf.for %scan3A_280 = %scan3A_157 to %scan3A_159 step %scan3A_160 iter_args(%scan3A_281 = %scan3A_156) -> (i32)  : i32 {
      %mul3A_282 = arith.constant 128 : i32
      %mul3A_283 = arith.muli %scan3A_280, %mul3A_282 : i32
      %add3A_284 = arith.constant 0 : i32
      %add3A_285 = arith.addi %mul3A_283, %add3A_284 : i32
      %get3A = arith.index_cast %add3A_285 : i32 to index
      %get3A_286 = tpu.vector_load %arg4[%get3A] {strides = array<i32>} : memref<16384xf32, #tpu.memory_space<vmem>>, vector<16xf32>,
      %get3A_287 = vector.shape_cast %get3A_286 : vector<16xf32> to vector<16xf32>
      %iota3A = tpu.iota {dimensions = array<i32: 0>} : vector<16xi32>
      %xor3A = arith.constant 1 : i32
      %xor3A_288 = vector.broadcast %xor3A : i32 to vector<16xi32>
      %xor3A_289 = arith.xori %iota3A, %xor3A_288 : vector<16xi32>
      %xor3A_290 = arith.constant 2 : i32
      %xor3A_291 = vector.broadcast %xor3A_290 : i32 to vector<16xi32>
      %xor3A_292 = arith.xori %iota3A, %xor3A_291 : vector<16xi32>
      %not3A = arith.constant dense<-1> : vector<16xi32>
      %not3A_293 = arith.xori %iota3A, %not3A : vector<16xi32>
      %and3A = arith.constant 3 : i32
      %and3A_294 = vector.broadcast %and3A : i32 to vector<16xi32>
      %and3A_295 = arith.andi %not3A_293, %and3A_294 : vector<16xi32>
      %bitcast_convert_type3A = tpu.bitcast %get3A_287 : vector<16xf32> -> vector<16xi32>
      %shift_right_arithmetic3A = arith.constant 31 : i32
      %shift_right_arithmetic3A_296 = vector.broadcast %shift_right_arithmetic3A : i32 to vector<16xi32>
      %shift_right_arithmetic3A_297 = arith.shrsi %bitcast_convert_type3A, %shift_right_arithmetic3A_296 : vector<16xi32>
      %and3A_298 = arith.constant 2147483647 : i32
      %and3A_299 = vector.broadcast %and3A_298 : i32 to vector<16xi32>
      %and3A_300 = arith.andi %shift_right_arithmetic3A_297, %and3A_299 : vector<16xi32>
      %xor3A_301 = arith.xori %bitcast_convert_type3A, %and3A_300 : vector<16xi32>
      %and3A_302 = arith.constant -4 : i32
      %and3A_303 = vector.broadcast %and3A_302 : i32 to vector<16xi32>
      %and3A_304 = arith.andi %xor3A_301, %and3A_303 : vector<16xi32>
      %or3A = arith.ori %and3A_304, %and3A_295 : vector<16xi32>
      %broadcast_in_dim3A = vector.shape_cast %xor3A_289 : vector<16xi32> to vector<16x1xi32>
      %gather3A = vector.shape_cast %broadcast_in_dim3A : vector<16x1xi32> to vector<16xi32>
      %gather3A_305 = tpu.dynamic_gather %or3A[%gather3A] in [0] : vector<16xi32>, vector<16xi32> -> vector<16xi32>
      %max3A = arith.maxsi %or3A, %gather3A_305 : vector<16xi32>
      %broadcast_in_dim3A_306 = vector.shape_cast %xor3A_292 : vector<16xi32> to vector<16x1xi32>
      %gather3A_307 = vector.shape_cast %broadcast_in_dim3A_306 : vector<16x1xi32> to vector<16xi32>
      %gather3A_308 = tpu.dynamic_gather %max3A[%gather3A_307] in [0] : vector<16xi32>, vector<16xi32> -> vector<16xi32>
      %max3A_309 = arith.maxsi %max3A, %gather3A_308 : vector<16xi32>
      %eq3A = arith.cmpi eq, %or3A, %max3A_309 : vector<16xi32>
      %jit3A = arith.constant 0.000000e+00 : f32
      %broadcast_in_dim3A_310 = vector.broadcast %jit3A : f32 to vector<16xf32>
      %select_n3A = arith.select %eq3A, %get3A_287, %broadcast_in_dim3A_310 : vector<16xi1>, vector<16xf32>
      %swap3A = arith.index_cast %add3A_285 : i32 to index
      %swap3A_311 = tpu.vector_load %arg6[%swap3A] {strides = array<i32>} : memref<16384xf32, #tpu.memory_space<vmem>>, vector<16xf32>,
      %swap3A_312 = vector.shape_cast %swap3A_311 : vector<16xf32> to vector<16xf32>
      %swap3A_313 = vector.shape_cast %select_n3A : vector<16xf32> to vector<16xf32>
      tpu.vector_store %arg6[%swap3A], %swap3A_313 {strides = array<i32>} : memref<16384xf32, #tpu.memory_space<vmem>>, vector<16xf32>,
      %add3A_314 = arith.constant 16 : i32
      %add3A_315 = arith.addi %mul3A_283, %add3A_314 : i32
      %get3A_316 = arith.index_cast %add3A_315 : i32 to index
      %get3A_317 = tpu.vector_load %arg4[%get3A_316] {strides = array<i32>} : memref<16384xf32, #tpu.memory_space<vmem>>, vector<16xf32>,
      %get3A_318 = vector.shape_cast %get3A_317 : vector<16xf32> to vector<16xf32>
      %iota3A_319 = tpu.iota {dimensions = array<i32: 0>} : vector<16xi32>
      %xor3A_320 = arith.constant 1 : i32
      %xor3A_321 = vector.broadcast %xor3A_320 : i32 to vector<16xi32>
      %xor3A_322 = arith.xori %iota3A_319, %xor3A_321 : vector<16xi32>
      %xor3A_323 = arith.constant 2 : i32
      %xor3A_324 = vector.broadcast %xor3A_323 : i32 to vector<16xi32>
      %xor3A_325 = arith.xori %iota3A_319, %xor3A_324 : vector<16xi32>
      %not3A_326 = arith.constant dense<-1> : vector<16xi32>
      %not3A_327 = arith.xori %iota3A_319, %not3A_326 : vector<16xi32>
      %and3A_328 = arith.constant 3 : i32
      %and3A_329 = vector.broadcast %and3A_328 : i32 to vector<16xi32>
      %and3A_330 = arith.andi %not3A_327, %and3A_329 : vector<16xi32>
      %bitcast_convert_type3A_331 = tpu.bitcast %get3A_318 : vector<16xf32> -> vector<16xi32>
      %shift_right_arithmetic3A_332 = arith.constant 31 : i32
      %shift_right_arithmetic3A_333 = vector.broadcast %shift_right_arithmetic3A_332 : i32 to vector<16xi32>
      %shift_right_arithmetic3A_334 = arith.shrsi %bitcast_convert_type3A_331, %shift_right_arithmetic3A_333 : vector<16xi32>
      %and3A_335 = arith.constant 2147483647 : i32
      %and3A_336 = vector.broadcast %and3A_335 : i32 to vector<16xi32>
      %and3A_337 = arith.andi %shift_right_arithmetic3A_334, %and3A_336 : vector<16xi32>
      %xor3A_338 = arith.xori %bitcast_convert_type3A_331, %and3A_337 : vector<16xi32>
      %and3A_339 = arith.constant -4 : i32
      %and3A_340 = vector.broadcast %and3A_339 : i32 to vector<16xi32>
      %and3A_341 = arith.andi %xor3A_338, %and3A_340 : vector<16xi32>
      %or3A_342 = arith.ori %and3A_341, %and3A_330 : vector<16xi32>
      %broadcast_in_dim3A_343 = vector.shape_cast %xor3A_322 : vector<16xi32> to vector<16x1xi32>
      %gather3A_344 = vector.shape_cast %broadcast_in_dim3A_343 : vector<16x1xi32> to vector<16xi32>
      %gather3A_345 = tpu.dynamic_gather %or3A_342[%gather3A_344] in [0] : vector<16xi32>, vector<16xi32> -> vector<16xi32>
      %max3A_346 = arith.maxsi %or3A_342, %gather3A_345 : vector<16xi32>
      %broadcast_in_dim3A_347 = vector.shape_cast %xor3A_325 : vector<16xi32> to vector<16x1xi32>
      %gather3A_348 = vector.shape_cast %broadcast_in_dim3A_347 : vector<16x1xi32> to vector<16xi32>
      %gather3A_349 = tpu.dynamic_gather %max3A_346[%gather3A_348] in [0] : vector<16xi32>, vector<16xi32> -> vector<16xi32>
      %max3A_350 = arith.maxsi %max3A_346, %gather3A_349 : vector<16xi32>
      %eq3A_351 = arith.cmpi eq, %or3A_342, %max3A_350 : vector<16xi32>
      %jit3A_352 = arith.constant 0.000000e+00 : f32
      %broadcast_in_dim3A_353 = vector.broadcast %jit3A_352 : f32 to vector<16xf32>
      %select_n3A_354 = arith.select %eq3A_351, %get3A_318, %broadcast_in_dim3A_353 : vector<16xi1>, vector<16xf32>
      %swap3A_355 = arith.index_cast %add3A_315 : i32 to index
      %swap3A_356 = tpu.vector_load %arg6[%swap3A_355] {strides = array<i32>} : memref<16384xf32, #tpu.memory_space<vmem>>, vector<16xf32>,
      %swap3A_357 = vector.shape_cast %swap3A_356 : vector<16xf32> to vector<16xf32>
      %swap3A_358 = vector.shape_cast %select_n3A_354 : vector<16xf32> to vector<16xf32>
      tpu.vector_store %arg6[%swap3A_355], %swap3A_358 {strides = array<i32>} : memref<16384xf32, #tpu.memory_space<vmem>>, vector<16xf32>,
      %add3A_359 = arith.constant 32 : i32
      %add3A_360 = arith.addi %mul3A_283, %add3A_359 : i32
      %get3A_361 = arith.index_cast %add3A_360 : i32 to index
      %get3A_362 = tpu.vector_load %arg4[%get3A_361] {strides = array<i32>} : memref<16384xf32, #tpu.memory_space<vmem>>, vector<16xf32>,
      %get3A_363 = vector.shape_cast %get3A_362 : vector<16xf32> to vector<16xf32>
      %iota3A_364 = tpu.iota {dimensions = array<i32: 0>} : vector<16xi32>
      %xor3A_365 = arith.constant 1 : i32
      %xor3A_366 = vector.broadcast %xor3A_365 : i32 to vector<16xi32>
      %xor3A_367 = arith.xori %iota3A_364, %xor3A_366 : vector<16xi32>
      %xor3A_368 = arith.constant 2 : i32
      %xor3A_369 = vector.broadcast %xor3A_368 : i32 to vector<16xi32>
      %xor3A_370 = arith.xori %iota3A_364, %xor3A_369 : vector<16xi32>
      %not3A_371 = arith.constant dense<-1> : vector<16xi32>
      %not3A_372 = arith.xori %iota3A_364, %not3A_371 : vector<16xi32>
      %and3A_373 = arith.constant 3 : i32
      %and3A_374 = vector.broadcast %and3A_373 : i32 to vector<16xi32>
      %and3A_375 = arith.andi %not3A_372, %and3A_374 : vector<16xi32>
      %bitcast_convert_type3A_376 = tpu.bitcast %get3A_363 : vector<16xf32> -> vector<16xi32>
      %shift_right_arithmetic3A_377 = arith.constant 31 : i32
      %shift_right_arithmetic3A_378 = vector.broadcast %shift_right_arithmetic3A_377 : i32 to vector<16xi32>
      %shift_right_arithmetic3A_379 = arith.shrsi %bitcast_convert_type3A_376, %shift_right_arithmetic3A_378 : vector<16xi32>
      %and3A_380 = arith.constant 2147483647 : i32
      %and3A_381 = vector.broadcast %and3A_380 : i32 to vector<16xi32>
      %and3A_382 = arith.andi %shift_right_arithmetic3A_379, %and3A_381 : vector<16xi32>
      %xor3A_383 = arith.xori %bitcast_convert_type3A_376, %and3A_382 : vector<16xi32>
      %and3A_384 = arith.constant -4 : i32
      %and3A_385 = vector.broadcast %and3A_384 : i32 to vector<16xi32>
      %and3A_386 = arith.andi %xor3A_383, %and3A_385 : vector<16xi32>
      %or3A_387 = arith.ori %and3A_386, %and3A_375 : vector<16xi32>
      %broadcast_in_dim3A_388 = vector.shape_cast %xor3A_367 : vector<16xi32> to vector<16x1xi32>
      %gather3A_389 = vector.shape_cast %broadcast_in_dim3A_388 : vector<16x1xi32> to vector<16xi32>
      %gather3A_390 = tpu.dynamic_gather %or3A_387[%gather3A_389] in [0] : vector<16xi32>, vector<16xi32> -> vector<16xi32>
      %max3A_391 = arith.maxsi %or3A_387, %gather3A_390 : vector<16xi32>
      %broadcast_in_dim3A_392 = vector.shape_cast %xor3A_370 : vector<16xi32> to vector<16x1xi32>
      %gather3A_393 = vector.shape_cast %broadcast_in_dim3A_392 : vector<16x1xi32> to vector<16xi32>
      %gather3A_394 = tpu.dynamic_gather %max3A_391[%gather3A_393] in [0] : vector<16xi32>, vector<16xi32> -> vector<16xi32>
      %max3A_395 = arith.maxsi %max3A_391, %gather3A_394 : vector<16xi32>
      %eq3A_396 = arith.cmpi eq, %or3A_387, %max3A_395 : vector<16xi32>
      %jit3A_397 = arith.constant 0.000000e+00 : f32
      %broadcast_in_dim3A_398 = vector.broadcast %jit3A_397 : f32 to vector<16xf32>
      %select_n3A_399 = arith.select %eq3A_396, %get3A_363, %broadcast_in_dim3A_398 : vector<16xi1>, vector<16xf32>
      %swap3A_400 = arith.index_cast %add3A_360 : i32 to index
      %swap3A_401 = tpu.vector_load %arg6[%swap3A_400] {strides = array<i32>} : memref<16384xf32, #tpu.memory_space<vmem>>, vector<16xf32>,
      %swap3A_402 = vector.shape_cast %swap3A_401 : vector<16xf32> to vector<16xf32>
      %swap3A_403 = vector.shape_cast %select_n3A_399 : vector<16xf32> to vector<16xf32>
      tpu.vector_store %arg6[%swap3A_400], %swap3A_403 {strides = array<i32>} : memref<16384xf32, #tpu.memory_space<vmem>>, vector<16xf32>,
      %add3A_404 = arith.constant 48 : i32
      %add3A_405 = arith.addi %mul3A_283, %add3A_404 : i32
      %get3A_406 = arith.index_cast %add3A_405 : i32 to index
      %get3A_407 = tpu.vector_load %arg4[%get3A_406] {strides = array<i32>} : memref<16384xf32, #tpu.memory_space<vmem>>, vector<16xf32>,
      %get3A_408 = vector.shape_cast %get3A_407 : vector<16xf32> to vector<16xf32>
      %iota3A_409 = tpu.iota {dimensions = array<i32: 0>} : vector<16xi32>
      %xor3A_410 = arith.constant 1 : i32
      %xor3A_411 = vector.broadcast %xor3A_410 : i32 to vector<16xi32>
      %xor3A_412 = arith.xori %iota3A_409, %xor3A_411 : vector<16xi32>
      %xor3A_413 = arith.constant 2 : i32
      %xor3A_414 = vector.broadcast %xor3A_413 : i32 to vector<16xi32>
      %xor3A_415 = arith.xori %iota3A_409, %xor3A_414 : vector<16xi32>
      %not3A_416 = arith.constant dense<-1> : vector<16xi32>
      %not3A_417 = arith.xori %iota3A_409, %not3A_416 : vector<16xi32>
      %and3A_418 = arith.constant 3 : i32
      %and3A_419 = vector.broadcast %and3A_418 : i32 to vector<16xi32>
      %and3A_420 = arith.andi %not3A_417, %and3A_419 : vector<16xi32>
      %bitcast_convert_type3A_421 = tpu.bitcast %get3A_408 : vector<16xf32> -> vector<16xi32>
      %shift_right_arithmetic3A_422 = arith.constant 31 : i32
      %shift_right_arithmetic3A_423 = vector.broadcast %shift_right_arithmetic3A_422 : i32 to vector<16xi32>
      %shift_right_arithmetic3A_424 = arith.shrsi %bitcast_convert_type3A_421, %shift_right_arithmetic3A_423 : vector<16xi32>
      %and3A_425 = arith.constant 2147483647 : i32
      %and3A_426 = vector.broadcast %and3A_425 : i32 to vector<16xi32>
      %and3A_427 = arith.andi %shift_right_arithmetic3A_424, %and3A_426 : vector<16xi32>
      %xor3A_428 = arith.xori %bitcast_convert_type3A_421, %and3A_427 : vector<16xi32>
      %and3A_429 = arith.constant -4 : i32
      %and3A_430 = vector.broadcast %and3A_429 : i32 to vector<16xi32>
      %and3A_431 = arith.andi %xor3A_428, %and3A_430 : vector<16xi32>
      %or3A_432 = arith.ori %and3A_431, %and3A_420 : vector<16xi32>
      %broadcast_in_dim3A_433 = vector.shape_cast %xor3A_412 : vector<16xi32> to vector<16x1xi32>
      %gather3A_434 = vector.shape_cast %broadcast_in_dim3A_433 : vector<16x1xi32> to vector<16xi32>
      %gather3A_435 = tpu.dynamic_gather %or3A_432[%gather3A_434] in [0] : vector<16xi32>, vector<16xi32> -> vector<16xi32>
      %max3A_436 = arith.maxsi %or3A_432, %gather3A_435 : vector<16xi32>
      %broadcast_in_dim3A_437 = vector.shape_cast %xor3A_415 : vector<16xi32> to vector<16x1xi32>
      %gather3A_438 = vector.shape_cast %broadcast_in_dim3A_437 : vector<16x1xi32> to vector<16xi32>
      %gather3A_439 = tpu.dynamic_gather %max3A_436[%gather3A_438] in [0] : vector<16xi32>, vector<16xi32> -> vector<16xi32>
      %max3A_440 = arith.maxsi %max3A_436, %gather3A_439 : vector<16xi32>
      %eq3A_441 = arith.cmpi eq, %or3A_432, %max3A_440 : vector<16xi32>
      %jit3A_442 = arith.constant 0.000000e+00 : f32
      %broadcast_in_dim3A_443 = vector.broadcast %jit3A_442 : f32 to vector<16xf32>
      %select_n3A_444 = arith.select %eq3A_441, %get3A_408, %broadcast_in_dim3A_443 : vector<16xi1>, vector<16xf32>
      %swap3A_445 = arith.index_cast %add3A_405 : i32 to index
      %swap3A_446 = tpu.vector_load %arg6[%swap3A_445] {strides = array<i32>} : memref<16384xf32, #tpu.memory_space<vmem>>, vector<16xf32>,
      %swap3A_447 = vector.shape_cast %swap3A_446 : vector<16xf32> to vector<16xf32>
      %swap3A_448 = vector.shape_cast %select_n3A_444 : vector<16xf32> to vector<16xf32>
      tpu.vector_store %arg6[%swap3A_445], %swap3A_448 {strides = array<i32>} : memref<16384xf32, #tpu.memory_space<vmem>>, vector<16xf32>,
      %add3A_449 = arith.constant 64 : i32
      %add3A_450 = arith.addi %mul3A_283, %add3A_449 : i32
      %get3A_451 = arith.index_cast %add3A_450 : i32 to index
      %get3A_452 = tpu.vector_load %arg4[%get3A_451] {strides = array<i32>} : memref<16384xf32, #tpu.memory_space<vmem>>, vector<16xf32>,
      %get3A_453 = vector.shape_cast %get3A_452 : vector<16xf32> to vector<16xf32>
      %iota3A_454 = tpu.iota {dimensions = array<i32: 0>} : vector<16xi32>
      %xor3A_455 = arith.constant 1 : i32
      %xor3A_456 = vector.broadcast %xor3A_455 : i32 to vector<16xi32>
      %xor3A_457 = arith.xori %iota3A_454, %xor3A_456 : vector<16xi32>
      %xor3A_458 = arith.constant 2 : i32
      %xor3A_459 = vector.broadcast %xor3A_458 : i32 to vector<16xi32>
      %xor3A_460 = arith.xori %iota3A_454, %xor3A_459 : vector<16xi32>
      %not3A_461 = arith.constant dense<-1> : vector<16xi32>
      %not3A_462 = arith.xori %iota3A_454, %not3A_461 : vector<16xi32>
      %and3A_463 = arith.constant 3 : i32
      %and3A_464 = vector.broadcast %and3A_463 : i32 to vector<16xi32>
      %and3A_465 = arith.andi %not3A_462, %and3A_464 : vector<16xi32>
      %bitcast_convert_type3A_466 = tpu.bitcast %get3A_453 : vector<16xf32> -> vector<16xi32>
      %shift_right_arithmetic3A_467 = arith.constant 31 : i32
      %shift_right_arithmetic3A_468 = vector.broadcast %shift_right_arithmetic3A_467 : i32 to vector<16xi32>
      %shift_right_arithmetic3A_469 = arith.shrsi %bitcast_convert_type3A_466, %shift_right_arithmetic3A_468 : vector<16xi32>
      %and3A_470 = arith.constant 2147483647 : i32
      %and3A_471 = vector.broadcast %and3A_470 : i32 to vector<16xi32>
      %and3A_472 = arith.andi %shift_right_arithmetic3A_469, %and3A_471 : vector<16xi32>
      %xor3A_473 = arith.xori %bitcast_convert_type3A_466, %and3A_472 : vector<16xi32>
      %and3A_474 = arith.constant -4 : i32
      %and3A_475 = vector.broadcast %and3A_474 : i32 to vector<16xi32>
      %and3A_476 = arith.andi %xor3A_473, %and3A_475 : vector<16xi32>
      %or3A_477 = arith.ori %and3A_476, %and3A_465 : vector<16xi32>
      %broadcast_in_dim3A_478 = vector.shape_cast %xor3A_457 : vector<16xi32> to vector<16x1xi32>
      %gather3A_479 = vector.shape_cast %broadcast_in_dim3A_478 : vector<16x1xi32> to vector<16xi32>
      %gather3A_480 = tpu.dynamic_gather %or3A_477[%gather3A_479] in [0] : vector<16xi32>, vector<16xi32> -> vector<16xi32>
      %max3A_481 = arith.maxsi %or3A_477, %gather3A_480 : vector<16xi32>
      %broadcast_in_dim3A_482 = vector.shape_cast %xor3A_460 : vector<16xi32> to vector<16x1xi32>
      %gather3A_483 = vector.shape_cast %broadcast_in_dim3A_482 : vector<16x1xi32> to vector<16xi32>
      %gather3A_484 = tpu.dynamic_gather %max3A_481[%gather3A_483] in [0] : vector<16xi32>, vector<16xi32> -> vector<16xi32>
      %max3A_485 = arith.maxsi %max3A_481, %gather3A_484 : vector<16xi32>
      %eq3A_486 = arith.cmpi eq, %or3A_477, %max3A_485 : vector<16xi32>
      %jit3A_487 = arith.constant 0.000000e+00 : f32
      %broadcast_in_dim3A_488 = vector.broadcast %jit3A_487 : f32 to vector<16xf32>
      %select_n3A_489 = arith.select %eq3A_486, %get3A_453, %broadcast_in_dim3A_488 : vector<16xi1>, vector<16xf32>
      %swap3A_490 = arith.index_cast %add3A_450 : i32 to index
      %swap3A_491 = tpu.vector_load %arg6[%swap3A_490] {strides = array<i32>} : memref<16384xf32, #tpu.memory_space<vmem>>, vector<16xf32>,
      %swap3A_492 = vector.shape_cast %swap3A_491 : vector<16xf32> to vector<16xf32>
      %swap3A_493 = vector.shape_cast %select_n3A_489 : vector<16xf32> to vector<16xf32>
      tpu.vector_store %arg6[%swap3A_490], %swap3A_493 {strides = array<i32>} : memref<16384xf32, #tpu.memory_space<vmem>>, vector<16xf32>,
      %add3A_494 = arith.constant 80 : i32
      %add3A_495 = arith.addi %mul3A_283, %add3A_494 : i32
      %get3A_496 = arith.index_cast %add3A_495 : i32 to index
      %get3A_497 = tpu.vector_load %arg4[%get3A_496] {strides = array<i32>} : memref<16384xf32, #tpu.memory_space<vmem>>, vector<16xf32>,
      %get3A_498 = vector.shape_cast %get3A_497 : vector<16xf32> to vector<16xf32>
      %iota3A_499 = tpu.iota {dimensions = array<i32: 0>} : vector<16xi32>
      %xor3A_500 = arith.constant 1 : i32
      %xor3A_501 = vector.broadcast %xor3A_500 : i32 to vector<16xi32>
      %xor3A_502 = arith.xori %iota3A_499, %xor3A_501 : vector<16xi32>
      %xor3A_503 = arith.constant 2 : i32
      %xor3A_504 = vector.broadcast %xor3A_503 : i32 to vector<16xi32>
      %xor3A_505 = arith.xori %iota3A_499, %xor3A_504 : vector<16xi32>
      %not3A_506 = arith.constant dense<-1> : vector<16xi32>
      %not3A_507 = arith.xori %iota3A_499, %not3A_506 : vector<16xi32>
      %and3A_508 = arith.constant 3 : i32
      %and3A_509 = vector.broadcast %and3A_508 : i32 to vector<16xi32>
      %and3A_510 = arith.andi %not3A_507, %and3A_509 : vector<16xi32>
      %bitcast_convert_type3A_511 = tpu.bitcast %get3A_498 : vector<16xf32> -> vector<16xi32>
      %shift_right_arithmetic3A_512 = arith.constant 31 : i32
      %shift_right_arithmetic3A_513 = vector.broadcast %shift_right_arithmetic3A_512 : i32 to vector<16xi32>
      %shift_right_arithmetic3A_514 = arith.shrsi %bitcast_convert_type3A_511, %shift_right_arithmetic3A_513 : vector<16xi32>
      %and3A_515 = arith.constant 2147483647 : i32
      %and3A_516 = vector.broadcast %and3A_515 : i32 to vector<16xi32>
      %and3A_517 = arith.andi %shift_right_arithmetic3A_514, %and3A_516 : vector<16xi32>
      %xor3A_518 = arith.xori %bitcast_convert_type3A_511, %and3A_517 : vector<16xi32>
      %and3A_519 = arith.constant -4 : i32
      %and3A_520 = vector.broadcast %and3A_519 : i32 to vector<16xi32>
      %and3A_521 = arith.andi %xor3A_518, %and3A_520 : vector<16xi32>
      %or3A_522 = arith.ori %and3A_521, %and3A_510 : vector<16xi32>
      %broadcast_in_dim3A_523 = vector.shape_cast %xor3A_502 : vector<16xi32> to vector<16x1xi32>
      %gather3A_524 = vector.shape_cast %broadcast_in_dim3A_523 : vector<16x1xi32> to vector<16xi32>
      %gather3A_525 = tpu.dynamic_gather %or3A_522[%gather3A_524] in [0] : vector<16xi32>, vector<16xi32> -> vector<16xi32>
      %max3A_526 = arith.maxsi %or3A_522, %gather3A_525 : vector<16xi32>
      %broadcast_in_dim3A_527 = vector.shape_cast %xor3A_505 : vector<16xi32> to vector<16x1xi32>
      %gather3A_528 = vector.shape_cast %broadcast_in_dim3A_527 : vector<16x1xi32> to vector<16xi32>
      %gather3A_529 = tpu.dynamic_gather %max3A_526[%gather3A_528] in [0] : vector<16xi32>, vector<16xi32> -> vector<16xi32>
      %max3A_530 = arith.maxsi %max3A_526, %gather3A_529 : vector<16xi32>
      %eq3A_531 = arith.cmpi eq, %or3A_522, %max3A_530 : vector<16xi32>
      %jit3A_532 = arith.constant 0.000000e+00 : f32
      %broadcast_in_dim3A_533 = vector.broadcast %jit3A_532 : f32 to vector<16xf32>
      %select_n3A_534 = arith.select %eq3A_531, %get3A_498, %broadcast_in_dim3A_533 : vector<16xi1>, vector<16xf32>
      %swap3A_535 = arith.index_cast %add3A_495 : i32 to index
      %swap3A_536 = tpu.vector_load %arg6[%swap3A_535] {strides = array<i32>} : memref<16384xf32, #tpu.memory_space<vmem>>, vector<16xf32>,
      %swap3A_537 = vector.shape_cast %swap3A_536 : vector<16xf32> to vector<16xf32>
      %swap3A_538 = vector.shape_cast %select_n3A_534 : vector<16xf32> to vector<16xf32>
      tpu.vector_store %arg6[%swap3A_535], %swap3A_538 {strides = array<i32>} : memref<16384xf32, #tpu.memory_space<vmem>>, vector<16xf32>,
      %add3A_539 = arith.constant 96 : i32
      %add3A_540 = arith.addi %mul3A_283, %add3A_539 : i32
      %get3A_541 = arith.index_cast %add3A_540 : i32 to index
      %get3A_542 = tpu.vector_load %arg4[%get3A_541] {strides = array<i32>} : memref<16384xf32, #tpu.memory_space<vmem>>, vector<16xf32>,
      %get3A_543 = vector.shape_cast %get3A_542 : vector<16xf32> to vector<16xf32>
      %iota3A_544 = tpu.iota {dimensions = array<i32: 0>} : vector<16xi32>
      %xor3A_545 = arith.constant 1 : i32
      %xor3A_546 = vector.broadcast %xor3A_545 : i32 to vector<16xi32>
      %xor3A_547 = arith.xori %iota3A_544, %xor3A_546 : vector<16xi32>
      %xor3A_548 = arith.constant 2 : i32
      %xor3A_549 = vector.broadcast %xor3A_548 : i32 to vector<16xi32>
      %xor3A_550 = arith.xori %iota3A_544, %xor3A_549 : vector<16xi32>
      %not3A_551 = arith.constant dense<-1> : vector<16xi32>
      %not3A_552 = arith.xori %iota3A_544, %not3A_551 : vector<16xi32>
      %and3A_553 = arith.constant 3 : i32
      %and3A_554 = vector.broadcast %and3A_553 : i32 to vector<16xi32>
      %and3A_555 = arith.andi %not3A_552, %and3A_554 : vector<16xi32>
      %bitcast_convert_type3A_556 = tpu.bitcast %get3A_543 : vector<16xf32> -> vector<16xi32>
      %shift_right_arithmetic3A_557 = arith.constant 31 : i32
      %shift_right_arithmetic3A_558 = vector.broadcast %shift_right_arithmetic3A_557 : i32 to vector<16xi32>
      %shift_right_arithmetic3A_559 = arith.shrsi %bitcast_convert_type3A_556, %shift_right_arithmetic3A_558 : vector<16xi32>
      %and3A_560 = arith.constant 2147483647 : i32
      %and3A_561 = vector.broadcast %and3A_560 : i32 to vector<16xi32>
      %and3A_562 = arith.andi %shift_right_arithmetic3A_559, %and3A_561 : vector<16xi32>
      %xor3A_563 = arith.xori %bitcast_convert_type3A_556, %and3A_562 : vector<16xi32>
      %and3A_564 = arith.constant -4 : i32
      %and3A_565 = vector.broadcast %and3A_564 : i32 to vector<16xi32>
      %and3A_566 = arith.andi %xor3A_563, %and3A_565 : vector<16xi32>
      %or3A_567 = arith.ori %and3A_566, %and3A_555 : vector<16xi32>
      %broadcast_in_dim3A_568 = vector.shape_cast %xor3A_547 : vector<16xi32> to vector<16x1xi32>
      %gather3A_569 = vector.shape_cast %broadcast_in_dim3A_568 : vector<16x1xi32> to vector<16xi32>
      %gather3A_570 = tpu.dynamic_gather %or3A_567[%gather3A_569] in [0] : vector<16xi32>, vector<16xi32> -> vector<16xi32>
      %max3A_571 = arith.maxsi %or3A_567, %gather3A_570 : vector<16xi32>
      %broadcast_in_dim3A_572 = vector.shape_cast %xor3A_550 : vector<16xi32> to vector<16x1xi32>
      %gather3A_573 = vector.shape_cast %broadcast_in_dim3A_572 : vector<16x1xi32> to vector<16xi32>
      %gather3A_574 = tpu.dynamic_gather %max3A_571[%gather3A_573] in [0] : vector<16xi32>, vector<16xi32> -> vector<16xi32>
      %max3A_575 = arith.maxsi %max3A_571, %gather3A_574 : vector<16xi32>
      %eq3A_576 = arith.cmpi eq, %or3A_567, %max3A_575 : vector<16xi32>
      %jit3A_577 = arith.constant 0.000000e+00 : f32
      %broadcast_in_dim3A_578 = vector.broadcast %jit3A_577 : f32 to vector<16xf32>
      %select_n3A_579 = arith.select %eq3A_576, %get3A_543, %broadcast_in_dim3A_578 : vector<16xi1>, vector<16xf32>
      %swap3A_580 = arith.index_cast %add3A_540 : i32 to index
      %swap3A_581 = tpu.vector_load %arg6[%swap3A_580] {strides = array<i32>} : memref<16384xf32, #tpu.memory_space<vmem>>, vector<16xf32>,
      %swap3A_582 = vector.shape_cast %swap3A_581 : vector<16xf32> to vector<16xf32>
      %swap3A_583 = vector.shape_cast %select_n3A_579 : vector<16xf32> to vector<16xf32>
      tpu.vector_store %arg6[%swap3A_580], %swap3A_583 {strides = array<i32>} : memref<16384xf32, #tpu.memory_space<vmem>>, vector<16xf32>,
      %add3A_584 = arith.constant 112 : i32
      %add3A_585 = arith.addi %mul3A_283, %add3A_584 : i32
      %get3A_586 = arith.index_cast %add3A_585 : i32 to index
      %get3A_587 = tpu.vector_load %arg4[%get3A_586] {strides = array<i32>} : memref<16384xf32, #tpu.memory_space<vmem>>, vector<16xf32>,
      %get3A_588 = vector.shape_cast %get3A_587 : vector<16xf32> to vector<16xf32>
      %iota3A_589 = tpu.iota {dimensions = array<i32: 0>} : vector<16xi32>
      %xor3A_590 = arith.constant 1 : i32
      %xor3A_591 = vector.broadcast %xor3A_590 : i32 to vector<16xi32>
      %xor3A_592 = arith.xori %iota3A_589, %xor3A_591 : vector<16xi32>
      %xor3A_593 = arith.constant 2 : i32
      %xor3A_594 = vector.broadcast %xor3A_593 : i32 to vector<16xi32>
      %xor3A_595 = arith.xori %iota3A_589, %xor3A_594 : vector<16xi32>
      %not3A_596 = arith.constant dense<-1> : vector<16xi32>
      %not3A_597 = arith.xori %iota3A_589, %not3A_596 : vector<16xi32>
      %and3A_598 = arith.constant 3 : i32
      %and3A_599 = vector.broadcast %and3A_598 : i32 to vector<16xi32>
      %and3A_600 = arith.andi %not3A_597, %and3A_599 : vector<16xi32>
      %bitcast_convert_type3A_601 = tpu.bitcast %get3A_588 : vector<16xf32> -> vector<16xi32>
      %shift_right_arithmetic3A_602 = arith.constant 31 : i32
      %shift_right_arithmetic3A_603 = vector.broadcast %shift_right_arithmetic3A_602 : i32 to vector<16xi32>
      %shift_right_arithmetic3A_604 = arith.shrsi %bitcast_convert_type3A_601, %shift_right_arithmetic3A_603 : vector<16xi32>
      %and3A_605 = arith.constant 2147483647 : i32
      %and3A_606 = vector.broadcast %and3A_605 : i32 to vector<16xi32>
      %and3A_607 = arith.andi %shift_right_arithmetic3A_604, %and3A_606 : vector<16xi32>
      %xor3A_608 = arith.xori %bitcast_convert_type3A_601, %and3A_607 : vector<16xi32>
      %and3A_609 = arith.constant -4 : i32
      %and3A_610 = vector.broadcast %and3A_609 : i32 to vector<16xi32>
      %and3A_611 = arith.andi %xor3A_608, %and3A_610 : vector<16xi32>
      %or3A_612 = arith.ori %and3A_611, %and3A_600 : vector<16xi32>
      %broadcast_in_dim3A_613 = vector.shape_cast %xor3A_592 : vector<16xi32> to vector<16x1xi32>
      %gather3A_614 = vector.shape_cast %broadcast_in_dim3A_613 : vector<16x1xi32> to vector<16xi32>
      %gather3A_615 = tpu.dynamic_gather %or3A_612[%gather3A_614] in [0] : vector<16xi32>, vector<16xi32> -> vector<16xi32>
      %max3A_616 = arith.maxsi %or3A_612, %gather3A_615 : vector<16xi32>
      %broadcast_in_dim3A_617 = vector.shape_cast %xor3A_595 : vector<16xi32> to vector<16x1xi32>
      %gather3A_618 = vector.shape_cast %broadcast_in_dim3A_617 : vector<16x1xi32> to vector<16xi32>
      %gather3A_619 = tpu.dynamic_gather %max3A_616[%gather3A_618] in [0] : vector<16xi32>, vector<16xi32> -> vector<16xi32>
      %max3A_620 = arith.maxsi %max3A_616, %gather3A_619 : vector<16xi32>
      %eq3A_621 = arith.cmpi eq, %or3A_612, %max3A_620 : vector<16xi32>
      %jit3A_622 = arith.constant 0.000000e+00 : f32
      %broadcast_in_dim3A_623 = vector.broadcast %jit3A_622 : f32 to vector<16xf32>
      %select_n3A_624 = arith.select %eq3A_621, %get3A_588, %broadcast_in_dim3A_623 : vector<16xi1>, vector<16xf32>
      %swap3A_625 = arith.index_cast %add3A_585 : i32 to index
      %swap3A_626 = tpu.vector_load %arg6[%swap3A_625] {strides = array<i32>} : memref<16384xf32, #tpu.memory_space<vmem>>, vector<16xf32>,
      %swap3A_627 = vector.shape_cast %swap3A_626 : vector<16xf32> to vector<16xf32>
      %swap3A_628 = vector.shape_cast %select_n3A_624 : vector<16xf32> to vector<16xf32>
      tpu.vector_store %arg6[%swap3A_625], %swap3A_628 {strides = array<i32>} : memref<16384xf32, #tpu.memory_space<vmem>>, vector<16xf32>,
      %scan3A_629 = arith.constant 0 : i32
      scf.yield %scan3A_629 : i32
    }
    %scan3A_162 = arith.constant 128 : i32
    %add3A_163 = arith.constant 2 : i32
    %add3A_164 = arith.addi %mul3A_2, %add3A_163 : i32
    %dma_start3A_165 = arith.constant 0 : i32
    %dma_start3A_166 = tpu.memref_slice %arg3[%add3A_164, %dma_start3A_165] : memref<128x32768xf32, #tpu.memory_space<hbm>> -> memref<1x16384xf32, #tpu.memory_space<hbm>>
    %dma_start3A_167 = tpu.memref_squeeze %dma_start3A_166 : memref<1x16384xf32, #tpu.memory_space<hbm>> -> memref<16384xf32, #tpu.memory_space<hbm>>
    %dma_start3A_168 = arith.constant 0 : i32
    %dma_start3A_169 = tpu.memref_slice %arg3[%add3A_164, %dma_start3A_168] : memref<128x32768xf32, #tpu.memory_space<hbm>> -> memref<1x16384xf32, #tpu.memory_space<hbm>>
    %dma_start3A_170 = tpu.memref_squeeze %dma_start3A_169 : memref<1x16384xf32, #tpu.memory_space<hbm>> -> memref<16384xf32, #tpu.memory_space<hbm>>
    tpu.enqueue_dma source(%arg6 : memref<16384xf32, #tpu.memory_space<vmem>>) target(%dma_start3A_170 : memref<16384xf32, #tpu.memory_space<hbm>>) target_semaphore(%arg10 : memref<!tpu.dma_semaphore, #tpu.memory_space<semaphore_mem>>)
    %add3A_171 = arith.constant 3 : i32
    %add3A_172 = arith.addi %mul3A_2, %add3A_171 : i32
    %dma_start3A_173 = arith.constant 0 : i32
    %dma_start3A_174 = tpu.memref_slice %arg2[%add3A_172, %dma_start3A_173] : memref<128x32768xf32, #tpu.memory_space<hbm>> -> memref<1x16384xf32, #tpu.memory_space<hbm>>
    %dma_start3A_175 = tpu.memref_squeeze %dma_start3A_174 : memref<1x16384xf32, #tpu.memory_space<hbm>> -> memref<16384xf32, #tpu.memory_space<hbm>>
    %dma_start3A_176 = arith.constant 0 : i32
    %dma_start3A_177 = tpu.memref_slice %arg2[%add3A_172, %dma_start3A_176] : memref<128x32768xf32, #tpu.memory_space<hbm>> -> memref<1x16384xf32, #tpu.memory_space<hbm>>
    %dma_start3A_178 = tpu.memref_squeeze %dma_start3A_177 : memref<1x16384xf32, #tpu.memory_space<hbm>> -> memref<16384xf32, #tpu.memory_space<hbm>>
    tpu.enqueue_dma source(%dma_start3A_178 : memref<16384xf32, #tpu.memory_space<hbm>>) target(%arg4 : memref<16384xf32, #tpu.memory_space<vmem>>) target_semaphore(%arg8 : memref<!tpu.dma_semaphore, #tpu.memory_space<semaphore_mem>>)
    %dma_wait3A_179 = arith.constant 16384 : i32
    %dma_wait3A_180 = tpu.memref_slice %arg2[%add3A_137, %dma_wait3A_179] : memref<128x32768xf32, #tpu.memory_space<hbm>> -> memref<1x16384xf32, #tpu.memory_space<hbm>>
    %dma_wait3A_181 = tpu.memref_squeeze %dma_wait3A_180 : memref<1x16384xf32, #tpu.memory_space<hbm>> -> memref<16384xf32, #tpu.memory_space<hbm>>
    %dma_wait3A_182 = arith.constant 16384 : i32
    %dma_wait3A_183 = tpu.memref_slice %arg2[%add3A_137, %dma_wait3A_182] : memref<128x32768xf32, #tpu.memory_space<hbm>> -> memref<1x16384xf32, #tpu.memory_space<hbm>>
    %dma_wait3A_184 = tpu.memref_squeeze %dma_wait3A_183 : memref<1x16384xf32, #tpu.memory_space<hbm>> -> memref<16384xf32, #tpu.memory_space<hbm>>
    tpu.wait_dma2 semaphore(%arg9 : memref<!tpu.dma_semaphore, #tpu.memory_space<semaphore_mem>>) src(%dma_wait3A_184 : memref<16384xf32, #tpu.memory_space<hbm>>) dst(%arg5 : memref<16384xf32, #tpu.memory_space<vmem>>)
    %dma_wait3A_185 = arith.constant 16384 : i32
    %dma_wait3A_186 = tpu.memref_slice %arg3[%add3A_129, %dma_wait3A_185] : memref<128x32768xf32, #tpu.memory_space<hbm>> -> memref<1x16384xf32, #tpu.memory_space<hbm>>
    %dma_wait3A_187 = tpu.memref_squeeze %dma_wait3A_186 : memref<1x16384xf32, #tpu.memory_space<hbm>> -> memref<16384xf32, #tpu.memory_space<hbm>>
    %dma_wait3A_188 = arith.constant 16384 : i32
    %dma_wait3A_189 = tpu.memref_slice %arg3[%add3A_129, %dma_wait3A_188] : memref<128x32768xf32, #tpu.memory_space<hbm>> -> memref<1x16384xf32, #tpu.memory_space<hbm>>
    %dma_wait3A_190 = tpu.memref_squeeze %dma_wait3A_189 : memref<1x16384xf32, #tpu.memory_space<hbm>> -> memref<16384xf32, #tpu.memory_space<hbm>>
    tpu.wait_dma2 semaphore(%arg11 : memref<!tpu.dma_semaphore, #tpu.memory_space<semaphore_mem>>) src(%arg7 : memref<16384xf32, #tpu.memory_space<vmem>>) dst(%dma_wait3A_190 : memref<16384xf32, #tpu.memory_space<hbm>>)
    %scan3A_191 = arith.constant 0 : i32
    %scan3A_192 = arith.constant 0 : i32
    %scan3A_193 = arith.constant 128 : i32
    %scan3A_194 = arith.addi %scan3A_192, %scan3A_193 : i32
    %scan3A_195 = arith.constant 1 : i32
    %scan3A_196 = scf.for %scan3A_280 = %scan3A_192 to %scan3A_194 step %scan3A_195 iter_args(%scan3A_281 = %scan3A_191) -> (i32)  : i32 {
      %mul3A_282 = arith.constant 128 : i32
      %mul3A_283 = arith.muli %scan3A_280, %mul3A_282 : i32
      %add3A_284 = arith.constant 0 : i32
      %add3A_285 = arith.addi %mul3A_283, %add3A_284 : i32
      %get3A = arith.index_cast %add3A_285 : i32 to index
      %get3A_286 = tpu.vector_load %arg5[%get3A] {strides = array<i32>} : memref<16384xf32, #tpu.memory_space<vmem>>, vector<16xf32>,
      %get3A_287 = vector.shape_cast %get3A_286 : vector<16xf32> to vector<16xf32>
      %iota3A = tpu.iota {dimensions = array<i32: 0>} : vector<16xi32>
      %xor3A = arith.constant 1 : i32
      %xor3A_288 = vector.broadcast %xor3A : i32 to vector<16xi32>
      %xor3A_289 = arith.xori %iota3A, %xor3A_288 : vector<16xi32>
      %xor3A_290 = arith.constant 2 : i32
      %xor3A_291 = vector.broadcast %xor3A_290 : i32 to vector<16xi32>
      %xor3A_292 = arith.xori %iota3A, %xor3A_291 : vector<16xi32>
      %not3A = arith.constant dense<-1> : vector<16xi32>
      %not3A_293 = arith.xori %iota3A, %not3A : vector<16xi32>
      %and3A = arith.constant 3 : i32
      %and3A_294 = vector.broadcast %and3A : i32 to vector<16xi32>
      %and3A_295 = arith.andi %not3A_293, %and3A_294 : vector<16xi32>
      %bitcast_convert_type3A = tpu.bitcast %get3A_287 : vector<16xf32> -> vector<16xi32>
      %shift_right_arithmetic3A = arith.constant 31 : i32
      %shift_right_arithmetic3A_296 = vector.broadcast %shift_right_arithmetic3A : i32 to vector<16xi32>
      %shift_right_arithmetic3A_297 = arith.shrsi %bitcast_convert_type3A, %shift_right_arithmetic3A_296 : vector<16xi32>
      %and3A_298 = arith.constant 2147483647 : i32
      %and3A_299 = vector.broadcast %and3A_298 : i32 to vector<16xi32>
      %and3A_300 = arith.andi %shift_right_arithmetic3A_297, %and3A_299 : vector<16xi32>
      %xor3A_301 = arith.xori %bitcast_convert_type3A, %and3A_300 : vector<16xi32>
      %and3A_302 = arith.constant -4 : i32
      %and3A_303 = vector.broadcast %and3A_302 : i32 to vector<16xi32>
      %and3A_304 = arith.andi %xor3A_301, %and3A_303 : vector<16xi32>
      %or3A = arith.ori %and3A_304, %and3A_295 : vector<16xi32>
      %broadcast_in_dim3A = vector.shape_cast %xor3A_289 : vector<16xi32> to vector<16x1xi32>
      %gather3A = vector.shape_cast %broadcast_in_dim3A : vector<16x1xi32> to vector<16xi32>
      %gather3A_305 = tpu.dynamic_gather %or3A[%gather3A] in [0] : vector<16xi32>, vector<16xi32> -> vector<16xi32>
      %max3A = arith.maxsi %or3A, %gather3A_305 : vector<16xi32>
      %broadcast_in_dim3A_306 = vector.shape_cast %xor3A_292 : vector<16xi32> to vector<16x1xi32>
      %gather3A_307 = vector.shape_cast %broadcast_in_dim3A_306 : vector<16x1xi32> to vector<16xi32>
      %gather3A_308 = tpu.dynamic_gather %max3A[%gather3A_307] in [0] : vector<16xi32>, vector<16xi32> -> vector<16xi32>
      %max3A_309 = arith.maxsi %max3A, %gather3A_308 : vector<16xi32>
      %eq3A = arith.cmpi eq, %or3A, %max3A_309 : vector<16xi32>
      %jit3A = arith.constant 0.000000e+00 : f32
      %broadcast_in_dim3A_310 = vector.broadcast %jit3A : f32 to vector<16xf32>
      %select_n3A = arith.select %eq3A, %get3A_287, %broadcast_in_dim3A_310 : vector<16xi1>, vector<16xf32>
      %swap3A = arith.index_cast %add3A_285 : i32 to index
      %swap3A_311 = tpu.vector_load %arg7[%swap3A] {strides = array<i32>} : memref<16384xf32, #tpu.memory_space<vmem>>, vector<16xf32>,
      %swap3A_312 = vector.shape_cast %swap3A_311 : vector<16xf32> to vector<16xf32>
      %swap3A_313 = vector.shape_cast %select_n3A : vector<16xf32> to vector<16xf32>
      tpu.vector_store %arg7[%swap3A], %swap3A_313 {strides = array<i32>} : memref<16384xf32, #tpu.memory_space<vmem>>, vector<16xf32>,
      %add3A_314 = arith.constant 16 : i32
      %add3A_315 = arith.addi %mul3A_283, %add3A_314 : i32
      %get3A_316 = arith.index_cast %add3A_315 : i32 to index
      %get3A_317 = tpu.vector_load %arg5[%get3A_316] {strides = array<i32>} : memref<16384xf32, #tpu.memory_space<vmem>>, vector<16xf32>,
      %get3A_318 = vector.shape_cast %get3A_317 : vector<16xf32> to vector<16xf32>
      %iota3A_319 = tpu.iota {dimensions = array<i32: 0>} : vector<16xi32>
      %xor3A_320 = arith.constant 1 : i32
      %xor3A_321 = vector.broadcast %xor3A_320 : i32 to vector<16xi32>
      %xor3A_322 = arith.xori %iota3A_319, %xor3A_321 : vector<16xi32>
      %xor3A_323 = arith.constant 2 : i32
      %xor3A_324 = vector.broadcast %xor3A_323 : i32 to vector<16xi32>
      %xor3A_325 = arith.xori %iota3A_319, %xor3A_324 : vector<16xi32>
      %not3A_326 = arith.constant dense<-1> : vector<16xi32>
      %not3A_327 = arith.xori %iota3A_319, %not3A_326 : vector<16xi32>
      %and3A_328 = arith.constant 3 : i32
      %and3A_329 = vector.broadcast %and3A_328 : i32 to vector<16xi32>
      %and3A_330 = arith.andi %not3A_327, %and3A_329 : vector<16xi32>
      %bitcast_convert_type3A_331 = tpu.bitcast %get3A_318 : vector<16xf32> -> vector<16xi32>
      %shift_right_arithmetic3A_332 = arith.constant 31 : i32
      %shift_right_arithmetic3A_333 = vector.broadcast %shift_right_arithmetic3A_332 : i32 to vector<16xi32>
      %shift_right_arithmetic3A_334 = arith.shrsi %bitcast_convert_type3A_331, %shift_right_arithmetic3A_333 : vector<16xi32>
      %and3A_335 = arith.constant 2147483647 : i32
      %and3A_336 = vector.broadcast %and3A_335 : i32 to vector<16xi32>
      %and3A_337 = arith.andi %shift_right_arithmetic3A_334, %and3A_336 : vector<16xi32>
      %xor3A_338 = arith.xori %bitcast_convert_type3A_331, %and3A_337 : vector<16xi32>
      %and3A_339 = arith.constant -4 : i32
      %and3A_340 = vector.broadcast %and3A_339 : i32 to vector<16xi32>
      %and3A_341 = arith.andi %xor3A_338, %and3A_340 : vector<16xi32>
      %or3A_342 = arith.ori %and3A_341, %and3A_330 : vector<16xi32>
      %broadcast_in_dim3A_343 = vector.shape_cast %xor3A_322 : vector<16xi32> to vector<16x1xi32>
      %gather3A_344 = vector.shape_cast %broadcast_in_dim3A_343 : vector<16x1xi32> to vector<16xi32>
      %gather3A_345 = tpu.dynamic_gather %or3A_342[%gather3A_344] in [0] : vector<16xi32>, vector<16xi32> -> vector<16xi32>
      %max3A_346 = arith.maxsi %or3A_342, %gather3A_345 : vector<16xi32>
      %broadcast_in_dim3A_347 = vector.shape_cast %xor3A_325 : vector<16xi32> to vector<16x1xi32>
      %gather3A_348 = vector.shape_cast %broadcast_in_dim3A_347 : vector<16x1xi32> to vector<16xi32>
      %gather3A_349 = tpu.dynamic_gather %max3A_346[%gather3A_348] in [0] : vector<16xi32>, vector<16xi32> -> vector<16xi32>
      %max3A_350 = arith.maxsi %max3A_346, %gather3A_349 : vector<16xi32>
      %eq3A_351 = arith.cmpi eq, %or3A_342, %max3A_350 : vector<16xi32>
      %jit3A_352 = arith.constant 0.000000e+00 : f32
      %broadcast_in_dim3A_353 = vector.broadcast %jit3A_352 : f32 to vector<16xf32>
      %select_n3A_354 = arith.select %eq3A_351, %get3A_318, %broadcast_in_dim3A_353 : vector<16xi1>, vector<16xf32>
      %swap3A_355 = arith.index_cast %add3A_315 : i32 to index
      %swap3A_356 = tpu.vector_load %arg7[%swap3A_355] {strides = array<i32>} : memref<16384xf32, #tpu.memory_space<vmem>>, vector<16xf32>,
      %swap3A_357 = vector.shape_cast %swap3A_356 : vector<16xf32> to vector<16xf32>
      %swap3A_358 = vector.shape_cast %select_n3A_354 : vector<16xf32> to vector<16xf32>
      tpu.vector_store %arg7[%swap3A_355], %swap3A_358 {strides = array<i32>} : memref<16384xf32, #tpu.memory_space<vmem>>, vector<16xf32>,
      %add3A_359 = arith.constant 32 : i32
      %add3A_360 = arith.addi %mul3A_283, %add3A_359 : i32
      %get3A_361 = arith.index_cast %add3A_360 : i32 to index
      %get3A_362 = tpu.vector_load %arg5[%get3A_361] {strides = array<i32>} : memref<16384xf32, #tpu.memory_space<vmem>>, vector<16xf32>,
      %get3A_363 = vector.shape_cast %get3A_362 : vector<16xf32> to vector<16xf32>
      %iota3A_364 = tpu.iota {dimensions = array<i32: 0>} : vector<16xi32>
      %xor3A_365 = arith.constant 1 : i32
      %xor3A_366 = vector.broadcast %xor3A_365 : i32 to vector<16xi32>
      %xor3A_367 = arith.xori %iota3A_364, %xor3A_366 : vector<16xi32>
      %xor3A_368 = arith.constant 2 : i32
      %xor3A_369 = vector.broadcast %xor3A_368 : i32 to vector<16xi32>
      %xor3A_370 = arith.xori %iota3A_364, %xor3A_369 : vector<16xi32>
      %not3A_371 = arith.constant dense<-1> : vector<16xi32>
      %not3A_372 = arith.xori %iota3A_364, %not3A_371 : vector<16xi32>
      %and3A_373 = arith.constant 3 : i32
      %and3A_374 = vector.broadcast %and3A_373 : i32 to vector<16xi32>
      %and3A_375 = arith.andi %not3A_372, %and3A_374 : vector<16xi32>
      %bitcast_convert_type3A_376 = tpu.bitcast %get3A_363 : vector<16xf32> -> vector<16xi32>
      %shift_right_arithmetic3A_377 = arith.constant 31 : i32
      %shift_right_arithmetic3A_378 = vector.broadcast %shift_right_arithmetic3A_377 : i32 to vector<16xi32>
      %shift_right_arithmetic3A_379 = arith.shrsi %bitcast_convert_type3A_376, %shift_right_arithmetic3A_378 : vector<16xi32>
      %and3A_380 = arith.constant 2147483647 : i32
      %and3A_381 = vector.broadcast %and3A_380 : i32 to vector<16xi32>
      %and3A_382 = arith.andi %shift_right_arithmetic3A_379, %and3A_381 : vector<16xi32>
      %xor3A_383 = arith.xori %bitcast_convert_type3A_376, %and3A_382 : vector<16xi32>
      %and3A_384 = arith.constant -4 : i32
      %and3A_385 = vector.broadcast %and3A_384 : i32 to vector<16xi32>
      %and3A_386 = arith.andi %xor3A_383, %and3A_385 : vector<16xi32>
      %or3A_387 = arith.ori %and3A_386, %and3A_375 : vector<16xi32>
      %broadcast_in_dim3A_388 = vector.shape_cast %xor3A_367 : vector<16xi32> to vector<16x1xi32>
      %gather3A_389 = vector.shape_cast %broadcast_in_dim3A_388 : vector<16x1xi32> to vector<16xi32>
      %gather3A_390 = tpu.dynamic_gather %or3A_387[%gather3A_389] in [0] : vector<16xi32>, vector<16xi32> -> vector<16xi32>
      %max3A_391 = arith.maxsi %or3A_387, %gather3A_390 : vector<16xi32>
      %broadcast_in_dim3A_392 = vector.shape_cast %xor3A_370 : vector<16xi32> to vector<16x1xi32>
      %gather3A_393 = vector.shape_cast %broadcast_in_dim3A_392 : vector<16x1xi32> to vector<16xi32>
      %gather3A_394 = tpu.dynamic_gather %max3A_391[%gather3A_393] in [0] : vector<16xi32>, vector<16xi32> -> vector<16xi32>
      %max3A_395 = arith.maxsi %max3A_391, %gather3A_394 : vector<16xi32>
      %eq3A_396 = arith.cmpi eq, %or3A_387, %max3A_395 : vector<16xi32>
      %jit3A_397 = arith.constant 0.000000e+00 : f32
      %broadcast_in_dim3A_398 = vector.broadcast %jit3A_397 : f32 to vector<16xf32>
      %select_n3A_399 = arith.select %eq3A_396, %get3A_363, %broadcast_in_dim3A_398 : vector<16xi1>, vector<16xf32>
      %swap3A_400 = arith.index_cast %add3A_360 : i32 to index
      %swap3A_401 = tpu.vector_load %arg7[%swap3A_400] {strides = array<i32>} : memref<16384xf32, #tpu.memory_space<vmem>>, vector<16xf32>,
      %swap3A_402 = vector.shape_cast %swap3A_401 : vector<16xf32> to vector<16xf32>
      %swap3A_403 = vector.shape_cast %select_n3A_399 : vector<16xf32> to vector<16xf32>
      tpu.vector_store %arg7[%swap3A_400], %swap3A_403 {strides = array<i32>} : memref<16384xf32, #tpu.memory_space<vmem>>, vector<16xf32>,
      %add3A_404 = arith.constant 48 : i32
      %add3A_405 = arith.addi %mul3A_283, %add3A_404 : i32
      %get3A_406 = arith.index_cast %add3A_405 : i32 to index
      %get3A_407 = tpu.vector_load %arg5[%get3A_406] {strides = array<i32>} : memref<16384xf32, #tpu.memory_space<vmem>>, vector<16xf32>,
      %get3A_408 = vector.shape_cast %get3A_407 : vector<16xf32> to vector<16xf32>
      %iota3A_409 = tpu.iota {dimensions = array<i32: 0>} : vector<16xi32>
      %xor3A_410 = arith.constant 1 : i32
      %xor3A_411 = vector.broadcast %xor3A_410 : i32 to vector<16xi32>
      %xor3A_412 = arith.xori %iota3A_409, %xor3A_411 : vector<16xi32>
      %xor3A_413 = arith.constant 2 : i32
      %xor3A_414 = vector.broadcast %xor3A_413 : i32 to vector<16xi32>
      %xor3A_415 = arith.xori %iota3A_409, %xor3A_414 : vector<16xi32>
      %not3A_416 = arith.constant dense<-1> : vector<16xi32>
      %not3A_417 = arith.xori %iota3A_409, %not3A_416 : vector<16xi32>
      %and3A_418 = arith.constant 3 : i32
      %and3A_419 = vector.broadcast %and3A_418 : i32 to vector<16xi32>
      %and3A_420 = arith.andi %not3A_417, %and3A_419 : vector<16xi32>
      %bitcast_convert_type3A_421 = tpu.bitcast %get3A_408 : vector<16xf32> -> vector<16xi32>
      %shift_right_arithmetic3A_422 = arith.constant 31 : i32
      %shift_right_arithmetic3A_423 = vector.broadcast %shift_right_arithmetic3A_422 : i32 to vector<16xi32>
      %shift_right_arithmetic3A_424 = arith.shrsi %bitcast_convert_type3A_421, %shift_right_arithmetic3A_423 : vector<16xi32>
      %and3A_425 = arith.constant 2147483647 : i32
      %and3A_426 = vector.broadcast %and3A_425 : i32 to vector<16xi32>
      %and3A_427 = arith.andi %shift_right_arithmetic3A_424, %and3A_426 : vector<16xi32>
      %xor3A_428 = arith.xori %bitcast_convert_type3A_421, %and3A_427 : vector<16xi32>
      %and3A_429 = arith.constant -4 : i32
      %and3A_430 = vector.broadcast %and3A_429 : i32 to vector<16xi32>
      %and3A_431 = arith.andi %xor3A_428, %and3A_430 : vector<16xi32>
      %or3A_432 = arith.ori %and3A_431, %and3A_420 : vector<16xi32>
      %broadcast_in_dim3A_433 = vector.shape_cast %xor3A_412 : vector<16xi32> to vector<16x1xi32>
      %gather3A_434 = vector.shape_cast %broadcast_in_dim3A_433 : vector<16x1xi32> to vector<16xi32>
      %gather3A_435 = tpu.dynamic_gather %or3A_432[%gather3A_434] in [0] : vector<16xi32>, vector<16xi32> -> vector<16xi32>
      %max3A_436 = arith.maxsi %or3A_432, %gather3A_435 : vector<16xi32>
      %broadcast_in_dim3A_437 = vector.shape_cast %xor3A_415 : vector<16xi32> to vector<16x1xi32>
      %gather3A_438 = vector.shape_cast %broadcast_in_dim3A_437 : vector<16x1xi32> to vector<16xi32>
      %gather3A_439 = tpu.dynamic_gather %max3A_436[%gather3A_438] in [0] : vector<16xi32>, vector<16xi32> -> vector<16xi32>
      %max3A_440 = arith.maxsi %max3A_436, %gather3A_439 : vector<16xi32>
      %eq3A_441 = arith.cmpi eq, %or3A_432, %max3A_440 : vector<16xi32>
      %jit3A_442 = arith.constant 0.000000e+00 : f32
      %broadcast_in_dim3A_443 = vector.broadcast %jit3A_442 : f32 to vector<16xf32>
      %select_n3A_444 = arith.select %eq3A_441, %get3A_408, %broadcast_in_dim3A_443 : vector<16xi1>, vector<16xf32>
      %swap3A_445 = arith.index_cast %add3A_405 : i32 to index
      %swap3A_446 = tpu.vector_load %arg7[%swap3A_445] {strides = array<i32>} : memref<16384xf32, #tpu.memory_space<vmem>>, vector<16xf32>,
      %swap3A_447 = vector.shape_cast %swap3A_446 : vector<16xf32> to vector<16xf32>
      %swap3A_448 = vector.shape_cast %select_n3A_444 : vector<16xf32> to vector<16xf32>
      tpu.vector_store %arg7[%swap3A_445], %swap3A_448 {strides = array<i32>} : memref<16384xf32, #tpu.memory_space<vmem>>, vector<16xf32>,
      %add3A_449 = arith.constant 64 : i32
      %add3A_450 = arith.addi %mul3A_283, %add3A_449 : i32
      %get3A_451 = arith.index_cast %add3A_450 : i32 to index
      %get3A_452 = tpu.vector_load %arg5[%get3A_451] {strides = array<i32>} : memref<16384xf32, #tpu.memory_space<vmem>>, vector<16xf32>,
      %get3A_453 = vector.shape_cast %get3A_452 : vector<16xf32> to vector<16xf32>
      %iota3A_454 = tpu.iota {dimensions = array<i32: 0>} : vector<16xi32>
      %xor3A_455 = arith.constant 1 : i32
      %xor3A_456 = vector.broadcast %xor3A_455 : i32 to vector<16xi32>
      %xor3A_457 = arith.xori %iota3A_454, %xor3A_456 : vector<16xi32>
      %xor3A_458 = arith.constant 2 : i32
      %xor3A_459 = vector.broadcast %xor3A_458 : i32 to vector<16xi32>
      %xor3A_460 = arith.xori %iota3A_454, %xor3A_459 : vector<16xi32>
      %not3A_461 = arith.constant dense<-1> : vector<16xi32>
      %not3A_462 = arith.xori %iota3A_454, %not3A_461 : vector<16xi32>
      %and3A_463 = arith.constant 3 : i32
      %and3A_464 = vector.broadcast %and3A_463 : i32 to vector<16xi32>
      %and3A_465 = arith.andi %not3A_462, %and3A_464 : vector<16xi32>
      %bitcast_convert_type3A_466 = tpu.bitcast %get3A_453 : vector<16xf32> -> vector<16xi32>
      %shift_right_arithmetic3A_467 = arith.constant 31 : i32
      %shift_right_arithmetic3A_468 = vector.broadcast %shift_right_arithmetic3A_467 : i32 to vector<16xi32>
      %shift_right_arithmetic3A_469 = arith.shrsi %bitcast_convert_type3A_466, %shift_right_arithmetic3A_468 : vector<16xi32>
      %and3A_470 = arith.constant 2147483647 : i32
      %and3A_471 = vector.broadcast %and3A_470 : i32 to vector<16xi32>
      %and3A_472 = arith.andi %shift_right_arithmetic3A_469, %and3A_471 : vector<16xi32>
      %xor3A_473 = arith.xori %bitcast_convert_type3A_466, %and3A_472 : vector<16xi32>
      %and3A_474 = arith.constant -4 : i32
      %and3A_475 = vector.broadcast %and3A_474 : i32 to vector<16xi32>
      %and3A_476 = arith.andi %xor3A_473, %and3A_475 : vector<16xi32>
      %or3A_477 = arith.ori %and3A_476, %and3A_465 : vector<16xi32>
      %broadcast_in_dim3A_478 = vector.shape_cast %xor3A_457 : vector<16xi32> to vector<16x1xi32>
      %gather3A_479 = vector.shape_cast %broadcast_in_dim3A_478 : vector<16x1xi32> to vector<16xi32>
      %gather3A_480 = tpu.dynamic_gather %or3A_477[%gather3A_479] in [0] : vector<16xi32>, vector<16xi32> -> vector<16xi32>
      %max3A_481 = arith.maxsi %or3A_477, %gather3A_480 : vector<16xi32>
      %broadcast_in_dim3A_482 = vector.shape_cast %xor3A_460 : vector<16xi32> to vector<16x1xi32>
      %gather3A_483 = vector.shape_cast %broadcast_in_dim3A_482 : vector<16x1xi32> to vector<16xi32>
      %gather3A_484 = tpu.dynamic_gather %max3A_481[%gather3A_483] in [0] : vector<16xi32>, vector<16xi32> -> vector<16xi32>
      %max3A_485 = arith.maxsi %max3A_481, %gather3A_484 : vector<16xi32>
      %eq3A_486 = arith.cmpi eq, %or3A_477, %max3A_485 : vector<16xi32>
      %jit3A_487 = arith.constant 0.000000e+00 : f32
      %broadcast_in_dim3A_488 = vector.broadcast %jit3A_487 : f32 to vector<16xf32>
      %select_n3A_489 = arith.select %eq3A_486, %get3A_453, %broadcast_in_dim3A_488 : vector<16xi1>, vector<16xf32>
      %swap3A_490 = arith.index_cast %add3A_450 : i32 to index
      %swap3A_491 = tpu.vector_load %arg7[%swap3A_490] {strides = array<i32>} : memref<16384xf32, #tpu.memory_space<vmem>>, vector<16xf32>,
      %swap3A_492 = vector.shape_cast %swap3A_491 : vector<16xf32> to vector<16xf32>
      %swap3A_493 = vector.shape_cast %select_n3A_489 : vector<16xf32> to vector<16xf32>
      tpu.vector_store %arg7[%swap3A_490], %swap3A_493 {strides = array<i32>} : memref<16384xf32, #tpu.memory_space<vmem>>, vector<16xf32>,
      %add3A_494 = arith.constant 80 : i32
      %add3A_495 = arith.addi %mul3A_283, %add3A_494 : i32
      %get3A_496 = arith.index_cast %add3A_495 : i32 to index
      %get3A_497 = tpu.vector_load %arg5[%get3A_496] {strides = array<i32>} : memref<16384xf32, #tpu.memory_space<vmem>>, vector<16xf32>,
      %get3A_498 = vector.shape_cast %get3A_497 : vector<16xf32> to vector<16xf32>
      %iota3A_499 = tpu.iota {dimensions = array<i32: 0>} : vector<16xi32>
      %xor3A_500 = arith.constant 1 : i32
      %xor3A_501 = vector.broadcast %xor3A_500 : i32 to vector<16xi32>
      %xor3A_502 = arith.xori %iota3A_499, %xor3A_501 : vector<16xi32>
      %xor3A_503 = arith.constant 2 : i32
      %xor3A_504 = vector.broadcast %xor3A_503 : i32 to vector<16xi32>
      %xor3A_505 = arith.xori %iota3A_499, %xor3A_504 : vector<16xi32>
      %not3A_506 = arith.constant dense<-1> : vector<16xi32>
      %not3A_507 = arith.xori %iota3A_499, %not3A_506 : vector<16xi32>
      %and3A_508 = arith.constant 3 : i32
      %and3A_509 = vector.broadcast %and3A_508 : i32 to vector<16xi32>
      %and3A_510 = arith.andi %not3A_507, %and3A_509 : vector<16xi32>
      %bitcast_convert_type3A_511 = tpu.bitcast %get3A_498 : vector<16xf32> -> vector<16xi32>
      %shift_right_arithmetic3A_512 = arith.constant 31 : i32
      %shift_right_arithmetic3A_513 = vector.broadcast %shift_right_arithmetic3A_512 : i32 to vector<16xi32>
      %shift_right_arithmetic3A_514 = arith.shrsi %bitcast_convert_type3A_511, %shift_right_arithmetic3A_513 : vector<16xi32>
      %and3A_515 = arith.constant 2147483647 : i32
      %and3A_516 = vector.broadcast %and3A_515 : i32 to vector<16xi32>
      %and3A_517 = arith.andi %shift_right_arithmetic3A_514, %and3A_516 : vector<16xi32>
      %xor3A_518 = arith.xori %bitcast_convert_type3A_511, %and3A_517 : vector<16xi32>
      %and3A_519 = arith.constant -4 : i32
      %and3A_520 = vector.broadcast %and3A_519 : i32 to vector<16xi32>
      %and3A_521 = arith.andi %xor3A_518, %and3A_520 : vector<16xi32>
      %or3A_522 = arith.ori %and3A_521, %and3A_510 : vector<16xi32>
      %broadcast_in_dim3A_523 = vector.shape_cast %xor3A_502 : vector<16xi32> to vector<16x1xi32>
      %gather3A_524 = vector.shape_cast %broadcast_in_dim3A_523 : vector<16x1xi32> to vector<16xi32>
      %gather3A_525 = tpu.dynamic_gather %or3A_522[%gather3A_524] in [0] : vector<16xi32>, vector<16xi32> -> vector<16xi32>
      %max3A_526 = arith.maxsi %or3A_522, %gather3A_525 : vector<16xi32>
      %broadcast_in_dim3A_527 = vector.shape_cast %xor3A_505 : vector<16xi32> to vector<16x1xi32>
      %gather3A_528 = vector.shape_cast %broadcast_in_dim3A_527 : vector<16x1xi32> to vector<16xi32>
      %gather3A_529 = tpu.dynamic_gather %max3A_526[%gather3A_528] in [0] : vector<16xi32>, vector<16xi32> -> vector<16xi32>
      %max3A_530 = arith.maxsi %max3A_526, %gather3A_529 : vector<16xi32>
      %eq3A_531 = arith.cmpi eq, %or3A_522, %max3A_530 : vector<16xi32>
      %jit3A_532 = arith.constant 0.000000e+00 : f32
      %broadcast_in_dim3A_533 = vector.broadcast %jit3A_532 : f32 to vector<16xf32>
      %select_n3A_534 = arith.select %eq3A_531, %get3A_498, %broadcast_in_dim3A_533 : vector<16xi1>, vector<16xf32>
      %swap3A_535 = arith.index_cast %add3A_495 : i32 to index
      %swap3A_536 = tpu.vector_load %arg7[%swap3A_535] {strides = array<i32>} : memref<16384xf32, #tpu.memory_space<vmem>>, vector<16xf32>,
      %swap3A_537 = vector.shape_cast %swap3A_536 : vector<16xf32> to vector<16xf32>
      %swap3A_538 = vector.shape_cast %select_n3A_534 : vector<16xf32> to vector<16xf32>
      tpu.vector_store %arg7[%swap3A_535], %swap3A_538 {strides = array<i32>} : memref<16384xf32, #tpu.memory_space<vmem>>, vector<16xf32>,
      %add3A_539 = arith.constant 96 : i32
      %add3A_540 = arith.addi %mul3A_283, %add3A_539 : i32
      %get3A_541 = arith.index_cast %add3A_540 : i32 to index
      %get3A_542 = tpu.vector_load %arg5[%get3A_541] {strides = array<i32>} : memref<16384xf32, #tpu.memory_space<vmem>>, vector<16xf32>,
      %get3A_543 = vector.shape_cast %get3A_542 : vector<16xf32> to vector<16xf32>
      %iota3A_544 = tpu.iota {dimensions = array<i32: 0>} : vector<16xi32>
      %xor3A_545 = arith.constant 1 : i32
      %xor3A_546 = vector.broadcast %xor3A_545 : i32 to vector<16xi32>
      %xor3A_547 = arith.xori %iota3A_544, %xor3A_546 : vector<16xi32>
      %xor3A_548 = arith.constant 2 : i32
      %xor3A_549 = vector.broadcast %xor3A_548 : i32 to vector<16xi32>
      %xor3A_550 = arith.xori %iota3A_544, %xor3A_549 : vector<16xi32>
      %not3A_551 = arith.constant dense<-1> : vector<16xi32>
      %not3A_552 = arith.xori %iota3A_544, %not3A_551 : vector<16xi32>
      %and3A_553 = arith.constant 3 : i32
      %and3A_554 = vector.broadcast %and3A_553 : i32 to vector<16xi32>
      %and3A_555 = arith.andi %not3A_552, %and3A_554 : vector<16xi32>
      %bitcast_convert_type3A_556 = tpu.bitcast %get3A_543 : vector<16xf32> -> vector<16xi32>
      %shift_right_arithmetic3A_557 = arith.constant 31 : i32
      %shift_right_arithmetic3A_558 = vector.broadcast %shift_right_arithmetic3A_557 : i32 to vector<16xi32>
      %shift_right_arithmetic3A_559 = arith.shrsi %bitcast_convert_type3A_556, %shift_right_arithmetic3A_558 : vector<16xi32>
      %and3A_560 = arith.constant 2147483647 : i32
      %and3A_561 = vector.broadcast %and3A_560 : i32 to vector<16xi32>
      %and3A_562 = arith.andi %shift_right_arithmetic3A_559, %and3A_561 : vector<16xi32>
      %xor3A_563 = arith.xori %bitcast_convert_type3A_556, %and3A_562 : vector<16xi32>
      %and3A_564 = arith.constant -4 : i32
      %and3A_565 = vector.broadcast %and3A_564 : i32 to vector<16xi32>
      %and3A_566 = arith.andi %xor3A_563, %and3A_565 : vector<16xi32>
      %or3A_567 = arith.ori %and3A_566, %and3A_555 : vector<16xi32>
      %broadcast_in_dim3A_568 = vector.shape_cast %xor3A_547 : vector<16xi32> to vector<16x1xi32>
      %gather3A_569 = vector.shape_cast %broadcast_in_dim3A_568 : vector<16x1xi32> to vector<16xi32>
      %gather3A_570 = tpu.dynamic_gather %or3A_567[%gather3A_569] in [0] : vector<16xi32>, vector<16xi32> -> vector<16xi32>
      %max3A_571 = arith.maxsi %or3A_567, %gather3A_570 : vector<16xi32>
      %broadcast_in_dim3A_572 = vector.shape_cast %xor3A_550 : vector<16xi32> to vector<16x1xi32>
      %gather3A_573 = vector.shape_cast %broadcast_in_dim3A_572 : vector<16x1xi32> to vector<16xi32>
      %gather3A_574 = tpu.dynamic_gather %max3A_571[%gather3A_573] in [0] : vector<16xi32>, vector<16xi32> -> vector<16xi32>
      %max3A_575 = arith.maxsi %max3A_571, %gather3A_574 : vector<16xi32>
      %eq3A_576 = arith.cmpi eq, %or3A_567, %max3A_575 : vector<16xi32>
      %jit3A_577 = arith.constant 0.000000e+00 : f32
      %broadcast_in_dim3A_578 = vector.broadcast %jit3A_577 : f32 to vector<16xf32>
      %select_n3A_579 = arith.select %eq3A_576, %get3A_543, %broadcast_in_dim3A_578 : vector<16xi1>, vector<16xf32>
      %swap3A_580 = arith.index_cast %add3A_540 : i32 to index
      %swap3A_581 = tpu.vector_load %arg7[%swap3A_580] {strides = array<i32>} : memref<16384xf32, #tpu.memory_space<vmem>>, vector<16xf32>,
      %swap3A_582 = vector.shape_cast %swap3A_581 : vector<16xf32> to vector<16xf32>
      %swap3A_583 = vector.shape_cast %select_n3A_579 : vector<16xf32> to vector<16xf32>
      tpu.vector_store %arg7[%swap3A_580], %swap3A_583 {strides = array<i32>} : memref<16384xf32, #tpu.memory_space<vmem>>, vector<16xf32>,
      %add3A_584 = arith.constant 112 : i32
      %add3A_585 = arith.addi %mul3A_283, %add3A_584 : i32
      %get3A_586 = arith.index_cast %add3A_585 : i32 to index
      %get3A_587 = tpu.vector_load %arg5[%get3A_586] {strides = array<i32>} : memref<16384xf32, #tpu.memory_space<vmem>>, vector<16xf32>,
      %get3A_588 = vector.shape_cast %get3A_587 : vector<16xf32> to vector<16xf32>
      %iota3A_589 = tpu.iota {dimensions = array<i32: 0>} : vector<16xi32>
      %xor3A_590 = arith.constant 1 : i32
      %xor3A_591 = vector.broadcast %xor3A_590 : i32 to vector<16xi32>
      %xor3A_592 = arith.xori %iota3A_589, %xor3A_591 : vector<16xi32>
      %xor3A_593 = arith.constant 2 : i32
      %xor3A_594 = vector.broadcast %xor3A_593 : i32 to vector<16xi32>
      %xor3A_595 = arith.xori %iota3A_589, %xor3A_594 : vector<16xi32>
      %not3A_596 = arith.constant dense<-1> : vector<16xi32>
      %not3A_597 = arith.xori %iota3A_589, %not3A_596 : vector<16xi32>
      %and3A_598 = arith.constant 3 : i32
      %and3A_599 = vector.broadcast %and3A_598 : i32 to vector<16xi32>
      %and3A_600 = arith.andi %not3A_597, %and3A_599 : vector<16xi32>
      %bitcast_convert_type3A_601 = tpu.bitcast %get3A_588 : vector<16xf32> -> vector<16xi32>
      %shift_right_arithmetic3A_602 = arith.constant 31 : i32
      %shift_right_arithmetic3A_603 = vector.broadcast %shift_right_arithmetic3A_602 : i32 to vector<16xi32>
      %shift_right_arithmetic3A_604 = arith.shrsi %bitcast_convert_type3A_601, %shift_right_arithmetic3A_603 : vector<16xi32>
      %and3A_605 = arith.constant 2147483647 : i32
      %and3A_606 = vector.broadcast %and3A_605 : i32 to vector<16xi32>
      %and3A_607 = arith.andi %shift_right_arithmetic3A_604, %and3A_606 : vector<16xi32>
      %xor3A_608 = arith.xori %bitcast_convert_type3A_601, %and3A_607 : vector<16xi32>
      %and3A_609 = arith.constant -4 : i32
      %and3A_610 = vector.broadcast %and3A_609 : i32 to vector<16xi32>
      %and3A_611 = arith.andi %xor3A_608, %and3A_610 : vector<16xi32>
      %or3A_612 = arith.ori %and3A_611, %and3A_600 : vector<16xi32>
      %broadcast_in_dim3A_613 = vector.shape_cast %xor3A_592 : vector<16xi32> to vector<16x1xi32>
      %gather3A_614 = vector.shape_cast %broadcast_in_dim3A_613 : vector<16x1xi32> to vector<16xi32>
      %gather3A_615 = tpu.dynamic_gather %or3A_612[%gather3A_614] in [0] : vector<16xi32>, vector<16xi32> -> vector<16xi32>
      %max3A_616 = arith.maxsi %or3A_612, %gather3A_615 : vector<16xi32>
      %broadcast_in_dim3A_617 = vector.shape_cast %xor3A_595 : vector<16xi32> to vector<16x1xi32>
      %gather3A_618 = vector.shape_cast %broadcast_in_dim3A_617 : vector<16x1xi32> to vector<16xi32>
      %gather3A_619 = tpu.dynamic_gather %max3A_616[%gather3A_618] in [0] : vector<16xi32>, vector<16xi32> -> vector<16xi32>
      %max3A_620 = arith.maxsi %max3A_616, %gather3A_619 : vector<16xi32>
      %eq3A_621 = arith.cmpi eq, %or3A_612, %max3A_620 : vector<16xi32>
      %jit3A_622 = arith.constant 0.000000e+00 : f32
      %broadcast_in_dim3A_623 = vector.broadcast %jit3A_622 : f32 to vector<16xf32>
      %select_n3A_624 = arith.select %eq3A_621, %get3A_588, %broadcast_in_dim3A_623 : vector<16xi1>, vector<16xf32>
      %swap3A_625 = arith.index_cast %add3A_585 : i32 to index
      %swap3A_626 = tpu.vector_load %arg7[%swap3A_625] {strides = array<i32>} : memref<16384xf32, #tpu.memory_space<vmem>>, vector<16xf32>,
      %swap3A_627 = vector.shape_cast %swap3A_626 : vector<16xf32> to vector<16xf32>
      %swap3A_628 = vector.shape_cast %select_n3A_624 : vector<16xf32> to vector<16xf32>
      tpu.vector_store %arg7[%swap3A_625], %swap3A_628 {strides = array<i32>} : memref<16384xf32, #tpu.memory_space<vmem>>, vector<16xf32>,
      %scan3A_629 = arith.constant 0 : i32
      scf.yield %scan3A_629 : i32
    }
    %scan3A_197 = arith.constant 128 : i32
    %add3A_198 = arith.constant 2 : i32
    %add3A_199 = arith.addi %mul3A_2, %add3A_198 : i32
    %dma_start3A_200 = arith.constant 16384 : i32
    %dma_start3A_201 = tpu.memref_slice %arg3[%add3A_199, %dma_start3A_200] : memref<128x32768xf32, #tpu.memory_space<hbm>> -> memref<1x16384xf32, #tpu.memory_space<hbm>>
    %dma_start3A_202 = tpu.memref_squeeze %dma_start3A_201 : memref<1x16384xf32, #tpu.memory_space<hbm>> -> memref<16384xf32, #tpu.memory_space<hbm>>
    %dma_start3A_203 = arith.constant 16384 : i32
    %dma_start3A_204 = tpu.memref_slice %arg3[%add3A_199, %dma_start3A_203] : memref<128x32768xf32, #tpu.memory_space<hbm>> -> memref<1x16384xf32, #tpu.memory_space<hbm>>
    %dma_start3A_205 = tpu.memref_squeeze %dma_start3A_204 : memref<1x16384xf32, #tpu.memory_space<hbm>> -> memref<16384xf32, #tpu.memory_space<hbm>>
    tpu.enqueue_dma source(%arg7 : memref<16384xf32, #tpu.memory_space<vmem>>) target(%dma_start3A_205 : memref<16384xf32, #tpu.memory_space<hbm>>) target_semaphore(%arg11 : memref<!tpu.dma_semaphore, #tpu.memory_space<semaphore_mem>>)
    %add3A_206 = arith.constant 3 : i32
    %add3A_207 = arith.addi %mul3A_2, %add3A_206 : i32
    %dma_start3A_208 = arith.constant 16384 : i32
    %dma_start3A_209 = tpu.memref_slice %arg2[%add3A_207, %dma_start3A_208] : memref<128x32768xf32, #tpu.memory_space<hbm>> -> memref<1x16384xf32, #tpu.memory_space<hbm>>
    %dma_start3A_210 = tpu.memref_squeeze %dma_start3A_209 : memref<1x16384xf32, #tpu.memory_space<hbm>> -> memref<16384xf32, #tpu.memory_space<hbm>>
    %dma_start3A_211 = arith.constant 16384 : i32
    %dma_start3A_212 = tpu.memref_slice %arg2[%add3A_207, %dma_start3A_211] : memref<128x32768xf32, #tpu.memory_space<hbm>> -> memref<1x16384xf32, #tpu.memory_space<hbm>>
    %dma_start3A_213 = tpu.memref_squeeze %dma_start3A_212 : memref<1x16384xf32, #tpu.memory_space<hbm>> -> memref<16384xf32, #tpu.memory_space<hbm>>
    tpu.enqueue_dma source(%dma_start3A_213 : memref<16384xf32, #tpu.memory_space<hbm>>) target(%arg5 : memref<16384xf32, #tpu.memory_space<vmem>>) target_semaphore(%arg9 : memref<!tpu.dma_semaphore, #tpu.memory_space<semaphore_mem>>)
    %dma_wait3A_214 = arith.constant 0 : i32
    %dma_wait3A_215 = tpu.memref_slice %arg2[%add3A_172, %dma_wait3A_214] : memref<128x32768xf32, #tpu.memory_space<hbm>> -> memref<1x16384xf32, #tpu.memory_space<hbm>>
    %dma_wait3A_216 = tpu.memref_squeeze %dma_wait3A_215 : memref<1x16384xf32, #tpu.memory_space<hbm>> -> memref<16384xf32, #tpu.memory_space<hbm>>
    %dma_wait3A_217 = arith.constant 0 : i32
    %dma_wait3A_218 = tpu.memref_slice %arg2[%add3A_172, %dma_wait3A_217] : memref<128x32768xf32, #tpu.memory_space<hbm>> -> memref<1x16384xf32, #tpu.memory_space<hbm>>
    %dma_wait3A_219 = tpu.memref_squeeze %dma_wait3A_218 : memref<1x16384xf32, #tpu.memory_space<hbm>> -> memref<16384xf32, #tpu.memory_space<hbm>>
    tpu.wait_dma2 semaphore(%arg8 : memref<!tpu.dma_semaphore, #tpu.memory_space<semaphore_mem>>) src(%dma_wait3A_219 : memref<16384xf32, #tpu.memory_space<hbm>>) dst(%arg4 : memref<16384xf32, #tpu.memory_space<vmem>>)
    %dma_wait3A_220 = arith.constant 0 : i32
    %dma_wait3A_221 = tpu.memref_slice %arg3[%add3A_164, %dma_wait3A_220] : memref<128x32768xf32, #tpu.memory_space<hbm>> -> memref<1x16384xf32, #tpu.memory_space<hbm>>
    %dma_wait3A_222 = tpu.memref_squeeze %dma_wait3A_221 : memref<1x16384xf32, #tpu.memory_space<hbm>> -> memref<16384xf32, #tpu.memory_space<hbm>>
    %dma_wait3A_223 = arith.constant 0 : i32
    %dma_wait3A_224 = tpu.memref_slice %arg3[%add3A_164, %dma_wait3A_223] : memref<128x32768xf32, #tpu.memory_space<hbm>> -> memref<1x16384xf32, #tpu.memory_space<hbm>>
    %dma_wait3A_225 = tpu.memref_squeeze %dma_wait3A_224 : memref<1x16384xf32, #tpu.memory_space<hbm>> -> memref<16384xf32, #tpu.memory_space<hbm>>
    tpu.wait_dma2 semaphore(%arg10 : memref<!tpu.dma_semaphore, #tpu.memory_space<semaphore_mem>>) src(%arg6 : memref<16384xf32, #tpu.memory_space<vmem>>) dst(%dma_wait3A_225 : memref<16384xf32, #tpu.memory_space<hbm>>)
    %scan3A_226 = arith.constant 0 : i32
    %scan3A_227 = arith.constant 0 : i32
    %scan3A_228 = arith.constant 128 : i32
    %scan3A_229 = arith.addi %scan3A_227, %scan3A_228 : i32
    %scan3A_230 = arith.constant 1 : i32
    %scan3A_231 = scf.for %scan3A_280 = %scan3A_227 to %scan3A_229 step %scan3A_230 iter_args(%scan3A_281 = %scan3A_226) -> (i32)  : i32 {
      %mul3A_282 = arith.constant 128 : i32
      %mul3A_283 = arith.muli %scan3A_280, %mul3A_282 : i32
      %add3A_284 = arith.constant 0 : i32
      %add3A_285 = arith.addi %mul3A_283, %add3A_284 : i32
      %get3A = arith.index_cast %add3A_285 : i32 to index
      %get3A_286 = tpu.vector_load %arg4[%get3A] {strides = array<i32>} : memref<16384xf32, #tpu.memory_space<vmem>>, vector<16xf32>,
      %get3A_287 = vector.shape_cast %get3A_286 : vector<16xf32> to vector<16xf32>
      %iota3A = tpu.iota {dimensions = array<i32: 0>} : vector<16xi32>
      %xor3A = arith.constant 1 : i32
      %xor3A_288 = vector.broadcast %xor3A : i32 to vector<16xi32>
      %xor3A_289 = arith.xori %iota3A, %xor3A_288 : vector<16xi32>
      %xor3A_290 = arith.constant 2 : i32
      %xor3A_291 = vector.broadcast %xor3A_290 : i32 to vector<16xi32>
      %xor3A_292 = arith.xori %iota3A, %xor3A_291 : vector<16xi32>
      %not3A = arith.constant dense<-1> : vector<16xi32>
      %not3A_293 = arith.xori %iota3A, %not3A : vector<16xi32>
      %and3A = arith.constant 3 : i32
      %and3A_294 = vector.broadcast %and3A : i32 to vector<16xi32>
      %and3A_295 = arith.andi %not3A_293, %and3A_294 : vector<16xi32>
      %bitcast_convert_type3A = tpu.bitcast %get3A_287 : vector<16xf32> -> vector<16xi32>
      %shift_right_arithmetic3A = arith.constant 31 : i32
      %shift_right_arithmetic3A_296 = vector.broadcast %shift_right_arithmetic3A : i32 to vector<16xi32>
      %shift_right_arithmetic3A_297 = arith.shrsi %bitcast_convert_type3A, %shift_right_arithmetic3A_296 : vector<16xi32>
      %and3A_298 = arith.constant 2147483647 : i32
      %and3A_299 = vector.broadcast %and3A_298 : i32 to vector<16xi32>
      %and3A_300 = arith.andi %shift_right_arithmetic3A_297, %and3A_299 : vector<16xi32>
      %xor3A_301 = arith.xori %bitcast_convert_type3A, %and3A_300 : vector<16xi32>
      %and3A_302 = arith.constant -4 : i32
      %and3A_303 = vector.broadcast %and3A_302 : i32 to vector<16xi32>
      %and3A_304 = arith.andi %xor3A_301, %and3A_303 : vector<16xi32>
      %or3A = arith.ori %and3A_304, %and3A_295 : vector<16xi32>
      %broadcast_in_dim3A = vector.shape_cast %xor3A_289 : vector<16xi32> to vector<16x1xi32>
      %gather3A = vector.shape_cast %broadcast_in_dim3A : vector<16x1xi32> to vector<16xi32>
      %gather3A_305 = tpu.dynamic_gather %or3A[%gather3A] in [0] : vector<16xi32>, vector<16xi32> -> vector<16xi32>
      %max3A = arith.maxsi %or3A, %gather3A_305 : vector<16xi32>
      %broadcast_in_dim3A_306 = vector.shape_cast %xor3A_292 : vector<16xi32> to vector<16x1xi32>
      %gather3A_307 = vector.shape_cast %broadcast_in_dim3A_306 : vector<16x1xi32> to vector<16xi32>
      %gather3A_308 = tpu.dynamic_gather %max3A[%gather3A_307] in [0] : vector<16xi32>, vector<16xi32> -> vector<16xi32>
      %max3A_309 = arith.maxsi %max3A, %gather3A_308 : vector<16xi32>
      %eq3A = arith.cmpi eq, %or3A, %max3A_309 : vector<16xi32>
      %jit3A = arith.constant 0.000000e+00 : f32
      %broadcast_in_dim3A_310 = vector.broadcast %jit3A : f32 to vector<16xf32>
      %select_n3A = arith.select %eq3A, %get3A_287, %broadcast_in_dim3A_310 : vector<16xi1>, vector<16xf32>
      %swap3A = arith.index_cast %add3A_285 : i32 to index
      %swap3A_311 = tpu.vector_load %arg6[%swap3A] {strides = array<i32>} : memref<16384xf32, #tpu.memory_space<vmem>>, vector<16xf32>,
      %swap3A_312 = vector.shape_cast %swap3A_311 : vector<16xf32> to vector<16xf32>
      %swap3A_313 = vector.shape_cast %select_n3A : vector<16xf32> to vector<16xf32>
      tpu.vector_store %arg6[%swap3A], %swap3A_313 {strides = array<i32>} : memref<16384xf32, #tpu.memory_space<vmem>>, vector<16xf32>,
      %add3A_314 = arith.constant 16 : i32
      %add3A_315 = arith.addi %mul3A_283, %add3A_314 : i32
      %get3A_316 = arith.index_cast %add3A_315 : i32 to index
      %get3A_317 = tpu.vector_load %arg4[%get3A_316] {strides = array<i32>} : memref<16384xf32, #tpu.memory_space<vmem>>, vector<16xf32>,
      %get3A_318 = vector.shape_cast %get3A_317 : vector<16xf32> to vector<16xf32>
      %iota3A_319 = tpu.iota {dimensions = array<i32: 0>} : vector<16xi32>
      %xor3A_320 = arith.constant 1 : i32
      %xor3A_321 = vector.broadcast %xor3A_320 : i32 to vector<16xi32>
      %xor3A_322 = arith.xori %iota3A_319, %xor3A_321 : vector<16xi32>
      %xor3A_323 = arith.constant 2 : i32
      %xor3A_324 = vector.broadcast %xor3A_323 : i32 to vector<16xi32>
      %xor3A_325 = arith.xori %iota3A_319, %xor3A_324 : vector<16xi32>
      %not3A_326 = arith.constant dense<-1> : vector<16xi32>
      %not3A_327 = arith.xori %iota3A_319, %not3A_326 : vector<16xi32>
      %and3A_328 = arith.constant 3 : i32
      %and3A_329 = vector.broadcast %and3A_328 : i32 to vector<16xi32>
      %and3A_330 = arith.andi %not3A_327, %and3A_329 : vector<16xi32>
      %bitcast_convert_type3A_331 = tpu.bitcast %get3A_318 : vector<16xf32> -> vector<16xi32>
      %shift_right_arithmetic3A_332 = arith.constant 31 : i32
      %shift_right_arithmetic3A_333 = vector.broadcast %shift_right_arithmetic3A_332 : i32 to vector<16xi32>
      %shift_right_arithmetic3A_334 = arith.shrsi %bitcast_convert_type3A_331, %shift_right_arithmetic3A_333 : vector<16xi32>
      %and3A_335 = arith.constant 2147483647 : i32
      %and3A_336 = vector.broadcast %and3A_335 : i32 to vector<16xi32>
      %and3A_337 = arith.andi %shift_right_arithmetic3A_334, %and3A_336 : vector<16xi32>
      %xor3A_338 = arith.xori %bitcast_convert_type3A_331, %and3A_337 : vector<16xi32>
      %and3A_339 = arith.constant -4 : i32
      %and3A_340 = vector.broadcast %and3A_339 : i32 to vector<16xi32>
      %and3A_341 = arith.andi %xor3A_338, %and3A_340 : vector<16xi32>
      %or3A_342 = arith.ori %and3A_341, %and3A_330 : vector<16xi32>
      %broadcast_in_dim3A_343 = vector.shape_cast %xor3A_322 : vector<16xi32> to vector<16x1xi32>
      %gather3A_344 = vector.shape_cast %broadcast_in_dim3A_343 : vector<16x1xi32> to vector<16xi32>
      %gather3A_345 = tpu.dynamic_gather %or3A_342[%gather3A_344] in [0] : vector<16xi32>, vector<16xi32> -> vector<16xi32>
      %max3A_346 = arith.maxsi %or3A_342, %gather3A_345 : vector<16xi32>
      %broadcast_in_dim3A_347 = vector.shape_cast %xor3A_325 : vector<16xi32> to vector<16x1xi32>
      %gather3A_348 = vector.shape_cast %broadcast_in_dim3A_347 : vector<16x1xi32> to vector<16xi32>
      %gather3A_349 = tpu.dynamic_gather %max3A_346[%gather3A_348] in [0] : vector<16xi32>, vector<16xi32> -> vector<16xi32>
      %max3A_350 = arith.maxsi %max3A_346, %gather3A_349 : vector<16xi32>
      %eq3A_351 = arith.cmpi eq, %or3A_342, %max3A_350 : vector<16xi32>
      %jit3A_352 = arith.constant 0.000000e+00 : f32
      %broadcast_in_dim3A_353 = vector.broadcast %jit3A_352 : f32 to vector<16xf32>
      %select_n3A_354 = arith.select %eq3A_351, %get3A_318, %broadcast_in_dim3A_353 : vector<16xi1>, vector<16xf32>
      %swap3A_355 = arith.index_cast %add3A_315 : i32 to index
      %swap3A_356 = tpu.vector_load %arg6[%swap3A_355] {strides = array<i32>} : memref<16384xf32, #tpu.memory_space<vmem>>, vector<16xf32>,
      %swap3A_357 = vector.shape_cast %swap3A_356 : vector<16xf32> to vector<16xf32>
      %swap3A_358 = vector.shape_cast %select_n3A_354 : vector<16xf32> to vector<16xf32>
      tpu.vector_store %arg6[%swap3A_355], %swap3A_358 {strides = array<i32>} : memref<16384xf32, #tpu.memory_space<vmem>>, vector<16xf32>,
      %add3A_359 = arith.constant 32 : i32
      %add3A_360 = arith.addi %mul3A_283, %add3A_359 : i32
      %get3A_361 = arith.index_cast %add3A_360 : i32 to index
      %get3A_362 = tpu.vector_load %arg4[%get3A_361] {strides = array<i32>} : memref<16384xf32, #tpu.memory_space<vmem>>, vector<16xf32>,
      %get3A_363 = vector.shape_cast %get3A_362 : vector<16xf32> to vector<16xf32>
      %iota3A_364 = tpu.iota {dimensions = array<i32: 0>} : vector<16xi32>
      %xor3A_365 = arith.constant 1 : i32
      %xor3A_366 = vector.broadcast %xor3A_365 : i32 to vector<16xi32>
      %xor3A_367 = arith.xori %iota3A_364, %xor3A_366 : vector<16xi32>
      %xor3A_368 = arith.constant 2 : i32
      %xor3A_369 = vector.broadcast %xor3A_368 : i32 to vector<16xi32>
      %xor3A_370 = arith.xori %iota3A_364, %xor3A_369 : vector<16xi32>
      %not3A_371 = arith.constant dense<-1> : vector<16xi32>
      %not3A_372 = arith.xori %iota3A_364, %not3A_371 : vector<16xi32>
      %and3A_373 = arith.constant 3 : i32
      %and3A_374 = vector.broadcast %and3A_373 : i32 to vector<16xi32>
      %and3A_375 = arith.andi %not3A_372, %and3A_374 : vector<16xi32>
      %bitcast_convert_type3A_376 = tpu.bitcast %get3A_363 : vector<16xf32> -> vector<16xi32>
      %shift_right_arithmetic3A_377 = arith.constant 31 : i32
      %shift_right_arithmetic3A_378 = vector.broadcast %shift_right_arithmetic3A_377 : i32 to vector<16xi32>
      %shift_right_arithmetic3A_379 = arith.shrsi %bitcast_convert_type3A_376, %shift_right_arithmetic3A_378 : vector<16xi32>
      %and3A_380 = arith.constant 2147483647 : i32
      %and3A_381 = vector.broadcast %and3A_380 : i32 to vector<16xi32>
      %and3A_382 = arith.andi %shift_right_arithmetic3A_379, %and3A_381 : vector<16xi32>
      %xor3A_383 = arith.xori %bitcast_convert_type3A_376, %and3A_382 : vector<16xi32>
      %and3A_384 = arith.constant -4 : i32
      %and3A_385 = vector.broadcast %and3A_384 : i32 to vector<16xi32>
      %and3A_386 = arith.andi %xor3A_383, %and3A_385 : vector<16xi32>
      %or3A_387 = arith.ori %and3A_386, %and3A_375 : vector<16xi32>
      %broadcast_in_dim3A_388 = vector.shape_cast %xor3A_367 : vector<16xi32> to vector<16x1xi32>
      %gather3A_389 = vector.shape_cast %broadcast_in_dim3A_388 : vector<16x1xi32> to vector<16xi32>
      %gather3A_390 = tpu.dynamic_gather %or3A_387[%gather3A_389] in [0] : vector<16xi32>, vector<16xi32> -> vector<16xi32>
      %max3A_391 = arith.maxsi %or3A_387, %gather3A_390 : vector<16xi32>
      %broadcast_in_dim3A_392 = vector.shape_cast %xor3A_370 : vector<16xi32> to vector<16x1xi32>
      %gather3A_393 = vector.shape_cast %broadcast_in_dim3A_392 : vector<16x1xi32> to vector<16xi32>
      %gather3A_394 = tpu.dynamic_gather %max3A_391[%gather3A_393] in [0] : vector<16xi32>, vector<16xi32> -> vector<16xi32>
      %max3A_395 = arith.maxsi %max3A_391, %gather3A_394 : vector<16xi32>
      %eq3A_396 = arith.cmpi eq, %or3A_387, %max3A_395 : vector<16xi32>
      %jit3A_397 = arith.constant 0.000000e+00 : f32
      %broadcast_in_dim3A_398 = vector.broadcast %jit3A_397 : f32 to vector<16xf32>
      %select_n3A_399 = arith.select %eq3A_396, %get3A_363, %broadcast_in_dim3A_398 : vector<16xi1>, vector<16xf32>
      %swap3A_400 = arith.index_cast %add3A_360 : i32 to index
      %swap3A_401 = tpu.vector_load %arg6[%swap3A_400] {strides = array<i32>} : memref<16384xf32, #tpu.memory_space<vmem>>, vector<16xf32>,
      %swap3A_402 = vector.shape_cast %swap3A_401 : vector<16xf32> to vector<16xf32>
      %swap3A_403 = vector.shape_cast %select_n3A_399 : vector<16xf32> to vector<16xf32>
      tpu.vector_store %arg6[%swap3A_400], %swap3A_403 {strides = array<i32>} : memref<16384xf32, #tpu.memory_space<vmem>>, vector<16xf32>,
      %add3A_404 = arith.constant 48 : i32
      %add3A_405 = arith.addi %mul3A_283, %add3A_404 : i32
      %get3A_406 = arith.index_cast %add3A_405 : i32 to index
      %get3A_407 = tpu.vector_load %arg4[%get3A_406] {strides = array<i32>} : memref<16384xf32, #tpu.memory_space<vmem>>, vector<16xf32>,
      %get3A_408 = vector.shape_cast %get3A_407 : vector<16xf32> to vector<16xf32>
      %iota3A_409 = tpu.iota {dimensions = array<i32: 0>} : vector<16xi32>
      %xor3A_410 = arith.constant 1 : i32
      %xor3A_411 = vector.broadcast %xor3A_410 : i32 to vector<16xi32>
      %xor3A_412 = arith.xori %iota3A_409, %xor3A_411 : vector<16xi32>
      %xor3A_413 = arith.constant 2 : i32
      %xor3A_414 = vector.broadcast %xor3A_413 : i32 to vector<16xi32>
      %xor3A_415 = arith.xori %iota3A_409, %xor3A_414 : vector<16xi32>
      %not3A_416 = arith.constant dense<-1> : vector<16xi32>
      %not3A_417 = arith.xori %iota3A_409, %not3A_416 : vector<16xi32>
      %and3A_418 = arith.constant 3 : i32
      %and3A_419 = vector.broadcast %and3A_418 : i32 to vector<16xi32>
      %and3A_420 = arith.andi %not3A_417, %and3A_419 : vector<16xi32>
      %bitcast_convert_type3A_421 = tpu.bitcast %get3A_408 : vector<16xf32> -> vector<16xi32>
      %shift_right_arithmetic3A_422 = arith.constant 31 : i32
      %shift_right_arithmetic3A_423 = vector.broadcast %shift_right_arithmetic3A_422 : i32 to vector<16xi32>
      %shift_right_arithmetic3A_424 = arith.shrsi %bitcast_convert_type3A_421, %shift_right_arithmetic3A_423 : vector<16xi32>
      %and3A_425 = arith.constant 2147483647 : i32
      %and3A_426 = vector.broadcast %and3A_425 : i32 to vector<16xi32>
      %and3A_427 = arith.andi %shift_right_arithmetic3A_424, %and3A_426 : vector<16xi32>
      %xor3A_428 = arith.xori %bitcast_convert_type3A_421, %and3A_427 : vector<16xi32>
      %and3A_429 = arith.constant -4 : i32
      %and3A_430 = vector.broadcast %and3A_429 : i32 to vector<16xi32>
      %and3A_431 = arith.andi %xor3A_428, %and3A_430 : vector<16xi32>
      %or3A_432 = arith.ori %and3A_431, %and3A_420 : vector<16xi32>
      %broadcast_in_dim3A_433 = vector.shape_cast %xor3A_412 : vector<16xi32> to vector<16x1xi32>
      %gather3A_434 = vector.shape_cast %broadcast_in_dim3A_433 : vector<16x1xi32> to vector<16xi32>
      %gather3A_435 = tpu.dynamic_gather %or3A_432[%gather3A_434] in [0] : vector<16xi32>, vector<16xi32> -> vector<16xi32>
      %max3A_436 = arith.maxsi %or3A_432, %gather3A_435 : vector<16xi32>
      %broadcast_in_dim3A_437 = vector.shape_cast %xor3A_415 : vector<16xi32> to vector<16x1xi32>
      %gather3A_438 = vector.shape_cast %broadcast_in_dim3A_437 : vector<16x1xi32> to vector<16xi32>
      %gather3A_439 = tpu.dynamic_gather %max3A_436[%gather3A_438] in [0] : vector<16xi32>, vector<16xi32> -> vector<16xi32>
      %max3A_440 = arith.maxsi %max3A_436, %gather3A_439 : vector<16xi32>
      %eq3A_441 = arith.cmpi eq, %or3A_432, %max3A_440 : vector<16xi32>
      %jit3A_442 = arith.constant 0.000000e+00 : f32
      %broadcast_in_dim3A_443 = vector.broadcast %jit3A_442 : f32 to vector<16xf32>
      %select_n3A_444 = arith.select %eq3A_441, %get3A_408, %broadcast_in_dim3A_443 : vector<16xi1>, vector<16xf32>
      %swap3A_445 = arith.index_cast %add3A_405 : i32 to index
      %swap3A_446 = tpu.vector_load %arg6[%swap3A_445] {strides = array<i32>} : memref<16384xf32, #tpu.memory_space<vmem>>, vector<16xf32>,
      %swap3A_447 = vector.shape_cast %swap3A_446 : vector<16xf32> to vector<16xf32>
      %swap3A_448 = vector.shape_cast %select_n3A_444 : vector<16xf32> to vector<16xf32>
      tpu.vector_store %arg6[%swap3A_445], %swap3A_448 {strides = array<i32>} : memref<16384xf32, #tpu.memory_space<vmem>>, vector<16xf32>,
      %add3A_449 = arith.constant 64 : i32
      %add3A_450 = arith.addi %mul3A_283, %add3A_449 : i32
      %get3A_451 = arith.index_cast %add3A_450 : i32 to index
      %get3A_452 = tpu.vector_load %arg4[%get3A_451] {strides = array<i32>} : memref<16384xf32, #tpu.memory_space<vmem>>, vector<16xf32>,
      %get3A_453 = vector.shape_cast %get3A_452 : vector<16xf32> to vector<16xf32>
      %iota3A_454 = tpu.iota {dimensions = array<i32: 0>} : vector<16xi32>
      %xor3A_455 = arith.constant 1 : i32
      %xor3A_456 = vector.broadcast %xor3A_455 : i32 to vector<16xi32>
      %xor3A_457 = arith.xori %iota3A_454, %xor3A_456 : vector<16xi32>
      %xor3A_458 = arith.constant 2 : i32
      %xor3A_459 = vector.broadcast %xor3A_458 : i32 to vector<16xi32>
      %xor3A_460 = arith.xori %iota3A_454, %xor3A_459 : vector<16xi32>
      %not3A_461 = arith.constant dense<-1> : vector<16xi32>
      %not3A_462 = arith.xori %iota3A_454, %not3A_461 : vector<16xi32>
      %and3A_463 = arith.constant 3 : i32
      %and3A_464 = vector.broadcast %and3A_463 : i32 to vector<16xi32>
      %and3A_465 = arith.andi %not3A_462, %and3A_464 : vector<16xi32>
      %bitcast_convert_type3A_466 = tpu.bitcast %get3A_453 : vector<16xf32> -> vector<16xi32>
      %shift_right_arithmetic3A_467 = arith.constant 31 : i32
      %shift_right_arithmetic3A_468 = vector.broadcast %shift_right_arithmetic3A_467 : i32 to vector<16xi32>
      %shift_right_arithmetic3A_469 = arith.shrsi %bitcast_convert_type3A_466, %shift_right_arithmetic3A_468 : vector<16xi32>
      %and3A_470 = arith.constant 2147483647 : i32
      %and3A_471 = vector.broadcast %and3A_470 : i32 to vector<16xi32>
      %and3A_472 = arith.andi %shift_right_arithmetic3A_469, %and3A_471 : vector<16xi32>
      %xor3A_473 = arith.xori %bitcast_convert_type3A_466, %and3A_472 : vector<16xi32>
      %and3A_474 = arith.constant -4 : i32
      %and3A_475 = vector.broadcast %and3A_474 : i32 to vector<16xi32>
      %and3A_476 = arith.andi %xor3A_473, %and3A_475 : vector<16xi32>
      %or3A_477 = arith.ori %and3A_476, %and3A_465 : vector<16xi32>
      %broadcast_in_dim3A_478 = vector.shape_cast %xor3A_457 : vector<16xi32> to vector<16x1xi32>
      %gather3A_479 = vector.shape_cast %broadcast_in_dim3A_478 : vector<16x1xi32> to vector<16xi32>
      %gather3A_480 = tpu.dynamic_gather %or3A_477[%gather3A_479] in [0] : vector<16xi32>, vector<16xi32> -> vector<16xi32>
      %max3A_481 = arith.maxsi %or3A_477, %gather3A_480 : vector<16xi32>
      %broadcast_in_dim3A_482 = vector.shape_cast %xor3A_460 : vector<16xi32> to vector<16x1xi32>
      %gather3A_483 = vector.shape_cast %broadcast_in_dim3A_482 : vector<16x1xi32> to vector<16xi32>
      %gather3A_484 = tpu.dynamic_gather %max3A_481[%gather3A_483] in [0] : vector<16xi32>, vector<16xi32> -> vector<16xi32>
      %max3A_485 = arith.maxsi %max3A_481, %gather3A_484 : vector<16xi32>
      %eq3A_486 = arith.cmpi eq, %or3A_477, %max3A_485 : vector<16xi32>
      %jit3A_487 = arith.constant 0.000000e+00 : f32
      %broadcast_in_dim3A_488 = vector.broadcast %jit3A_487 : f32 to vector<16xf32>
      %select_n3A_489 = arith.select %eq3A_486, %get3A_453, %broadcast_in_dim3A_488 : vector<16xi1>, vector<16xf32>
      %swap3A_490 = arith.index_cast %add3A_450 : i32 to index
      %swap3A_491 = tpu.vector_load %arg6[%swap3A_490] {strides = array<i32>} : memref<16384xf32, #tpu.memory_space<vmem>>, vector<16xf32>,
      %swap3A_492 = vector.shape_cast %swap3A_491 : vector<16xf32> to vector<16xf32>
      %swap3A_493 = vector.shape_cast %select_n3A_489 : vector<16xf32> to vector<16xf32>
      tpu.vector_store %arg6[%swap3A_490], %swap3A_493 {strides = array<i32>} : memref<16384xf32, #tpu.memory_space<vmem>>, vector<16xf32>,
      %add3A_494 = arith.constant 80 : i32
      %add3A_495 = arith.addi %mul3A_283, %add3A_494 : i32
      %get3A_496 = arith.index_cast %add3A_495 : i32 to index
      %get3A_497 = tpu.vector_load %arg4[%get3A_496] {strides = array<i32>} : memref<16384xf32, #tpu.memory_space<vmem>>, vector<16xf32>,
      %get3A_498 = vector.shape_cast %get3A_497 : vector<16xf32> to vector<16xf32>
      %iota3A_499 = tpu.iota {dimensions = array<i32: 0>} : vector<16xi32>
      %xor3A_500 = arith.constant 1 : i32
      %xor3A_501 = vector.broadcast %xor3A_500 : i32 to vector<16xi32>
      %xor3A_502 = arith.xori %iota3A_499, %xor3A_501 : vector<16xi32>
      %xor3A_503 = arith.constant 2 : i32
      %xor3A_504 = vector.broadcast %xor3A_503 : i32 to vector<16xi32>
      %xor3A_505 = arith.xori %iota3A_499, %xor3A_504 : vector<16xi32>
      %not3A_506 = arith.constant dense<-1> : vector<16xi32>
      %not3A_507 = arith.xori %iota3A_499, %not3A_506 : vector<16xi32>
      %and3A_508 = arith.constant 3 : i32
      %and3A_509 = vector.broadcast %and3A_508 : i32 to vector<16xi32>
      %and3A_510 = arith.andi %not3A_507, %and3A_509 : vector<16xi32>
      %bitcast_convert_type3A_511 = tpu.bitcast %get3A_498 : vector<16xf32> -> vector<16xi32>
      %shift_right_arithmetic3A_512 = arith.constant 31 : i32
      %shift_right_arithmetic3A_513 = vector.broadcast %shift_right_arithmetic3A_512 : i32 to vector<16xi32>
      %shift_right_arithmetic3A_514 = arith.shrsi %bitcast_convert_type3A_511, %shift_right_arithmetic3A_513 : vector<16xi32>
      %and3A_515 = arith.constant 2147483647 : i32
      %and3A_516 = vector.broadcast %and3A_515 : i32 to vector<16xi32>
      %and3A_517 = arith.andi %shift_right_arithmetic3A_514, %and3A_516 : vector<16xi32>
      %xor3A_518 = arith.xori %bitcast_convert_type3A_511, %and3A_517 : vector<16xi32>
      %and3A_519 = arith.constant -4 : i32
      %and3A_520 = vector.broadcast %and3A_519 : i32 to vector<16xi32>
      %and3A_521 = arith.andi %xor3A_518, %and3A_520 : vector<16xi32>
      %or3A_522 = arith.ori %and3A_521, %and3A_510 : vector<16xi32>
      %broadcast_in_dim3A_523 = vector.shape_cast %xor3A_502 : vector<16xi32> to vector<16x1xi32>
      %gather3A_524 = vector.shape_cast %broadcast_in_dim3A_523 : vector<16x1xi32> to vector<16xi32>
      %gather3A_525 = tpu.dynamic_gather %or3A_522[%gather3A_524] in [0] : vector<16xi32>, vector<16xi32> -> vector<16xi32>
      %max3A_526 = arith.maxsi %or3A_522, %gather3A_525 : vector<16xi32>
      %broadcast_in_dim3A_527 = vector.shape_cast %xor3A_505 : vector<16xi32> to vector<16x1xi32>
      %gather3A_528 = vector.shape_cast %broadcast_in_dim3A_527 : vector<16x1xi32> to vector<16xi32>
      %gather3A_529 = tpu.dynamic_gather %max3A_526[%gather3A_528] in [0] : vector<16xi32>, vector<16xi32> -> vector<16xi32>
      %max3A_530 = arith.maxsi %max3A_526, %gather3A_529 : vector<16xi32>
      %eq3A_531 = arith.cmpi eq, %or3A_522, %max3A_530 : vector<16xi32>
      %jit3A_532 = arith.constant 0.000000e+00 : f32
      %broadcast_in_dim3A_533 = vector.broadcast %jit3A_532 : f32 to vector<16xf32>
      %select_n3A_534 = arith.select %eq3A_531, %get3A_498, %broadcast_in_dim3A_533 : vector<16xi1>, vector<16xf32>
      %swap3A_535 = arith.index_cast %add3A_495 : i32 to index
      %swap3A_536 = tpu.vector_load %arg6[%swap3A_535] {strides = array<i32>} : memref<16384xf32, #tpu.memory_space<vmem>>, vector<16xf32>,
      %swap3A_537 = vector.shape_cast %swap3A_536 : vector<16xf32> to vector<16xf32>
      %swap3A_538 = vector.shape_cast %select_n3A_534 : vector<16xf32> to vector<16xf32>
      tpu.vector_store %arg6[%swap3A_535], %swap3A_538 {strides = array<i32>} : memref<16384xf32, #tpu.memory_space<vmem>>, vector<16xf32>,
      %add3A_539 = arith.constant 96 : i32
      %add3A_540 = arith.addi %mul3A_283, %add3A_539 : i32
      %get3A_541 = arith.index_cast %add3A_540 : i32 to index
      %get3A_542 = tpu.vector_load %arg4[%get3A_541] {strides = array<i32>} : memref<16384xf32, #tpu.memory_space<vmem>>, vector<16xf32>,
      %get3A_543 = vector.shape_cast %get3A_542 : vector<16xf32> to vector<16xf32>
      %iota3A_544 = tpu.iota {dimensions = array<i32: 0>} : vector<16xi32>
      %xor3A_545 = arith.constant 1 : i32
      %xor3A_546 = vector.broadcast %xor3A_545 : i32 to vector<16xi32>
      %xor3A_547 = arith.xori %iota3A_544, %xor3A_546 : vector<16xi32>
      %xor3A_548 = arith.constant 2 : i32
      %xor3A_549 = vector.broadcast %xor3A_548 : i32 to vector<16xi32>
      %xor3A_550 = arith.xori %iota3A_544, %xor3A_549 : vector<16xi32>
      %not3A_551 = arith.constant dense<-1> : vector<16xi32>
      %not3A_552 = arith.xori %iota3A_544, %not3A_551 : vector<16xi32>
      %and3A_553 = arith.constant 3 : i32
      %and3A_554 = vector.broadcast %and3A_553 : i32 to vector<16xi32>
      %and3A_555 = arith.andi %not3A_552, %and3A_554 : vector<16xi32>
      %bitcast_convert_type3A_556 = tpu.bitcast %get3A_543 : vector<16xf32> -> vector<16xi32>
      %shift_right_arithmetic3A_557 = arith.constant 31 : i32
      %shift_right_arithmetic3A_558 = vector.broadcast %shift_right_arithmetic3A_557 : i32 to vector<16xi32>
      %shift_right_arithmetic3A_559 = arith.shrsi %bitcast_convert_type3A_556, %shift_right_arithmetic3A_558 : vector<16xi32>
      %and3A_560 = arith.constant 2147483647 : i32
      %and3A_561 = vector.broadcast %and3A_560 : i32 to vector<16xi32>
      %and3A_562 = arith.andi %shift_right_arithmetic3A_559, %and3A_561 : vector<16xi32>
      %xor3A_563 = arith.xori %bitcast_convert_type3A_556, %and3A_562 : vector<16xi32>
      %and3A_564 = arith.constant -4 : i32
      %and3A_565 = vector.broadcast %and3A_564 : i32 to vector<16xi32>
      %and3A_566 = arith.andi %xor3A_563, %and3A_565 : vector<16xi32>
      %or3A_567 = arith.ori %and3A_566, %and3A_555 : vector<16xi32>
      %broadcast_in_dim3A_568 = vector.shape_cast %xor3A_547 : vector<16xi32> to vector<16x1xi32>
      %gather3A_569 = vector.shape_cast %broadcast_in_dim3A_568 : vector<16x1xi32> to vector<16xi32>
      %gather3A_570 = tpu.dynamic_gather %or3A_567[%gather3A_569] in [0] : vector<16xi32>, vector<16xi32> -> vector<16xi32>
      %max3A_571 = arith.maxsi %or3A_567, %gather3A_570 : vector<16xi32>
      %broadcast_in_dim3A_572 = vector.shape_cast %xor3A_550 : vector<16xi32> to vector<16x1xi32>
      %gather3A_573 = vector.shape_cast %broadcast_in_dim3A_572 : vector<16x1xi32> to vector<16xi32>
      %gather3A_574 = tpu.dynamic_gather %max3A_571[%gather3A_573] in [0] : vector<16xi32>, vector<16xi32> -> vector<16xi32>
      %max3A_575 = arith.maxsi %max3A_571, %gather3A_574 : vector<16xi32>
      %eq3A_576 = arith.cmpi eq, %or3A_567, %max3A_575 : vector<16xi32>
      %jit3A_577 = arith.constant 0.000000e+00 : f32
      %broadcast_in_dim3A_578 = vector.broadcast %jit3A_577 : f32 to vector<16xf32>
      %select_n3A_579 = arith.select %eq3A_576, %get3A_543, %broadcast_in_dim3A_578 : vector<16xi1>, vector<16xf32>
      %swap3A_580 = arith.index_cast %add3A_540 : i32 to index
      %swap3A_581 = tpu.vector_load %arg6[%swap3A_580] {strides = array<i32>} : memref<16384xf32, #tpu.memory_space<vmem>>, vector<16xf32>,
      %swap3A_582 = vector.shape_cast %swap3A_581 : vector<16xf32> to vector<16xf32>
      %swap3A_583 = vector.shape_cast %select_n3A_579 : vector<16xf32> to vector<16xf32>
      tpu.vector_store %arg6[%swap3A_580], %swap3A_583 {strides = array<i32>} : memref<16384xf32, #tpu.memory_space<vmem>>, vector<16xf32>,
      %add3A_584 = arith.constant 112 : i32
      %add3A_585 = arith.addi %mul3A_283, %add3A_584 : i32
      %get3A_586 = arith.index_cast %add3A_585 : i32 to index
      %get3A_587 = tpu.vector_load %arg4[%get3A_586] {strides = array<i32>} : memref<16384xf32, #tpu.memory_space<vmem>>, vector<16xf32>,
      %get3A_588 = vector.shape_cast %get3A_587 : vector<16xf32> to vector<16xf32>
      %iota3A_589 = tpu.iota {dimensions = array<i32: 0>} : vector<16xi32>
      %xor3A_590 = arith.constant 1 : i32
      %xor3A_591 = vector.broadcast %xor3A_590 : i32 to vector<16xi32>
      %xor3A_592 = arith.xori %iota3A_589, %xor3A_591 : vector<16xi32>
      %xor3A_593 = arith.constant 2 : i32
      %xor3A_594 = vector.broadcast %xor3A_593 : i32 to vector<16xi32>
      %xor3A_595 = arith.xori %iota3A_589, %xor3A_594 : vector<16xi32>
      %not3A_596 = arith.constant dense<-1> : vector<16xi32>
      %not3A_597 = arith.xori %iota3A_589, %not3A_596 : vector<16xi32>
      %and3A_598 = arith.constant 3 : i32
      %and3A_599 = vector.broadcast %and3A_598 : i32 to vector<16xi32>
      %and3A_600 = arith.andi %not3A_597, %and3A_599 : vector<16xi32>
      %bitcast_convert_type3A_601 = tpu.bitcast %get3A_588 : vector<16xf32> -> vector<16xi32>
      %shift_right_arithmetic3A_602 = arith.constant 31 : i32
      %shift_right_arithmetic3A_603 = vector.broadcast %shift_right_arithmetic3A_602 : i32 to vector<16xi32>
      %shift_right_arithmetic3A_604 = arith.shrsi %bitcast_convert_type3A_601, %shift_right_arithmetic3A_603 : vector<16xi32>
      %and3A_605 = arith.constant 2147483647 : i32
      %and3A_606 = vector.broadcast %and3A_605 : i32 to vector<16xi32>
      %and3A_607 = arith.andi %shift_right_arithmetic3A_604, %and3A_606 : vector<16xi32>
      %xor3A_608 = arith.xori %bitcast_convert_type3A_601, %and3A_607 : vector<16xi32>
      %and3A_609 = arith.constant -4 : i32
      %and3A_610 = vector.broadcast %and3A_609 : i32 to vector<16xi32>
      %and3A_611 = arith.andi %xor3A_608, %and3A_610 : vector<16xi32>
      %or3A_612 = arith.ori %and3A_611, %and3A_600 : vector<16xi32>
      %broadcast_in_dim3A_613 = vector.shape_cast %xor3A_592 : vector<16xi32> to vector<16x1xi32>
      %gather3A_614 = vector.shape_cast %broadcast_in_dim3A_613 : vector<16x1xi32> to vector<16xi32>
      %gather3A_615 = tpu.dynamic_gather %or3A_612[%gather3A_614] in [0] : vector<16xi32>, vector<16xi32> -> vector<16xi32>
      %max3A_616 = arith.maxsi %or3A_612, %gather3A_615 : vector<16xi32>
      %broadcast_in_dim3A_617 = vector.shape_cast %xor3A_595 : vector<16xi32> to vector<16x1xi32>
      %gather3A_618 = vector.shape_cast %broadcast_in_dim3A_617 : vector<16x1xi32> to vector<16xi32>
      %gather3A_619 = tpu.dynamic_gather %max3A_616[%gather3A_618] in [0] : vector<16xi32>, vector<16xi32> -> vector<16xi32>
      %max3A_620 = arith.maxsi %max3A_616, %gather3A_619 : vector<16xi32>
      %eq3A_621 = arith.cmpi eq, %or3A_612, %max3A_620 : vector<16xi32>
      %jit3A_622 = arith.constant 0.000000e+00 : f32
      %broadcast_in_dim3A_623 = vector.broadcast %jit3A_622 : f32 to vector<16xf32>
      %select_n3A_624 = arith.select %eq3A_621, %get3A_588, %broadcast_in_dim3A_623 : vector<16xi1>, vector<16xf32>
      %swap3A_625 = arith.index_cast %add3A_585 : i32 to index
      %swap3A_626 = tpu.vector_load %arg6[%swap3A_625] {strides = array<i32>} : memref<16384xf32, #tpu.memory_space<vmem>>, vector<16xf32>,
      %swap3A_627 = vector.shape_cast %swap3A_626 : vector<16xf32> to vector<16xf32>
      %swap3A_628 = vector.shape_cast %select_n3A_624 : vector<16xf32> to vector<16xf32>
      tpu.vector_store %arg6[%swap3A_625], %swap3A_628 {strides = array<i32>} : memref<16384xf32, #tpu.memory_space<vmem>>, vector<16xf32>,
      %scan3A_629 = arith.constant 0 : i32
      scf.yield %scan3A_629 : i32
    }
    %scan3A_232 = arith.constant 128 : i32
    %add3A_233 = arith.constant 3 : i32
    %add3A_234 = arith.addi %mul3A_2, %add3A_233 : i32
    %dma_start3A_235 = arith.constant 0 : i32
    %dma_start3A_236 = tpu.memref_slice %arg3[%add3A_234, %dma_start3A_235] : memref<128x32768xf32, #tpu.memory_space<hbm>> -> memref<1x16384xf32, #tpu.memory_space<hbm>>
    %dma_start3A_237 = tpu.memref_squeeze %dma_start3A_236 : memref<1x16384xf32, #tpu.memory_space<hbm>> -> memref<16384xf32, #tpu.memory_space<hbm>>
    %dma_start3A_238 = arith.constant 0 : i32
    %dma_start3A_239 = tpu.memref_slice %arg3[%add3A_234, %dma_start3A_238] : memref<128x32768xf32, #tpu.memory_space<hbm>> -> memref<1x16384xf32, #tpu.memory_space<hbm>>
    %dma_start3A_240 = tpu.memref_squeeze %dma_start3A_239 : memref<1x16384xf32, #tpu.memory_space<hbm>> -> memref<16384xf32, #tpu.memory_space<hbm>>
    tpu.enqueue_dma source(%arg6 : memref<16384xf32, #tpu.memory_space<vmem>>) target(%dma_start3A_240 : memref<16384xf32, #tpu.memory_space<hbm>>) target_semaphore(%arg10 : memref<!tpu.dma_semaphore, #tpu.memory_space<semaphore_mem>>)
    %dma_wait3A_241 = arith.constant 16384 : i32
    %dma_wait3A_242 = tpu.memref_slice %arg2[%add3A_207, %dma_wait3A_241] : memref<128x32768xf32, #tpu.memory_space<hbm>> -> memref<1x16384xf32, #tpu.memory_space<hbm>>
    %dma_wait3A_243 = tpu.memref_squeeze %dma_wait3A_242 : memref<1x16384xf32, #tpu.memory_space<hbm>> -> memref<16384xf32, #tpu.memory_space<hbm>>
    %dma_wait3A_244 = arith.constant 16384 : i32
    %dma_wait3A_245 = tpu.memref_slice %arg2[%add3A_207, %dma_wait3A_244] : memref<128x32768xf32, #tpu.memory_space<hbm>> -> memref<1x16384xf32, #tpu.memory_space<hbm>>
    %dma_wait3A_246 = tpu.memref_squeeze %dma_wait3A_245 : memref<1x16384xf32, #tpu.memory_space<hbm>> -> memref<16384xf32, #tpu.memory_space<hbm>>
    tpu.wait_dma2 semaphore(%arg9 : memref<!tpu.dma_semaphore, #tpu.memory_space<semaphore_mem>>) src(%dma_wait3A_246 : memref<16384xf32, #tpu.memory_space<hbm>>) dst(%arg5 : memref<16384xf32, #tpu.memory_space<vmem>>)
    %dma_wait3A_247 = arith.constant 16384 : i32
    %dma_wait3A_248 = tpu.memref_slice %arg3[%add3A_199, %dma_wait3A_247] : memref<128x32768xf32, #tpu.memory_space<hbm>> -> memref<1x16384xf32, #tpu.memory_space<hbm>>
    %dma_wait3A_249 = tpu.memref_squeeze %dma_wait3A_248 : memref<1x16384xf32, #tpu.memory_space<hbm>> -> memref<16384xf32, #tpu.memory_space<hbm>>
    %dma_wait3A_250 = arith.constant 16384 : i32
    %dma_wait3A_251 = tpu.memref_slice %arg3[%add3A_199, %dma_wait3A_250] : memref<128x32768xf32, #tpu.memory_space<hbm>> -> memref<1x16384xf32, #tpu.memory_space<hbm>>
    %dma_wait3A_252 = tpu.memref_squeeze %dma_wait3A_251 : memref<1x16384xf32, #tpu.memory_space<hbm>> -> memref<16384xf32, #tpu.memory_space<hbm>>
    tpu.wait_dma2 semaphore(%arg11 : memref<!tpu.dma_semaphore, #tpu.memory_space<semaphore_mem>>) src(%arg7 : memref<16384xf32, #tpu.memory_space<vmem>>) dst(%dma_wait3A_252 : memref<16384xf32, #tpu.memory_space<hbm>>)
    %scan3A_253 = arith.constant 0 : i32
    %scan3A_254 = arith.constant 0 : i32
    %scan3A_255 = arith.constant 128 : i32
    %scan3A_256 = arith.addi %scan3A_254, %scan3A_255 : i32
    %scan3A_257 = arith.constant 1 : i32
    %scan3A_258 = scf.for %scan3A_280 = %scan3A_254 to %scan3A_256 step %scan3A_257 iter_args(%scan3A_281 = %scan3A_253) -> (i32)  : i32 {
      %mul3A_282 = arith.constant 128 : i32
      %mul3A_283 = arith.muli %scan3A_280, %mul3A_282 : i32
      %add3A_284 = arith.constant 0 : i32
      %add3A_285 = arith.addi %mul3A_283, %add3A_284 : i32
      %get3A = arith.index_cast %add3A_285 : i32 to index
      %get3A_286 = tpu.vector_load %arg5[%get3A] {strides = array<i32>} : memref<16384xf32, #tpu.memory_space<vmem>>, vector<16xf32>,
      %get3A_287 = vector.shape_cast %get3A_286 : vector<16xf32> to vector<16xf32>
      %iota3A = tpu.iota {dimensions = array<i32: 0>} : vector<16xi32>
      %xor3A = arith.constant 1 : i32
      %xor3A_288 = vector.broadcast %xor3A : i32 to vector<16xi32>
      %xor3A_289 = arith.xori %iota3A, %xor3A_288 : vector<16xi32>
      %xor3A_290 = arith.constant 2 : i32
      %xor3A_291 = vector.broadcast %xor3A_290 : i32 to vector<16xi32>
      %xor3A_292 = arith.xori %iota3A, %xor3A_291 : vector<16xi32>
      %not3A = arith.constant dense<-1> : vector<16xi32>
      %not3A_293 = arith.xori %iota3A, %not3A : vector<16xi32>
      %and3A = arith.constant 3 : i32
      %and3A_294 = vector.broadcast %and3A : i32 to vector<16xi32>
      %and3A_295 = arith.andi %not3A_293, %and3A_294 : vector<16xi32>
      %bitcast_convert_type3A = tpu.bitcast %get3A_287 : vector<16xf32> -> vector<16xi32>
      %shift_right_arithmetic3A = arith.constant 31 : i32
      %shift_right_arithmetic3A_296 = vector.broadcast %shift_right_arithmetic3A : i32 to vector<16xi32>
      %shift_right_arithmetic3A_297 = arith.shrsi %bitcast_convert_type3A, %shift_right_arithmetic3A_296 : vector<16xi32>
      %and3A_298 = arith.constant 2147483647 : i32
      %and3A_299 = vector.broadcast %and3A_298 : i32 to vector<16xi32>
      %and3A_300 = arith.andi %shift_right_arithmetic3A_297, %and3A_299 : vector<16xi32>
      %xor3A_301 = arith.xori %bitcast_convert_type3A, %and3A_300 : vector<16xi32>
      %and3A_302 = arith.constant -4 : i32
      %and3A_303 = vector.broadcast %and3A_302 : i32 to vector<16xi32>
      %and3A_304 = arith.andi %xor3A_301, %and3A_303 : vector<16xi32>
      %or3A = arith.ori %and3A_304, %and3A_295 : vector<16xi32>
      %broadcast_in_dim3A = vector.shape_cast %xor3A_289 : vector<16xi32> to vector<16x1xi32>
      %gather3A = vector.shape_cast %broadcast_in_dim3A : vector<16x1xi32> to vector<16xi32>
      %gather3A_305 = tpu.dynamic_gather %or3A[%gather3A] in [0] : vector<16xi32>, vector<16xi32> -> vector<16xi32>
      %max3A = arith.maxsi %or3A, %gather3A_305 : vector<16xi32>
      %broadcast_in_dim3A_306 = vector.shape_cast %xor3A_292 : vector<16xi32> to vector<16x1xi32>
      %gather3A_307 = vector.shape_cast %broadcast_in_dim3A_306 : vector<16x1xi32> to vector<16xi32>
      %gather3A_308 = tpu.dynamic_gather %max3A[%gather3A_307] in [0] : vector<16xi32>, vector<16xi32> -> vector<16xi32>
      %max3A_309 = arith.maxsi %max3A, %gather3A_308 : vector<16xi32>
      %eq3A = arith.cmpi eq, %or3A, %max3A_309 : vector<16xi32>
      %jit3A = arith.constant 0.000000e+00 : f32
      %broadcast_in_dim3A_310 = vector.broadcast %jit3A : f32 to vector<16xf32>
      %select_n3A = arith.select %eq3A, %get3A_287, %broadcast_in_dim3A_310 : vector<16xi1>, vector<16xf32>
      %swap3A = arith.index_cast %add3A_285 : i32 to index
      %swap3A_311 = tpu.vector_load %arg7[%swap3A] {strides = array<i32>} : memref<16384xf32, #tpu.memory_space<vmem>>, vector<16xf32>,
      %swap3A_312 = vector.shape_cast %swap3A_311 : vector<16xf32> to vector<16xf32>
      %swap3A_313 = vector.shape_cast %select_n3A : vector<16xf32> to vector<16xf32>
      tpu.vector_store %arg7[%swap3A], %swap3A_313 {strides = array<i32>} : memref<16384xf32, #tpu.memory_space<vmem>>, vector<16xf32>,
      %add3A_314 = arith.constant 16 : i32
      %add3A_315 = arith.addi %mul3A_283, %add3A_314 : i32
      %get3A_316 = arith.index_cast %add3A_315 : i32 to index
      %get3A_317 = tpu.vector_load %arg5[%get3A_316] {strides = array<i32>} : memref<16384xf32, #tpu.memory_space<vmem>>, vector<16xf32>,
      %get3A_318 = vector.shape_cast %get3A_317 : vector<16xf32> to vector<16xf32>
      %iota3A_319 = tpu.iota {dimensions = array<i32: 0>} : vector<16xi32>
      %xor3A_320 = arith.constant 1 : i32
      %xor3A_321 = vector.broadcast %xor3A_320 : i32 to vector<16xi32>
      %xor3A_322 = arith.xori %iota3A_319, %xor3A_321 : vector<16xi32>
      %xor3A_323 = arith.constant 2 : i32
      %xor3A_324 = vector.broadcast %xor3A_323 : i32 to vector<16xi32>
      %xor3A_325 = arith.xori %iota3A_319, %xor3A_324 : vector<16xi32>
      %not3A_326 = arith.constant dense<-1> : vector<16xi32>
      %not3A_327 = arith.xori %iota3A_319, %not3A_326 : vector<16xi32>
      %and3A_328 = arith.constant 3 : i32
      %and3A_329 = vector.broadcast %and3A_328 : i32 to vector<16xi32>
      %and3A_330 = arith.andi %not3A_327, %and3A_329 : vector<16xi32>
      %bitcast_convert_type3A_331 = tpu.bitcast %get3A_318 : vector<16xf32> -> vector<16xi32>
      %shift_right_arithmetic3A_332 = arith.constant 31 : i32
      %shift_right_arithmetic3A_333 = vector.broadcast %shift_right_arithmetic3A_332 : i32 to vector<16xi32>
      %shift_right_arithmetic3A_334 = arith.shrsi %bitcast_convert_type3A_331, %shift_right_arithmetic3A_333 : vector<16xi32>
      %and3A_335 = arith.constant 2147483647 : i32
      %and3A_336 = vector.broadcast %and3A_335 : i32 to vector<16xi32>
      %and3A_337 = arith.andi %shift_right_arithmetic3A_334, %and3A_336 : vector<16xi32>
      %xor3A_338 = arith.xori %bitcast_convert_type3A_331, %and3A_337 : vector<16xi32>
      %and3A_339 = arith.constant -4 : i32
      %and3A_340 = vector.broadcast %and3A_339 : i32 to vector<16xi32>
      %and3A_341 = arith.andi %xor3A_338, %and3A_340 : vector<16xi32>
      %or3A_342 = arith.ori %and3A_341, %and3A_330 : vector<16xi32>
      %broadcast_in_dim3A_343 = vector.shape_cast %xor3A_322 : vector<16xi32> to vector<16x1xi32>
      %gather3A_344 = vector.shape_cast %broadcast_in_dim3A_343 : vector<16x1xi32> to vector<16xi32>
      %gather3A_345 = tpu.dynamic_gather %or3A_342[%gather3A_344] in [0] : vector<16xi32>, vector<16xi32> -> vector<16xi32>
      %max3A_346 = arith.maxsi %or3A_342, %gather3A_345 : vector<16xi32>
      %broadcast_in_dim3A_347 = vector.shape_cast %xor3A_325 : vector<16xi32> to vector<16x1xi32>
      %gather3A_348 = vector.shape_cast %broadcast_in_dim3A_347 : vector<16x1xi32> to vector<16xi32>
      %gather3A_349 = tpu.dynamic_gather %max3A_346[%gather3A_348] in [0] : vector<16xi32>, vector<16xi32> -> vector<16xi32>
      %max3A_350 = arith.maxsi %max3A_346, %gather3A_349 : vector<16xi32>
      %eq3A_351 = arith.cmpi eq, %or3A_342, %max3A_350 : vector<16xi32>
      %jit3A_352 = arith.constant 0.000000e+00 : f32
      %broadcast_in_dim3A_353 = vector.broadcast %jit3A_352 : f32 to vector<16xf32>
      %select_n3A_354 = arith.select %eq3A_351, %get3A_318, %broadcast_in_dim3A_353 : vector<16xi1>, vector<16xf32>
      %swap3A_355 = arith.index_cast %add3A_315 : i32 to index
      %swap3A_356 = tpu.vector_load %arg7[%swap3A_355] {strides = array<i32>} : memref<16384xf32, #tpu.memory_space<vmem>>, vector<16xf32>,
      %swap3A_357 = vector.shape_cast %swap3A_356 : vector<16xf32> to vector<16xf32>
      %swap3A_358 = vector.shape_cast %select_n3A_354 : vector<16xf32> to vector<16xf32>
      tpu.vector_store %arg7[%swap3A_355], %swap3A_358 {strides = array<i32>} : memref<16384xf32, #tpu.memory_space<vmem>>, vector<16xf32>,
      %add3A_359 = arith.constant 32 : i32
      %add3A_360 = arith.addi %mul3A_283, %add3A_359 : i32
      %get3A_361 = arith.index_cast %add3A_360 : i32 to index
      %get3A_362 = tpu.vector_load %arg5[%get3A_361] {strides = array<i32>} : memref<16384xf32, #tpu.memory_space<vmem>>, vector<16xf32>,
      %get3A_363 = vector.shape_cast %get3A_362 : vector<16xf32> to vector<16xf32>
      %iota3A_364 = tpu.iota {dimensions = array<i32: 0>} : vector<16xi32>
      %xor3A_365 = arith.constant 1 : i32
      %xor3A_366 = vector.broadcast %xor3A_365 : i32 to vector<16xi32>
      %xor3A_367 = arith.xori %iota3A_364, %xor3A_366 : vector<16xi32>
      %xor3A_368 = arith.constant 2 : i32
      %xor3A_369 = vector.broadcast %xor3A_368 : i32 to vector<16xi32>
      %xor3A_370 = arith.xori %iota3A_364, %xor3A_369 : vector<16xi32>
      %not3A_371 = arith.constant dense<-1> : vector<16xi32>
      %not3A_372 = arith.xori %iota3A_364, %not3A_371 : vector<16xi32>
      %and3A_373 = arith.constant 3 : i32
      %and3A_374 = vector.broadcast %and3A_373 : i32 to vector<16xi32>
      %and3A_375 = arith.andi %not3A_372, %and3A_374 : vector<16xi32>
      %bitcast_convert_type3A_376 = tpu.bitcast %get3A_363 : vector<16xf32> -> vector<16xi32>
      %shift_right_arithmetic3A_377 = arith.constant 31 : i32
      %shift_right_arithmetic3A_378 = vector.broadcast %shift_right_arithmetic3A_377 : i32 to vector<16xi32>
      %shift_right_arithmetic3A_379 = arith.shrsi %bitcast_convert_type3A_376, %shift_right_arithmetic3A_378 : vector<16xi32>
      %and3A_380 = arith.constant 2147483647 : i32
      %and3A_381 = vector.broadcast %and3A_380 : i32 to vector<16xi32>
      %and3A_382 = arith.andi %shift_right_arithmetic3A_379, %and3A_381 : vector<16xi32>
      %xor3A_383 = arith.xori %bitcast_convert_type3A_376, %and3A_382 : vector<16xi32>
      %and3A_384 = arith.constant -4 : i32
      %and3A_385 = vector.broadcast %and3A_384 : i32 to vector<16xi32>
      %and3A_386 = arith.andi %xor3A_383, %and3A_385 : vector<16xi32>
      %or3A_387 = arith.ori %and3A_386, %and3A_375 : vector<16xi32>
      %broadcast_in_dim3A_388 = vector.shape_cast %xor3A_367 : vector<16xi32> to vector<16x1xi32>
      %gather3A_389 = vector.shape_cast %broadcast_in_dim3A_388 : vector<16x1xi32> to vector<16xi32>
      %gather3A_390 = tpu.dynamic_gather %or3A_387[%gather3A_389] in [0] : vector<16xi32>, vector<16xi32> -> vector<16xi32>
      %max3A_391 = arith.maxsi %or3A_387, %gather3A_390 : vector<16xi32>
      %broadcast_in_dim3A_392 = vector.shape_cast %xor3A_370 : vector<16xi32> to vector<16x1xi32>
      %gather3A_393 = vector.shape_cast %broadcast_in_dim3A_392 : vector<16x1xi32> to vector<16xi32>
      %gather3A_394 = tpu.dynamic_gather %max3A_391[%gather3A_393] in [0] : vector<16xi32>, vector<16xi32> -> vector<16xi32>
      %max3A_395 = arith.maxsi %max3A_391, %gather3A_394 : vector<16xi32>
      %eq3A_396 = arith.cmpi eq, %or3A_387, %max3A_395 : vector<16xi32>
      %jit3A_397 = arith.constant 0.000000e+00 : f32
      %broadcast_in_dim3A_398 = vector.broadcast %jit3A_397 : f32 to vector<16xf32>
      %select_n3A_399 = arith.select %eq3A_396, %get3A_363, %broadcast_in_dim3A_398 : vector<16xi1>, vector<16xf32>
      %swap3A_400 = arith.index_cast %add3A_360 : i32 to index
      %swap3A_401 = tpu.vector_load %arg7[%swap3A_400] {strides = array<i32>} : memref<16384xf32, #tpu.memory_space<vmem>>, vector<16xf32>,
      %swap3A_402 = vector.shape_cast %swap3A_401 : vector<16xf32> to vector<16xf32>
      %swap3A_403 = vector.shape_cast %select_n3A_399 : vector<16xf32> to vector<16xf32>
      tpu.vector_store %arg7[%swap3A_400], %swap3A_403 {strides = array<i32>} : memref<16384xf32, #tpu.memory_space<vmem>>, vector<16xf32>,
      %add3A_404 = arith.constant 48 : i32
      %add3A_405 = arith.addi %mul3A_283, %add3A_404 : i32
      %get3A_406 = arith.index_cast %add3A_405 : i32 to index
      %get3A_407 = tpu.vector_load %arg5[%get3A_406] {strides = array<i32>} : memref<16384xf32, #tpu.memory_space<vmem>>, vector<16xf32>,
      %get3A_408 = vector.shape_cast %get3A_407 : vector<16xf32> to vector<16xf32>
      %iota3A_409 = tpu.iota {dimensions = array<i32: 0>} : vector<16xi32>
      %xor3A_410 = arith.constant 1 : i32
      %xor3A_411 = vector.broadcast %xor3A_410 : i32 to vector<16xi32>
      %xor3A_412 = arith.xori %iota3A_409, %xor3A_411 : vector<16xi32>
      %xor3A_413 = arith.constant 2 : i32
      %xor3A_414 = vector.broadcast %xor3A_413 : i32 to vector<16xi32>
      %xor3A_415 = arith.xori %iota3A_409, %xor3A_414 : vector<16xi32>
      %not3A_416 = arith.constant dense<-1> : vector<16xi32>
      %not3A_417 = arith.xori %iota3A_409, %not3A_416 : vector<16xi32>
      %and3A_418 = arith.constant 3 : i32
      %and3A_419 = vector.broadcast %and3A_418 : i32 to vector<16xi32>
      %and3A_420 = arith.andi %not3A_417, %and3A_419 : vector<16xi32>
      %bitcast_convert_type3A_421 = tpu.bitcast %get3A_408 : vector<16xf32> -> vector<16xi32>
      %shift_right_arithmetic3A_422 = arith.constant 31 : i32
      %shift_right_arithmetic3A_423 = vector.broadcast %shift_right_arithmetic3A_422 : i32 to vector<16xi32>
      %shift_right_arithmetic3A_424 = arith.shrsi %bitcast_convert_type3A_421, %shift_right_arithmetic3A_423 : vector<16xi32>
      %and3A_425 = arith.constant 2147483647 : i32
      %and3A_426 = vector.broadcast %and3A_425 : i32 to vector<16xi32>
      %and3A_427 = arith.andi %shift_right_arithmetic3A_424, %and3A_426 : vector<16xi32>
      %xor3A_428 = arith.xori %bitcast_convert_type3A_421, %and3A_427 : vector<16xi32>
      %and3A_429 = arith.constant -4 : i32
      %and3A_430 = vector.broadcast %and3A_429 : i32 to vector<16xi32>
      %and3A_431 = arith.andi %xor3A_428, %and3A_430 : vector<16xi32>
      %or3A_432 = arith.ori %and3A_431, %and3A_420 : vector<16xi32>
      %broadcast_in_dim3A_433 = vector.shape_cast %xor3A_412 : vector<16xi32> to vector<16x1xi32>
      %gather3A_434 = vector.shape_cast %broadcast_in_dim3A_433 : vector<16x1xi32> to vector<16xi32>
      %gather3A_435 = tpu.dynamic_gather %or3A_432[%gather3A_434] in [0] : vector<16xi32>, vector<16xi32> -> vector<16xi32>
      %max3A_436 = arith.maxsi %or3A_432, %gather3A_435 : vector<16xi32>
      %broadcast_in_dim3A_437 = vector.shape_cast %xor3A_415 : vector<16xi32> to vector<16x1xi32>
      %gather3A_438 = vector.shape_cast %broadcast_in_dim3A_437 : vector<16x1xi32> to vector<16xi32>
      %gather3A_439 = tpu.dynamic_gather %max3A_436[%gather3A_438] in [0] : vector<16xi32>, vector<16xi32> -> vector<16xi32>
      %max3A_440 = arith.maxsi %max3A_436, %gather3A_439 : vector<16xi32>
      %eq3A_441 = arith.cmpi eq, %or3A_432, %max3A_440 : vector<16xi32>
      %jit3A_442 = arith.constant 0.000000e+00 : f32
      %broadcast_in_dim3A_443 = vector.broadcast %jit3A_442 : f32 to vector<16xf32>
      %select_n3A_444 = arith.select %eq3A_441, %get3A_408, %broadcast_in_dim3A_443 : vector<16xi1>, vector<16xf32>
      %swap3A_445 = arith.index_cast %add3A_405 : i32 to index
      %swap3A_446 = tpu.vector_load %arg7[%swap3A_445] {strides = array<i32>} : memref<16384xf32, #tpu.memory_space<vmem>>, vector<16xf32>,
      %swap3A_447 = vector.shape_cast %swap3A_446 : vector<16xf32> to vector<16xf32>
      %swap3A_448 = vector.shape_cast %select_n3A_444 : vector<16xf32> to vector<16xf32>
      tpu.vector_store %arg7[%swap3A_445], %swap3A_448 {strides = array<i32>} : memref<16384xf32, #tpu.memory_space<vmem>>, vector<16xf32>,
      %add3A_449 = arith.constant 64 : i32
      %add3A_450 = arith.addi %mul3A_283, %add3A_449 : i32
      %get3A_451 = arith.index_cast %add3A_450 : i32 to index
      %get3A_452 = tpu.vector_load %arg5[%get3A_451] {strides = array<i32>} : memref<16384xf32, #tpu.memory_space<vmem>>, vector<16xf32>,
      %get3A_453 = vector.shape_cast %get3A_452 : vector<16xf32> to vector<16xf32>
      %iota3A_454 = tpu.iota {dimensions = array<i32: 0>} : vector<16xi32>
      %xor3A_455 = arith.constant 1 : i32
      %xor3A_456 = vector.broadcast %xor3A_455 : i32 to vector<16xi32>
      %xor3A_457 = arith.xori %iota3A_454, %xor3A_456 : vector<16xi32>
      %xor3A_458 = arith.constant 2 : i32
      %xor3A_459 = vector.broadcast %xor3A_458 : i32 to vector<16xi32>
      %xor3A_460 = arith.xori %iota3A_454, %xor3A_459 : vector<16xi32>
      %not3A_461 = arith.constant dense<-1> : vector<16xi32>
      %not3A_462 = arith.xori %iota3A_454, %not3A_461 : vector<16xi32>
      %and3A_463 = arith.constant 3 : i32
      %and3A_464 = vector.broadcast %and3A_463 : i32 to vector<16xi32>
      %and3A_465 = arith.andi %not3A_462, %and3A_464 : vector<16xi32>
      %bitcast_convert_type3A_466 = tpu.bitcast %get3A_453 : vector<16xf32> -> vector<16xi32>
      %shift_right_arithmetic3A_467 = arith.constant 31 : i32
      %shift_right_arithmetic3A_468 = vector.broadcast %shift_right_arithmetic3A_467 : i32 to vector<16xi32>
      %shift_right_arithmetic3A_469 = arith.shrsi %bitcast_convert_type3A_466, %shift_right_arithmetic3A_468 : vector<16xi32>
      %and3A_470 = arith.constant 2147483647 : i32
      %and3A_471 = vector.broadcast %and3A_470 : i32 to vector<16xi32>
      %and3A_472 = arith.andi %shift_right_arithmetic3A_469, %and3A_471 : vector<16xi32>
      %xor3A_473 = arith.xori %bitcast_convert_type3A_466, %and3A_472 : vector<16xi32>
      %and3A_474 = arith.constant -4 : i32
      %and3A_475 = vector.broadcast %and3A_474 : i32 to vector<16xi32>
      %and3A_476 = arith.andi %xor3A_473, %and3A_475 : vector<16xi32>
      %or3A_477 = arith.ori %and3A_476, %and3A_465 : vector<16xi32>
      %broadcast_in_dim3A_478 = vector.shape_cast %xor3A_457 : vector<16xi32> to vector<16x1xi32>
      %gather3A_479 = vector.shape_cast %broadcast_in_dim3A_478 : vector<16x1xi32> to vector<16xi32>
      %gather3A_480 = tpu.dynamic_gather %or3A_477[%gather3A_479] in [0] : vector<16xi32>, vector<16xi32> -> vector<16xi32>
      %max3A_481 = arith.maxsi %or3A_477, %gather3A_480 : vector<16xi32>
      %broadcast_in_dim3A_482 = vector.shape_cast %xor3A_460 : vector<16xi32> to vector<16x1xi32>
      %gather3A_483 = vector.shape_cast %broadcast_in_dim3A_482 : vector<16x1xi32> to vector<16xi32>
      %gather3A_484 = tpu.dynamic_gather %max3A_481[%gather3A_483] in [0] : vector<16xi32>, vector<16xi32> -> vector<16xi32>
      %max3A_485 = arith.maxsi %max3A_481, %gather3A_484 : vector<16xi32>
      %eq3A_486 = arith.cmpi eq, %or3A_477, %max3A_485 : vector<16xi32>
      %jit3A_487 = arith.constant 0.000000e+00 : f32
      %broadcast_in_dim3A_488 = vector.broadcast %jit3A_487 : f32 to vector<16xf32>
      %select_n3A_489 = arith.select %eq3A_486, %get3A_453, %broadcast_in_dim3A_488 : vector<16xi1>, vector<16xf32>
      %swap3A_490 = arith.index_cast %add3A_450 : i32 to index
      %swap3A_491 = tpu.vector_load %arg7[%swap3A_490] {strides = array<i32>} : memref<16384xf32, #tpu.memory_space<vmem>>, vector<16xf32>,
      %swap3A_492 = vector.shape_cast %swap3A_491 : vector<16xf32> to vector<16xf32>
      %swap3A_493 = vector.shape_cast %select_n3A_489 : vector<16xf32> to vector<16xf32>
      tpu.vector_store %arg7[%swap3A_490], %swap3A_493 {strides = array<i32>} : memref<16384xf32, #tpu.memory_space<vmem>>, vector<16xf32>,
      %add3A_494 = arith.constant 80 : i32
      %add3A_495 = arith.addi %mul3A_283, %add3A_494 : i32
      %get3A_496 = arith.index_cast %add3A_495 : i32 to index
      %get3A_497 = tpu.vector_load %arg5[%get3A_496] {strides = array<i32>} : memref<16384xf32, #tpu.memory_space<vmem>>, vector<16xf32>,
      %get3A_498 = vector.shape_cast %get3A_497 : vector<16xf32> to vector<16xf32>
      %iota3A_499 = tpu.iota {dimensions = array<i32: 0>} : vector<16xi32>
      %xor3A_500 = arith.constant 1 : i32
      %xor3A_501 = vector.broadcast %xor3A_500 : i32 to vector<16xi32>
      %xor3A_502 = arith.xori %iota3A_499, %xor3A_501 : vector<16xi32>
      %xor3A_503 = arith.constant 2 : i32
      %xor3A_504 = vector.broadcast %xor3A_503 : i32 to vector<16xi32>
      %xor3A_505 = arith.xori %iota3A_499, %xor3A_504 : vector<16xi32>
      %not3A_506 = arith.constant dense<-1> : vector<16xi32>
      %not3A_507 = arith.xori %iota3A_499, %not3A_506 : vector<16xi32>
      %and3A_508 = arith.constant 3 : i32
      %and3A_509 = vector.broadcast %and3A_508 : i32 to vector<16xi32>
      %and3A_510 = arith.andi %not3A_507, %and3A_509 : vector<16xi32>
      %bitcast_convert_type3A_511 = tpu.bitcast %get3A_498 : vector<16xf32> -> vector<16xi32>
      %shift_right_arithmetic3A_512 = arith.constant 31 : i32
      %shift_right_arithmetic3A_513 = vector.broadcast %shift_right_arithmetic3A_512 : i32 to vector<16xi32>
      %shift_right_arithmetic3A_514 = arith.shrsi %bitcast_convert_type3A_511, %shift_right_arithmetic3A_513 : vector<16xi32>
      %and3A_515 = arith.constant 2147483647 : i32
      %and3A_516 = vector.broadcast %and3A_515 : i32 to vector<16xi32>
      %and3A_517 = arith.andi %shift_right_arithmetic3A_514, %and3A_516 : vector<16xi32>
      %xor3A_518 = arith.xori %bitcast_convert_type3A_511, %and3A_517 : vector<16xi32>
      %and3A_519 = arith.constant -4 : i32
      %and3A_520 = vector.broadcast %and3A_519 : i32 to vector<16xi32>
      %and3A_521 = arith.andi %xor3A_518, %and3A_520 : vector<16xi32>
      %or3A_522 = arith.ori %and3A_521, %and3A_510 : vector<16xi32>
      %broadcast_in_dim3A_523 = vector.shape_cast %xor3A_502 : vector<16xi32> to vector<16x1xi32>
      %gather3A_524 = vector.shape_cast %broadcast_in_dim3A_523 : vector<16x1xi32> to vector<16xi32>
      %gather3A_525 = tpu.dynamic_gather %or3A_522[%gather3A_524] in [0] : vector<16xi32>, vector<16xi32> -> vector<16xi32>
      %max3A_526 = arith.maxsi %or3A_522, %gather3A_525 : vector<16xi32>
      %broadcast_in_dim3A_527 = vector.shape_cast %xor3A_505 : vector<16xi32> to vector<16x1xi32>
      %gather3A_528 = vector.shape_cast %broadcast_in_dim3A_527 : vector<16x1xi32> to vector<16xi32>
      %gather3A_529 = tpu.dynamic_gather %max3A_526[%gather3A_528] in [0] : vector<16xi32>, vector<16xi32> -> vector<16xi32>
      %max3A_530 = arith.maxsi %max3A_526, %gather3A_529 : vector<16xi32>
      %eq3A_531 = arith.cmpi eq, %or3A_522, %max3A_530 : vector<16xi32>
      %jit3A_532 = arith.constant 0.000000e+00 : f32
      %broadcast_in_dim3A_533 = vector.broadcast %jit3A_532 : f32 to vector<16xf32>
      %select_n3A_534 = arith.select %eq3A_531, %get3A_498, %broadcast_in_dim3A_533 : vector<16xi1>, vector<16xf32>
      %swap3A_535 = arith.index_cast %add3A_495 : i32 to index
      %swap3A_536 = tpu.vector_load %arg7[%swap3A_535] {strides = array<i32>} : memref<16384xf32, #tpu.memory_space<vmem>>, vector<16xf32>,
      %swap3A_537 = vector.shape_cast %swap3A_536 : vector<16xf32> to vector<16xf32>
      %swap3A_538 = vector.shape_cast %select_n3A_534 : vector<16xf32> to vector<16xf32>
      tpu.vector_store %arg7[%swap3A_535], %swap3A_538 {strides = array<i32>} : memref<16384xf32, #tpu.memory_space<vmem>>, vector<16xf32>,
      %add3A_539 = arith.constant 96 : i32
      %add3A_540 = arith.addi %mul3A_283, %add3A_539 : i32
      %get3A_541 = arith.index_cast %add3A_540 : i32 to index
      %get3A_542 = tpu.vector_load %arg5[%get3A_541] {strides = array<i32>} : memref<16384xf32, #tpu.memory_space<vmem>>, vector<16xf32>,
      %get3A_543 = vector.shape_cast %get3A_542 : vector<16xf32> to vector<16xf32>
      %iota3A_544 = tpu.iota {dimensions = array<i32: 0>} : vector<16xi32>
      %xor3A_545 = arith.constant 1 : i32
      %xor3A_546 = vector.broadcast %xor3A_545 : i32 to vector<16xi32>
      %xor3A_547 = arith.xori %iota3A_544, %xor3A_546 : vector<16xi32>
      %xor3A_548 = arith.constant 2 : i32
      %xor3A_549 = vector.broadcast %xor3A_548 : i32 to vector<16xi32>
      %xor3A_550 = arith.xori %iota3A_544, %xor3A_549 : vector<16xi32>
      %not3A_551 = arith.constant dense<-1> : vector<16xi32>
      %not3A_552 = arith.xori %iota3A_544, %not3A_551 : vector<16xi32>
      %and3A_553 = arith.constant 3 : i32
      %and3A_554 = vector.broadcast %and3A_553 : i32 to vector<16xi32>
      %and3A_555 = arith.andi %not3A_552, %and3A_554 : vector<16xi32>
      %bitcast_convert_type3A_556 = tpu.bitcast %get3A_543 : vector<16xf32> -> vector<16xi32>
      %shift_right_arithmetic3A_557 = arith.constant 31 : i32
      %shift_right_arithmetic3A_558 = vector.broadcast %shift_right_arithmetic3A_557 : i32 to vector<16xi32>
      %shift_right_arithmetic3A_559 = arith.shrsi %bitcast_convert_type3A_556, %shift_right_arithmetic3A_558 : vector<16xi32>
      %and3A_560 = arith.constant 2147483647 : i32
      %and3A_561 = vector.broadcast %and3A_560 : i32 to vector<16xi32>
      %and3A_562 = arith.andi %shift_right_arithmetic3A_559, %and3A_561 : vector<16xi32>
      %xor3A_563 = arith.xori %bitcast_convert_type3A_556, %and3A_562 : vector<16xi32>
      %and3A_564 = arith.constant -4 : i32
      %and3A_565 = vector.broadcast %and3A_564 : i32 to vector<16xi32>
      %and3A_566 = arith.andi %xor3A_563, %and3A_565 : vector<16xi32>
      %or3A_567 = arith.ori %and3A_566, %and3A_555 : vector<16xi32>
      %broadcast_in_dim3A_568 = vector.shape_cast %xor3A_547 : vector<16xi32> to vector<16x1xi32>
      %gather3A_569 = vector.shape_cast %broadcast_in_dim3A_568 : vector<16x1xi32> to vector<16xi32>
      %gather3A_570 = tpu.dynamic_gather %or3A_567[%gather3A_569] in [0] : vector<16xi32>, vector<16xi32> -> vector<16xi32>
      %max3A_571 = arith.maxsi %or3A_567, %gather3A_570 : vector<16xi32>
      %broadcast_in_dim3A_572 = vector.shape_cast %xor3A_550 : vector<16xi32> to vector<16x1xi32>
      %gather3A_573 = vector.shape_cast %broadcast_in_dim3A_572 : vector<16x1xi32> to vector<16xi32>
      %gather3A_574 = tpu.dynamic_gather %max3A_571[%gather3A_573] in [0] : vector<16xi32>, vector<16xi32> -> vector<16xi32>
      %max3A_575 = arith.maxsi %max3A_571, %gather3A_574 : vector<16xi32>
      %eq3A_576 = arith.cmpi eq, %or3A_567, %max3A_575 : vector<16xi32>
      %jit3A_577 = arith.constant 0.000000e+00 : f32
      %broadcast_in_dim3A_578 = vector.broadcast %jit3A_577 : f32 to vector<16xf32>
      %select_n3A_579 = arith.select %eq3A_576, %get3A_543, %broadcast_in_dim3A_578 : vector<16xi1>, vector<16xf32>
      %swap3A_580 = arith.index_cast %add3A_540 : i32 to index
      %swap3A_581 = tpu.vector_load %arg7[%swap3A_580] {strides = array<i32>} : memref<16384xf32, #tpu.memory_space<vmem>>, vector<16xf32>,
      %swap3A_582 = vector.shape_cast %swap3A_581 : vector<16xf32> to vector<16xf32>
      %swap3A_583 = vector.shape_cast %select_n3A_579 : vector<16xf32> to vector<16xf32>
      tpu.vector_store %arg7[%swap3A_580], %swap3A_583 {strides = array<i32>} : memref<16384xf32, #tpu.memory_space<vmem>>, vector<16xf32>,
      %add3A_584 = arith.constant 112 : i32
      %add3A_585 = arith.addi %mul3A_283, %add3A_584 : i32
      %get3A_586 = arith.index_cast %add3A_585 : i32 to index
      %get3A_587 = tpu.vector_load %arg5[%get3A_586] {strides = array<i32>} : memref<16384xf32, #tpu.memory_space<vmem>>, vector<16xf32>,
      %get3A_588 = vector.shape_cast %get3A_587 : vector<16xf32> to vector<16xf32>
      %iota3A_589 = tpu.iota {dimensions = array<i32: 0>} : vector<16xi32>
      %xor3A_590 = arith.constant 1 : i32
      %xor3A_591 = vector.broadcast %xor3A_590 : i32 to vector<16xi32>
      %xor3A_592 = arith.xori %iota3A_589, %xor3A_591 : vector<16xi32>
      %xor3A_593 = arith.constant 2 : i32
      %xor3A_594 = vector.broadcast %xor3A_593 : i32 to vector<16xi32>
      %xor3A_595 = arith.xori %iota3A_589, %xor3A_594 : vector<16xi32>
      %not3A_596 = arith.constant dense<-1> : vector<16xi32>
      %not3A_597 = arith.xori %iota3A_589, %not3A_596 : vector<16xi32>
      %and3A_598 = arith.constant 3 : i32
      %and3A_599 = vector.broadcast %and3A_598 : i32 to vector<16xi32>
      %and3A_600 = arith.andi %not3A_597, %and3A_599 : vector<16xi32>
      %bitcast_convert_type3A_601 = tpu.bitcast %get3A_588 : vector<16xf32> -> vector<16xi32>
      %shift_right_arithmetic3A_602 = arith.constant 31 : i32
      %shift_right_arithmetic3A_603 = vector.broadcast %shift_right_arithmetic3A_602 : i32 to vector<16xi32>
      %shift_right_arithmetic3A_604 = arith.shrsi %bitcast_convert_type3A_601, %shift_right_arithmetic3A_603 : vector<16xi32>
      %and3A_605 = arith.constant 2147483647 : i32
      %and3A_606 = vector.broadcast %and3A_605 : i32 to vector<16xi32>
      %and3A_607 = arith.andi %shift_right_arithmetic3A_604, %and3A_606 : vector<16xi32>
      %xor3A_608 = arith.xori %bitcast_convert_type3A_601, %and3A_607 : vector<16xi32>
      %and3A_609 = arith.constant -4 : i32
      %and3A_610 = vector.broadcast %and3A_609 : i32 to vector<16xi32>
      %and3A_611 = arith.andi %xor3A_608, %and3A_610 : vector<16xi32>
      %or3A_612 = arith.ori %and3A_611, %and3A_600 : vector<16xi32>
      %broadcast_in_dim3A_613 = vector.shape_cast %xor3A_592 : vector<16xi32> to vector<16x1xi32>
      %gather3A_614 = vector.shape_cast %broadcast_in_dim3A_613 : vector<16x1xi32> to vector<16xi32>
      %gather3A_615 = tpu.dynamic_gather %or3A_612[%gather3A_614] in [0] : vector<16xi32>, vector<16xi32> -> vector<16xi32>
      %max3A_616 = arith.maxsi %or3A_612, %gather3A_615 : vector<16xi32>
      %broadcast_in_dim3A_617 = vector.shape_cast %xor3A_595 : vector<16xi32> to vector<16x1xi32>
      %gather3A_618 = vector.shape_cast %broadcast_in_dim3A_617 : vector<16x1xi32> to vector<16xi32>
      %gather3A_619 = tpu.dynamic_gather %max3A_616[%gather3A_618] in [0] : vector<16xi32>, vector<16xi32> -> vector<16xi32>
      %max3A_620 = arith.maxsi %max3A_616, %gather3A_619 : vector<16xi32>
      %eq3A_621 = arith.cmpi eq, %or3A_612, %max3A_620 : vector<16xi32>
      %jit3A_622 = arith.constant 0.000000e+00 : f32
      %broadcast_in_dim3A_623 = vector.broadcast %jit3A_622 : f32 to vector<16xf32>
      %select_n3A_624 = arith.select %eq3A_621, %get3A_588, %broadcast_in_dim3A_623 : vector<16xi1>, vector<16xf32>
      %swap3A_625 = arith.index_cast %add3A_585 : i32 to index
      %swap3A_626 = tpu.vector_load %arg7[%swap3A_625] {strides = array<i32>} : memref<16384xf32, #tpu.memory_space<vmem>>, vector<16xf32>,
      %swap3A_627 = vector.shape_cast %swap3A_626 : vector<16xf32> to vector<16xf32>
      %swap3A_628 = vector.shape_cast %select_n3A_624 : vector<16xf32> to vector<16xf32>
      tpu.vector_store %arg7[%swap3A_625], %swap3A_628 {strides = array<i32>} : memref<16384xf32, #tpu.memory_space<vmem>>, vector<16xf32>,
      %scan3A_629 = arith.constant 0 : i32
      scf.yield %scan3A_629 : i32
    }
    %scan3A_259 = arith.constant 128 : i32
    %add3A_260 = arith.constant 3 : i32
    %add3A_261 = arith.addi %mul3A_2, %add3A_260 : i32
    %dma_start3A_262 = arith.constant 16384 : i32
    %dma_start3A_263 = tpu.memref_slice %arg3[%add3A_261, %dma_start3A_262] : memref<128x32768xf32, #tpu.memory_space<hbm>> -> memref<1x16384xf32, #tpu.memory_space<hbm>>
    %dma_start3A_264 = tpu.memref_squeeze %dma_start3A_263 : memref<1x16384xf32, #tpu.memory_space<hbm>> -> memref<16384xf32, #tpu.memory_space<hbm>>
    %dma_start3A_265 = arith.constant 16384 : i32
    %dma_start3A_266 = tpu.memref_slice %arg3[%add3A_261, %dma_start3A_265] : memref<128x32768xf32, #tpu.memory_space<hbm>> -> memref<1x16384xf32, #tpu.memory_space<hbm>>
    %dma_start3A_267 = tpu.memref_squeeze %dma_start3A_266 : memref<1x16384xf32, #tpu.memory_space<hbm>> -> memref<16384xf32, #tpu.memory_space<hbm>>
    tpu.enqueue_dma source(%arg7 : memref<16384xf32, #tpu.memory_space<vmem>>) target(%dma_start3A_267 : memref<16384xf32, #tpu.memory_space<hbm>>) target_semaphore(%arg11 : memref<!tpu.dma_semaphore, #tpu.memory_space<semaphore_mem>>)
    %dma_wait3A_268 = arith.constant 0 : i32
    %dma_wait3A_269 = tpu.memref_slice %arg3[%add3A_234, %dma_wait3A_268] : memref<128x32768xf32, #tpu.memory_space<hbm>> -> memref<1x16384xf32, #tpu.memory_space<hbm>>
    %dma_wait3A_270 = tpu.memref_squeeze %dma_wait3A_269 : memref<1x16384xf32, #tpu.memory_space<hbm>> -> memref<16384xf32, #tpu.memory_space<hbm>>
    %dma_wait3A_271 = arith.constant 0 : i32
    %dma_wait3A_272 = tpu.memref_slice %arg3[%add3A_234, %dma_wait3A_271] : memref<128x32768xf32, #tpu.memory_space<hbm>> -> memref<1x16384xf32, #tpu.memory_space<hbm>>
    %dma_wait3A_273 = tpu.memref_squeeze %dma_wait3A_272 : memref<1x16384xf32, #tpu.memory_space<hbm>> -> memref<16384xf32, #tpu.memory_space<hbm>>
    tpu.wait_dma2 semaphore(%arg10 : memref<!tpu.dma_semaphore, #tpu.memory_space<semaphore_mem>>) src(%arg6 : memref<16384xf32, #tpu.memory_space<vmem>>) dst(%dma_wait3A_273 : memref<16384xf32, #tpu.memory_space<hbm>>)
    %dma_wait3A_274 = arith.constant 16384 : i32
    %dma_wait3A_275 = tpu.memref_slice %arg3[%add3A_261, %dma_wait3A_274] : memref<128x32768xf32, #tpu.memory_space<hbm>> -> memref<1x16384xf32, #tpu.memory_space<hbm>>
    %dma_wait3A_276 = tpu.memref_squeeze %dma_wait3A_275 : memref<1x16384xf32, #tpu.memory_space<hbm>> -> memref<16384xf32, #tpu.memory_space<hbm>>
    %dma_wait3A_277 = arith.constant 16384 : i32
    %dma_wait3A_278 = tpu.memref_slice %arg3[%add3A_261, %dma_wait3A_277] : memref<128x32768xf32, #tpu.memory_space<hbm>> -> memref<1x16384xf32, #tpu.memory_space<hbm>>
    %dma_wait3A_279 = tpu.memref_squeeze %dma_wait3A_278 : memref<1x16384xf32, #tpu.memory_space<hbm>> -> memref<16384xf32, #tpu.memory_space<hbm>>
    tpu.wait_dma2 semaphore(%arg11 : memref<!tpu.dma_semaphore, #tpu.memory_space<semaphore_mem>>) src(%arg7 : memref<16384xf32, #tpu.memory_space<vmem>>) dst(%dma_wait3A_279 : memref<16384xf32, #tpu.memory_space<hbm>>)
    return
  }
}

</mosaic_0001>

<sc_bundles>
// kernel: kernel.3.cloned.1.call-start
scs
__scs_entry_jumppad:
0x0: {  	(pc) =	sbr.rel $0x88, $3  }
0x1: {  	(tag) =	ssettag $0x0;
	lr =	simm.s32 $0x1  }
0x2: {  	[smem:$0x3FA0] =	sst lr;
	_ =	strace $0xD0000000  }
0x3: {  	_ = 	snop  }
0x4: {  	_ = 	snop  }
0x5: {  	_ = 	snop  }
0x6: {  	_ = 	snop  }
0x7: {  	_ = 	snop  }
__scs_overlays_trampoline_lowered:
0x8: {  	[smem:$0x3FAF] =	sst s0  }
0x9: {  	[smem:$0x3FB0] =	sst s1  }
0xa: {  	[smem:$0x3FB1] =	sst s2  }
0xb: {  	[smem:$0x3FB2] =	sst s3  }
0xc: {  	[smem:$0x3FB3] =	sst s4  }
0xd: {  	[smem:$0x3FB4] =	sst s5  }
0xe: {  	[smem:$0x3FB5] =	sst s6  }
0xf: {  	[smem:$0x3FB6] =	sst s7  }
0x10: {  	[smem:$0x3FB7] =	sst s8  }
0x11: {  	[smem:$0x3FB8] =	sst s9;
	s0 =	simm.s32 @!p0 $0x0  }
0x12: {  	s1 =	sld [smem:$0x3F9E];
	s0 =	simm.s32 @p0 $0x1  }
0x13: {  	[smem:$0x3FB9] =	sst s0;
	s0 =	simm.s32 @!p1 $0x0  }
0x14: {  	s2 =	sld [smem:$0x3F9D];
	s0 =	simm.s32 @p1 $0x1  }
0x15: {  	[smem:$0x3FBA] =	sst s0;
	s0 =	simm.s32 @!p2 $0x0  }
0x16: {  	s3 =	sld [smem:$0x3FDB];
	s0 =	simm.s32 @p2 $0x1  }
0x17: {  	s4 =	simm.s32 $0x1BF5;
	[smem:$0x3FBC] =	sst s0  }
0x18: {  	s0 =	sld [smem:$0x3F9F];
	_ =	swait.ge [sflag:s4], $0x0  }
0x19: {  	s7 =	sld [smem:$0x3FA0]  }
0x1a: {  	s8 =	sadd.s32 $0xFFFFE003, lr  }
0x1b: {  	s9 =	sadd.s32 $0xFFFFFEF7, lr;
	s5 =	simm.s32 $0xFFFFFFFF;
	p2 =	slt.u32 s8, $0xFFFFF086  }
0x1c: {  	p1 =	slt.u32 s9, $0xF7A;
	s5 =	simm.s32 @!p2 $0x0  }
0x1d: {  	s5 =	simm.s32 @p1 $0x1;
	p0 =	seq.s32 s7, s2  }
0x1e: {  	s7 =	smul.u32 @!p0 $0xF7A, s2;
	p2 =	seq.s32 @!p0 s5, $0x0  }
0x1f: {  	s9 =	smul.u32 $0xF7A, s1;
	s8 =	simm.s32 @!p0 $0x1BF5;
	p2 =	por !p2, p0  }
0x20: {  	[sflag:s8] =	ssyncset.s32 @!p0 $0xFFFFF086;
	s6 =	sadd.s32 @!p0 s3, s7;
	s7 =	simm.s32 @!p0 $0x108  }
0x21: {  	s3 =	sadd.s32 s3, s9;
	s6 =	sadd.s32 @!p0 $0x88, s6;
	s7 =	simm.s32 @p2 $0x1082  }
0x22: {  	[simem:s7], [sflag:s8] =	dma.local @!p0 [hbm:s6], $0xF7A  }
0x23: {  	s9 =	sor.u32 $0xD0000000, s2;
	s6 =	simm.s32 $0x108;
	_ =	swait.ge @!p0 [sflag:s8], $0x0  }
0x24: {  	s3 =	sadd.s32 $0x88, s3;
	s6 =	simm.s32 @!p1 $0x1082;
	[sflag:s4] =	ssyncset.s32 $0xFFFFF086  }
0x25: {  	[simem:s6], [sflag:s4] =	dma.local [hbm:s3], $0xF7A  }
0x26: {  	[smem:$0x3FA0] =	sst s1;
	(tag) =	ssettag s2;
	_ =	strace s9  }
0x27: {  	s1 =	sld [smem:$0x3FB0]  }
0x28: {  	s2 =	sld [smem:$0x3FB1]  }
0x29: {  	s4 =	sld [smem:$0x3FB3]  }
0x2a: {  	p0 =	seq.s32 s5, $0x0;
	s5 =	sld [smem:$0x3FB4]  }
0x2b: {  	s6 =	sld [smem:$0x3FB5]  }
0x2c: {  	s7 =	sld [smem:$0x3FB6]  }
0x2d: {  	s3 =	simm.s32 $0x108;
	s8 =	sld [smem:$0x3FB7]  }
0x2e: {  	s3 =	simm.s32 @!p0 $0x1082;
	s9 =	sld [smem:$0x3FB8]  }
0x2f: {  	lr =	sadd.s32 s0, s3;
	s0 =	sld [smem:$0x3FAF]  }
0x30: {  	s3 =	sld [smem:$0x3FB2]  }
0x31: {  	[smem:$0x3FBB] =	sst s10  }
0x32: {  	s10 =	sld [smem:$0x3FB9];
	_ =	sdelay $0x3  }
0x33: {  	p0 =	seq.s32 s10, $0x1;
	s10 =	sld [smem:$0x3FBB];
	_ =	sdelay $0x3  }
0x34: {  	[smem:$0x3FBB] =	sst s10  }
0x35: {  	s10 =	sld [smem:$0x3FBA];
	_ =	sdelay $0x3  }
0x36: {  	p1 =	seq.s32 s10, $0x1;
	s10 =	sld [smem:$0x3FBB];
	_ =	sdelay $0x3  }
0x37: {  	[smem:$0x3FBB] =	sst s10  }
0x38: {  	s10 =	sld [smem:$0x3FBC]  }
0x39: {  	_ = 	snop;
	(pc) =	sbr.ind lr, $3  }
0x3a: {  	_ = 	snop  }
0x3b: {  	_ = 	snop  }
0x3c: {  	p2 =	seq.s32 s10, $0x1;
	s10 =	sld [smem:$0x3FBB]  }
0x3d: {  	_ =	shalt  }
0x3e: {  	_ =	shalt  }
0x3f: {  	_ =	shalt  }
0x40: {  	_ =	shalt  }
0x41: {  	_ =	shalt  }
0x42: {  	_ =	shalt  }
0x43: {  	_ =	shalt  }
0x44: {  	_ =	shalt  }
0x45: {  	_ =	shalt  }
0x46: {  	_ =	shalt  }
0x47: {  	_ =	shalt  }
0x48: {  	_ =	shalt  }
0x49: {  	_ =	shalt  }
0x4a: {  	_ =	shalt  }
0x4b: {  	_ =	shalt  }
0x4c: {  	_ =	shalt  }
0x4d: {  	_ =	shalt  }
0x4e: {  	_ =	shalt  }
0x4f: {  	_ =	shalt  }
0x50: {  	_ =	shalt  }
0x51: {  	_ =	shalt  }
0x52: {  	_ =	shalt  }
0x53: {  	_ =	shalt  }
0x54: {  	_ =	shalt  }
0x55: {  	_ =	shalt  }
0x56: {  	_ =	shalt  }
0x57: {  	_ =	shalt  }
0x58: {  	_ =	shalt  }
0x59: {  	_ =	shalt  }
0x5a: {  	_ =	shalt  }
0x5b: {  	_ =	shalt  }
0x5c: {  	_ =	shalt  }
0x5d: {  	_ =	shalt  }
0x5e: {  	_ =	shalt  }
0x5f: {  	_ =	shalt  }
0x60: {  	_ =	shalt  }
0x61: {  	_ =	shalt  }
0x62: {  	_ =	shalt  }
0x63: {  	_ =	shalt  }
0x64: {  	_ =	shalt  }
0x65: {  	_ =	shalt  }
0x66: {  	_ =	shalt  }
0x67: {  	_ =	shalt  }
0x68: {  	_ =	shalt  }
0x69: {  	_ =	shalt  }
0x6a: {  	_ =	shalt  }
0x6b: {  	_ =	shalt  }
0x6c: {  	_ =	shalt  }
0x6d: {  	_ =	shalt  }
0x6e: {  	_ =	shalt  }
0x6f: {  	_ =	shalt  }
0x70: {  	_ =	shalt  }
0x71: {  	_ =	shalt  }
0x72: {  	_ =	shalt  }
0x73: {  	_ =	shalt  }
0x74: {  	_ =	shalt  }
0x75: {  	_ =	shalt  }
0x76: {  	_ =	shalt  }
0x77: {  	_ =	shalt  }
0x78: {  	_ =	shalt  }
0x79: {  	_ =	shalt  }
0x7a: {  	_ =	shalt  }
0x7b: {  	_ =	shalt  }
0x7c: {  	_ =	shalt  }
0x7d: {  	_ =	shalt  }
0x7e: {  	_ =	shalt  }
0x7f: {  	_ =	shalt  }
0x80: {  	_ =	shalt  }
0x81: {  	_ =	shalt  }
0x82: {  	_ =	shalt  }
0x83: {  	_ =	shalt  }
0x84: {  	_ =	shalt  }
0x85: {  	_ =	shalt  }
0x86: {  	_ =	shalt  }
0x87: {  	_ =	shalt  }
.Lfunc_end0:
.L_simem_size_0:
called_computation_lowered:
.L_overlay_start_0:
0x88: {  	s2 =	sld [smem:$0x3FD9]  }
0x89: {  	s3 =	sld [smem:$0x3FFE];
	_ =	sdelay $0x1  }
0x8a: {  	s1 =	srdreg.scid  }
0x8b: {  	s0 =	sand.u32 $0x1, s1  }
0x8c: {  	s18 =	sshll.u32 s0, $0xA;
	s2 =	sadd.s32 s3, s2  }
0x8d: {  	s2 =	sadd.s32 s2, s18  }
0x8e: {  	[smem:$0x3FC7] =	sst s2  }
0x8f: {  	_ = 	snop  }
0x90: {  	s2 =	sld [smem:$0x3FC9]  }
0x91: {  	s19 =	sld [smem:$0x3FD0];
	(tm) =	ssettm $0x1  }
0x92: {  	s4 =	sld [smem:$0x3FFB];
	_ =	sdelay $0x3  }
0x93: {  	_ =	strace s4  }
0x94: {  	s4 =	sld [smem:$0x3FFC];
	_ =	sdelay $0x3  }
0x95: {  	_ =	strace s4  }
0x96: {  	s4 =	sld [smem:$0x3FFD];
	_ =	sdelay $0x3  }
0x97: {  	_ =	strace s4  }
0x98: {  	_ =	strace $0x8FFFFFFF  }
0x99: {  	s20 =	sld [smem:$0x3FDB];
	_ =	sdelay $0x1  }
0x9a: {  	s5 =	simm.s32 $_scs_section_size  }
0x9b: {  	s6 =	simm.s32 $_size__tile_overlayer_lowered;
	s7 =	simm.s32 $_tile_overlayer_lowered  }
0x9c: {  	s23 =	simm.s32 $0x1BFF;
	s22 =	sshll.u32 s7, $0x1;
	s4 =	sadd.s32 s5, s20  }
0x9d: {  	s8 =	simm.s32 $0x0;
	s21 =	sshll.u32 s6, $0x1;
	s6 =	sadd.s32 s22, s4  }
0x9e: {  	[timem:s8], [sflag:s23] =	dma.local [hbm:s6], s21  }
0x9f: {  	_ =	swait.ge [sflag:s23], s21  }
0xa0: {  	s5 =	ssub.s32 $0x0, s21;
	[sflag:s23] =	ssyncset.done $0x0  }
0xa1: {  	[sflag:s23] =	ssyncadd.s32 s5;
	_ =	sdelay $0x1  }
0xa2: {  	s24 =	simm.s32 $0x1B8B  }
0xa3: {  	_ =	swait.ge [sflag:s24], $0x1  }
0xa4: {  	[sflag:s24] =	ssyncset.done $0x0  }
0xa5: {  	s25 =	simm.s32 $0x1B8E;
	[sflag:s24] =	ssyncadd.s32 $0xFFFFFFFF  }
0xa6: {  	s26 =	simm.s32 $execute0_lowered;
	[smem:$0x3FD2] =	sst s25  }
0xa7: {  	s5 =	sshll.u32 s26, $0x1;
	_ =	strace $0x80000046;
	[dreg:$0x1] =	wrdreg $0xFFFFFFFF  }
0xa8: {  	s28 =	simm.s32 $_size_execute0_lowered;
	s4 =	sadd.s32 s4, s5;
	[dreg:$0x0] =	wrdreg $0x0  }
0xa9: {  	s5 =	sshll.u32 s28, $0x1;
	[dreg:$0x2] =	wrdreg s4  }
0xaa: {  	[dreg:$0x3] =	wrdreg s5  }
0xab: {  	[dreg:$0x4] =	wrdreg $0xC0  }
0xac: {  	_ =	task [dreg:s8], $0x5FFFF  }
0xad: {  	[dreg:$0x1] =	wrdreg $0xFFFFFFFF  }
0xae: {  	[dreg:$0x0] =	wrdreg $0x60  }
0xaf: {  	[dreg:$0x2] =	wrdreg s2  }
0xb0: {  	[dreg:$0x3] =	wrdreg s19  }
0xb1: {  	[dreg:$0x4] =	wrdreg $0x9  }
0xb2: {  	_ =	task.clear_ibuf [dreg:s8], $0x5FFFF;
	_ =	strace $0x90000046  }
0xb3: {  	s29 =	simm.s32 $0x9;
	_ =	strace $0x80000048  }
0xb4: {  	_ =	swait.ge [sflag:s29], $0x1  }
0xb5: {  	[sflag:s29] =	ssyncadd.s32 $0xFFFFFFFF  }
0xb6: {  	_ =	strace $0x90000048  }
0xb7: {  	_ =	sfence  }
0xb8: {  	s30 =	sld [smem:$0x0];
	_ =	sdelay $0x2  }
0xb9: {  	s31 =	sshll.u32 s1, $0xD;
	s1 =	sshrl.u32 s1, $0x2  }
0xba: {  	s3 =	sand.u32 $0x4000, s31;
	s1 =	sadd.s32 s1, s30  }
0xbb: {  	s0 =	sor.u32 s3, s0;
	s1 =	sshll.u32 s1, $0x11  }
0xbc: {  	s0 =	sor.u32 s1, s0  }
0xbd: {  	s0 =	sadd.s32 $0x8F2B, s0  }
0xbe: {  	[sflag:s0] =	ssyncadd.remote.s32 $0x1  }
0xbf: {  	_ =	sfence.sel $0xFFFF  }
0xc0: {  	[dreg:$0x0] =	wrdreg $0xFFFFFFFF;
	(pc) =	sbr.abs _section_cstart, $3  }
0xc1: {  	[dreg:$0x1] =	wrdreg $0xFFFFFFFF  }
0xc2: {  	_ =	task.clear_ibuf [dreg:s8], $0x2FFFF;
	_ =	strace $0x9FFFFFFF  }
0xc3: {  	(tm) =	ssettm $0x7FFFFFFF  }
tec
execute0_lowered:
.L_overlay_start_1:
0x0: {  	(tag) =	ssettag $0x1  }
0x1: {  	s0 =	rddreg [dreg:$0x0]  }
0x2: {  	s1 =	rddreg [dreg:$0x1];
	s3 =	srdreg.scid  }
0x3: {  	s2 =	simm.s32 $0x0;
	s5 =	stileid.u32;
	s20 =	simm.s32 $0x80  }
0x4: {  	s21 =	simm.s32 $0x400;
	s22 =	simm.s32 $0x4000;
	s23 =	simm.s32 $0x1  }
0x5: {  	s24 =	simm.s32 $0x8000;
	s25 =	simm.s32 $0x2;
	s26 =	simm.s32 $0xC000  }
0x6: {  	s28 =	simm.s32 $0x3;
	s29 =	simm.s32 $0x4;
	s3 =	sand.u32 $0x1, s3  }
0x7: {  	s30 =	simm.s32 $0x0;
	s5 =	sshll.u32 s5, $0xF;
	s4 =	ssub.s32 $0x2, s3  }
0x8: {  	[smem:$0x7FF] =	sst s2;
	s3 =	sshll.u32 s3, $0x6;
	s6 =	sshrl.u32 s4, $0x1  }
0x9: {  	v0 =	vimm.s32 $0xEFCDAB89;
	v1 =	vimm.s32 $0x67452301;
	_ =	strace $0x80000047;
	s15 =	sor.u32 s3, s5;
	s19 =	ssub.s32 s4, s6  }
0xa: {  	v2 =	vimm.s32 $0xDCFE98BA;
	v3 =	vimm.s32 $0x54761032;
	v0 =	vunpack.c.l.s4.s8 v0;
	s7 =	sor.u32 $0x4000, s15;
	s3 =	sadd.s32 s0, s15;
	s9 =	sor.u32 $0x10, s15  }
0xb: {  	v1 =	vunpack.c.l.s4.s8 v1;
	v2 =	vunpack.c.l.s4.s8 v2;
	v3 =	vunpack.c.l.s4.s8 v3;
	s5 =	sadd.s32 s1, s15;
	s11 =	sor.u32 $0x4010, s15;
	s13 =	sor.u32 $0x20, s15  }
0xc: {  	v4 =	vlaneseq.u32;
	v0 =	vunpack.c.0.s8.s32 v0;
	s16 =	sor.u32 $0x4020, s15;
	s17 =	sor.u32 $0x30, s15;
	s18 =	sor.u32 $0x4030, s15  }
0xd: {  	v1 =	vunpack.c.0.s8.s32 v1;
	v2 =	vunpack.c.0.s8.s32 v2;
	v3 =	vunpack.c.0.s8.s32 v3;
	s4 =	sadd.s32 s0, s7;
	s6 =	sadd.s32 s0, s9;
	s7 =	sadd.s32 s1, s7  }
0xe: {  	v4 =	vand.u32 $0x3, v4;
	s8 =	sadd.s32 s0, s11;
	s9 =	sadd.s32 s1, s9;
	s10 =	sadd.s32 s0, s13  }
0xf: {  	s11 =	sadd.s32 s1, s11;
	s12 =	sadd.s32 s0, s16;
	s13 =	sadd.s32 s1, s13;
	v1 =	vcombine.low v1, v0;
	v0 =	vmul.u32 $0xFFFFFFFF, v4;
	v2 =	vcombine.low v3, v2  }
0x10: {  	s14 =	sadd.s32 s0, s17;
	s15 =	sadd.s32 s1, s16;
	s16 =	sadd.s32 s0, s18  }
0x11: {  	s17 =	sadd.s32 s1, s17;
	s18 =	sadd.s32 s1, s18;
	s19 =	smax.u32 s19, $0x1;
	v0 =	vadd.s32 $0x3, v0;
	v1 =	vand.u32 $0xF, v1;
	v2 =	vand.u32 $0xF, v2  }
.LBB2_1:
0x12: {  	[tilespmem:s2], [sflag:$0x1] =	stream.strided.gather [hbm4b:s3+s20], $0x4000, s21, s20, $0x38;
	[tilespmem:$0x10000] =	vst v63  }
0x13: {  	_ = 	snop  }
0x14: {  	[tilespmem:s22], [sflag:$0x2] =	stream.strided.gather [hbm4b:s4+s20], $0x4000, s21, s20, $0x38;
	[tilespmem:$0x10000] =	vst v63  }
0x15: {  	_ =	swait.ge [sflag:s23], $0x4000  }
0x16: {  	[sflag:s23] =	ssyncset.done $0x0  }
0x17: {  	s31 =	simm.s32 $0x0;
	[sflag:s23] =	ssyncadd.s32 $0xFFFFC000  }
0x18: {  	v10 =	vld [tilespmem:s31+$0x70]  }
0x19: {  	v6 =	vld [tilespmem:s31+$0x0]  }
0x1a: {  	v7 =	vld [tilespmem:s31+$0x10]  }
0x1b: {  	v9 =	vld [tilespmem:s31+$0x30]  }
0x1c: {  	v5 =	vld [tilespmem:s31+$0x40]  }
0x1d: {  	v4 =	vld [tilespmem:s31+$0x50]  }
0x1e: {  	v8 =	vld [tilespmem:s31+$0x20]  }
0x1f: {  	v3 =	vshra.s32 v10, $0x1F;
	v11 =	vshra.s32 v6, $0x1F;
	v13 =	vand.u32 $0xFFFFFFFC, v10  }
0x20: {  	v14 =	vshra.s32 v7, $0x1F;
	v15 =	vshra.s32 v9, $0x1F;
	v12 =	vand.u32 $0x7FFFFFFC, v3  }
0x21: {  	v17 =	vand.u32 $0xFFFFFFFC, v6;
	v18 =	vshra.s32 v5, $0x1F;
	v12 =	vxor.u32 v13, v12  }
0x22: {  	v19 =	vshra.s32 v4, $0x1F;
	v21 =	vand.u32 $0xFFFFFFFC, v7;
	v12 =	vor.u32 v0, v12  }
0x23: {  	v23 =	vand.u32 $0xFFFFFFFC, v8;
	v24 =	vand.u32 $0xFFFFFFFC, v9;
	v16 =	vperm.xlane v12, v1  }
0x24: {  	v25 =	vand.u32 $0xFFFFFFFC, v5;
	v26 =	vand.u32 $0xFFFFFFFC, v4;
	v11 =	vand.u32 $0x7FFFFFFC, v11  }
0x25: {  	v3 =	vld [tilespmem:s31+$0x60];
	v15 =	vand.u32 $0x7FFFFFFC, v15;
	v18 =	vand.u32 $0x7FFFFFFC, v18;
	vm0 =	vgt.s32 v12, v16  }
0x26: {  	v19 =	vand.u32 $0x7FFFFFFC, v19;
	v13 =	vand.u32 $0x7FFFFFFC, v14;
	v16 =	vsel vm0, v12, v16  }
0x27: {  	v14 =	vshra.s32 v8, $0x1F;
	v11 =	vxor.u32 v17, v11;
	v22 =	vperm.xlane v16, v2  }
0x28: {  	v15 =	vxor.u32 v24, v15;
	v17 =	vxor.u32 v26, v19;
	v14 =	vand.u32 $0x7FFFFFFC, v14  }
0x29: {  	v13 =	vxor.u32 v21, v13;
	v14 =	vxor.u32 v23, v14;
	vm0 =	vgt.s32 v16, v22  }
0x2a: {  	v20 =	vshra.s32 v3, $0x1F;
	v27 =	vand.u32 $0xFFFFFFFC, v3;
	v16 =	vsel vm0, v16, v22  }
0x2b: {  	v20 =	vand.u32 $0x7FFFFFFC, v20;
	vm0 =	veq.s32 v12, v16;
	v12 =	vxor.u32 v25, v18  }
0x2c: {  	v16 =	vor.u32 v0, v11;
	v18 =	vxor.u32 v27, v20;
	v28 =	vnsel vm0, $0x0, v10  }
0x2d: {  	v10 =	vor.u32 v0, v13;
	v13 =	vor.u32 v0, v14;
	v14 =	vor.u32 v0, v15  }
0x2e: {  	v19 =	vperm.xlane v16, v1;
	v11 =	vor.u32 v0, v12;
	v15 =	vor.u32 v0, v17  }
0x2f: {  	v12 =	vor.u32 v0, v18;
	v17 =	vperm.xlane v10, v1;
	v18 =	vperm.xlane v13, v1  }
0x30: {  	v20 =	vperm.xlane v14, v1;
	v21 =	vperm.xlane v11, v1  }
0x31: {  	v22 =	vperm.xlane v15, v1;
	v23 =	vperm.xlane v12, v1;
	vm0 =	vgt.s32 v16, v19  }
0x32: {  	vm1 =	vgt.s32 v10, v17;
	vm2 =	vgt.s32 v13, v18;
	vm3 =	vgt.s32 v14, v20  }
0x33: {  	vm4 =	vgt.s32 v11, v21;
	v27 =	vsel vm0, v16, v19;
	vm0 =	vgt.s32 v15, v22  }
0x34: {  	vm5 =	vgt.s32 v12, v23;
	v29 =	vsel vm1, v10, v17;
	v19 =	vsel vm2, v13, v18  }
0x35: {  	v20 =	vsel vm3, v14, v20;
	v21 =	vsel vm4, v11, v21;
	v30 =	vperm.xlane v27, v2  }
0x36: {  	v17 =	vsel vm0, v15, v22;
	v31 =	vperm.xlane v29, v2;
	v22 =	vperm.xlane v19, v2  }
0x37: {  	v18 =	vsel vm5, v12, v23;
	v23 =	vperm.xlane v20, v2;
	v25 =	vperm.xlane v21, v2  }
0x38: {  	v24 =	vperm.xlane v17, v2;
	v26 =	vperm.xlane v18, v2  }
0x39: {  	vm4 =	vgt.s32 v27, v30;
	vm5 =	vgt.s32 v29, v31;
	vm1 =	vgt.s32 v19, v22  }
0x3a: {  	vm2 =	vgt.s32 v20, v23;
	vm3 =	vgt.s32 v21, v25;
	vm0 =	vgt.s32 v17, v24  }
0x3b: {  	s0 =	simm.s32 $0x80;
	s1 =	simm.s32 $0x400;
	[tilespmem:s31+$0x8070] =	vst v28;
	v28 =	vsel vm4, v27, v30;
	vm4 =	vgt.s32 v18, v26;
	v27 =	vsel vm5, v29, v31  }
.LBB2_2:
0x3c: {  	p0 =	sne.s32 s1, $0xFE00;
	v29 =	vld [tilespmem:s0+$0x70];
	v19 =	vsel vm1, v19, v22;
	v20 =	vsel vm2, v20, v23;
	v21 =	vsel vm3, v21, v25  }
0x3d: {  	vm2 =	veq.s32 v16, v28;
	v16 =	vsel vm0, v17, v24;
	v17 =	vsel vm4, v18, v26;
	v22 =	vld [tilespmem:s0+$0x0]  }
0x3e: {  	vm3 =	veq.s32 v10, v27;
	vm4 =	veq.s32 v13, v19;
	vm5 =	veq.s32 v14, v20;
	v18 =	vld [tilespmem:s0+$0x10]  }
0x3f: {  	vm6 =	veq.s32 v11, v21;
	vm1 =	veq.s32 v15, v16;
	vm0 =	veq.s32 v12, v17;
	v10 =	vld [tilespmem:s0+$0x20]  }
0x40: {  	v16 =	vnsel vm2, $0x0, v6;
	v7 =	vnsel vm3, $0x0, v7;
	v8 =	vnsel vm4, $0x0, v8;
	v11 =	vld [tilespmem:s0+$0x30]  }
0x41: {  	v9 =	vnsel vm5, $0x0, v9;
	v13 =	vnsel vm6, $0x0, v5;
	v12 =	vshra.s32 v29, $0x1F;
	[tilespmem:s31+$0x8000] =	vst v16;
	v5 =	vld [tilespmem:s0+$0x40]  }
0x42: {  	v15 =	vand.u32 $0xFFFFFFFC, v29;
	v14 =	vshra.s32 v22, $0x1F;
	v17 =	vld [tilespmem:s0+$0x50];
	v12 =	vand.u32 $0x7FFFFFFC, v12;
	[tilespmem:s31+$0x8010] =	vst v7;
	v6 =	vmovc v22  }
0x43: {  	v14 =	vand.u32 $0x7FFFFFFC, v14;
	v16 =	vshra.s32 v18, $0x1F;
	v22 =	vld [tilespmem:s0+$0x60];
	v12 =	vxor.u32 v15, v12;
	[tilespmem:s31+$0x8020] =	vst v8;
	v7 =	vmovc v18  }
0x44: {  	v15 =	vand.u32 $0x7FFFFFFC, v16;
	v16 =	vshra.s32 v10, $0x1F;
	v12 =	vor.u32 v0, v12;
	[tilespmem:s31+$0x8030] =	vst v9;
	v8 =	vmovc v10  }
0x45: {  	v10 =	vand.u32 $0x7FFFFFFC, v16;
	v16 =	vshra.s32 v11, $0x1F;
	v18 =	vperm.xlane v12, v1;
	[tilespmem:s31+$0x8040] =	vst v13;
	v9 =	vmovc v11  }
0x46: {  	v11 =	vand.u32 $0xFFFFFFFC, v6;
	v13 =	vand.u32 $0x7FFFFFFC, v16;
	v16 =	vshra.s32 v5, $0x1F  }
0x47: {  	v16 =	vand.u32 $0x7FFFFFFC, v16;
	v19 =	vshra.s32 v17, $0x1F;
	vm2 =	vgt.s32 v12, v18  }
0x48: {  	v19 =	vand.u32 $0x7FFFFFFC, v19;
	v20 =	vshra.s32 v22, $0x1F;
	v18 =	vsel vm2, v12, v18  }
0x49: {  	v21 =	vand.u32 $0xFFFFFFFC, v7;
	v20 =	vand.u32 $0x7FFFFFFC, v20;
	v23 =	vperm.xlane v18, v2  }
0x4a: {  	v24 =	vand.u32 $0xFFFFFFFC, v8;
	v25 =	vand.u32 $0xFFFFFFFC, v9;
	v26 =	vand.u32 $0xFFFFFFFC, v5  }
0x4b: {  	v27 =	vand.u32 $0xFFFFFFFC, v17;
	v28 =	vand.u32 $0xFFFFFFFC, v22;
	vm2 =	vgt.s32 v18, v23  }
0x4c: {  	v11 =	vxor.u32 v11, v14;
	v14 =	vxor.u32 v21, v15;
	v15 =	vsel vm2, v18, v23  }
0x4d: {  	v21 =	vxor.u32 v25, v13;
	v18 =	vxor.u32 v24, v10;
	vm2 =	veq.s32 v12, v15  }
0x4e: {  	v12 =	vxor.u32 v26, v16;
	v15 =	vxor.u32 v27, v19;
	v13 =	vnsel vm2, $0x0, v29  }
0x4f: {  	v10 =	vor.u32 v0, v14;
	v16 =	vor.u32 v0, v11;
	v19 =	vxor.u32 v28, v20;
	[tilespmem:s0+$0x8070] =	vst v13  }
0x50: {  	v14 =	vor.u32 v0, v21;
	v11 =	vor.u32 v0, v12;
	v13 =	vor.u32 v0, v18  }
0x51: {  	v15 =	vor.u32 v0, v15;
	v12 =	vor.u32 v0, v19;
	v18 =	vperm.xlane v16, v1  }
0x52: {  	v21 =	vnsel vm1, $0x0, v4;
	v4 =	vmovc v17;
	v19 =	vperm.xlane v10, v1;
	v20 =	vperm.xlane v13, v1  }
0x53: {  	v17 =	vperm.xlane v14, v1;
	v23 =	vperm.xlane v11, v1;
	vm1 =	vgt.s32 v16, v18;
	[tilespmem:s31+$0x8050] =	vst v21  }
0x54: {  	v24 =	vperm.xlane v15, v1;
	v25 =	vperm.xlane v12, v1;
	vm2 =	vgt.s32 v10, v19  }
0x55: {  	vm4 =	vgt.s32 v14, v17;
	vm5 =	vgt.s32 v11, v23;
	vm3 =	vgt.s32 v13, v20  }
0x56: {  	vm6 =	vgt.s32 v12, v25;
	v27 =	vsel vm1, v16, v18;
	vm1 =	vgt.s32 v15, v24  }
0x57: {  	v29 =	vsel vm2, v10, v19;
	v19 =	vsel vm3, v13, v20;
	v20 =	vsel vm4, v14, v17  }
0x58: {  	v18 =	vsel vm6, v12, v25;
	v21 =	vsel vm5, v11, v23;
	v17 =	vsel vm1, v15, v24  }
0x59: {  	v30 =	vperm.xlane v29, v2;
	v28 =	vperm.xlane v27, v2;
	v24 =	vnsel vm0, $0x0, v3;
	v3 =	vmovc v22  }
.Ltmp0:
0x5a: {  	v22 =	vperm.xlane v19, v2;
	v23 =	vperm.xlane v20, v2;
	[tilespmem:s31+$0x8060] =	vst v24;
	s31 =	smov.u32 s0;
	(pc) =	sbr.rel @p0 .LBB2_2-.Ltmp0, $4  }
0x5b: {  	v25 =	vperm.xlane v21, v2;
	vm4 =	vgt.s32 v27, v28;
	v24 =	vperm.xlane v17, v2  }
0x5c: {  	v26 =	vperm.xlane v18, v2;
	vm5 =	vgt.s32 v29, v30;
	vm1 =	vgt.s32 v19, v22  }
0x5d: {  	vm2 =	vgt.s32 v20, v23;
	vm3 =	vgt.s32 v21, v25;
	vm0 =	vgt.s32 v17, v24  }
0x5e: {  	v28 =	vsel vm4, v27, v28;
	v27 =	vsel vm5, v29, v30;
	vm4 =	vgt.s32 v18, v26;
	s0 =	sshra.s32 s1, $0x2;
	s1 =	sadd.s32 $0x200, s1  }
0x5f: {  	v29 =	vld [tilespmem:s0+$0x70]  }
0x60: {  	v30 =	vld [tilespmem:s0+$0x0];
	v19 =	vsel vm1, v19, v22;
	v20 =	vsel vm2, v20, v23;
	v21 =	vsel vm3, v21, v25  }
0x61: {  	v22 =	vld [tilespmem:s0+$0x10];
	vm2 =	veq.s32 v16, v28;
	v16 =	vsel vm0, v17, v24;
	v17 =	vsel vm4, v18, v26  }
0x62: {  	vm3 =	veq.s32 v10, v27;
	v10 =	vld [tilespmem:s0+$0x30];
	vm4 =	veq.s32 v13, v19;
	vm5 =	veq.s32 v14, v20  }
0x63: {  	v18 =	vld [tilespmem:s0+$0x20];
	vm6 =	veq.s32 v11, v21;
	vm1 =	veq.s32 v15, v16;
	v6 =	vnsel vm2, $0x0, v6  }
0x64: {  	vm0 =	veq.s32 v12, v17;
	v7 =	vnsel vm3, $0x0, v7;
	v8 =	vnsel vm4, $0x0, v8  }
0x65: {  	v11 =	vld [tilespmem:s0+$0x40];
	v9 =	vnsel vm5, $0x0, v9;
	v5 =	vnsel vm6, $0x0, v5;
	v4 =	vnsel vm1, $0x0, v4  }
0x66: {  	[tilespmem:s31+$0x8000] =	vst v6;
	v3 =	vnsel vm0, $0x0, v3;
	v6 =	vshra.s32 v29, $0x1F;
	v13 =	vshra.s32 v30, $0x1F  }
0x67: {  	v14 =	vand.u32 $0xFFFFFFFC, v29;
	v16 =	vshra.s32 v10, $0x1F;
	v19 =	vand.u32 $0xFFFFFFFC, v30  }
0x68: {  	v24 =	vand.u32 $0xFFFFFFFC, v22;
	v26 =	vand.u32 $0xFFFFFFFC, v18;
	v27 =	vand.u32 $0xFFFFFFFC, v10  }
0x69: {  	v12 =	vld [tilespmem:s0+$0x50];
	[tilespmem:s31+$0x8010] =	vst v7;
	v6 =	vand.u32 $0x7FFFFFFC, v6;
	v7 =	vand.u32 $0x7FFFFFFC, v13;
	v13 =	vshra.s32 v22, $0x1F  }
0x6a: {  	v16 =	vand.u32 $0x7FFFFFFC, v16;
	v20 =	vshra.s32 v11, $0x1F;
	v28 =	vand.u32 $0xFFFFFFFC, v11  }
0x6b: {  	v6 =	vxor.u32 v14, v6;
	v13 =	vand.u32 $0x7FFFFFFC, v13;
	v14 =	vshra.s32 v18, $0x1F  }
0x6c: {  	v20 =	vand.u32 $0x7FFFFFFC, v20;
	v7 =	vxor.u32 v19, v7;
	v6 =	vor.u32 v0, v6  }
0x6d: {  	v15 =	vld [tilespmem:s0+$0x60];
	v16 =	vxor.u32 v27, v16;
	v14 =	vand.u32 $0x7FFFFFFC, v14;
	v17 =	vperm.xlane v6, v1  }
0x6e: {  	v21 =	vshra.s32 v12, $0x1F;
	v31 =	vand.u32 $0xFFFFFFFC, v12;
	v14 =	vxor.u32 v26, v14  }
0x6f: {  	v13 =	vxor.u32 v24, v13;
	v14 =	vor.u32 v0, v14;
	vm2 =	vgt.s32 v6, v17  }
0x70: {  	v7 =	vor.u32 v0, v7;
	v24 =	vperm.xlane v14, v1;
	v17 =	vsel vm2, v6, v17  }
0x71: {  	v16 =	vor.u32 v0, v16;
	v21 =	vand.u32 $0x7FFFFFFC, v21;
	v25 =	vperm.xlane v17, v2  }
0x72: {  	v23 =	vshra.s32 v15, $0x1F;
	v32 =	vand.u32 $0xFFFFFFFC, v15;
	vm3 =	vgt.s32 v14, v24  }
0x73: {  	v13 =	vor.u32 v0, v13;
	v24 =	vsel vm3, v14, v24;
	vm2 =	vgt.s32 v17, v25  }
0x74: {  	[tilespmem:s31+$0x8020] =	vst v8;
	v23 =	vand.u32 $0x7FFFFFFC, v23;
	v8 =	vperm.xlane v24, v2;
	v17 =	vsel vm2, v17, v25  }
0x75: {  	v25 =	vperm.xlane v16, v1;
	vm2 =	veq.s32 v6, v17;
	v6 =	vxor.u32 v28, v20  }
0x76: {  	v17 =	vxor.u32 v31, v21;
	v20 =	vxor.u32 v32, v23;
	v21 =	vperm.xlane v7, v1  }
0x77: {  	v23 =	vperm.xlane v13, v1;
	v19 =	vnsel vm2, $0x0, v29;
	v6 =	vor.u32 v0, v6  }
0x78: {  	v17 =	vor.u32 v0, v17;
	v20 =	vor.u32 v0, v20;
	vm4 =	vgt.s32 v16, v25  }
0x79: {  	vm1 =	vgt.s32 v7, v21;
	v26 =	vperm.xlane v6, v1;
	vm2 =	vgt.s32 v13, v23  }
0x7a: {  	v27 =	vperm.xlane v17, v1;
	v28 =	vperm.xlane v20, v1;
	v25 =	vsel vm4, v16, v25  }
0x7b: {  	[tilespmem:s31+$0x8030] =	vst v9;
	v21 =	vsel vm1, v7, v21;
	v23 =	vsel vm2, v13, v23;
	v63 =	vperm.xlane v25, v2  }
0x7c: {  	[tilespmem:s31+$0x8040] =	vst v5;
	vm2 =	vgt.s32 v24, v8;
	vm5 =	vgt.s32 v6, v26;
	vm1 =	vgt.s32 v17, v27  }
0x7d: {  	[tilespmem:s0+$0x8070] =	vst v19;
	vm6 =	vgt.s32 v20, v28;
	v29 =	vperm.xlane v21, v2;
	v31 =	vperm.xlane v23, v2  }
0x7e: {  	[tilespmem:s31+$0x8060] =	vst v3;
	v3 =	vsel vm2, v24, v8;
	v26 =	vsel vm5, v6, v26;
	v27 =	vsel vm1, v17, v27  }
0x7f: {  	v28 =	vsel vm6, v20, v28;
	vm0 =	vgt.s32 v21, v29;
	v9 =	vperm.xlane v26, v2  }
0x80: {  	v33 =	vperm.xlane v27, v2;
	vm1 =	vgt.s32 v23, v31;
	v5 =	vsel vm0, v21, v29  }
0x81: {  	[tilespmem:s31+$0x8050] =	vst v4;
	v21 =	vperm.xlane v28, v2;
	vm0 =	vgt.s32 v25, v63;
	v4 =	vsel vm1, v23, v31  }
0x82: {  	vm3 =	vgt.s32 v26, v9;
	vm4 =	vgt.s32 v27, v33;
	vm5 =	veq.s32 v7, v5  }
0x83: {  	vm2 =	veq.s32 v13, v4;
	v5 =	vsel vm0, v25, v63;
	v4 =	vnsel vm5, $0x0, v30  }
0x84: {  	vm0 =	veq.s32 v14, v3;
	vm1 =	vgt.s32 v28, v21;
	v3 =	vnsel vm2, $0x0, v22;
	[tilespmem:s0+$0x8000] =	vst v4  }
0x85: {  	vm2 =	veq.s32 v16, v5;
	v5 =	vnsel vm0, $0x0, v18;
	v4 =	vsel vm3, v26, v9;
	[tilespmem:s0+$0x8010] =	vst v3  }
0x86: {  	v3 =	vsel vm4, v27, v33;
	[tilespmem:s0+$0x8020] =	vst v5;
	vm0 =	veq.s32 v6, v4;
	v4 =	vnsel vm2, $0x0, v10  }
0x87: {  	v5 =	vsel vm1, v28, v21;
	vm1 =	veq.s32 v17, v3;
	v3 =	vnsel vm0, $0x0, v11;
	[tilespmem:s0+$0x8030] =	vst v4  }
0x88: {  	vm0 =	veq.s32 v20, v5;
	[tilespmem:s0+$0x8040] =	vst v3;
	v3 =	vnsel vm1, $0x0, v12  }
0x89: {  	[tilespmem:s0+$0x8050] =	vst v3;
	v3 =	vnsel vm0, $0x0, v15  }
0x8a: {  	[tilespmem:s0+$0x8060] =	vst v3  }
0x8b: {  	[hbm4b:s5+s20] =	stream.strided.scatter [tilespmem:s24], [sflag:$0x3], $0x4000, s21, s20, $0x38;
	[tilespmem:$0x10000] =	vst v63  }
0x8c: {  	s1 =	simm.s32 $0x0  }
0x8d: {  	[tilespmem:s1], [sflag:$0x1] =	stream.strided.gather [hbm4b:s6+s20], $0x4000, s21, s20, $0x38;
	[tilespmem:$0x10000] =	vst v63  }
0x8e: {  	_ =	swait.ge [sflag:s25], $0x4000  }
0x8f: {  	[sflag:s25] =	ssyncset.done $0x0  }
0x90: {  	s31 =	simm.s32 $0x0;
	[sflag:s25] =	ssyncadd.s32 $0xFFFFC000  }
0x91: {  	v10 =	vld [tilespmem:s31+$0x4070]  }
0x92: {  	v6 =	vld [tilespmem:s31+$0x4000]  }
0x93: {  	v7 =	vld [tilespmem:s31+$0x4010]  }
0x94: {  	v9 =	vld [tilespmem:s31+$0x4030]  }
0x95: {  	v5 =	vld [tilespmem:s31+$0x4040]  }
0x96: {  	v4 =	vld [tilespmem:s31+$0x4050]  }
0x97: {  	v8 =	vld [tilespmem:s31+$0x4020]  }
0x98: {  	v3 =	vshra.s32 v10, $0x1F;
	v11 =	vshra.s32 v6, $0x1F;
	v13 =	vand.u32 $0xFFFFFFFC, v10  }
0x99: {  	v14 =	vshra.s32 v7, $0x1F;
	v15 =	vshra.s32 v9, $0x1F;
	v12 =	vand.u32 $0x7FFFFFFC, v3  }
0x9a: {  	v17 =	vand.u32 $0xFFFFFFFC, v6;
	v18 =	vshra.s32 v5, $0x1F;
	v12 =	vxor.u32 v13, v12  }
0x9b: {  	v19 =	vshra.s32 v4, $0x1F;
	v21 =	vand.u32 $0xFFFFFFFC, v7;
	v12 =	vor.u32 v0, v12  }
0x9c: {  	v23 =	vand.u32 $0xFFFFFFFC, v8;
	v24 =	vand.u32 $0xFFFFFFFC, v9;
	v16 =	vperm.xlane v12, v1  }
0x9d: {  	v25 =	vand.u32 $0xFFFFFFFC, v5;
	v26 =	vand.u32 $0xFFFFFFFC, v4;
	v11 =	vand.u32 $0x7FFFFFFC, v11  }
0x9e: {  	v3 =	vld [tilespmem:s31+$0x4060];
	v15 =	vand.u32 $0x7FFFFFFC, v15;
	v18 =	vand.u32 $0x7FFFFFFC, v18;
	vm0 =	vgt.s32 v12, v16  }
0x9f: {  	v19 =	vand.u32 $0x7FFFFFFC, v19;
	v13 =	vand.u32 $0x7FFFFFFC, v14;
	v16 =	vsel vm0, v12, v16  }
0xa0: {  	v14 =	vshra.s32 v8, $0x1F;
	v11 =	vxor.u32 v17, v11;
	v22 =	vperm.xlane v16, v2  }
0xa1: {  	v15 =	vxor.u32 v24, v15;
	v17 =	vxor.u32 v26, v19;
	v14 =	vand.u32 $0x7FFFFFFC, v14  }
0xa2: {  	v13 =	vxor.u32 v21, v13;
	v14 =	vxor.u32 v23, v14;
	vm0 =	vgt.s32 v16, v22  }
0xa3: {  	v20 =	vshra.s32 v3, $0x1F;
	v27 =	vand.u32 $0xFFFFFFFC, v3;
	v16 =	vsel vm0, v16, v22  }
0xa4: {  	v20 =	vand.u32 $0x7FFFFFFC, v20;
	vm0 =	veq.s32 v12, v16;
	v12 =	vxor.u32 v25, v18  }
0xa5: {  	v16 =	vor.u32 v0, v11;
	v18 =	vxor.u32 v27, v20;
	v28 =	vnsel vm0, $0x0, v10  }
0xa6: {  	v10 =	vor.u32 v0, v13;
	v13 =	vor.u32 v0, v14;
	v14 =	vor.u32 v0, v15  }
0xa7: {  	v19 =	vperm.xlane v16, v1;
	v11 =	vor.u32 v0, v12;
	v15 =	vor.u32 v0, v17  }
0xa8: {  	v12 =	vor.u32 v0, v18;
	v17 =	vperm.xlane v10, v1;
	v18 =	vperm.xlane v13, v1  }
0xa9: {  	v20 =	vperm.xlane v14, v1;
	v21 =	vperm.xlane v11, v1  }
0xaa: {  	v22 =	vperm.xlane v15, v1;
	v23 =	vperm.xlane v12, v1;
	vm0 =	vgt.s32 v16, v19  }
0xab: {  	vm1 =	vgt.s32 v10, v17;
	vm2 =	vgt.s32 v13, v18;
	vm3 =	vgt.s32 v14, v20  }
0xac: {  	vm4 =	vgt.s32 v11, v21;
	v27 =	vsel vm0, v16, v19;
	vm0 =	vgt.s32 v15, v22  }
0xad: {  	vm5 =	vgt.s32 v12, v23;
	v29 =	vsel vm1, v10, v17;
	v19 =	vsel vm2, v13, v18  }
0xae: {  	v20 =	vsel vm3, v14, v20;
	v21 =	vsel vm4, v11, v21;
	v30 =	vperm.xlane v27, v2  }
0xaf: {  	v17 =	vsel vm0, v15, v22;
	v31 =	vperm.xlane v29, v2;
	v22 =	vperm.xlane v19, v2  }
0xb0: {  	v18 =	vsel vm5, v12, v23;
	v23 =	vperm.xlane v20, v2;
	v25 =	vperm.xlane v21, v2  }
0xb1: {  	v24 =	vperm.xlane v17, v2;
	v26 =	vperm.xlane v18, v2  }
0xb2: {  	vm4 =	vgt.s32 v27, v30;
	vm5 =	vgt.s32 v29, v31;
	vm1 =	vgt.s32 v19, v22  }
0xb3: {  	vm2 =	vgt.s32 v20, v23;
	vm3 =	vgt.s32 v21, v25;
	vm0 =	vgt.s32 v17, v24  }
0xb4: {  	s0 =	simm.s32 $0x80;
	s1 =	simm.s32 $0x400;
	[tilespmem:s31+$0xC070] =	vst v28;
	v28 =	vsel vm4, v27, v30;
	vm4 =	vgt.s32 v18, v26;
	v27 =	vsel vm5, v29, v31  }
.LBB2_4:
0xb5: {  	p0 =	sne.s32 s1, $0xFE00;
	v29 =	vld [tilespmem:s0+$0x4070];
	v19 =	vsel vm1, v19, v22;
	v20 =	vsel vm2, v20, v23;
	v21 =	vsel vm3, v21, v25  }
0xb6: {  	vm2 =	veq.s32 v16, v28;
	v16 =	vsel vm0, v17, v24;
	v17 =	vsel vm4, v18, v26;
	v22 =	vld [tilespmem:s0+$0x4000]  }
0xb7: {  	vm3 =	veq.s32 v10, v27;
	vm4 =	veq.s32 v13, v19;
	vm5 =	veq.s32 v14, v20;
	v18 =	vld [tilespmem:s0+$0x4010]  }
0xb8: {  	vm6 =	veq.s32 v11, v21;
	vm1 =	veq.s32 v15, v16;
	vm0 =	veq.s32 v12, v17;
	v10 =	vld [tilespmem:s0+$0x4020]  }
0xb9: {  	v16 =	vnsel vm2, $0x0, v6;
	v7 =	vnsel vm3, $0x0, v7;
	v8 =	vnsel vm4, $0x0, v8;
	v11 =	vld [tilespmem:s0+$0x4030]  }
0xba: {  	v9 =	vnsel vm5, $0x0, v9;
	v13 =	vnsel vm6, $0x0, v5;
	v12 =	vshra.s32 v29, $0x1F;
	[tilespmem:s31+$0xC000] =	vst v16;
	v5 =	vld [tilespmem:s0+$0x4040]  }
0xbb: {  	v15 =	vand.u32 $0xFFFFFFFC, v29;
	v14 =	vshra.s32 v22, $0x1F;
	v17 =	vld [tilespmem:s0+$0x4050];
	v12 =	vand.u32 $0x7FFFFFFC, v12;
	[tilespmem:s31+$0xC010] =	vst v7;
	v6 =	vmovc v22  }
0xbc: {  	v14 =	vand.u32 $0x7FFFFFFC, v14;
	v16 =	vshra.s32 v18, $0x1F;
	v22 =	vld [tilespmem:s0+$0x4060];
	v12 =	vxor.u32 v15, v12;
	[tilespmem:s31+$0xC020] =	vst v8;
	v7 =	vmovc v18  }
0xbd: {  	v15 =	vand.u32 $0x7FFFFFFC, v16;
	v16 =	vshra.s32 v10, $0x1F;
	v12 =	vor.u32 v0, v12;
	[tilespmem:s31+$0xC030] =	vst v9;
	v8 =	vmovc v10  }
0xbe: {  	v10 =	vand.u32 $0x7FFFFFFC, v16;
	v16 =	vshra.s32 v11, $0x1F;
	v18 =	vperm.xlane v12, v1;
	[tilespmem:s31+$0xC040] =	vst v13;
	v9 =	vmovc v11  }
0xbf: {  	v11 =	vand.u32 $0xFFFFFFFC, v6;
	v13 =	vand.u32 $0x7FFFFFFC, v16;
	v16 =	vshra.s32 v5, $0x1F  }
0xc0: {  	v16 =	vand.u32 $0x7FFFFFFC, v16;
	v19 =	vshra.s32 v17, $0x1F;
	vm2 =	vgt.s32 v12, v18  }
0xc1: {  	v19 =	vand.u32 $0x7FFFFFFC, v19;
	v20 =	vshra.s32 v22, $0x1F;
	v18 =	vsel vm2, v12, v18  }
0xc2: {  	v21 =	vand.u32 $0xFFFFFFFC, v7;
	v20 =	vand.u32 $0x7FFFFFFC, v20;
	v23 =	vperm.xlane v18, v2  }
0xc3: {  	v24 =	vand.u32 $0xFFFFFFFC, v8;
	v25 =	vand.u32 $0xFFFFFFFC, v9;
	v26 =	vand.u32 $0xFFFFFFFC, v5  }
0xc4: {  	v27 =	vand.u32 $0xFFFFFFFC, v17;
	v28 =	vand.u32 $0xFFFFFFFC, v22;
	vm2 =	vgt.s32 v18, v23  }
0xc5: {  	v11 =	vxor.u32 v11, v14;
	v14 =	vxor.u32 v21, v15;
	v15 =	vsel vm2, v18, v23  }
0xc6: {  	v21 =	vxor.u32 v25, v13;
	v18 =	vxor.u32 v24, v10;
	vm2 =	veq.s32 v12, v15  }
0xc7: {  	v12 =	vxor.u32 v26, v16;
	v15 =	vxor.u32 v27, v19;
	v13 =	vnsel vm2, $0x0, v29  }
0xc8: {  	v10 =	vor.u32 v0, v14;
	v16 =	vor.u32 v0, v11;
	v19 =	vxor.u32 v28, v20;
	[tilespmem:s0+$0xC070] =	vst v13  }
0xc9: {  	v14 =	vor.u32 v0, v21;
	v11 =	vor.u32 v0, v12;
	v13 =	vor.u32 v0, v18  }
0xca: {  	v15 =	vor.u32 v0, v15;
	v12 =	vor.u32 v0, v19;
	v18 =	vperm.xlane v16, v1  }
0xcb: {  	v21 =	vnsel vm1, $0x0, v4;
	v4 =	vmovc v17;
	v19 =	vperm.xlane v10, v1;
	v20 =	vperm.xlane v13, v1  }
0xcc: {  	v17 =	vperm.xlane v14, v1;
	v23 =	vperm.xlane v11, v1;
	vm1 =	vgt.s32 v16, v18;
	[tilespmem:s31+$0xC050] =	vst v21  }
0xcd: {  	v24 =	vperm.xlane v15, v1;
	v25 =	vperm.xlane v12, v1;
	vm2 =	vgt.s32 v10, v19  }
0xce: {  	vm4 =	vgt.s32 v14, v17;
	vm5 =	vgt.s32 v11, v23;
	vm3 =	vgt.s32 v13, v20  }
0xcf: {  	vm6 =	vgt.s32 v12, v25;
	v27 =	vsel vm1, v16, v18;
	vm1 =	vgt.s32 v15, v24  }
0xd0: {  	v29 =	vsel vm2, v10, v19;
	v19 =	vsel vm3, v13, v20;
	v20 =	vsel vm4, v14, v17  }
0xd1: {  	v18 =	vsel vm6, v12, v25;
	v21 =	vsel vm5, v11, v23;
	v17 =	vsel vm1, v15, v24  }
0xd2: {  	v30 =	vperm.xlane v29, v2;
	v28 =	vperm.xlane v27, v2;
	v24 =	vnsel vm0, $0x0, v3;
	v3 =	vmovc v22  }
.Ltmp1:
0xd3: {  	v22 =	vperm.xlane v19, v2;
	v23 =	vperm.xlane v20, v2;
	[tilespmem:s31+$0xC060] =	vst v24;
	s31 =	smov.u32 s0;
	(pc) =	sbr.rel @p0 .LBB2_4-.Ltmp1, $4  }
0xd4: {  	v25 =	vperm.xlane v21, v2;
	vm4 =	vgt.s32 v27, v28;
	v24 =	vperm.xlane v17, v2  }
0xd5: {  	v26 =	vperm.xlane v18, v2;
	vm5 =	vgt.s32 v29, v30;
	vm1 =	vgt.s32 v19, v22  }
0xd6: {  	vm2 =	vgt.s32 v20, v23;
	vm3 =	vgt.s32 v21, v25;
	vm0 =	vgt.s32 v17, v24  }
0xd7: {  	v28 =	vsel vm4, v27, v28;
	v27 =	vsel vm5, v29, v30;
	vm4 =	vgt.s32 v18, v26;
	s0 =	sshra.s32 s1, $0x2;
	s1 =	sadd.s32 $0x200, s1  }
0xd8: {  	v29 =	vld [tilespmem:s0+$0x4070]  }
0xd9: {  	v30 =	vld [tilespmem:s0+$0x4000];
	v19 =	vsel vm1, v19, v22;
	v20 =	vsel vm2, v20, v23;
	v21 =	vsel vm3, v21, v25  }
0xda: {  	v22 =	vld [tilespmem:s0+$0x4010];
	vm2 =	veq.s32 v16, v28;
	v16 =	vsel vm0, v17, v24;
	v17 =	vsel vm4, v18, v26  }
0xdb: {  	vm3 =	veq.s32 v10, v27;
	v10 =	vld [tilespmem:s0+$0x4030];
	vm4 =	veq.s32 v13, v19;
	vm5 =	veq.s32 v14, v20  }
0xdc: {  	v18 =	vld [tilespmem:s0+$0x4020];
	vm6 =	veq.s32 v11, v21;
	vm1 =	veq.s32 v15, v16;
	v6 =	vnsel vm2, $0x0, v6  }
0xdd: {  	vm0 =	veq.s32 v12, v17;
	v7 =	vnsel vm3, $0x0, v7;
	v8 =	vnsel vm4, $0x0, v8  }
0xde: {  	v11 =	vld [tilespmem:s0+$0x4040];
	v9 =	vnsel vm5, $0x0, v9;
	v5 =	vnsel vm6, $0x0, v5;
	v4 =	vnsel vm1, $0x0, v4  }
0xdf: {  	[tilespmem:s31+$0xC000] =	vst v6;
	v3 =	vnsel vm0, $0x0, v3;
	v6 =	vshra.s32 v29, $0x1F;
	v13 =	vshra.s32 v30, $0x1F  }
0xe0: {  	v14 =	vand.u32 $0xFFFFFFFC, v29;
	v16 =	vshra.s32 v10, $0x1F;
	v19 =	vand.u32 $0xFFFFFFFC, v30  }
0xe1: {  	v24 =	vand.u32 $0xFFFFFFFC, v22;
	v26 =	vand.u32 $0xFFFFFFFC, v18;
	v27 =	vand.u32 $0xFFFFFFFC, v10  }
0xe2: {  	v12 =	vld [tilespmem:s0+$0x4050];
	[tilespmem:s31+$0xC010] =	vst v7;
	v6 =	vand.u32 $0x7FFFFFFC, v6;
	v7 =	vand.u32 $0x7FFFFFFC, v13;
	v13 =	vshra.s32 v22, $0x1F  }
0xe3: {  	v16 =	vand.u32 $0x7FFFFFFC, v16;
	v20 =	vshra.s32 v11, $0x1F;
	v28 =	vand.u32 $0xFFFFFFFC, v11  }
0xe4: {  	v6 =	vxor.u32 v14, v6;
	v13 =	vand.u32 $0x7FFFFFFC, v13;
	v14 =	vshra.s32 v18, $0x1F  }
0xe5: {  	v20 =	vand.u32 $0x7FFFFFFC, v20;
	v7 =	vxor.u32 v19, v7;
	v6 =	vor.u32 v0, v6  }
0xe6: {  	v15 =	vld [tilespmem:s0+$0x4060];
	v16 =	vxor.u32 v27, v16;
	v14 =	vand.u32 $0x7FFFFFFC, v14;
	v17 =	vperm.xlane v6, v1  }
0xe7: {  	v21 =	vshra.s32 v12, $0x1F;
	v31 =	vand.u32 $0xFFFFFFFC, v12;
	v14 =	vxor.u32 v26, v14  }
0xe8: {  	v13 =	vxor.u32 v24, v13;
	v14 =	vor.u32 v0, v14;
	vm2 =	vgt.s32 v6, v17  }
0xe9: {  	v7 =	vor.u32 v0, v7;
	v24 =	vperm.xlane v14, v1;
	v17 =	vsel vm2, v6, v17  }
0xea: {  	v16 =	vor.u32 v0, v16;
	v21 =	vand.u32 $0x7FFFFFFC, v21;
	v25 =	vperm.xlane v17, v2  }
0xeb: {  	v23 =	vshra.s32 v15, $0x1F;
	v32 =	vand.u32 $0xFFFFFFFC, v15;
	vm3 =	vgt.s32 v14, v24  }
0xec: {  	v13 =	vor.u32 v0, v13;
	v24 =	vsel vm3, v14, v24;
	vm2 =	vgt.s32 v17, v25  }
0xed: {  	[tilespmem:s31+$0xC020] =	vst v8;
	v23 =	vand.u32 $0x7FFFFFFC, v23;
	v8 =	vperm.xlane v24, v2;
	v17 =	vsel vm2, v17, v25  }
0xee: {  	v25 =	vperm.xlane v16, v1;
	vm2 =	veq.s32 v6, v17;
	v6 =	vxor.u32 v28, v20  }
0xef: {  	v17 =	vxor.u32 v31, v21;
	v20 =	vxor.u32 v32, v23;
	v21 =	vperm.xlane v7, v1  }
0xf0: {  	v23 =	vperm.xlane v13, v1;
	v19 =	vnsel vm2, $0x0, v29;
	v6 =	vor.u32 v0, v6  }
0xf1: {  	v17 =	vor.u32 v0, v17;
	v20 =	vor.u32 v0, v20;
	vm4 =	vgt.s32 v16, v25  }
0xf2: {  	vm1 =	vgt.s32 v7, v21;
	v26 =	vperm.xlane v6, v1;
	vm2 =	vgt.s32 v13, v23  }
0xf3: {  	v27 =	vperm.xlane v17, v1;
	v28 =	vperm.xlane v20, v1;
	v25 =	vsel vm4, v16, v25  }
0xf4: {  	[tilespmem:s31+$0xC030] =	vst v9;
	v21 =	vsel vm1, v7, v21;
	v23 =	vsel vm2, v13, v23;
	v63 =	vperm.xlane v25, v2  }
0xf5: {  	[tilespmem:s31+$0xC040] =	vst v5;
	vm2 =	vgt.s32 v24, v8;
	vm5 =	vgt.s32 v6, v26;
	vm1 =	vgt.s32 v17, v27  }
0xf6: {  	[tilespmem:s0+$0xC070] =	vst v19;
	vm6 =	vgt.s32 v20, v28;
	v29 =	vperm.xlane v21, v2;
	v31 =	vperm.xlane v23, v2  }
0xf7: {  	[tilespmem:s31+$0xC060] =	vst v3;
	v3 =	vsel vm2, v24, v8;
	v26 =	vsel vm5, v6, v26;
	v27 =	vsel vm1, v17, v27  }
0xf8: {  	v28 =	vsel vm6, v20, v28;
	vm0 =	vgt.s32 v21, v29;
	v9 =	vperm.xlane v26, v2  }
0xf9: {  	v33 =	vperm.xlane v27, v2;
	vm1 =	vgt.s32 v23, v31;
	v5 =	vsel vm0, v21, v29  }
0xfa: {  	[tilespmem:s31+$0xC050] =	vst v4;
	v21 =	vperm.xlane v28, v2;
	vm0 =	vgt.s32 v25, v63;
	v4 =	vsel vm1, v23, v31  }
0xfb: {  	vm3 =	vgt.s32 v26, v9;
	vm4 =	vgt.s32 v27, v33;
	vm5 =	veq.s32 v7, v5  }
0xfc: {  	vm2 =	veq.s32 v13, v4;
	v5 =	vsel vm0, v25, v63;
	v4 =	vnsel vm5, $0x0, v30  }
0xfd: {  	vm0 =	veq.s32 v14, v3;
	vm1 =	vgt.s32 v28, v21;
	v3 =	vnsel vm2, $0x0, v22;
	[tilespmem:s0+$0xC000] =	vst v4  }
0xfe: {  	vm2 =	veq.s32 v16, v5;
	v5 =	vnsel vm0, $0x0, v18;
	v4 =	vsel vm3, v26, v9;
	[tilespmem:s0+$0xC010] =	vst v3  }
0xff: {  	v3 =	vsel vm4, v27, v33;
	[tilespmem:s0+$0xC020] =	vst v5;
	vm0 =	veq.s32 v6, v4;
	v4 =	vnsel vm2, $0x0, v10  }
0x100: {  	v5 =	vsel vm1, v28, v21;
	vm1 =	veq.s32 v17, v3;
	v3 =	vnsel vm0, $0x0, v11;
	[tilespmem:s0+$0xC030] =	vst v4  }
0x101: {  	vm0 =	veq.s32 v20, v5;
	[tilespmem:s0+$0xC040] =	vst v3;
	v3 =	vnsel vm1, $0x0, v12  }
0x102: {  	[tilespmem:s0+$0xC050] =	vst v3;
	v3 =	vnsel vm0, $0x0, v15  }
0x103: {  	[tilespmem:s0+$0xC060] =	vst v3  }
0x104: {  	[hbm4b:s7+s20] =	stream.strided.scatter [tilespmem:s26], [sflag:$0x4], $0x4000, s21, s20, $0x38;
	[tilespmem:$0x10000] =	vst v63  }
0x105: {  	_ = 	snop  }
0x106: {  	[tilespmem:s22], [sflag:$0x2] =	stream.strided.gather [hbm4b:s8+s20], $0x4000, s21, s20, $0x38;
	[tilespmem:$0x10000] =	vst v63  }
0x107: {  	_ =	swait.ge [sflag:s23], $0x4000  }
0x108: {  	[sflag:s23] =	ssyncset.done $0x0  }
0x109: {  	[sflag:s23] =	ssyncadd.s32 $0xFFFFC000  }
0x10a: {  	_ =	swait.ge [sflag:s28], $0x4000  }
0x10b: {  	[sflag:s28] =	ssyncset.done $0x0  }
0x10c: {  	s31 =	simm.s32 $0x0;
	[sflag:s28] =	ssyncadd.s32 $0xFFFFC000  }
0x10d: {  	v10 =	vld [tilespmem:s31+$0x70]  }
0x10e: {  	v6 =	vld [tilespmem:s31+$0x0]  }
0x10f: {  	v7 =	vld [tilespmem:s31+$0x10]  }
0x110: {  	v9 =	vld [tilespmem:s31+$0x30]  }
0x111: {  	v5 =	vld [tilespmem:s31+$0x40]  }
0x112: {  	v4 =	vld [tilespmem:s31+$0x50]  }
0x113: {  	v8 =	vld [tilespmem:s31+$0x20]  }
0x114: {  	v3 =	vshra.s32 v10, $0x1F;
	v11 =	vshra.s32 v6, $0x1F;
	v13 =	vand.u32 $0xFFFFFFFC, v10  }
0x115: {  	v14 =	vshra.s32 v7, $0x1F;
	v15 =	vshra.s32 v9, $0x1F;
	v12 =	vand.u32 $0x7FFFFFFC, v3  }
0x116: {  	v17 =	vand.u32 $0xFFFFFFFC, v6;
	v18 =	vshra.s32 v5, $0x1F;
	v12 =	vxor.u32 v13, v12  }
0x117: {  	v19 =	vshra.s32 v4, $0x1F;
	v21 =	vand.u32 $0xFFFFFFFC, v7;
	v12 =	vor.u32 v0, v12  }
0x118: {  	v23 =	vand.u32 $0xFFFFFFFC, v8;
	v24 =	vand.u32 $0xFFFFFFFC, v9;
	v16 =	vperm.xlane v12, v1  }
0x119: {  	v25 =	vand.u32 $0xFFFFFFFC, v5;
	v26 =	vand.u32 $0xFFFFFFFC, v4;
	v11 =	vand.u32 $0x7FFFFFFC, v11  }
0x11a: {  	v3 =	vld [tilespmem:s31+$0x60];
	v15 =	vand.u32 $0x7FFFFFFC, v15;
	v18 =	vand.u32 $0x7FFFFFFC, v18;
	vm0 =	vgt.s32 v12, v16  }
0x11b: {  	v19 =	vand.u32 $0x7FFFFFFC, v19;
	v13 =	vand.u32 $0x7FFFFFFC, v14;
	v16 =	vsel vm0, v12, v16  }
0x11c: {  	v14 =	vshra.s32 v8, $0x1F;
	v11 =	vxor.u32 v17, v11;
	v22 =	vperm.xlane v16, v2  }
0x11d: {  	v15 =	vxor.u32 v24, v15;
	v17 =	vxor.u32 v26, v19;
	v14 =	vand.u32 $0x7FFFFFFC, v14  }
0x11e: {  	v13 =	vxor.u32 v21, v13;
	v14 =	vxor.u32 v23, v14;
	vm0 =	vgt.s32 v16, v22  }
0x11f: {  	v20 =	vshra.s32 v3, $0x1F;
	v27 =	vand.u32 $0xFFFFFFFC, v3;
	v16 =	vsel vm0, v16, v22  }
0x120: {  	v20 =	vand.u32 $0x7FFFFFFC, v20;
	vm0 =	veq.s32 v12, v16;
	v12 =	vxor.u32 v25, v18  }
0x121: {  	v16 =	vor.u32 v0, v11;
	v18 =	vxor.u32 v27, v20;
	v28 =	vnsel vm0, $0x0, v10  }
0x122: {  	v10 =	vor.u32 v0, v13;
	v13 =	vor.u32 v0, v14;
	v14 =	vor.u32 v0, v15  }
0x123: {  	v19 =	vperm.xlane v16, v1;
	v11 =	vor.u32 v0, v12;
	v15 =	vor.u32 v0, v17  }
0x124: {  	v12 =	vor.u32 v0, v18;
	v17 =	vperm.xlane v10, v1;
	v18 =	vperm.xlane v13, v1  }
0x125: {  	v20 =	vperm.xlane v14, v1;
	v21 =	vperm.xlane v11, v1  }
0x126: {  	v22 =	vperm.xlane v15, v1;
	v23 =	vperm.xlane v12, v1;
	vm0 =	vgt.s32 v16, v19  }
0x127: {  	vm1 =	vgt.s32 v10, v17;
	vm2 =	vgt.s32 v13, v18;
	vm3 =	vgt.s32 v14, v20  }
0x128: {  	vm4 =	vgt.s32 v11, v21;
	v27 =	vsel vm0, v16, v19;
	vm0 =	vgt.s32 v15, v22  }
0x129: {  	vm5 =	vgt.s32 v12, v23;
	v29 =	vsel vm1, v10, v17;
	v19 =	vsel vm2, v13, v18  }
0x12a: {  	v20 =	vsel vm3, v14, v20;
	v21 =	vsel vm4, v11, v21;
	v30 =	vperm.xlane v27, v2  }
0x12b: {  	v17 =	vsel vm0, v15, v22;
	v31 =	vperm.xlane v29, v2;
	v22 =	vperm.xlane v19, v2  }
0x12c: {  	v18 =	vsel vm5, v12, v23;
	v23 =	vperm.xlane v20, v2;
	v25 =	vperm.xlane v21, v2  }
0x12d: {  	v24 =	vperm.xlane v17, v2;
	v26 =	vperm.xlane v18, v2  }
0x12e: {  	vm4 =	vgt.s32 v27, v30;
	vm5 =	vgt.s32 v29, v31;
	vm1 =	vgt.s32 v19, v22  }
0x12f: {  	vm2 =	vgt.s32 v20, v23;
	vm3 =	vgt.s32 v21, v25;
	vm0 =	vgt.s32 v17, v24  }
0x130: {  	s1 =	simm.s32 $0x400;
	s0 =	simm.s32 $0x80;
	[tilespmem:s31+$0x8070] =	vst v28;
	v28 =	vsel vm4, v27, v30;
	vm4 =	vgt.s32 v18, v26;
	v27 =	vsel vm5, v29, v31  }
.LBB2_6:
0x131: {  	p0 =	sne.s32 s1, $0xFE00;
	v29 =	vld [tilespmem:s0+$0x70];
	v19 =	vsel vm1, v19, v22;
	v20 =	vsel vm2, v20, v23;
	v21 =	vsel vm3, v21, v25  }
0x132: {  	vm2 =	veq.s32 v16, v28;
	v16 =	vsel vm0, v17, v24;
	v17 =	vsel vm4, v18, v26;
	v22 =	vld [tilespmem:s0+$0x0]  }
0x133: {  	vm3 =	veq.s32 v10, v27;
	vm4 =	veq.s32 v13, v19;
	vm5 =	veq.s32 v14, v20;
	v18 =	vld [tilespmem:s0+$0x10]  }
0x134: {  	vm6 =	veq.s32 v11, v21;
	vm1 =	veq.s32 v15, v16;
	vm0 =	veq.s32 v12, v17;
	v10 =	vld [tilespmem:s0+$0x20]  }
0x135: {  	v16 =	vnsel vm2, $0x0, v6;
	v7 =	vnsel vm3, $0x0, v7;
	v8 =	vnsel vm4, $0x0, v8;
	v11 =	vld [tilespmem:s0+$0x30]  }
0x136: {  	v9 =	vnsel vm5, $0x0, v9;
	v13 =	vnsel vm6, $0x0, v5;
	v12 =	vshra.s32 v29, $0x1F;
	[tilespmem:s31+$0x8000] =	vst v16;
	v5 =	vld [tilespmem:s0+$0x40]  }
0x137: {  	v15 =	vand.u32 $0xFFFFFFFC, v29;
	v14 =	vshra.s32 v22, $0x1F;
	v17 =	vld [tilespmem:s0+$0x50];
	v12 =	vand.u32 $0x7FFFFFFC, v12;
	[tilespmem:s31+$0x8010] =	vst v7;
	v6 =	vmovc v22  }
0x138: {  	v14 =	vand.u32 $0x7FFFFFFC, v14;
	v16 =	vshra.s32 v18, $0x1F;
	v22 =	vld [tilespmem:s0+$0x60];
	v12 =	vxor.u32 v15, v12;
	[tilespmem:s31+$0x8020] =	vst v8;
	v7 =	vmovc v18  }
0x139: {  	v15 =	vand.u32 $0x7FFFFFFC, v16;
	v16 =	vshra.s32 v10, $0x1F;
	v12 =	vor.u32 v0, v12;
	[tilespmem:s31+$0x8030] =	vst v9;
	v8 =	vmovc v10  }
0x13a: {  	v10 =	vand.u32 $0x7FFFFFFC, v16;
	v16 =	vshra.s32 v11, $0x1F;
	v18 =	vperm.xlane v12, v1;
	[tilespmem:s31+$0x8040] =	vst v13;
	v9 =	vmovc v11  }
0x13b: {  	v11 =	vand.u32 $0xFFFFFFFC, v6;
	v13 =	vand.u32 $0x7FFFFFFC, v16;
	v16 =	vshra.s32 v5, $0x1F  }
0x13c: {  	v16 =	vand.u32 $0x7FFFFFFC, v16;
	v19 =	vshra.s32 v17, $0x1F;
	vm2 =	vgt.s32 v12, v18  }
0x13d: {  	v19 =	vand.u32 $0x7FFFFFFC, v19;
	v20 =	vshra.s32 v22, $0x1F;
	v18 =	vsel vm2, v12, v18  }
0x13e: {  	v21 =	vand.u32 $0xFFFFFFFC, v7;
	v20 =	vand.u32 $0x7FFFFFFC, v20;
	v23 =	vperm.xlane v18, v2  }
0x13f: {  	v24 =	vand.u32 $0xFFFFFFFC, v8;
	v25 =	vand.u32 $0xFFFFFFFC, v9;
	v26 =	vand.u32 $0xFFFFFFFC, v5  }
0x140: {  	v27 =	vand.u32 $0xFFFFFFFC, v17;
	v28 =	vand.u32 $0xFFFFFFFC, v22;
	vm2 =	vgt.s32 v18, v23  }
0x141: {  	v11 =	vxor.u32 v11, v14;
	v14 =	vxor.u32 v21, v15;
	v15 =	vsel vm2, v18, v23  }
0x142: {  	v21 =	vxor.u32 v25, v13;
	v18 =	vxor.u32 v24, v10;
	vm2 =	veq.s32 v12, v15  }
0x143: {  	v12 =	vxor.u32 v26, v16;
	v15 =	vxor.u32 v27, v19;
	v13 =	vnsel vm2, $0x0, v29  }
0x144: {  	v10 =	vor.u32 v0, v14;
	v16 =	vor.u32 v0, v11;
	v19 =	vxor.u32 v28, v20;
	[tilespmem:s0+$0x8070] =	vst v13  }
0x145: {  	v14 =	vor.u32 v0, v21;
	v11 =	vor.u32 v0, v12;
	v13 =	vor.u32 v0, v18  }
0x146: {  	v15 =	vor.u32 v0, v15;
	v12 =	vor.u32 v0, v19;
	v18 =	vperm.xlane v16, v1  }
0x147: {  	v21 =	vnsel vm1, $0x0, v4;
	v4 =	vmovc v17;
	v19 =	vperm.xlane v10, v1;
	v20 =	vperm.xlane v13, v1  }
0x148: {  	v17 =	vperm.xlane v14, v1;
	v23 =	vperm.xlane v11, v1;
	vm1 =	vgt.s32 v16, v18;
	[tilespmem:s31+$0x8050] =	vst v21  }
0x149: {  	v24 =	vperm.xlane v15, v1;
	v25 =	vperm.xlane v12, v1;
	vm2 =	vgt.s32 v10, v19  }
0x14a: {  	vm4 =	vgt.s32 v14, v17;
	vm5 =	vgt.s32 v11, v23;
	vm3 =	vgt.s32 v13, v20  }
0x14b: {  	vm6 =	vgt.s32 v12, v25;
	v27 =	vsel vm1, v16, v18;
	vm1 =	vgt.s32 v15, v24  }
0x14c: {  	v29 =	vsel vm2, v10, v19;
	v19 =	vsel vm3, v13, v20;
	v20 =	vsel vm4, v14, v17  }
0x14d: {  	v18 =	vsel vm6, v12, v25;
	v21 =	vsel vm5, v11, v23;
	v17 =	vsel vm1, v15, v24  }
0x14e: {  	v30 =	vperm.xlane v29, v2;
	v28 =	vperm.xlane v27, v2;
	v24 =	vnsel vm0, $0x0, v3;
	v3 =	vmovc v22  }
.Ltmp2:
0x14f: {  	v22 =	vperm.xlane v19, v2;
	v23 =	vperm.xlane v20, v2;
	[tilespmem:s31+$0x8060] =	vst v24;
	s31 =	smov.u32 s0;
	(pc) =	sbr.rel @p0 .LBB2_6-.Ltmp2, $4  }
0x150: {  	v25 =	vperm.xlane v21, v2;
	vm4 =	vgt.s32 v27, v28;
	v24 =	vperm.xlane v17, v2  }
0x151: {  	v26 =	vperm.xlane v18, v2;
	vm5 =	vgt.s32 v29, v30;
	vm1 =	vgt.s32 v19, v22  }
0x152: {  	vm2 =	vgt.s32 v20, v23;
	vm3 =	vgt.s32 v21, v25;
	vm0 =	vgt.s32 v17, v24  }
0x153: {  	v28 =	vsel vm4, v27, v28;
	v27 =	vsel vm5, v29, v30;
	vm4 =	vgt.s32 v18, v26;
	s0 =	sshra.s32 s1, $0x2;
	s1 =	sadd.s32 $0x200, s1  }
0x154: {  	v29 =	vld [tilespmem:s0+$0x70]  }
0x155: {  	v30 =	vld [tilespmem:s0+$0x0];
	v19 =	vsel vm1, v19, v22;
	v20 =	vsel vm2, v20, v23;
	v21 =	vsel vm3, v21, v25  }
0x156: {  	v22 =	vld [tilespmem:s0+$0x10];
	vm2 =	veq.s32 v16, v28;
	v16 =	vsel vm0, v17, v24;
	v17 =	vsel vm4, v18, v26  }
0x157: {  	vm3 =	veq.s32 v10, v27;
	v10 =	vld [tilespmem:s0+$0x30];
	vm4 =	veq.s32 v13, v19;
	vm5 =	veq.s32 v14, v20  }
0x158: {  	v18 =	vld [tilespmem:s0+$0x20];
	vm6 =	veq.s32 v11, v21;
	vm1 =	veq.s32 v15, v16;
	v6 =	vnsel vm2, $0x0, v6  }
0x159: {  	vm0 =	veq.s32 v12, v17;
	v7 =	vnsel vm3, $0x0, v7;
	v8 =	vnsel vm4, $0x0, v8  }
0x15a: {  	v11 =	vld [tilespmem:s0+$0x40];
	v9 =	vnsel vm5, $0x0, v9;
	v5 =	vnsel vm6, $0x0, v5;
	v4 =	vnsel vm1, $0x0, v4  }
0x15b: {  	[tilespmem:s31+$0x8000] =	vst v6;
	v3 =	vnsel vm0, $0x0, v3;
	v6 =	vshra.s32 v29, $0x1F;
	v13 =	vshra.s32 v30, $0x1F  }
0x15c: {  	v14 =	vand.u32 $0xFFFFFFFC, v29;
	v16 =	vshra.s32 v10, $0x1F;
	v19 =	vand.u32 $0xFFFFFFFC, v30  }
0x15d: {  	v24 =	vand.u32 $0xFFFFFFFC, v22;
	v26 =	vand.u32 $0xFFFFFFFC, v18;
	v27 =	vand.u32 $0xFFFFFFFC, v10  }
0x15e: {  	v12 =	vld [tilespmem:s0+$0x50];
	[tilespmem:s31+$0x8010] =	vst v7;
	v6 =	vand.u32 $0x7FFFFFFC, v6;
	v7 =	vand.u32 $0x7FFFFFFC, v13;
	v13 =	vshra.s32 v22, $0x1F  }
0x15f: {  	v16 =	vand.u32 $0x7FFFFFFC, v16;
	v20 =	vshra.s32 v11, $0x1F;
	v28 =	vand.u32 $0xFFFFFFFC, v11  }
0x160: {  	v6 =	vxor.u32 v14, v6;
	v13 =	vand.u32 $0x7FFFFFFC, v13;
	v14 =	vshra.s32 v18, $0x1F  }
0x161: {  	v20 =	vand.u32 $0x7FFFFFFC, v20;
	v7 =	vxor.u32 v19, v7;
	v6 =	vor.u32 v0, v6  }
0x162: {  	v15 =	vld [tilespmem:s0+$0x60];
	v16 =	vxor.u32 v27, v16;
	v14 =	vand.u32 $0x7FFFFFFC, v14;
	v17 =	vperm.xlane v6, v1  }
0x163: {  	v21 =	vshra.s32 v12, $0x1F;
	v31 =	vand.u32 $0xFFFFFFFC, v12;
	v14 =	vxor.u32 v26, v14  }
0x164: {  	v13 =	vxor.u32 v24, v13;
	v14 =	vor.u32 v0, v14;
	vm2 =	vgt.s32 v6, v17  }
0x165: {  	v7 =	vor.u32 v0, v7;
	v24 =	vperm.xlane v14, v1;
	v17 =	vsel vm2, v6, v17  }
0x166: {  	v16 =	vor.u32 v0, v16;
	v21 =	vand.u32 $0x7FFFFFFC, v21;
	v25 =	vperm.xlane v17, v2  }
0x167: {  	v23 =	vshra.s32 v15, $0x1F;
	v32 =	vand.u32 $0xFFFFFFFC, v15;
	vm3 =	vgt.s32 v14, v24  }
0x168: {  	v13 =	vor.u32 v0, v13;
	v24 =	vsel vm3, v14, v24;
	vm2 =	vgt.s32 v17, v25  }
0x169: {  	[tilespmem:s31+$0x8020] =	vst v8;
	v23 =	vand.u32 $0x7FFFFFFC, v23;
	v8 =	vperm.xlane v24, v2;
	v17 =	vsel vm2, v17, v25  }
0x16a: {  	v25 =	vperm.xlane v16, v1;
	vm2 =	veq.s32 v6, v17;
	v6 =	vxor.u32 v28, v20  }
0x16b: {  	v17 =	vxor.u32 v31, v21;
	v20 =	vxor.u32 v32, v23;
	v21 =	vperm.xlane v7, v1  }
0x16c: {  	v23 =	vperm.xlane v13, v1;
	v19 =	vnsel vm2, $0x0, v29;
	v6 =	vor.u32 v0, v6  }
0x16d: {  	v17 =	vor.u32 v0, v17;
	v20 =	vor.u32 v0, v20;
	vm4 =	vgt.s32 v16, v25  }
0x16e: {  	vm1 =	vgt.s32 v7, v21;
	v26 =	vperm.xlane v6, v1;
	vm2 =	vgt.s32 v13, v23  }
0x16f: {  	v27 =	vperm.xlane v17, v1;
	v28 =	vperm.xlane v20, v1;
	v25 =	vsel vm4, v16, v25  }
0x170: {  	[tilespmem:s31+$0x8030] =	vst v9;
	v21 =	vsel vm1, v7, v21;
	v23 =	vsel vm2, v13, v23;
	v63 =	vperm.xlane v25, v2  }
0x171: {  	[tilespmem:s31+$0x8040] =	vst v5;
	vm2 =	vgt.s32 v24, v8;
	vm5 =	vgt.s32 v6, v26;
	vm1 =	vgt.s32 v17, v27  }
0x172: {  	[tilespmem:s0+$0x8070] =	vst v19;
	vm6 =	vgt.s32 v20, v28;
	v29 =	vperm.xlane v21, v2;
	v31 =	vperm.xlane v23, v2  }
0x173: {  	[tilespmem:s31+$0x8060] =	vst v3;
	v3 =	vsel vm2, v24, v8;
	v26 =	vsel vm5, v6, v26;
	v27 =	vsel vm1, v17, v27  }
0x174: {  	v28 =	vsel vm6, v20, v28;
	vm0 =	vgt.s32 v21, v29;
	v9 =	vperm.xlane v26, v2  }
0x175: {  	v33 =	vperm.xlane v27, v2;
	vm1 =	vgt.s32 v23, v31;
	v5 =	vsel vm0, v21, v29  }
0x176: {  	[tilespmem:s31+$0x8050] =	vst v4;
	v21 =	vperm.xlane v28, v2;
	vm0 =	vgt.s32 v25, v63;
	v4 =	vsel vm1, v23, v31  }
0x177: {  	vm3 =	vgt.s32 v26, v9;
	vm4 =	vgt.s32 v27, v33;
	vm5 =	veq.s32 v7, v5  }
0x178: {  	vm2 =	veq.s32 v13, v4;
	v5 =	vsel vm0, v25, v63;
	v4 =	vnsel vm5, $0x0, v30  }
0x179: {  	vm0 =	veq.s32 v14, v3;
	vm1 =	vgt.s32 v28, v21;
	v3 =	vnsel vm2, $0x0, v22;
	[tilespmem:s0+$0x8000] =	vst v4  }
0x17a: {  	vm2 =	veq.s32 v16, v5;
	v5 =	vnsel vm0, $0x0, v18;
	v4 =	vsel vm3, v26, v9;
	[tilespmem:s0+$0x8010] =	vst v3  }
0x17b: {  	v3 =	vsel vm4, v27, v33;
	[tilespmem:s0+$0x8020] =	vst v5;
	vm0 =	veq.s32 v6, v4;
	v4 =	vnsel vm2, $0x0, v10  }
0x17c: {  	v5 =	vsel vm1, v28, v21;
	vm1 =	veq.s32 v17, v3;
	v3 =	vnsel vm0, $0x0, v11;
	[tilespmem:s0+$0x8030] =	vst v4  }
0x17d: {  	vm0 =	veq.s32 v20, v5;
	[tilespmem:s0+$0x8040] =	vst v3;
	v3 =	vnsel vm1, $0x0, v12  }
0x17e: {  	[tilespmem:s0+$0x8050] =	vst v3;
	v3 =	vnsel vm0, $0x0, v15  }
0x17f: {  	[tilespmem:s0+$0x8060] =	vst v3  }
0x180: {  	[hbm4b:s9+s20] =	stream.strided.scatter [tilespmem:s24], [sflag:$0x3], $0x4000, s21, s20, $0x38;
	[tilespmem:$0x10000] =	vst v63  }
0x181: {  	s1 =	simm.s32 $0x0  }
0x182: {  	[tilespmem:s1], [sflag:$0x1] =	stream.strided.gather [hbm4b:s10+s20], $0x4000, s21, s20, $0x38;
	[tilespmem:$0x10000] =	vst v63  }
0x183: {  	_ =	swait.ge [sflag:s25], $0x4000  }
0x184: {  	[sflag:s25] =	ssyncset.done $0x0  }
0x185: {  	[sflag:s25] =	ssyncadd.s32 $0xFFFFC000  }
0x186: {  	_ =	swait.ge [sflag:s29], $0x4000  }
0x187: {  	[sflag:s29] =	ssyncset.done $0x0  }
0x188: {  	s31 =	simm.s32 $0x0;
	[sflag:s29] =	ssyncadd.s32 $0xFFFFC000  }
0x189: {  	v10 =	vld [tilespmem:s31+$0x4070]  }
0x18a: {  	v6 =	vld [tilespmem:s31+$0x4000]  }
0x18b: {  	v7 =	vld [tilespmem:s31+$0x4010]  }
0x18c: {  	v9 =	vld [tilespmem:s31+$0x4030]  }
0x18d: {  	v5 =	vld [tilespmem:s31+$0x4040]  }
0x18e: {  	v4 =	vld [tilespmem:s31+$0x4050]  }
0x18f: {  	v8 =	vld [tilespmem:s31+$0x4020]  }
0x190: {  	v3 =	vshra.s32 v10, $0x1F;
	v11 =	vshra.s32 v6, $0x1F;
	v13 =	vand.u32 $0xFFFFFFFC, v10  }
0x191: {  	v14 =	vshra.s32 v7, $0x1F;
	v15 =	vshra.s32 v9, $0x1F;
	v12 =	vand.u32 $0x7FFFFFFC, v3  }
0x192: {  	v17 =	vand.u32 $0xFFFFFFFC, v6;
	v18 =	vshra.s32 v5, $0x1F;
	v12 =	vxor.u32 v13, v12  }
0x193: {  	v19 =	vshra.s32 v4, $0x1F;
	v21 =	vand.u32 $0xFFFFFFFC, v7;
	v12 =	vor.u32 v0, v12  }
0x194: {  	v23 =	vand.u32 $0xFFFFFFFC, v8;
	v24 =	vand.u32 $0xFFFFFFFC, v9;
	v16 =	vperm.xlane v12, v1  }
0x195: {  	v25 =	vand.u32 $0xFFFFFFFC, v5;
	v26 =	vand.u32 $0xFFFFFFFC, v4;
	v11 =	vand.u32 $0x7FFFFFFC, v11  }
0x196: {  	v3 =	vld [tilespmem:s31+$0x4060];
	v15 =	vand.u32 $0x7FFFFFFC, v15;
	v18 =	vand.u32 $0x7FFFFFFC, v18;
	vm0 =	vgt.s32 v12, v16  }
0x197: {  	v19 =	vand.u32 $0x7FFFFFFC, v19;
	v13 =	vand.u32 $0x7FFFFFFC, v14;
	v16 =	vsel vm0, v12, v16  }
0x198: {  	v14 =	vshra.s32 v8, $0x1F;
	v11 =	vxor.u32 v17, v11;
	v22 =	vperm.xlane v16, v2  }
0x199: {  	v15 =	vxor.u32 v24, v15;
	v17 =	vxor.u32 v26, v19;
	v14 =	vand.u32 $0x7FFFFFFC, v14  }
0x19a: {  	v13 =	vxor.u32 v21, v13;
	v14 =	vxor.u32 v23, v14;
	vm0 =	vgt.s32 v16, v22  }
0x19b: {  	v20 =	vshra.s32 v3, $0x1F;
	v27 =	vand.u32 $0xFFFFFFFC, v3;
	v16 =	vsel vm0, v16, v22  }
0x19c: {  	v20 =	vand.u32 $0x7FFFFFFC, v20;
	vm0 =	veq.s32 v12, v16;
	v12 =	vxor.u32 v25, v18  }
0x19d: {  	v16 =	vor.u32 v0, v11;
	v18 =	vxor.u32 v27, v20;
	v28 =	vnsel vm0, $0x0, v10  }
0x19e: {  	v10 =	vor.u32 v0, v13;
	v13 =	vor.u32 v0, v14;
	v14 =	vor.u32 v0, v15  }
0x19f: {  	v19 =	vperm.xlane v16, v1;
	v11 =	vor.u32 v0, v12;
	v15 =	vor.u32 v0, v17  }
0x1a0: {  	v12 =	vor.u32 v0, v18;
	v17 =	vperm.xlane v10, v1;
	v18 =	vperm.xlane v13, v1  }
0x1a1: {  	v20 =	vperm.xlane v14, v1;
	v21 =	vperm.xlane v11, v1  }
0x1a2: {  	v22 =	vperm.xlane v15, v1;
	v23 =	vperm.xlane v12, v1;
	vm0 =	vgt.s32 v16, v19  }
0x1a3: {  	vm1 =	vgt.s32 v10, v17;
	vm2 =	vgt.s32 v13, v18;
	vm3 =	vgt.s32 v14, v20  }
0x1a4: {  	vm4 =	vgt.s32 v11, v21;
	v27 =	vsel vm0, v16, v19;
	vm0 =	vgt.s32 v15, v22  }
0x1a5: {  	vm5 =	vgt.s32 v12, v23;
	v29 =	vsel vm1, v10, v17;
	v19 =	vsel vm2, v13, v18  }
0x1a6: {  	v20 =	vsel vm3, v14, v20;
	v21 =	vsel vm4, v11, v21;
	v30 =	vperm.xlane v27, v2  }
0x1a7: {  	v17 =	vsel vm0, v15, v22;
	v31 =	vperm.xlane v29, v2;
	v22 =	vperm.xlane v19, v2  }
0x1a8: {  	v18 =	vsel vm5, v12, v23;
	v23 =	vperm.xlane v20, v2;
	v25 =	vperm.xlane v21, v2  }
0x1a9: {  	v24 =	vperm.xlane v17, v2;
	v26 =	vperm.xlane v18, v2  }
0x1aa: {  	vm4 =	vgt.s32 v27, v30;
	vm5 =	vgt.s32 v29, v31;
	vm1 =	vgt.s32 v19, v22  }
0x1ab: {  	vm2 =	vgt.s32 v20, v23;
	vm3 =	vgt.s32 v21, v25;
	vm0 =	vgt.s32 v17, v24  }
0x1ac: {  	s0 =	simm.s32 $0x80;
	s1 =	simm.s32 $0x400;
	[tilespmem:s31+$0xC070] =	vst v28;
	v28 =	vsel vm4, v27, v30;
	vm4 =	vgt.s32 v18, v26;
	v27 =	vsel vm5, v29, v31  }
.LBB2_8:
0x1ad: {  	p0 =	sne.s32 s1, $0xFE00;
	v29 =	vld [tilespmem:s0+$0x4070];
	v19 =	vsel vm1, v19, v22;
	v20 =	vsel vm2, v20, v23;
	v21 =	vsel vm3, v21, v25  }
0x1ae: {  	vm2 =	veq.s32 v16, v28;
	v16 =	vsel vm0, v17, v24;
	v17 =	vsel vm4, v18, v26;
	v22 =	vld [tilespmem:s0+$0x4000]  }
0x1af: {  	vm3 =	veq.s32 v10, v27;
	vm4 =	veq.s32 v13, v19;
	vm5 =	veq.s32 v14, v20;
	v18 =	vld [tilespmem:s0+$0x4010]  }
0x1b0: {  	vm6 =	veq.s32 v11, v21;
	vm1 =	veq.s32 v15, v16;
	vm0 =	veq.s32 v12, v17;
	v10 =	vld [tilespmem:s0+$0x4020]  }
0x1b1: {  	v16 =	vnsel vm2, $0x0, v6;
	v7 =	vnsel vm3, $0x0, v7;
	v8 =	vnsel vm4, $0x0, v8;
	v11 =	vld [tilespmem:s0+$0x4030]  }
0x1b2: {  	v9 =	vnsel vm5, $0x0, v9;
	v13 =	vnsel vm6, $0x0, v5;
	v12 =	vshra.s32 v29, $0x1F;
	[tilespmem:s31+$0xC000] =	vst v16;
	v5 =	vld [tilespmem:s0+$0x4040]  }
0x1b3: {  	v15 =	vand.u32 $0xFFFFFFFC, v29;
	v14 =	vshra.s32 v22, $0x1F;
	v17 =	vld [tilespmem:s0+$0x4050];
	v12 =	vand.u32 $0x7FFFFFFC, v12;
	[tilespmem:s31+$0xC010] =	vst v7;
	v6 =	vmovc v22  }
0x1b4: {  	v14 =	vand.u32 $0x7FFFFFFC, v14;
	v16 =	vshra.s32 v18, $0x1F;
	v22 =	vld [tilespmem:s0+$0x4060];
	v12 =	vxor.u32 v15, v12;
	[tilespmem:s31+$0xC020] =	vst v8;
	v7 =	vmovc v18  }
0x1b5: {  	v15 =	vand.u32 $0x7FFFFFFC, v16;
	v16 =	vshra.s32 v10, $0x1F;
	v12 =	vor.u32 v0, v12;
	[tilespmem:s31+$0xC030] =	vst v9;
	v8 =	vmovc v10  }
0x1b6: {  	v10 =	vand.u32 $0x7FFFFFFC, v16;
	v16 =	vshra.s32 v11, $0x1F;
	v18 =	vperm.xlane v12, v1;
	[tilespmem:s31+$0xC040] =	vst v13;
	v9 =	vmovc v11  }
0x1b7: {  	v11 =	vand.u32 $0xFFFFFFFC, v6;
	v13 =	vand.u32 $0x7FFFFFFC, v16;
	v16 =	vshra.s32 v5, $0x1F  }
0x1b8: {  	v16 =	vand.u32 $0x7FFFFFFC, v16;
	v19 =	vshra.s32 v17, $0x1F;
	vm2 =	vgt.s32 v12, v18  }
0x1b9: {  	v19 =	vand.u32 $0x7FFFFFFC, v19;
	v20 =	vshra.s32 v22, $0x1F;
	v18 =	vsel vm2, v12, v18  }
0x1ba: {  	v21 =	vand.u32 $0xFFFFFFFC, v7;
	v20 =	vand.u32 $0x7FFFFFFC, v20;
	v23 =	vperm.xlane v18, v2  }
0x1bb: {  	v24 =	vand.u32 $0xFFFFFFFC, v8;
	v25 =	vand.u32 $0xFFFFFFFC, v9;
	v26 =	vand.u32 $0xFFFFFFFC, v5  }
0x1bc: {  	v27 =	vand.u32 $0xFFFFFFFC, v17;
	v28 =	vand.u32 $0xFFFFFFFC, v22;
	vm2 =	vgt.s32 v18, v23  }
0x1bd: {  	v11 =	vxor.u32 v11, v14;
	v14 =	vxor.u32 v21, v15;
	v15 =	vsel vm2, v18, v23  }
0x1be: {  	v21 =	vxor.u32 v25, v13;
	v18 =	vxor.u32 v24, v10;
	vm2 =	veq.s32 v12, v15  }
0x1bf: {  	v12 =	vxor.u32 v26, v16;
	v15 =	vxor.u32 v27, v19;
	v13 =	vnsel vm2, $0x0, v29  }
0x1c0: {  	v10 =	vor.u32 v0, v14;
	v16 =	vor.u32 v0, v11;
	v19 =	vxor.u32 v28, v20;
	[tilespmem:s0+$0xC070] =	vst v13  }
0x1c1: {  	v14 =	vor.u32 v0, v21;
	v11 =	vor.u32 v0, v12;
	v13 =	vor.u32 v0, v18  }
0x1c2: {  	v15 =	vor.u32 v0, v15;
	v12 =	vor.u32 v0, v19;
	v18 =	vperm.xlane v16, v1  }
0x1c3: {  	v21 =	vnsel vm1, $0x0, v4;
	v4 =	vmovc v17;
	v19 =	vperm.xlane v10, v1;
	v20 =	vperm.xlane v13, v1  }
0x1c4: {  	v17 =	vperm.xlane v14, v1;
	v23 =	vperm.xlane v11, v1;
	vm1 =	vgt.s32 v16, v18;
	[tilespmem:s31+$0xC050] =	vst v21  }
0x1c5: {  	v24 =	vperm.xlane v15, v1;
	v25 =	vperm.xlane v12, v1;
	vm2 =	vgt.s32 v10, v19  }
0x1c6: {  	vm4 =	vgt.s32 v14, v17;
	vm5 =	vgt.s32 v11, v23;
	vm3 =	vgt.s32 v13, v20  }
0x1c7: {  	vm6 =	vgt.s32 v12, v25;
	v27 =	vsel vm1, v16, v18;
	vm1 =	vgt.s32 v15, v24  }
0x1c8: {  	v29 =	vsel vm2, v10, v19;
	v19 =	vsel vm3, v13, v20;
	v20 =	vsel vm4, v14, v17  }
0x1c9: {  	v18 =	vsel vm6, v12, v25;
	v21 =	vsel vm5, v11, v23;
	v17 =	vsel vm1, v15, v24  }
0x1ca: {  	v30 =	vperm.xlane v29, v2;
	v28 =	vperm.xlane v27, v2;
	v24 =	vnsel vm0, $0x0, v3;
	v3 =	vmovc v22  }
.Ltmp3:
0x1cb: {  	v22 =	vperm.xlane v19, v2;
	v23 =	vperm.xlane v20, v2;
	[tilespmem:s31+$0xC060] =	vst v24;
	s31 =	smov.u32 s0;
	(pc) =	sbr.rel @p0 .LBB2_8-.Ltmp3, $4  }
0x1cc: {  	v25 =	vperm.xlane v21, v2;
	vm4 =	vgt.s32 v27, v28;
	v24 =	vperm.xlane v17, v2  }
0x1cd: {  	v26 =	vperm.xlane v18, v2;
	vm5 =	vgt.s32 v29, v30;
	vm1 =	vgt.s32 v19, v22  }
0x1ce: {  	vm2 =	vgt.s32 v20, v23;
	vm3 =	vgt.s32 v21, v25;
	vm0 =	vgt.s32 v17, v24  }
0x1cf: {  	v28 =	vsel vm4, v27, v28;
	v27 =	vsel vm5, v29, v30;
	vm4 =	vgt.s32 v18, v26;
	s0 =	sshra.s32 s1, $0x2;
	s1 =	sadd.s32 $0x200, s1  }
0x1d0: {  	v29 =	vld [tilespmem:s0+$0x4070]  }
0x1d1: {  	v30 =	vld [tilespmem:s0+$0x4000];
	v19 =	vsel vm1, v19, v22;
	v20 =	vsel vm2, v20, v23;
	v21 =	vsel vm3, v21, v25  }
0x1d2: {  	v22 =	vld [tilespmem:s0+$0x4010];
	vm2 =	veq.s32 v16, v28;
	v16 =	vsel vm0, v17, v24;
	v17 =	vsel vm4, v18, v26  }
0x1d3: {  	vm3 =	veq.s32 v10, v27;
	v10 =	vld [tilespmem:s0+$0x4030];
	vm4 =	veq.s32 v13, v19;
	vm5 =	veq.s32 v14, v20  }
0x1d4: {  	v18 =	vld [tilespmem:s0+$0x4020];
	vm6 =	veq.s32 v11, v21;
	vm1 =	veq.s32 v15, v16;
	v6 =	vnsel vm2, $0x0, v6  }
0x1d5: {  	vm0 =	veq.s32 v12, v17;
	v7 =	vnsel vm3, $0x0, v7;
	v8 =	vnsel vm4, $0x0, v8  }
0x1d6: {  	v11 =	vld [tilespmem:s0+$0x4040];
	v9 =	vnsel vm5, $0x0, v9;
	v5 =	vnsel vm6, $0x0, v5;
	v4 =	vnsel vm1, $0x0, v4  }
0x1d7: {  	[tilespmem:s31+$0xC000] =	vst v6;
	v3 =	vnsel vm0, $0x0, v3;
	v6 =	vshra.s32 v29, $0x1F;
	v13 =	vshra.s32 v30, $0x1F  }
0x1d8: {  	v14 =	vand.u32 $0xFFFFFFFC, v29;
	v16 =	vshra.s32 v10, $0x1F;
	v19 =	vand.u32 $0xFFFFFFFC, v30  }
0x1d9: {  	v24 =	vand.u32 $0xFFFFFFFC, v22;
	v26 =	vand.u32 $0xFFFFFFFC, v18;
	v27 =	vand.u32 $0xFFFFFFFC, v10  }
0x1da: {  	v12 =	vld [tilespmem:s0+$0x4050];
	[tilespmem:s31+$0xC010] =	vst v7;
	v6 =	vand.u32 $0x7FFFFFFC, v6;
	v7 =	vand.u32 $0x7FFFFFFC, v13;
	v13 =	vshra.s32 v22, $0x1F  }
0x1db: {  	v16 =	vand.u32 $0x7FFFFFFC, v16;
	v20 =	vshra.s32 v11, $0x1F;
	v28 =	vand.u32 $0xFFFFFFFC, v11  }
0x1dc: {  	v6 =	vxor.u32 v14, v6;
	v13 =	vand.u32 $0x7FFFFFFC, v13;
	v14 =	vshra.s32 v18, $0x1F  }
0x1dd: {  	v20 =	vand.u32 $0x7FFFFFFC, v20;
	v7 =	vxor.u32 v19, v7;
	v6 =	vor.u32 v0, v6  }
0x1de: {  	v15 =	vld [tilespmem:s0+$0x4060];
	v16 =	vxor.u32 v27, v16;
	v14 =	vand.u32 $0x7FFFFFFC, v14;
	v17 =	vperm.xlane v6, v1  }
0x1df: {  	v21 =	vshra.s32 v12, $0x1F;
	v31 =	vand.u32 $0xFFFFFFFC, v12;
	v14 =	vxor.u32 v26, v14  }
0x1e0: {  	v13 =	vxor.u32 v24, v13;
	v14 =	vor.u32 v0, v14;
	vm2 =	vgt.s32 v6, v17  }
0x1e1: {  	v7 =	vor.u32 v0, v7;
	v24 =	vperm.xlane v14, v1;
	v17 =	vsel vm2, v6, v17  }
0x1e2: {  	v16 =	vor.u32 v0, v16;
	v21 =	vand.u32 $0x7FFFFFFC, v21;
	v25 =	vperm.xlane v17, v2  }
0x1e3: {  	v23 =	vshra.s32 v15, $0x1F;
	v32 =	vand.u32 $0xFFFFFFFC, v15;
	vm3 =	vgt.s32 v14, v24  }
0x1e4: {  	v13 =	vor.u32 v0, v13;
	v24 =	vsel vm3, v14, v24;
	vm2 =	vgt.s32 v17, v25  }
0x1e5: {  	[tilespmem:s31+$0xC020] =	vst v8;
	v23 =	vand.u32 $0x7FFFFFFC, v23;
	v8 =	vperm.xlane v24, v2;
	v17 =	vsel vm2, v17, v25  }
0x1e6: {  	v25 =	vperm.xlane v16, v1;
	vm2 =	veq.s32 v6, v17;
	v6 =	vxor.u32 v28, v20  }
0x1e7: {  	v17 =	vxor.u32 v31, v21;
	v20 =	vxor.u32 v32, v23;
	v21 =	vperm.xlane v7, v1  }
0x1e8: {  	v23 =	vperm.xlane v13, v1;
	v19 =	vnsel vm2, $0x0, v29;
	v6 =	vor.u32 v0, v6  }
0x1e9: {  	v17 =	vor.u32 v0, v17;
	v20 =	vor.u32 v0, v20;
	vm4 =	vgt.s32 v16, v25  }
0x1ea: {  	vm1 =	vgt.s32 v7, v21;
	v26 =	vperm.xlane v6, v1;
	vm2 =	vgt.s32 v13, v23  }
0x1eb: {  	v27 =	vperm.xlane v17, v1;
	v28 =	vperm.xlane v20, v1;
	v25 =	vsel vm4, v16, v25  }
0x1ec: {  	[tilespmem:s31+$0xC030] =	vst v9;
	v21 =	vsel vm1, v7, v21;
	v23 =	vsel vm2, v13, v23;
	v63 =	vperm.xlane v25, v2  }
0x1ed: {  	[tilespmem:s31+$0xC040] =	vst v5;
	vm2 =	vgt.s32 v24, v8;
	vm5 =	vgt.s32 v6, v26;
	vm1 =	vgt.s32 v17, v27  }
0x1ee: {  	[tilespmem:s0+$0xC070] =	vst v19;
	vm6 =	vgt.s32 v20, v28;
	v29 =	vperm.xlane v21, v2;
	v31 =	vperm.xlane v23, v2  }
0x1ef: {  	[tilespmem:s31+$0xC060] =	vst v3;
	v3 =	vsel vm2, v24, v8;
	v26 =	vsel vm5, v6, v26;
	v27 =	vsel vm1, v17, v27  }
0x1f0: {  	v28 =	vsel vm6, v20, v28;
	vm0 =	vgt.s32 v21, v29;
	v9 =	vperm.xlane v26, v2  }
0x1f1: {  	v33 =	vperm.xlane v27, v2;
	vm1 =	vgt.s32 v23, v31;
	v5 =	vsel vm0, v21, v29  }
0x1f2: {  	[tilespmem:s31+$0xC050] =	vst v4;
	v21 =	vperm.xlane v28, v2;
	vm0 =	vgt.s32 v25, v63;
	v4 =	vsel vm1, v23, v31  }
0x1f3: {  	vm3 =	vgt.s32 v26, v9;
	vm4 =	vgt.s32 v27, v33;
	vm5 =	veq.s32 v7, v5  }
0x1f4: {  	vm2 =	veq.s32 v13, v4;
	v5 =	vsel vm0, v25, v63;
	v4 =	vnsel vm5, $0x0, v30  }
0x1f5: {  	vm0 =	veq.s32 v14, v3;
	vm1 =	vgt.s32 v28, v21;
	v3 =	vnsel vm2, $0x0, v22;
	[tilespmem:s0+$0xC000] =	vst v4  }
0x1f6: {  	vm2 =	veq.s32 v16, v5;
	v5 =	vnsel vm0, $0x0, v18;
	v4 =	vsel vm3, v26, v9;
	[tilespmem:s0+$0xC010] =	vst v3  }
0x1f7: {  	v3 =	vsel vm4, v27, v33;
	[tilespmem:s0+$0xC020] =	vst v5;
	vm0 =	veq.s32 v6, v4;
	v4 =	vnsel vm2, $0x0, v10  }
0x1f8: {  	v5 =	vsel vm1, v28, v21;
	vm1 =	veq.s32 v17, v3;
	v3 =	vnsel vm0, $0x0, v11;
	[tilespmem:s0+$0xC030] =	vst v4  }
0x1f9: {  	vm0 =	veq.s32 v20, v5;
	[tilespmem:s0+$0xC040] =	vst v3;
	v3 =	vnsel vm1, $0x0, v12  }
0x1fa: {  	[tilespmem:s0+$0xC050] =	vst v3;
	v3 =	vnsel vm0, $0x0, v15  }
0x1fb: {  	[tilespmem:s0+$0xC060] =	vst v3  }
0x1fc: {  	[hbm4b:s11+s20] =	stream.strided.scatter [tilespmem:s26], [sflag:$0x4], $0x4000, s21, s20, $0x38;
	[tilespmem:$0x10000] =	vst v63  }
0x1fd: {  	_ = 	snop  }
0x1fe: {  	[tilespmem:s22], [sflag:$0x2] =	stream.strided.gather [hbm4b:s12+s20], $0x4000, s21, s20, $0x38;
	[tilespmem:$0x10000] =	vst v63  }
0x1ff: {  	_ =	swait.ge [sflag:s23], $0x4000  }
0x200: {  	[sflag:s23] =	ssyncset.done $0x0  }
0x201: {  	[sflag:s23] =	ssyncadd.s32 $0xFFFFC000  }
0x202: {  	_ =	swait.ge [sflag:s28], $0x4000  }
0x203: {  	[sflag:s28] =	ssyncset.done $0x0  }
0x204: {  	s31 =	simm.s32 $0x0;
	[sflag:s28] =	ssyncadd.s32 $0xFFFFC000  }
0x205: {  	v10 =	vld [tilespmem:s31+$0x70]  }
0x206: {  	v6 =	vld [tilespmem:s31+$0x0]  }
0x207: {  	v7 =	vld [tilespmem:s31+$0x10]  }
0x208: {  	v9 =	vld [tilespmem:s31+$0x30]  }
0x209: {  	v5 =	vld [tilespmem:s31+$0x40]  }
0x20a: {  	v4 =	vld [tilespmem:s31+$0x50]  }
0x20b: {  	v8 =	vld [tilespmem:s31+$0x20]  }
0x20c: {  	v3 =	vshra.s32 v10, $0x1F;
	v11 =	vshra.s32 v6, $0x1F;
	v13 =	vand.u32 $0xFFFFFFFC, v10  }
0x20d: {  	v14 =	vshra.s32 v7, $0x1F;
	v15 =	vshra.s32 v9, $0x1F;
	v12 =	vand.u32 $0x7FFFFFFC, v3  }
0x20e: {  	v17 =	vand.u32 $0xFFFFFFFC, v6;
	v18 =	vshra.s32 v5, $0x1F;
	v12 =	vxor.u32 v13, v12  }
0x20f: {  	v19 =	vshra.s32 v4, $0x1F;
	v21 =	vand.u32 $0xFFFFFFFC, v7;
	v12 =	vor.u32 v0, v12  }
0x210: {  	v23 =	vand.u32 $0xFFFFFFFC, v8;
	v24 =	vand.u32 $0xFFFFFFFC, v9;
	v16 =	vperm.xlane v12, v1  }
0x211: {  	v25 =	vand.u32 $0xFFFFFFFC, v5;
	v26 =	vand.u32 $0xFFFFFFFC, v4;
	v11 =	vand.u32 $0x7FFFFFFC, v11  }
0x212: {  	v3 =	vld [tilespmem:s31+$0x60];
	v15 =	vand.u32 $0x7FFFFFFC, v15;
	v18 =	vand.u32 $0x7FFFFFFC, v18;
	vm0 =	vgt.s32 v12, v16  }
0x213: {  	v19 =	vand.u32 $0x7FFFFFFC, v19;
	v13 =	vand.u32 $0x7FFFFFFC, v14;
	v16 =	vsel vm0, v12, v16  }
0x214: {  	v14 =	vshra.s32 v8, $0x1F;
	v11 =	vxor.u32 v17, v11;
	v22 =	vperm.xlane v16, v2  }
0x215: {  	v15 =	vxor.u32 v24, v15;
	v17 =	vxor.u32 v26, v19;
	v14 =	vand.u32 $0x7FFFFFFC, v14  }
0x216: {  	v13 =	vxor.u32 v21, v13;
	v14 =	vxor.u32 v23, v14;
	vm0 =	vgt.s32 v16, v22  }
0x217: {  	v20 =	vshra.s32 v3, $0x1F;
	v27 =	vand.u32 $0xFFFFFFFC, v3;
	v16 =	vsel vm0, v16, v22  }
0x218: {  	v20 =	vand.u32 $0x7FFFFFFC, v20;
	vm0 =	veq.s32 v12, v16;
	v12 =	vxor.u32 v25, v18  }
0x219: {  	v16 =	vor.u32 v0, v11;
	v18 =	vxor.u32 v27, v20;
	v28 =	vnsel vm0, $0x0, v10  }
0x21a: {  	v10 =	vor.u32 v0, v13;
	v13 =	vor.u32 v0, v14;
	v14 =	vor.u32 v0, v15  }
0x21b: {  	v19 =	vperm.xlane v16, v1;
	v11 =	vor.u32 v0, v12;
	v15 =	vor.u32 v0, v17  }
0x21c: {  	v12 =	vor.u32 v0, v18;
	v17 =	vperm.xlane v10, v1;
	v18 =	vperm.xlane v13, v1  }
0x21d: {  	v20 =	vperm.xlane v14, v1;
	v21 =	vperm.xlane v11, v1  }
0x21e: {  	v22 =	vperm.xlane v15, v1;
	v23 =	vperm.xlane v12, v1;
	vm0 =	vgt.s32 v16, v19  }
0x21f: {  	vm1 =	vgt.s32 v10, v17;
	vm2 =	vgt.s32 v13, v18;
	vm3 =	vgt.s32 v14, v20  }
0x220: {  	vm4 =	vgt.s32 v11, v21;
	v27 =	vsel vm0, v16, v19;
	vm0 =	vgt.s32 v15, v22  }
0x221: {  	vm5 =	vgt.s32 v12, v23;
	v29 =	vsel vm1, v10, v17;
	v19 =	vsel vm2, v13, v18  }
0x222: {  	v20 =	vsel vm3, v14, v20;
	v21 =	vsel vm4, v11, v21;
	v30 =	vperm.xlane v27, v2  }
0x223: {  	v17 =	vsel vm0, v15, v22;
	v31 =	vperm.xlane v29, v2;
	v22 =	vperm.xlane v19, v2  }
0x224: {  	v18 =	vsel vm5, v12, v23;
	v23 =	vperm.xlane v20, v2;
	v25 =	vperm.xlane v21, v2  }
0x225: {  	v24 =	vperm.xlane v17, v2;
	v26 =	vperm.xlane v18, v2  }
0x226: {  	vm4 =	vgt.s32 v27, v30;
	vm5 =	vgt.s32 v29, v31;
	vm1 =	vgt.s32 v19, v22  }
0x227: {  	vm2 =	vgt.s32 v20, v23;
	vm3 =	vgt.s32 v21, v25;
	vm0 =	vgt.s32 v17, v24  }
0x228: {  	s1 =	simm.s32 $0x400;
	s0 =	simm.s32 $0x80;
	[tilespmem:s31+$0x8070] =	vst v28;
	v28 =	vsel vm4, v27, v30;
	vm4 =	vgt.s32 v18, v26;
	v27 =	vsel vm5, v29, v31  }
.LBB2_10:
0x229: {  	p0 =	sne.s32 s1, $0xFE00;
	v29 =	vld [tilespmem:s0+$0x70];
	v19 =	vsel vm1, v19, v22;
	v20 =	vsel vm2, v20, v23;
	v21 =	vsel vm3, v21, v25  }
0x22a: {  	vm2 =	veq.s32 v16, v28;
	v16 =	vsel vm0, v17, v24;
	v17 =	vsel vm4, v18, v26;
	v22 =	vld [tilespmem:s0+$0x0]  }
0x22b: {  	vm3 =	veq.s32 v10, v27;
	vm4 =	veq.s32 v13, v19;
	vm5 =	veq.s32 v14, v20;
	v18 =	vld [tilespmem:s0+$0x10]  }
0x22c: {  	vm6 =	veq.s32 v11, v21;
	vm1 =	veq.s32 v15, v16;
	vm0 =	veq.s32 v12, v17;
	v10 =	vld [tilespmem:s0+$0x20]  }
0x22d: {  	v16 =	vnsel vm2, $0x0, v6;
	v7 =	vnsel vm3, $0x0, v7;
	v8 =	vnsel vm4, $0x0, v8;
	v11 =	vld [tilespmem:s0+$0x30]  }
0x22e: {  	v9 =	vnsel vm5, $0x0, v9;
	v13 =	vnsel vm6, $0x0, v5;
	v12 =	vshra.s32 v29, $0x1F;
	[tilespmem:s31+$0x8000] =	vst v16;
	v5 =	vld [tilespmem:s0+$0x40]  }
0x22f: {  	v15 =	vand.u32 $0xFFFFFFFC, v29;
	v14 =	vshra.s32 v22, $0x1F;
	v17 =	vld [tilespmem:s0+$0x50];
	v12 =	vand.u32 $0x7FFFFFFC, v12;
	[tilespmem:s31+$0x8010] =	vst v7;
	v6 =	vmovc v22  }
0x230: {  	v14 =	vand.u32 $0x7FFFFFFC, v14;
	v16 =	vshra.s32 v18, $0x1F;
	v22 =	vld [tilespmem:s0+$0x60];
	v12 =	vxor.u32 v15, v12;
	[tilespmem:s31+$0x8020] =	vst v8;
	v7 =	vmovc v18  }
0x231: {  	v15 =	vand.u32 $0x7FFFFFFC, v16;
	v16 =	vshra.s32 v10, $0x1F;
	v12 =	vor.u32 v0, v12;
	[tilespmem:s31+$0x8030] =	vst v9;
	v8 =	vmovc v10  }
0x232: {  	v10 =	vand.u32 $0x7FFFFFFC, v16;
	v16 =	vshra.s32 v11, $0x1F;
	v18 =	vperm.xlane v12, v1;
	[tilespmem:s31+$0x8040] =	vst v13;
	v9 =	vmovc v11  }
0x233: {  	v11 =	vand.u32 $0xFFFFFFFC, v6;
	v13 =	vand.u32 $0x7FFFFFFC, v16;
	v16 =	vshra.s32 v5, $0x1F  }
0x234: {  	v16 =	vand.u32 $0x7FFFFFFC, v16;
	v19 =	vshra.s32 v17, $0x1F;
	vm2 =	vgt.s32 v12, v18  }
0x235: {  	v19 =	vand.u32 $0x7FFFFFFC, v19;
	v20 =	vshra.s32 v22, $0x1F;
	v18 =	vsel vm2, v12, v18  }
0x236: {  	v21 =	vand.u32 $0xFFFFFFFC, v7;
	v20 =	vand.u32 $0x7FFFFFFC, v20;
	v23 =	vperm.xlane v18, v2  }
0x237: {  	v24 =	vand.u32 $0xFFFFFFFC, v8;
	v25 =	vand.u32 $0xFFFFFFFC, v9;
	v26 =	vand.u32 $0xFFFFFFFC, v5  }
0x238: {  	v27 =	vand.u32 $0xFFFFFFFC, v17;
	v28 =	vand.u32 $0xFFFFFFFC, v22;
	vm2 =	vgt.s32 v18, v23  }
0x239: {  	v11 =	vxor.u32 v11, v14;
	v14 =	vxor.u32 v21, v15;
	v15 =	vsel vm2, v18, v23  }
0x23a: {  	v21 =	vxor.u32 v25, v13;
	v18 =	vxor.u32 v24, v10;
	vm2 =	veq.s32 v12, v15  }
0x23b: {  	v12 =	vxor.u32 v26, v16;
	v15 =	vxor.u32 v27, v19;
	v13 =	vnsel vm2, $0x0, v29  }
0x23c: {  	v10 =	vor.u32 v0, v14;
	v16 =	vor.u32 v0, v11;
	v19 =	vxor.u32 v28, v20;
	[tilespmem:s0+$0x8070] =	vst v13  }
0x23d: {  	v14 =	vor.u32 v0, v21;
	v11 =	vor.u32 v0, v12;
	v13 =	vor.u32 v0, v18  }
0x23e: {  	v15 =	vor.u32 v0, v15;
	v12 =	vor.u32 v0, v19;
	v18 =	vperm.xlane v16, v1  }
0x23f: {  	v21 =	vnsel vm1, $0x0, v4;
	v4 =	vmovc v17;
	v19 =	vperm.xlane v10, v1;
	v20 =	vperm.xlane v13, v1  }
0x240: {  	v17 =	vperm.xlane v14, v1;
	v23 =	vperm.xlane v11, v1;
	vm1 =	vgt.s32 v16, v18;
	[tilespmem:s31+$0x8050] =	vst v21  }
0x241: {  	v24 =	vperm.xlane v15, v1;
	v25 =	vperm.xlane v12, v1;
	vm2 =	vgt.s32 v10, v19  }
0x242: {  	vm4 =	vgt.s32 v14, v17;
	vm5 =	vgt.s32 v11, v23;
	vm3 =	vgt.s32 v13, v20  }
0x243: {  	vm6 =	vgt.s32 v12, v25;
	v27 =	vsel vm1, v16, v18;
	vm1 =	vgt.s32 v15, v24  }
0x244: {  	v29 =	vsel vm2, v10, v19;
	v19 =	vsel vm3, v13, v20;
	v20 =	vsel vm4, v14, v17  }
0x245: {  	v18 =	vsel vm6, v12, v25;
	v21 =	vsel vm5, v11, v23;
	v17 =	vsel vm1, v15, v24  }
0x246: {  	v30 =	vperm.xlane v29, v2;
	v28 =	vperm.xlane v27, v2;
	v24 =	vnsel vm0, $0x0, v3;
	v3 =	vmovc v22  }
.Ltmp4:
0x247: {  	v22 =	vperm.xlane v19, v2;
	v23 =	vperm.xlane v20, v2;
	[tilespmem:s31+$0x8060] =	vst v24;
	s31 =	smov.u32 s0;
	(pc) =	sbr.rel @p0 .LBB2_10-.Ltmp4, $4  }
0x248: {  	v25 =	vperm.xlane v21, v2;
	vm4 =	vgt.s32 v27, v28;
	v24 =	vperm.xlane v17, v2  }
0x249: {  	v26 =	vperm.xlane v18, v2;
	vm5 =	vgt.s32 v29, v30;
	vm1 =	vgt.s32 v19, v22  }
0x24a: {  	vm2 =	vgt.s32 v20, v23;
	vm3 =	vgt.s32 v21, v25;
	vm0 =	vgt.s32 v17, v24  }
0x24b: {  	v28 =	vsel vm4, v27, v28;
	v27 =	vsel vm5, v29, v30;
	vm4 =	vgt.s32 v18, v26;
	s0 =	sshra.s32 s1, $0x2;
	s1 =	sadd.s32 $0x200, s1  }
0x24c: {  	v29 =	vld [tilespmem:s0+$0x70]  }
0x24d: {  	v30 =	vld [tilespmem:s0+$0x0];
	v19 =	vsel vm1, v19, v22;
	v20 =	vsel vm2, v20, v23;
	v21 =	vsel vm3, v21, v25  }
0x24e: {  	v22 =	vld [tilespmem:s0+$0x10];
	vm2 =	veq.s32 v16, v28;
	v16 =	vsel vm0, v17, v24;
	v17 =	vsel vm4, v18, v26  }
0x24f: {  	vm3 =	veq.s32 v10, v27;
	v10 =	vld [tilespmem:s0+$0x30];
	vm4 =	veq.s32 v13, v19;
	vm5 =	veq.s32 v14, v20  }
0x250: {  	v18 =	vld [tilespmem:s0+$0x20];
	vm6 =	veq.s32 v11, v21;
	vm1 =	veq.s32 v15, v16;
	v6 =	vnsel vm2, $0x0, v6  }
0x251: {  	vm0 =	veq.s32 v12, v17;
	v7 =	vnsel vm3, $0x0, v7;
	v8 =	vnsel vm4, $0x0, v8  }
0x252: {  	v11 =	vld [tilespmem:s0+$0x40];
	v9 =	vnsel vm5, $0x0, v9;
	v5 =	vnsel vm6, $0x0, v5;
	v4 =	vnsel vm1, $0x0, v4  }
0x253: {  	[tilespmem:s31+$0x8000] =	vst v6;
	v3 =	vnsel vm0, $0x0, v3;
	v6 =	vshra.s32 v29, $0x1F;
	v13 =	vshra.s32 v30, $0x1F  }
0x254: {  	v14 =	vand.u32 $0xFFFFFFFC, v29;
	v16 =	vshra.s32 v10, $0x1F;
	v19 =	vand.u32 $0xFFFFFFFC, v30  }
0x255: {  	v24 =	vand.u32 $0xFFFFFFFC, v22;
	v26 =	vand.u32 $0xFFFFFFFC, v18;
	v27 =	vand.u32 $0xFFFFFFFC, v10  }
0x256: {  	v12 =	vld [tilespmem:s0+$0x50];
	[tilespmem:s31+$0x8010] =	vst v7;
	v6 =	vand.u32 $0x7FFFFFFC, v6;
	v7 =	vand.u32 $0x7FFFFFFC, v13;
	v13 =	vshra.s32 v22, $0x1F  }
0x257: {  	v16 =	vand.u32 $0x7FFFFFFC, v16;
	v20 =	vshra.s32 v11, $0x1F;
	v28 =	vand.u32 $0xFFFFFFFC, v11  }
0x258: {  	v6 =	vxor.u32 v14, v6;
	v13 =	vand.u32 $0x7FFFFFFC, v13;
	v14 =	vshra.s32 v18, $0x1F  }
0x259: {  	v20 =	vand.u32 $0x7FFFFFFC, v20;
	v7 =	vxor.u32 v19, v7;
	v6 =	vor.u32 v0, v6  }
0x25a: {  	v15 =	vld [tilespmem:s0+$0x60];
	v16 =	vxor.u32 v27, v16;
	v14 =	vand.u32 $0x7FFFFFFC, v14;
	v17 =	vperm.xlane v6, v1  }
0x25b: {  	v21 =	vshra.s32 v12, $0x1F;
	v31 =	vand.u32 $0xFFFFFFFC, v12;
	v14 =	vxor.u32 v26, v14  }
0x25c: {  	v13 =	vxor.u32 v24, v13;
	v14 =	vor.u32 v0, v14;
	vm2 =	vgt.s32 v6, v17  }
0x25d: {  	v7 =	vor.u32 v0, v7;
	v24 =	vperm.xlane v14, v1;
	v17 =	vsel vm2, v6, v17  }
0x25e: {  	v16 =	vor.u32 v0, v16;
	v21 =	vand.u32 $0x7FFFFFFC, v21;
	v25 =	vperm.xlane v17, v2  }
0x25f: {  	v23 =	vshra.s32 v15, $0x1F;
	v32 =	vand.u32 $0xFFFFFFFC, v15;
	vm3 =	vgt.s32 v14, v24  }
0x260: {  	v13 =	vor.u32 v0, v13;
	v24 =	vsel vm3, v14, v24;
	vm2 =	vgt.s32 v17, v25  }
0x261: {  	[tilespmem:s31+$0x8020] =	vst v8;
	v23 =	vand.u32 $0x7FFFFFFC, v23;
	v8 =	vperm.xlane v24, v2;
	v17 =	vsel vm2, v17, v25  }
0x262: {  	v25 =	vperm.xlane v16, v1;
	vm2 =	veq.s32 v6, v17;
	v6 =	vxor.u32 v28, v20  }
0x263: {  	v17 =	vxor.u32 v31, v21;
	v20 =	vxor.u32 v32, v23;
	v21 =	vperm.xlane v7, v1  }
0x264: {  	v23 =	vperm.xlane v13, v1;
	v19 =	vnsel vm2, $0x0, v29;
	v6 =	vor.u32 v0, v6  }
0x265: {  	v17 =	vor.u32 v0, v17;
	v20 =	vor.u32 v0, v20;
	vm4 =	vgt.s32 v16, v25  }
0x266: {  	vm1 =	vgt.s32 v7, v21;
	v26 =	vperm.xlane v6, v1;
	vm2 =	vgt.s32 v13, v23  }
0x267: {  	v27 =	vperm.xlane v17, v1;
	v28 =	vperm.xlane v20, v1;
	v25 =	vsel vm4, v16, v25  }
0x268: {  	[tilespmem:s31+$0x8030] =	vst v9;
	v21 =	vsel vm1, v7, v21;
	v23 =	vsel vm2, v13, v23;
	v63 =	vperm.xlane v25, v2  }
0x269: {  	[tilespmem:s31+$0x8040] =	vst v5;
	vm2 =	vgt.s32 v24, v8;
	vm5 =	vgt.s32 v6, v26;
	vm1 =	vgt.s32 v17, v27  }
0x26a: {  	[tilespmem:s0+$0x8070] =	vst v19;
	vm6 =	vgt.s32 v20, v28;
	v29 =	vperm.xlane v21, v2;
	v31 =	vperm.xlane v23, v2  }
0x26b: {  	[tilespmem:s31+$0x8060] =	vst v3;
	v3 =	vsel vm2, v24, v8;
	v26 =	vsel vm5, v6, v26;
	v27 =	vsel vm1, v17, v27  }
0x26c: {  	v28 =	vsel vm6, v20, v28;
	vm0 =	vgt.s32 v21, v29;
	v9 =	vperm.xlane v26, v2  }
0x26d: {  	v33 =	vperm.xlane v27, v2;
	vm1 =	vgt.s32 v23, v31;
	v5 =	vsel vm0, v21, v29  }
0x26e: {  	[tilespmem:s31+$0x8050] =	vst v4;
	v21 =	vperm.xlane v28, v2;
	vm0 =	vgt.s32 v25, v63;
	v4 =	vsel vm1, v23, v31  }
0x26f: {  	vm3 =	vgt.s32 v26, v9;
	vm4 =	vgt.s32 v27, v33;
	vm5 =	veq.s32 v7, v5  }
0x270: {  	vm2 =	veq.s32 v13, v4;
	v5 =	vsel vm0, v25, v63;
	v4 =	vnsel vm5, $0x0, v30  }
0x271: {  	vm0 =	veq.s32 v14, v3;
	vm1 =	vgt.s32 v28, v21;
	v3 =	vnsel vm2, $0x0, v22;
	[tilespmem:s0+$0x8000] =	vst v4  }
0x272: {  	vm2 =	veq.s32 v16, v5;
	v5 =	vnsel vm0, $0x0, v18;
	v4 =	vsel vm3, v26, v9;
	[tilespmem:s0+$0x8010] =	vst v3  }
0x273: {  	v3 =	vsel vm4, v27, v33;
	[tilespmem:s0+$0x8020] =	vst v5;
	vm0 =	veq.s32 v6, v4;
	v4 =	vnsel vm2, $0x0, v10  }
0x274: {  	v5 =	vsel vm1, v28, v21;
	vm1 =	veq.s32 v17, v3;
	v3 =	vnsel vm0, $0x0, v11;
	[tilespmem:s0+$0x8030] =	vst v4  }
0x275: {  	vm0 =	veq.s32 v20, v5;
	[tilespmem:s0+$0x8040] =	vst v3;
	v3 =	vnsel vm1, $0x0, v12  }
0x276: {  	[tilespmem:s0+$0x8050] =	vst v3;
	v3 =	vnsel vm0, $0x0, v15  }
0x277: {  	[tilespmem:s0+$0x8060] =	vst v3  }
0x278: {  	[hbm4b:s13+s20] =	stream.strided.scatter [tilespmem:s24], [sflag:$0x3], $0x4000, s21, s20, $0x38;
	[tilespmem:$0x10000] =	vst v63  }
0x279: {  	s1 =	simm.s32 $0x0  }
0x27a: {  	[tilespmem:s1], [sflag:$0x1] =	stream.strided.gather [hbm4b:s14+s20], $0x4000, s21, s20, $0x38;
	[tilespmem:$0x10000] =	vst v63  }
0x27b: {  	_ =	swait.ge [sflag:s25], $0x4000  }
0x27c: {  	[sflag:s25] =	ssyncset.done $0x0  }
0x27d: {  	[sflag:s25] =	ssyncadd.s32 $0xFFFFC000  }
0x27e: {  	_ =	swait.ge [sflag:s29], $0x4000  }
0x27f: {  	[sflag:s29] =	ssyncset.done $0x0  }
0x280: {  	s31 =	simm.s32 $0x0;
	[sflag:s29] =	ssyncadd.s32 $0xFFFFC000  }
0x281: {  	v10 =	vld [tilespmem:s31+$0x4070]  }
0x282: {  	v6 =	vld [tilespmem:s31+$0x4000]  }
0x283: {  	v7 =	vld [tilespmem:s31+$0x4010]  }
0x284: {  	v9 =	vld [tilespmem:s31+$0x4030]  }
0x285: {  	v5 =	vld [tilespmem:s31+$0x4040]  }
0x286: {  	v4 =	vld [tilespmem:s31+$0x4050]  }
0x287: {  	v8 =	vld [tilespmem:s31+$0x4020]  }
0x288: {  	v3 =	vshra.s32 v10, $0x1F;
	v11 =	vshra.s32 v6, $0x1F;
	v13 =	vand.u32 $0xFFFFFFFC, v10  }
0x289: {  	v14 =	vshra.s32 v7, $0x1F;
	v15 =	vshra.s32 v9, $0x1F;
	v12 =	vand.u32 $0x7FFFFFFC, v3  }
0x28a: {  	v17 =	vand.u32 $0xFFFFFFFC, v6;
	v18 =	vshra.s32 v5, $0x1F;
	v12 =	vxor.u32 v13, v12  }
0x28b: {  	v19 =	vshra.s32 v4, $0x1F;
	v21 =	vand.u32 $0xFFFFFFFC, v7;
	v12 =	vor.u32 v0, v12  }
0x28c: {  	v23 =	vand.u32 $0xFFFFFFFC, v8;
	v24 =	vand.u32 $0xFFFFFFFC, v9;
	v16 =	vperm.xlane v12, v1  }
0x28d: {  	v25 =	vand.u32 $0xFFFFFFFC, v5;
	v26 =	vand.u32 $0xFFFFFFFC, v4;
	v11 =	vand.u32 $0x7FFFFFFC, v11  }
0x28e: {  	v3 =	vld [tilespmem:s31+$0x4060];
	v15 =	vand.u32 $0x7FFFFFFC, v15;
	v18 =	vand.u32 $0x7FFFFFFC, v18;
	vm0 =	vgt.s32 v12, v16  }
0x28f: {  	v19 =	vand.u32 $0x7FFFFFFC, v19;
	v13 =	vand.u32 $0x7FFFFFFC, v14;
	v16 =	vsel vm0, v12, v16  }
0x290: {  	v14 =	vshra.s32 v8, $0x1F;
	v11 =	vxor.u32 v17, v11;
	v22 =	vperm.xlane v16, v2  }
0x291: {  	v15 =	vxor.u32 v24, v15;
	v17 =	vxor.u32 v26, v19;
	v14 =	vand.u32 $0x7FFFFFFC, v14  }
0x292: {  	v13 =	vxor.u32 v21, v13;
	v14 =	vxor.u32 v23, v14;
	vm0 =	vgt.s32 v16, v22  }
0x293: {  	v20 =	vshra.s32 v3, $0x1F;
	v27 =	vand.u32 $0xFFFFFFFC, v3;
	v16 =	vsel vm0, v16, v22  }
0x294: {  	v20 =	vand.u32 $0x7FFFFFFC, v20;
	vm0 =	veq.s32 v12, v16;
	v12 =	vxor.u32 v25, v18  }
0x295: {  	v16 =	vor.u32 v0, v11;
	v18 =	vxor.u32 v27, v20;
	v28 =	vnsel vm0, $0x0, v10  }
0x296: {  	v10 =	vor.u32 v0, v13;
	v13 =	vor.u32 v0, v14;
	v14 =	vor.u32 v0, v15  }
0x297: {  	v19 =	vperm.xlane v16, v1;
	v11 =	vor.u32 v0, v12;
	v15 =	vor.u32 v0, v17  }
0x298: {  	v12 =	vor.u32 v0, v18;
	v17 =	vperm.xlane v10, v1;
	v18 =	vperm.xlane v13, v1  }
0x299: {  	v20 =	vperm.xlane v14, v1;
	v21 =	vperm.xlane v11, v1  }
0x29a: {  	v22 =	vperm.xlane v15, v1;
	v23 =	vperm.xlane v12, v1;
	vm0 =	vgt.s32 v16, v19  }
0x29b: {  	vm1 =	vgt.s32 v10, v17;
	vm2 =	vgt.s32 v13, v18;
	vm3 =	vgt.s32 v14, v20  }
0x29c: {  	vm4 =	vgt.s32 v11, v21;
	v27 =	vsel vm0, v16, v19;
	vm0 =	vgt.s32 v15, v22  }
0x29d: {  	vm5 =	vgt.s32 v12, v23;
	v29 =	vsel vm1, v10, v17;
	v19 =	vsel vm2, v13, v18  }
0x29e: {  	v20 =	vsel vm3, v14, v20;
	v21 =	vsel vm4, v11, v21;
	v30 =	vperm.xlane v27, v2  }
0x29f: {  	v17 =	vsel vm0, v15, v22;
	v31 =	vperm.xlane v29, v2;
	v22 =	vperm.xlane v19, v2  }
0x2a0: {  	v18 =	vsel vm5, v12, v23;
	v23 =	vperm.xlane v20, v2;
	v25 =	vperm.xlane v21, v2  }
0x2a1: {  	v24 =	vperm.xlane v17, v2;
	v26 =	vperm.xlane v18, v2  }
0x2a2: {  	vm4 =	vgt.s32 v27, v30;
	vm5 =	vgt.s32 v29, v31;
	vm1 =	vgt.s32 v19, v22  }
0x2a3: {  	vm2 =	vgt.s32 v20, v23;
	vm3 =	vgt.s32 v21, v25;
	vm0 =	vgt.s32 v17, v24  }
0x2a4: {  	s0 =	simm.s32 $0x80;
	s1 =	simm.s32 $0x400;
	[tilespmem:s31+$0xC070] =	vst v28;
	v28 =	vsel vm4, v27, v30;
	vm4 =	vgt.s32 v18, v26;
	v27 =	vsel vm5, v29, v31  }
.LBB2_12:
0x2a5: {  	p0 =	sne.s32 s1, $0xFE00;
	v29 =	vld [tilespmem:s0+$0x4070];
	v19 =	vsel vm1, v19, v22;
	v20 =	vsel vm2, v20, v23;
	v21 =	vsel vm3, v21, v25  }
0x2a6: {  	vm2 =	veq.s32 v16, v28;
	v16 =	vsel vm0, v17, v24;
	v17 =	vsel vm4, v18, v26;
	v22 =	vld [tilespmem:s0+$0x4000]  }
0x2a7: {  	vm3 =	veq.s32 v10, v27;
	vm4 =	veq.s32 v13, v19;
	vm5 =	veq.s32 v14, v20;
	v18 =	vld [tilespmem:s0+$0x4010]  }
0x2a8: {  	vm6 =	veq.s32 v11, v21;
	vm1 =	veq.s32 v15, v16;
	vm0 =	veq.s32 v12, v17;
	v10 =	vld [tilespmem:s0+$0x4020]  }
0x2a9: {  	v16 =	vnsel vm2, $0x0, v6;
	v7 =	vnsel vm3, $0x0, v7;
	v8 =	vnsel vm4, $0x0, v8;
	v11 =	vld [tilespmem:s0+$0x4030]  }
0x2aa: {  	v9 =	vnsel vm5, $0x0, v9;
	v13 =	vnsel vm6, $0x0, v5;
	v12 =	vshra.s32 v29, $0x1F;
	[tilespmem:s31+$0xC000] =	vst v16;
	v5 =	vld [tilespmem:s0+$0x4040]  }
0x2ab: {  	v15 =	vand.u32 $0xFFFFFFFC, v29;
	v14 =	vshra.s32 v22, $0x1F;
	v17 =	vld [tilespmem:s0+$0x4050];
	v12 =	vand.u32 $0x7FFFFFFC, v12;
	[tilespmem:s31+$0xC010] =	vst v7;
	v6 =	vmovc v22  }
0x2ac: {  	v14 =	vand.u32 $0x7FFFFFFC, v14;
	v16 =	vshra.s32 v18, $0x1F;
	v22 =	vld [tilespmem:s0+$0x4060];
	v12 =	vxor.u32 v15, v12;
	[tilespmem:s31+$0xC020] =	vst v8;
	v7 =	vmovc v18  }
0x2ad: {  	v15 =	vand.u32 $0x7FFFFFFC, v16;
	v16 =	vshra.s32 v10, $0x1F;
	v12 =	vor.u32 v0, v12;
	[tilespmem:s31+$0xC030] =	vst v9;
	v8 =	vmovc v10  }
0x2ae: {  	v10 =	vand.u32 $0x7FFFFFFC, v16;
	v16 =	vshra.s32 v11, $0x1F;
	v18 =	vperm.xlane v12, v1;
	[tilespmem:s31+$0xC040] =	vst v13;
	v9 =	vmovc v11  }
0x2af: {  	v11 =	vand.u32 $0xFFFFFFFC, v6;
	v13 =	vand.u32 $0x7FFFFFFC, v16;
	v16 =	vshra.s32 v5, $0x1F  }
0x2b0: {  	v16 =	vand.u32 $0x7FFFFFFC, v16;
	v19 =	vshra.s32 v17, $0x1F;
	vm2 =	vgt.s32 v12, v18  }
0x2b1: {  	v19 =	vand.u32 $0x7FFFFFFC, v19;
	v20 =	vshra.s32 v22, $0x1F;
	v18 =	vsel vm2, v12, v18  }
0x2b2: {  	v21 =	vand.u32 $0xFFFFFFFC, v7;
	v20 =	vand.u32 $0x7FFFFFFC, v20;
	v23 =	vperm.xlane v18, v2  }
0x2b3: {  	v24 =	vand.u32 $0xFFFFFFFC, v8;
	v25 =	vand.u32 $0xFFFFFFFC, v9;
	v26 =	vand.u32 $0xFFFFFFFC, v5  }
0x2b4: {  	v27 =	vand.u32 $0xFFFFFFFC, v17;
	v28 =	vand.u32 $0xFFFFFFFC, v22;
	vm2 =	vgt.s32 v18, v23  }
0x2b5: {  	v11 =	vxor.u32 v11, v14;
	v14 =	vxor.u32 v21, v15;
	v15 =	vsel vm2, v18, v23  }
0x2b6: {  	v21 =	vxor.u32 v25, v13;
	v18 =	vxor.u32 v24, v10;
	vm2 =	veq.s32 v12, v15  }
0x2b7: {  	v12 =	vxor.u32 v26, v16;
	v15 =	vxor.u32 v27, v19;
	v13 =	vnsel vm2, $0x0, v29  }
0x2b8: {  	v10 =	vor.u32 v0, v14;
	v16 =	vor.u32 v0, v11;
	v19 =	vxor.u32 v28, v20;
	[tilespmem:s0+$0xC070] =	vst v13  }
0x2b9: {  	v14 =	vor.u32 v0, v21;
	v11 =	vor.u32 v0, v12;
	v13 =	vor.u32 v0, v18  }
0x2ba: {  	v15 =	vor.u32 v0, v15;
	v12 =	vor.u32 v0, v19;
	v18 =	vperm.xlane v16, v1  }
0x2bb: {  	v21 =	vnsel vm1, $0x0, v4;
	v4 =	vmovc v17;
	v19 =	vperm.xlane v10, v1;
	v20 =	vperm.xlane v13, v1  }
0x2bc: {  	v17 =	vperm.xlane v14, v1;
	v23 =	vperm.xlane v11, v1;
	vm1 =	vgt.s32 v16, v18;
	[tilespmem:s31+$0xC050] =	vst v21  }
0x2bd: {  	v24 =	vperm.xlane v15, v1;
	v25 =	vperm.xlane v12, v1;
	vm2 =	vgt.s32 v10, v19  }
0x2be: {  	vm4 =	vgt.s32 v14, v17;
	vm5 =	vgt.s32 v11, v23;
	vm3 =	vgt.s32 v13, v20  }
0x2bf: {  	vm6 =	vgt.s32 v12, v25;
	v27 =	vsel vm1, v16, v18;
	vm1 =	vgt.s32 v15, v24  }
0x2c0: {  	v29 =	vsel vm2, v10, v19;
	v19 =	vsel vm3, v13, v20;
	v20 =	vsel vm4, v14, v17  }
0x2c1: {  	v18 =	vsel vm6, v12, v25;
	v21 =	vsel vm5, v11, v23;
	v17 =	vsel vm1, v15, v24  }
0x2c2: {  	v30 =	vperm.xlane v29, v2;
	v28 =	vperm.xlane v27, v2;
	v24 =	vnsel vm0, $0x0, v3;
	v3 =	vmovc v22  }
.Ltmp5:
0x2c3: {  	v22 =	vperm.xlane v19, v2;
	v23 =	vperm.xlane v20, v2;
	[tilespmem:s31+$0xC060] =	vst v24;
	s31 =	smov.u32 s0;
	(pc) =	sbr.rel @p0 .LBB2_12-.Ltmp5, $4  }
0x2c4: {  	v25 =	vperm.xlane v21, v2;
	vm4 =	vgt.s32 v27, v28;
	v24 =	vperm.xlane v17, v2  }
0x2c5: {  	v26 =	vperm.xlane v18, v2;
	vm5 =	vgt.s32 v29, v30;
	vm1 =	vgt.s32 v19, v22  }
0x2c6: {  	vm2 =	vgt.s32 v20, v23;
	vm3 =	vgt.s32 v21, v25;
	vm0 =	vgt.s32 v17, v24  }
0x2c7: {  	v28 =	vsel vm4, v27, v28;
	v27 =	vsel vm5, v29, v30;
	vm4 =	vgt.s32 v18, v26;
	s0 =	sshra.s32 s1, $0x2;
	s1 =	sadd.s32 $0x200, s1  }
0x2c8: {  	v29 =	vld [tilespmem:s0+$0x4070]  }
0x2c9: {  	v30 =	vld [tilespmem:s0+$0x4000];
	v19 =	vsel vm1, v19, v22;
	v20 =	vsel vm2, v20, v23;
	v21 =	vsel vm3, v21, v25  }
0x2ca: {  	v22 =	vld [tilespmem:s0+$0x4010];
	vm2 =	veq.s32 v16, v28;
	v16 =	vsel vm0, v17, v24;
	v17 =	vsel vm4, v18, v26  }
0x2cb: {  	vm3 =	veq.s32 v10, v27;
	v10 =	vld [tilespmem:s0+$0x4030];
	vm4 =	veq.s32 v13, v19;
	vm5 =	veq.s32 v14, v20  }
0x2cc: {  	v18 =	vld [tilespmem:s0+$0x4020];
	vm6 =	veq.s32 v11, v21;
	vm1 =	veq.s32 v15, v16;
	v6 =	vnsel vm2, $0x0, v6  }
0x2cd: {  	vm0 =	veq.s32 v12, v17;
	v7 =	vnsel vm3, $0x0, v7;
	v8 =	vnsel vm4, $0x0, v8  }
0x2ce: {  	v11 =	vld [tilespmem:s0+$0x4040];
	v9 =	vnsel vm5, $0x0, v9;
	v5 =	vnsel vm6, $0x0, v5;
	v4 =	vnsel vm1, $0x0, v4  }
0x2cf: {  	[tilespmem:s31+$0xC000] =	vst v6;
	v3 =	vnsel vm0, $0x0, v3;
	v6 =	vshra.s32 v29, $0x1F;
	v13 =	vshra.s32 v30, $0x1F  }
0x2d0: {  	v14 =	vand.u32 $0xFFFFFFFC, v29;
	v16 =	vshra.s32 v10, $0x1F;
	v19 =	vand.u32 $0xFFFFFFFC, v30  }
0x2d1: {  	v24 =	vand.u32 $0xFFFFFFFC, v22;
	v26 =	vand.u32 $0xFFFFFFFC, v18;
	v27 =	vand.u32 $0xFFFFFFFC, v10  }
0x2d2: {  	v12 =	vld [tilespmem:s0+$0x4050];
	[tilespmem:s31+$0xC010] =	vst v7;
	v6 =	vand.u32 $0x7FFFFFFC, v6;
	v7 =	vand.u32 $0x7FFFFFFC, v13;
	v13 =	vshra.s32 v22, $0x1F  }
0x2d3: {  	v16 =	vand.u32 $0x7FFFFFFC, v16;
	v20 =	vshra.s32 v11, $0x1F;
	v28 =	vand.u32 $0xFFFFFFFC, v11  }
0x2d4: {  	v6 =	vxor.u32 v14, v6;
	v13 =	vand.u32 $0x7FFFFFFC, v13;
	v14 =	vshra.s32 v18, $0x1F  }
0x2d5: {  	v20 =	vand.u32 $0x7FFFFFFC, v20;
	v7 =	vxor.u32 v19, v7;
	v6 =	vor.u32 v0, v6  }
0x2d6: {  	v15 =	vld [tilespmem:s0+$0x4060];
	v16 =	vxor.u32 v27, v16;
	v14 =	vand.u32 $0x7FFFFFFC, v14;
	v17 =	vperm.xlane v6, v1  }
0x2d7: {  	v21 =	vshra.s32 v12, $0x1F;
	v31 =	vand.u32 $0xFFFFFFFC, v12;
	v14 =	vxor.u32 v26, v14  }
0x2d8: {  	v13 =	vxor.u32 v24, v13;
	v14 =	vor.u32 v0, v14;
	vm2 =	vgt.s32 v6, v17  }
0x2d9: {  	v7 =	vor.u32 v0, v7;
	v24 =	vperm.xlane v14, v1;
	v17 =	vsel vm2, v6, v17  }
0x2da: {  	v16 =	vor.u32 v0, v16;
	v21 =	vand.u32 $0x7FFFFFFC, v21;
	v25 =	vperm.xlane v17, v2  }
0x2db: {  	v23 =	vshra.s32 v15, $0x1F;
	v32 =	vand.u32 $0xFFFFFFFC, v15;
	vm3 =	vgt.s32 v14, v24  }
0x2dc: {  	v13 =	vor.u32 v0, v13;
	v24 =	vsel vm3, v14, v24;
	vm2 =	vgt.s32 v17, v25  }
0x2dd: {  	[tilespmem:s31+$0xC020] =	vst v8;
	v23 =	vand.u32 $0x7FFFFFFC, v23;
	v8 =	vperm.xlane v24, v2;
	v17 =	vsel vm2, v17, v25  }
0x2de: {  	v25 =	vperm.xlane v16, v1;
	vm2 =	veq.s32 v6, v17;
	v6 =	vxor.u32 v28, v20  }
0x2df: {  	v17 =	vxor.u32 v31, v21;
	v20 =	vxor.u32 v32, v23;
	v21 =	vperm.xlane v7, v1  }
0x2e0: {  	v23 =	vperm.xlane v13, v1;
	v19 =	vnsel vm2, $0x0, v29;
	v6 =	vor.u32 v0, v6  }
0x2e1: {  	v17 =	vor.u32 v0, v17;
	v20 =	vor.u32 v0, v20;
	vm4 =	vgt.s32 v16, v25  }
0x2e2: {  	vm1 =	vgt.s32 v7, v21;
	v26 =	vperm.xlane v6, v1;
	vm2 =	vgt.s32 v13, v23  }
0x2e3: {  	v27 =	vperm.xlane v17, v1;
	v28 =	vperm.xlane v20, v1;
	v25 =	vsel vm4, v16, v25  }
0x2e4: {  	[tilespmem:s31+$0xC030] =	vst v9;
	v21 =	vsel vm1, v7, v21;
	v23 =	vsel vm2, v13, v23;
	v63 =	vperm.xlane v25, v2  }
0x2e5: {  	[tilespmem:s31+$0xC040] =	vst v5;
	vm2 =	vgt.s32 v24, v8;
	vm5 =	vgt.s32 v6, v26;
	vm1 =	vgt.s32 v17, v27  }
0x2e6: {  	[tilespmem:s0+$0xC070] =	vst v19;
	vm6 =	vgt.s32 v20, v28;
	v29 =	vperm.xlane v21, v2;
	v31 =	vperm.xlane v23, v2  }
0x2e7: {  	[tilespmem:s31+$0xC060] =	vst v3;
	v3 =	vsel vm2, v24, v8;
	v26 =	vsel vm5, v6, v26;
	v27 =	vsel vm1, v17, v27  }
0x2e8: {  	v28 =	vsel vm6, v20, v28;
	vm0 =	vgt.s32 v21, v29;
	v9 =	vperm.xlane v26, v2  }
0x2e9: {  	v33 =	vperm.xlane v27, v2;
	vm1 =	vgt.s32 v23, v31;
	v5 =	vsel vm0, v21, v29  }
0x2ea: {  	[tilespmem:s31+$0xC050] =	vst v4;
	v21 =	vperm.xlane v28, v2;
	vm0 =	vgt.s32 v25, v63;
	v4 =	vsel vm1, v23, v31  }
0x2eb: {  	vm3 =	vgt.s32 v26, v9;
	vm4 =	vgt.s32 v27, v33;
	vm5 =	veq.s32 v7, v5  }
0x2ec: {  	vm2 =	veq.s32 v13, v4;
	v5 =	vsel vm0, v25, v63;
	v4 =	vnsel vm5, $0x0, v30  }
0x2ed: {  	vm0 =	veq.s32 v14, v3;
	vm1 =	vgt.s32 v28, v21;
	v3 =	vnsel vm2, $0x0, v22;
	[tilespmem:s0+$0xC000] =	vst v4  }
0x2ee: {  	vm2 =	veq.s32 v16, v5;
	v5 =	vnsel vm0, $0x0, v18;
	v4 =	vsel vm3, v26, v9;
	[tilespmem:s0+$0xC010] =	vst v3  }
0x2ef: {  	v3 =	vsel vm4, v27, v33;
	[tilespmem:s0+$0xC020] =	vst v5;
	vm0 =	veq.s32 v6, v4;
	v4 =	vnsel vm2, $0x0, v10  }
0x2f0: {  	v5 =	vsel vm1, v28, v21;
	vm1 =	veq.s32 v17, v3;
	v3 =	vnsel vm0, $0x0, v11;
	[tilespmem:s0+$0xC030] =	vst v4  }
0x2f1: {  	vm0 =	veq.s32 v20, v5;
	[tilespmem:s0+$0xC040] =	vst v3;
	v3 =	vnsel vm1, $0x0, v12  }
0x2f2: {  	[tilespmem:s0+$0xC050] =	vst v3;
	v3 =	vnsel vm0, $0x0, v15  }
0x2f3: {  	[tilespmem:s0+$0xC060] =	vst v3  }
0x2f4: {  	[hbm4b:s15+s20] =	stream.strided.scatter [tilespmem:s26], [sflag:$0x4], $0x4000, s21, s20, $0x38;
	[tilespmem:$0x10000] =	vst v63  }
0x2f5: {  	_ = 	snop  }
0x2f6: {  	[tilespmem:s22], [sflag:$0x2] =	stream.strided.gather [hbm4b:s16+s20], $0x4000, s21, s20, $0x38;
	[tilespmem:$0x10000] =	vst v63  }
0x2f7: {  	_ =	swait.ge [sflag:s23], $0x4000  }
0x2f8: {  	[sflag:s23] =	ssyncset.done $0x0  }
0x2f9: {  	[sflag:s23] =	ssyncadd.s32 $0xFFFFC000  }
0x2fa: {  	_ =	swait.ge [sflag:s28], $0x4000  }
0x2fb: {  	[sflag:s28] =	ssyncset.done $0x0  }
0x2fc: {  	s31 =	simm.s32 $0x0;
	[sflag:s28] =	ssyncadd.s32 $0xFFFFC000  }
0x2fd: {  	v10 =	vld [tilespmem:s31+$0x70]  }
0x2fe: {  	v6 =	vld [tilespmem:s31+$0x0]  }
0x2ff: {  	v7 =	vld [tilespmem:s31+$0x10]  }
0x300: {  	v9 =	vld [tilespmem:s31+$0x30]  }
0x301: {  	v5 =	vld [tilespmem:s31+$0x40]  }
0x302: {  	v4 =	vld [tilespmem:s31+$0x50]  }
0x303: {  	v8 =	vld [tilespmem:s31+$0x20]  }
0x304: {  	v3 =	vshra.s32 v10, $0x1F;
	v11 =	vshra.s32 v6, $0x1F;
	v13 =	vand.u32 $0xFFFFFFFC, v10  }
0x305: {  	v14 =	vshra.s32 v7, $0x1F;
	v15 =	vshra.s32 v9, $0x1F;
	v12 =	vand.u32 $0x7FFFFFFC, v3  }
0x306: {  	v17 =	vand.u32 $0xFFFFFFFC, v6;
	v18 =	vshra.s32 v5, $0x1F;
	v12 =	vxor.u32 v13, v12  }
0x307: {  	v19 =	vshra.s32 v4, $0x1F;
	v21 =	vand.u32 $0xFFFFFFFC, v7;
	v12 =	vor.u32 v0, v12  }
0x308: {  	v23 =	vand.u32 $0xFFFFFFFC, v8;
	v24 =	vand.u32 $0xFFFFFFFC, v9;
	v16 =	vperm.xlane v12, v1  }
0x309: {  	v25 =	vand.u32 $0xFFFFFFFC, v5;
	v26 =	vand.u32 $0xFFFFFFFC, v4;
	v11 =	vand.u32 $0x7FFFFFFC, v11  }
0x30a: {  	v3 =	vld [tilespmem:s31+$0x60];
	v15 =	vand.u32 $0x7FFFFFFC, v15;
	v18 =	vand.u32 $0x7FFFFFFC, v18;
	vm0 =	vgt.s32 v12, v16  }
0x30b: {  	v19 =	vand.u32 $0x7FFFFFFC, v19;
	v13 =	vand.u32 $0x7FFFFFFC, v14;
	v16 =	vsel vm0, v12, v16  }
0x30c: {  	v14 =	vshra.s32 v8, $0x1F;
	v11 =	vxor.u32 v17, v11;
	v22 =	vperm.xlane v16, v2  }
0x30d: {  	v15 =	vxor.u32 v24, v15;
	v17 =	vxor.u32 v26, v19;
	v14 =	vand.u32 $0x7FFFFFFC, v14  }
0x30e: {  	v13 =	vxor.u32 v21, v13;
	v14 =	vxor.u32 v23, v14;
	vm0 =	vgt.s32 v16, v22  }
0x30f: {  	v20 =	vshra.s32 v3, $0x1F;
	v27 =	vand.u32 $0xFFFFFFFC, v3;
	v16 =	vsel vm0, v16, v22  }
0x310: {  	v20 =	vand.u32 $0x7FFFFFFC, v20;
	vm0 =	veq.s32 v12, v16;
	v12 =	vxor.u32 v25, v18  }
0x311: {  	v16 =	vor.u32 v0, v11;
	v18 =	vxor.u32 v27, v20;
	v28 =	vnsel vm0, $0x0, v10  }
0x312: {  	v10 =	vor.u32 v0, v13;
	v13 =	vor.u32 v0, v14;
	v14 =	vor.u32 v0, v15  }
0x313: {  	v19 =	vperm.xlane v16, v1;
	v11 =	vor.u32 v0, v12;
	v15 =	vor.u32 v0, v17  }
0x314: {  	v12 =	vor.u32 v0, v18;
	v17 =	vperm.xlane v10, v1;
	v18 =	vperm.xlane v13, v1  }
0x315: {  	v20 =	vperm.xlane v14, v1;
	v21 =	vperm.xlane v11, v1  }
0x316: {  	v22 =	vperm.xlane v15, v1;
	v23 =	vperm.xlane v12, v1;
	vm0 =	vgt.s32 v16, v19  }
0x317: {  	vm1 =	vgt.s32 v10, v17;
	vm2 =	vgt.s32 v13, v18;
	vm3 =	vgt.s32 v14, v20  }
0x318: {  	vm4 =	vgt.s32 v11, v21;
	v27 =	vsel vm0, v16, v19;
	vm0 =	vgt.s32 v15, v22  }
0x319: {  	vm5 =	vgt.s32 v12, v23;
	v29 =	vsel vm1, v10, v17;
	v19 =	vsel vm2, v13, v18  }
0x31a: {  	v20 =	vsel vm3, v14, v20;
	v21 =	vsel vm4, v11, v21;
	v30 =	vperm.xlane v27, v2  }
0x31b: {  	v17 =	vsel vm0, v15, v22;
	v31 =	vperm.xlane v29, v2;
	v22 =	vperm.xlane v19, v2  }
0x31c: {  	v18 =	vsel vm5, v12, v23;
	v23 =	vperm.xlane v20, v2;
	v25 =	vperm.xlane v21, v2  }
0x31d: {  	v24 =	vperm.xlane v17, v2;
	v26 =	vperm.xlane v18, v2  }
0x31e: {  	vm4 =	vgt.s32 v27, v30;
	vm5 =	vgt.s32 v29, v31;
	vm1 =	vgt.s32 v19, v22  }
0x31f: {  	vm2 =	vgt.s32 v20, v23;
	vm3 =	vgt.s32 v21, v25;
	vm0 =	vgt.s32 v17, v24  }
0x320: {  	s1 =	simm.s32 $0x400;
	s0 =	simm.s32 $0x80;
	[tilespmem:s31+$0x8070] =	vst v28;
	v28 =	vsel vm4, v27, v30;
	vm4 =	vgt.s32 v18, v26;
	v27 =	vsel vm5, v29, v31  }
.LBB2_14:
0x321: {  	p0 =	sne.s32 s1, $0xFE00;
	v29 =	vld [tilespmem:s0+$0x70];
	v19 =	vsel vm1, v19, v22;
	v20 =	vsel vm2, v20, v23;
	v21 =	vsel vm3, v21, v25  }
0x322: {  	vm2 =	veq.s32 v16, v28;
	v16 =	vsel vm0, v17, v24;
	v17 =	vsel vm4, v18, v26;
	v22 =	vld [tilespmem:s0+$0x0]  }
0x323: {  	vm3 =	veq.s32 v10, v27;
	vm4 =	veq.s32 v13, v19;
	vm5 =	veq.s32 v14, v20;
	v18 =	vld [tilespmem:s0+$0x10]  }
0x324: {  	vm6 =	veq.s32 v11, v21;
	vm1 =	veq.s32 v15, v16;
	vm0 =	veq.s32 v12, v17;
	v10 =	vld [tilespmem:s0+$0x20]  }
0x325: {  	v16 =	vnsel vm2, $0x0, v6;
	v7 =	vnsel vm3, $0x0, v7;
	v8 =	vnsel vm4, $0x0, v8;
	v11 =	vld [tilespmem:s0+$0x30]  }
0x326: {  	v9 =	vnsel vm5, $0x0, v9;
	v13 =	vnsel vm6, $0x0, v5;
	v12 =	vshra.s32 v29, $0x1F;
	[tilespmem:s31+$0x8000] =	vst v16;
	v5 =	vld [tilespmem:s0+$0x40]  }
0x327: {  	v15 =	vand.u32 $0xFFFFFFFC, v29;
	v14 =	vshra.s32 v22, $0x1F;
	v17 =	vld [tilespmem:s0+$0x50];
	v12 =	vand.u32 $0x7FFFFFFC, v12;
	[tilespmem:s31+$0x8010] =	vst v7;
	v6 =	vmovc v22  }
0x328: {  	v14 =	vand.u32 $0x7FFFFFFC, v14;
	v16 =	vshra.s32 v18, $0x1F;
	v22 =	vld [tilespmem:s0+$0x60];
	v12 =	vxor.u32 v15, v12;
	[tilespmem:s31+$0x8020] =	vst v8;
	v7 =	vmovc v18  }
0x329: {  	v15 =	vand.u32 $0x7FFFFFFC, v16;
	v16 =	vshra.s32 v10, $0x1F;
	v12 =	vor.u32 v0, v12;
	[tilespmem:s31+$0x8030] =	vst v9;
	v8 =	vmovc v10  }
0x32a: {  	v10 =	vand.u32 $0x7FFFFFFC, v16;
	v16 =	vshra.s32 v11, $0x1F;
	v18 =	vperm.xlane v12, v1;
	[tilespmem:s31+$0x8040] =	vst v13;
	v9 =	vmovc v11  }
0x32b: {  	v11 =	vand.u32 $0xFFFFFFFC, v6;
	v13 =	vand.u32 $0x7FFFFFFC, v16;
	v16 =	vshra.s32 v5, $0x1F  }
0x32c: {  	v16 =	vand.u32 $0x7FFFFFFC, v16;
	v19 =	vshra.s32 v17, $0x1F;
	vm2 =	vgt.s32 v12, v18  }
0x32d: {  	v19 =	vand.u32 $0x7FFFFFFC, v19;
	v20 =	vshra.s32 v22, $0x1F;
	v18 =	vsel vm2, v12, v18  }
0x32e: {  	v21 =	vand.u32 $0xFFFFFFFC, v7;
	v20 =	vand.u32 $0x7FFFFFFC, v20;
	v23 =	vperm.xlane v18, v2  }
0x32f: {  	v24 =	vand.u32 $0xFFFFFFFC, v8;
	v25 =	vand.u32 $0xFFFFFFFC, v9;
	v26 =	vand.u32 $0xFFFFFFFC, v5  }
0x330: {  	v27 =	vand.u32 $0xFFFFFFFC, v17;
	v28 =	vand.u32 $0xFFFFFFFC, v22;
	vm2 =	vgt.s32 v18, v23  }
0x331: {  	v11 =	vxor.u32 v11, v14;
	v14 =	vxor.u32 v21, v15;
	v15 =	vsel vm2, v18, v23  }
0x332: {  	v21 =	vxor.u32 v25, v13;
	v18 =	vxor.u32 v24, v10;
	vm2 =	veq.s32 v12, v15  }
0x333: {  	v12 =	vxor.u32 v26, v16;
	v15 =	vxor.u32 v27, v19;
	v13 =	vnsel vm2, $0x0, v29  }
0x334: {  	v10 =	vor.u32 v0, v14;
	v16 =	vor.u32 v0, v11;
	v19 =	vxor.u32 v28, v20;
	[tilespmem:s0+$0x8070] =	vst v13  }
0x335: {  	v14 =	vor.u32 v0, v21;
	v11 =	vor.u32 v0, v12;
	v13 =	vor.u32 v0, v18  }
0x336: {  	v15 =	vor.u32 v0, v15;
	v12 =	vor.u32 v0, v19;
	v18 =	vperm.xlane v16, v1  }
0x337: {  	v21 =	vnsel vm1, $0x0, v4;
	v4 =	vmovc v17;
	v19 =	vperm.xlane v10, v1;
	v20 =	vperm.xlane v13, v1  }
0x338: {  	v17 =	vperm.xlane v14, v1;
	v23 =	vperm.xlane v11, v1;
	vm1 =	vgt.s32 v16, v18;
	[tilespmem:s31+$0x8050] =	vst v21  }
0x339: {  	v24 =	vperm.xlane v15, v1;
	v25 =	vperm.xlane v12, v1;
	vm2 =	vgt.s32 v10, v19  }
0x33a: {  	vm4 =	vgt.s32 v14, v17;
	vm5 =	vgt.s32 v11, v23;
	vm3 =	vgt.s32 v13, v20  }
0x33b: {  	vm6 =	vgt.s32 v12, v25;
	v27 =	vsel vm1, v16, v18;
	vm1 =	vgt.s32 v15, v24  }
0x33c: {  	v29 =	vsel vm2, v10, v19;
	v19 =	vsel vm3, v13, v20;
	v20 =	vsel vm4, v14, v17  }
0x33d: {  	v18 =	vsel vm6, v12, v25;
	v21 =	vsel vm5, v11, v23;
	v17 =	vsel vm1, v15, v24  }
0x33e: {  	v30 =	vperm.xlane v29, v2;
	v28 =	vperm.xlane v27, v2;
	v24 =	vnsel vm0, $0x0, v3;
	v3 =	vmovc v22  }
.Ltmp6:
0x33f: {  	v22 =	vperm.xlane v19, v2;
	v23 =	vperm.xlane v20, v2;
	[tilespmem:s31+$0x8060] =	vst v24;
	s31 =	smov.u32 s0;
	(pc) =	sbr.rel @p0 .LBB2_14-.Ltmp6, $4  }
0x340: {  	v25 =	vperm.xlane v21, v2;
	vm4 =	vgt.s32 v27, v28;
	v24 =	vperm.xlane v17, v2  }
0x341: {  	v26 =	vperm.xlane v18, v2;
	vm5 =	vgt.s32 v29, v30;
	vm1 =	vgt.s32 v19, v22  }
0x342: {  	vm2 =	vgt.s32 v20, v23;
	vm3 =	vgt.s32 v21, v25;
	vm0 =	vgt.s32 v17, v24  }
0x343: {  	v28 =	vsel vm4, v27, v28;
	v27 =	vsel vm5, v29, v30;
	vm4 =	vgt.s32 v18, v26;
	s0 =	sshra.s32 s1, $0x2;
	s1 =	sadd.s32 $0x200, s1  }
0x344: {  	v29 =	vld [tilespmem:s0+$0x70]  }
0x345: {  	v30 =	vld [tilespmem:s0+$0x0];
	v19 =	vsel vm1, v19, v22;
	v20 =	vsel vm2, v20, v23;
	v21 =	vsel vm3, v21, v25  }
0x346: {  	v22 =	vld [tilespmem:s0+$0x10];
	vm2 =	veq.s32 v16, v28;
	v16 =	vsel vm0, v17, v24;
	v17 =	vsel vm4, v18, v26  }
0x347: {  	vm3 =	veq.s32 v10, v27;
	v10 =	vld [tilespmem:s0+$0x30];
	vm4 =	veq.s32 v13, v19;
	vm5 =	veq.s32 v14, v20  }
0x348: {  	v18 =	vld [tilespmem:s0+$0x20];
	vm6 =	veq.s32 v11, v21;
	vm1 =	veq.s32 v15, v16;
	v6 =	vnsel vm2, $0x0, v6  }
0x349: {  	vm0 =	veq.s32 v12, v17;
	v7 =	vnsel vm3, $0x0, v7;
	v8 =	vnsel vm4, $0x0, v8  }
0x34a: {  	v11 =	vld [tilespmem:s0+$0x40];
	v9 =	vnsel vm5, $0x0, v9;
	v5 =	vnsel vm6, $0x0, v5;
	v4 =	vnsel vm1, $0x0, v4  }
0x34b: {  	[tilespmem:s31+$0x8000] =	vst v6;
	v3 =	vnsel vm0, $0x0, v3;
	v6 =	vshra.s32 v29, $0x1F;
	v13 =	vshra.s32 v30, $0x1F  }
0x34c: {  	v14 =	vand.u32 $0xFFFFFFFC, v29;
	v16 =	vshra.s32 v10, $0x1F;
	v19 =	vand.u32 $0xFFFFFFFC, v30  }
0x34d: {  	v24 =	vand.u32 $0xFFFFFFFC, v22;
	v26 =	vand.u32 $0xFFFFFFFC, v18;
	v27 =	vand.u32 $0xFFFFFFFC, v10  }
0x34e: {  	v12 =	vld [tilespmem:s0+$0x50];
	[tilespmem:s31+$0x8010] =	vst v7;
	v6 =	vand.u32 $0x7FFFFFFC, v6;
	v7 =	vand.u32 $0x7FFFFFFC, v13;
	v13 =	vshra.s32 v22, $0x1F  }
0x34f: {  	v16 =	vand.u32 $0x7FFFFFFC, v16;
	v20 =	vshra.s32 v11, $0x1F;
	v28 =	vand.u32 $0xFFFFFFFC, v11  }
0x350: {  	v6 =	vxor.u32 v14, v6;
	v13 =	vand.u32 $0x7FFFFFFC, v13;
	v14 =	vshra.s32 v18, $0x1F  }
0x351: {  	v20 =	vand.u32 $0x7FFFFFFC, v20;
	v7 =	vxor.u32 v19, v7;
	v6 =	vor.u32 v0, v6  }
0x352: {  	v15 =	vld [tilespmem:s0+$0x60];
	v16 =	vxor.u32 v27, v16;
	v14 =	vand.u32 $0x7FFFFFFC, v14;
	v17 =	vperm.xlane v6, v1  }
0x353: {  	v21 =	vshra.s32 v12, $0x1F;
	v31 =	vand.u32 $0xFFFFFFFC, v12;
	v14 =	vxor.u32 v26, v14  }
0x354: {  	v13 =	vxor.u32 v24, v13;
	v14 =	vor.u32 v0, v14;
	vm2 =	vgt.s32 v6, v17  }
0x355: {  	v7 =	vor.u32 v0, v7;
	v24 =	vperm.xlane v14, v1;
	v17 =	vsel vm2, v6, v17  }
0x356: {  	v16 =	vor.u32 v0, v16;
	v21 =	vand.u32 $0x7FFFFFFC, v21;
	v25 =	vperm.xlane v17, v2  }
0x357: {  	v23 =	vshra.s32 v15, $0x1F;
	v32 =	vand.u32 $0xFFFFFFFC, v15;
	vm3 =	vgt.s32 v14, v24  }
0x358: {  	v13 =	vor.u32 v0, v13;
	v24 =	vsel vm3, v14, v24;
	vm2 =	vgt.s32 v17, v25  }
0x359: {  	[tilespmem:s31+$0x8020] =	vst v8;
	v23 =	vand.u32 $0x7FFFFFFC, v23;
	v8 =	vperm.xlane v24, v2;
	v17 =	vsel vm2, v17, v25  }
0x35a: {  	v25 =	vperm.xlane v16, v1;
	vm2 =	veq.s32 v6, v17;
	v6 =	vxor.u32 v28, v20  }
0x35b: {  	v17 =	vxor.u32 v31, v21;
	v20 =	vxor.u32 v32, v23;
	v21 =	vperm.xlane v7, v1  }
0x35c: {  	v23 =	vperm.xlane v13, v1;
	v19 =	vnsel vm2, $0x0, v29;
	v6 =	vor.u32 v0, v6  }
0x35d: {  	v17 =	vor.u32 v0, v17;
	v20 =	vor.u32 v0, v20;
	vm4 =	vgt.s32 v16, v25  }
0x35e: {  	vm1 =	vgt.s32 v7, v21;
	v26 =	vperm.xlane v6, v1;
	vm2 =	vgt.s32 v13, v23  }
0x35f: {  	v27 =	vperm.xlane v17, v1;
	v28 =	vperm.xlane v20, v1;
	v25 =	vsel vm4, v16, v25  }
0x360: {  	[tilespmem:s31+$0x8030] =	vst v9;
	v21 =	vsel vm1, v7, v21;
	v23 =	vsel vm2, v13, v23;
	v63 =	vperm.xlane v25, v2  }
0x361: {  	[tilespmem:s31+$0x8040] =	vst v5;
	vm2 =	vgt.s32 v24, v8;
	vm5 =	vgt.s32 v6, v26;
	vm1 =	vgt.s32 v17, v27  }
0x362: {  	[tilespmem:s0+$0x8070] =	vst v19;
	vm6 =	vgt.s32 v20, v28;
	v29 =	vperm.xlane v21, v2;
	v31 =	vperm.xlane v23, v2  }
0x363: {  	[tilespmem:s31+$0x8060] =	vst v3;
	v3 =	vsel vm2, v24, v8;
	v26 =	vsel vm5, v6, v26;
	v27 =	vsel vm1, v17, v27  }
0x364: {  	v28 =	vsel vm6, v20, v28;
	vm0 =	vgt.s32 v21, v29;
	v9 =	vperm.xlane v26, v2  }
0x365: {  	v33 =	vperm.xlane v27, v2;
	vm1 =	vgt.s32 v23, v31;
	v5 =	vsel vm0, v21, v29  }
0x366: {  	[tilespmem:s31+$0x8050] =	vst v4;
	v21 =	vperm.xlane v28, v2;
	vm0 =	vgt.s32 v25, v63;
	v4 =	vsel vm1, v23, v31  }
0x367: {  	vm3 =	vgt.s32 v26, v9;
	vm4 =	vgt.s32 v27, v33;
	vm5 =	veq.s32 v7, v5  }
0x368: {  	vm2 =	veq.s32 v13, v4;
	v5 =	vsel vm0, v25, v63;
	v4 =	vnsel vm5, $0x0, v30  }
0x369: {  	vm0 =	veq.s32 v14, v3;
	vm1 =	vgt.s32 v28, v21;
	v3 =	vnsel vm2, $0x0, v22;
	[tilespmem:s0+$0x8000] =	vst v4  }
0x36a: {  	vm2 =	veq.s32 v16, v5;
	v5 =	vnsel vm0, $0x0, v18;
	v4 =	vsel vm3, v26, v9;
	[tilespmem:s0+$0x8010] =	vst v3  }
0x36b: {  	v3 =	vsel vm4, v27, v33;
	[tilespmem:s0+$0x8020] =	vst v5;
	vm0 =	veq.s32 v6, v4;
	v4 =	vnsel vm2, $0x0, v10  }
0x36c: {  	v5 =	vsel vm1, v28, v21;
	vm1 =	veq.s32 v17, v3;
	v3 =	vnsel vm0, $0x0, v11;
	[tilespmem:s0+$0x8030] =	vst v4  }
0x36d: {  	vm0 =	veq.s32 v20, v5;
	[tilespmem:s0+$0x8040] =	vst v3;
	v3 =	vnsel vm1, $0x0, v12  }
0x36e: {  	[tilespmem:s0+$0x8050] =	vst v3;
	v3 =	vnsel vm0, $0x0, v15  }
0x36f: {  	[tilespmem:s0+$0x8060] =	vst v3  }
0x370: {  	[hbm4b:s17+s20] =	stream.strided.scatter [tilespmem:s24], [sflag:$0x3], $0x4000, s21, s20, $0x38;
	[tilespmem:$0x10000] =	vst v63  }
0x371: {  	_ =	swait.ge [sflag:s25], $0x4000  }
0x372: {  	[sflag:s25] =	ssyncset.done $0x0  }
0x373: {  	[sflag:s25] =	ssyncadd.s32 $0xFFFFC000  }
0x374: {  	_ =	swait.ge [sflag:s29], $0x4000  }
0x375: {  	[sflag:s29] =	ssyncset.done $0x0  }
0x376: {  	s31 =	simm.s32 $0x0;
	[sflag:s29] =	ssyncadd.s32 $0xFFFFC000  }
0x377: {  	v10 =	vld [tilespmem:s31+$0x4070]  }
0x378: {  	v6 =	vld [tilespmem:s31+$0x4000]  }
0x379: {  	v7 =	vld [tilespmem:s31+$0x4010]  }
0x37a: {  	v9 =	vld [tilespmem:s31+$0x4030]  }
0x37b: {  	v5 =	vld [tilespmem:s31+$0x4040]  }
0x37c: {  	v4 =	vld [tilespmem:s31+$0x4050]  }
0x37d: {  	v8 =	vld [tilespmem:s31+$0x4020]  }
0x37e: {  	v3 =	vshra.s32 v10, $0x1F;
	v11 =	vshra.s32 v6, $0x1F;
	v13 =	vand.u32 $0xFFFFFFFC, v10  }
0x37f: {  	v14 =	vshra.s32 v7, $0x1F;
	v15 =	vshra.s32 v9, $0x1F;
	v12 =	vand.u32 $0x7FFFFFFC, v3  }
0x380: {  	v17 =	vand.u32 $0xFFFFFFFC, v6;
	v18 =	vshra.s32 v5, $0x1F;
	v12 =	vxor.u32 v13, v12  }
0x381: {  	v19 =	vshra.s32 v4, $0x1F;
	v21 =	vand.u32 $0xFFFFFFFC, v7;
	v12 =	vor.u32 v0, v12  }
0x382: {  	v23 =	vand.u32 $0xFFFFFFFC, v8;
	v24 =	vand.u32 $0xFFFFFFFC, v9;
	v16 =	vperm.xlane v12, v1  }
0x383: {  	v25 =	vand.u32 $0xFFFFFFFC, v5;
	v26 =	vand.u32 $0xFFFFFFFC, v4;
	v11 =	vand.u32 $0x7FFFFFFC, v11  }
0x384: {  	v3 =	vld [tilespmem:s31+$0x4060];
	v15 =	vand.u32 $0x7FFFFFFC, v15;
	v18 =	vand.u32 $0x7FFFFFFC, v18;
	vm0 =	vgt.s32 v12, v16  }
0x385: {  	v19 =	vand.u32 $0x7FFFFFFC, v19;
	v13 =	vand.u32 $0x7FFFFFFC, v14;
	v16 =	vsel vm0, v12, v16  }
0x386: {  	v14 =	vshra.s32 v8, $0x1F;
	v11 =	vxor.u32 v17, v11;
	v22 =	vperm.xlane v16, v2  }
0x387: {  	v15 =	vxor.u32 v24, v15;
	v17 =	vxor.u32 v26, v19;
	v14 =	vand.u32 $0x7FFFFFFC, v14  }
0x388: {  	v13 =	vxor.u32 v21, v13;
	v14 =	vxor.u32 v23, v14;
	vm0 =	vgt.s32 v16, v22  }
0x389: {  	v20 =	vshra.s32 v3, $0x1F;
	v27 =	vand.u32 $0xFFFFFFFC, v3;
	v16 =	vsel vm0, v16, v22  }
0x38a: {  	v20 =	vand.u32 $0x7FFFFFFC, v20;
	vm0 =	veq.s32 v12, v16;
	v12 =	vxor.u32 v25, v18  }
0x38b: {  	v16 =	vor.u32 v0, v11;
	v18 =	vxor.u32 v27, v20;
	v28 =	vnsel vm0, $0x0, v10  }
0x38c: {  	v10 =	vor.u32 v0, v13;
	v13 =	vor.u32 v0, v14;
	v14 =	vor.u32 v0, v15  }
0x38d: {  	v19 =	vperm.xlane v16, v1;
	v11 =	vor.u32 v0, v12;
	v15 =	vor.u32 v0, v17  }
0x38e: {  	v12 =	vor.u32 v0, v18;
	v17 =	vperm.xlane v10, v1;
	v18 =	vperm.xlane v13, v1  }
0x38f: {  	v20 =	vperm.xlane v14, v1;
	v21 =	vperm.xlane v11, v1  }
0x390: {  	v22 =	vperm.xlane v15, v1;
	v23 =	vperm.xlane v12, v1;
	vm0 =	vgt.s32 v16, v19  }
0x391: {  	vm1 =	vgt.s32 v10, v17;
	vm2 =	vgt.s32 v13, v18;
	vm3 =	vgt.s32 v14, v20  }
0x392: {  	vm4 =	vgt.s32 v11, v21;
	v27 =	vsel vm0, v16, v19;
	vm0 =	vgt.s32 v15, v22  }
0x393: {  	vm5 =	vgt.s32 v12, v23;
	v29 =	vsel vm1, v10, v17;
	v19 =	vsel vm2, v13, v18  }
0x394: {  	v20 =	vsel vm3, v14, v20;
	v21 =	vsel vm4, v11, v21;
	v30 =	vperm.xlane v27, v2  }
0x395: {  	v17 =	vsel vm0, v15, v22;
	v31 =	vperm.xlane v29, v2;
	v22 =	vperm.xlane v19, v2  }
0x396: {  	v18 =	vsel vm5, v12, v23;
	v23 =	vperm.xlane v20, v2;
	v25 =	vperm.xlane v21, v2  }
0x397: {  	v24 =	vperm.xlane v17, v2;
	v26 =	vperm.xlane v18, v2  }
0x398: {  	vm4 =	vgt.s32 v27, v30;
	vm5 =	vgt.s32 v29, v31;
	vm1 =	vgt.s32 v19, v22  }
0x399: {  	vm2 =	vgt.s32 v20, v23;
	vm3 =	vgt.s32 v21, v25;
	vm0 =	vgt.s32 v17, v24  }
0x39a: {  	s1 =	simm.s32 $0x400;
	s0 =	simm.s32 $0x80;
	[tilespmem:s31+$0xC070] =	vst v28;
	v28 =	vsel vm4, v27, v30;
	vm4 =	vgt.s32 v18, v26;
	v27 =	vsel vm5, v29, v31  }
.LBB2_16:
0x39b: {  	p0 =	sne.s32 s1, $0xFE00;
	v29 =	vld [tilespmem:s0+$0x4070];
	v19 =	vsel vm1, v19, v22;
	v20 =	vsel vm2, v20, v23;
	v21 =	vsel vm3, v21, v25  }
0x39c: {  	vm2 =	veq.s32 v16, v28;
	v16 =	vsel vm0, v17, v24;
	v17 =	vsel vm4, v18, v26;
	v22 =	vld [tilespmem:s0+$0x4000]  }
0x39d: {  	vm3 =	veq.s32 v10, v27;
	vm4 =	veq.s32 v13, v19;
	vm5 =	veq.s32 v14, v20;
	v18 =	vld [tilespmem:s0+$0x4010]  }
0x39e: {  	vm6 =	veq.s32 v11, v21;
	vm1 =	veq.s32 v15, v16;
	vm0 =	veq.s32 v12, v17;
	v10 =	vld [tilespmem:s0+$0x4020]  }
0x39f: {  	v16 =	vnsel vm2, $0x0, v6;
	v7 =	vnsel vm3, $0x0, v7;
	v8 =	vnsel vm4, $0x0, v8;
	v11 =	vld [tilespmem:s0+$0x4030]  }
0x3a0: {  	v9 =	vnsel vm5, $0x0, v9;
	v13 =	vnsel vm6, $0x0, v5;
	v12 =	vshra.s32 v29, $0x1F;
	[tilespmem:s31+$0xC000] =	vst v16;
	v5 =	vld [tilespmem:s0+$0x4040]  }
0x3a1: {  	v15 =	vand.u32 $0xFFFFFFFC, v29;
	v14 =	vshra.s32 v22, $0x1F;
	v17 =	vld [tilespmem:s0+$0x4050];
	v12 =	vand.u32 $0x7FFFFFFC, v12;
	[tilespmem:s31+$0xC010] =	vst v7;
	v6 =	vmovc v22  }
0x3a2: {  	v14 =	vand.u32 $0x7FFFFFFC, v14;
	v16 =	vshra.s32 v18, $0x1F;
	v22 =	vld [tilespmem:s0+$0x4060];
	v12 =	vxor.u32 v15, v12;
	[tilespmem:s31+$0xC020] =	vst v8;
	v7 =	vmovc v18  }
0x3a3: {  	v15 =	vand.u32 $0x7FFFFFFC, v16;
	v16 =	vshra.s32 v10, $0x1F;
	v12 =	vor.u32 v0, v12;
	[tilespmem:s31+$0xC030] =	vst v9;
	v8 =	vmovc v10  }
0x3a4: {  	v10 =	vand.u32 $0x7FFFFFFC, v16;
	v16 =	vshra.s32 v11, $0x1F;
	v18 =	vperm.xlane v12, v1;
	[tilespmem:s31+$0xC040] =	vst v13;
	v9 =	vmovc v11  }
0x3a5: {  	v11 =	vand.u32 $0xFFFFFFFC, v6;
	v13 =	vand.u32 $0x7FFFFFFC, v16;
	v16 =	vshra.s32 v5, $0x1F  }
0x3a6: {  	v16 =	vand.u32 $0x7FFFFFFC, v16;
	v19 =	vshra.s32 v17, $0x1F;
	vm2 =	vgt.s32 v12, v18  }
0x3a7: {  	v19 =	vand.u32 $0x7FFFFFFC, v19;
	v20 =	vshra.s32 v22, $0x1F;
	v18 =	vsel vm2, v12, v18  }
0x3a8: {  	v21 =	vand.u32 $0xFFFFFFFC, v7;
	v20 =	vand.u32 $0x7FFFFFFC, v20;
	v23 =	vperm.xlane v18, v2  }
0x3a9: {  	v24 =	vand.u32 $0xFFFFFFFC, v8;
	v25 =	vand.u32 $0xFFFFFFFC, v9;
	v26 =	vand.u32 $0xFFFFFFFC, v5  }
0x3aa: {  	v27 =	vand.u32 $0xFFFFFFFC, v17;
	v28 =	vand.u32 $0xFFFFFFFC, v22;
	vm2 =	vgt.s32 v18, v23  }
0x3ab: {  	v11 =	vxor.u32 v11, v14;
	v14 =	vxor.u32 v21, v15;
	v15 =	vsel vm2, v18, v23  }
0x3ac: {  	v21 =	vxor.u32 v25, v13;
	v18 =	vxor.u32 v24, v10;
	vm2 =	veq.s32 v12, v15  }
0x3ad: {  	v12 =	vxor.u32 v26, v16;
	v15 =	vxor.u32 v27, v19;
	v13 =	vnsel vm2, $0x0, v29  }
0x3ae: {  	v10 =	vor.u32 v0, v14;
	v16 =	vor.u32 v0, v11;
	v19 =	vxor.u32 v28, v20;
	[tilespmem:s0+$0xC070] =	vst v13  }
0x3af: {  	v14 =	vor.u32 v0, v21;
	v11 =	vor.u32 v0, v12;
	v13 =	vor.u32 v0, v18  }
0x3b0: {  	v15 =	vor.u32 v0, v15;
	v12 =	vor.u32 v0, v19;
	v18 =	vperm.xlane v16, v1  }
0x3b1: {  	v21 =	vnsel vm1, $0x0, v4;
	v4 =	vmovc v17;
	v19 =	vperm.xlane v10, v1;
	v20 =	vperm.xlane v13, v1  }
0x3b2: {  	v17 =	vperm.xlane v14, v1;
	v23 =	vperm.xlane v11, v1;
	vm1 =	vgt.s32 v16, v18;
	[tilespmem:s31+$0xC050] =	vst v21  }
0x3b3: {  	v24 =	vperm.xlane v15, v1;
	v25 =	vperm.xlane v12, v1;
	vm2 =	vgt.s32 v10, v19  }
0x3b4: {  	vm4 =	vgt.s32 v14, v17;
	vm5 =	vgt.s32 v11, v23;
	vm3 =	vgt.s32 v13, v20  }
0x3b5: {  	vm6 =	vgt.s32 v12, v25;
	v27 =	vsel vm1, v16, v18;
	vm1 =	vgt.s32 v15, v24  }
0x3b6: {  	v29 =	vsel vm2, v10, v19;
	v19 =	vsel vm3, v13, v20;
	v20 =	vsel vm4, v14, v17  }
0x3b7: {  	v18 =	vsel vm6, v12, v25;
	v21 =	vsel vm5, v11, v23;
	v17 =	vsel vm1, v15, v24  }
0x3b8: {  	v30 =	vperm.xlane v29, v2;
	v28 =	vperm.xlane v27, v2;
	v24 =	vnsel vm0, $0x0, v3;
	v3 =	vmovc v22  }
.Ltmp7:
0x3b9: {  	v22 =	vperm.xlane v19, v2;
	v23 =	vperm.xlane v20, v2;
	[tilespmem:s31+$0xC060] =	vst v24;
	s31 =	smov.u32 s0;
	(pc) =	sbr.rel @p0 .LBB2_16-.Ltmp7, $4  }
0x3ba: {  	v25 =	vperm.xlane v21, v2;
	vm4 =	vgt.s32 v27, v28;
	v24 =	vperm.xlane v17, v2  }
0x3bb: {  	v26 =	vperm.xlane v18, v2;
	vm5 =	vgt.s32 v29, v30;
	vm1 =	vgt.s32 v19, v22  }
0x3bc: {  	vm2 =	vgt.s32 v20, v23;
	vm3 =	vgt.s32 v21, v25;
	vm0 =	vgt.s32 v17, v24  }
0x3bd: {  	v28 =	vsel vm4, v27, v28;
	v27 =	vsel vm5, v29, v30;
	vm4 =	vgt.s32 v18, v26;
	s0 =	sshra.s32 s1, $0x2;
	s1 =	sadd.s32 $0x200, s1  }
0x3be: {  	v29 =	vld [tilespmem:s0+$0x4070]  }
0x3bf: {  	v30 =	vld [tilespmem:s0+$0x4000]  }
0x3c0: {  	v19 =	vsel vm1, v19, v22;
	v20 =	vsel vm2, v20, v23;
	v21 =	vsel vm3, v21, v25;
	v22 =	vld [tilespmem:s0+$0x4010]  }
0x3c1: {  	vm13 =	veq.s32 v16, v28;
	v48 =	vsel vm0, v17, v24;
	v49 =	vsel vm4, v18, v26;
	v18 =	vld [tilespmem:s0+$0x4020]  }
0x3c2: {  	vm14 =	veq.s32 v10, v27;
	v10 =	vld [tilespmem:s0+$0x4030];
	vm15 =	veq.s32 v13, v19;
	vm5 =	veq.s32 v14, v20  }
0x3c3: {  	vm6 =	veq.s32 v11, v21;
	vm8 =	veq.s32 v15, v48;
	v6 =	vnsel vm13, $0x0, v6  }
0x3c4: {  	vm0 =	veq.s32 v12, v49;
	v7 =	vnsel vm14, $0x0, v7;
	v8 =	vnsel vm15, $0x0, v8  }
0x3c5: {  	v9 =	vnsel vm5, $0x0, v9;
	v5 =	vnsel vm6, $0x0, v5;
	v4 =	vnsel vm8, $0x0, v4  }
0x3c6: {  	v11 =	vld [tilespmem:s0+$0x4040];
	v50 =	vshra.s32 v29, $0x1F;
	v51 =	vshra.s32 v30, $0x1F;
	v52 =	vand.u32 $0xFFFFFFFC, v29  }
0x3c7: {  	v54 =	vshra.s32 v22, $0x1F;
	v55 =	vshra.s32 v18, $0x1F;
	v56 =	vshra.s32 v10, $0x1F  }
0x3c8: {  	[tilespmem:s31+$0xC000] =	vst v6;
	v58 =	vand.u32 $0xFFFFFFFC, v30;
	v62 =	vand.u32 $0xFFFFFFFC, v22;
	v36 =	vand.u32 $0xFFFFFFFC, v18  }
0x3c9: {  	v12 =	vld [tilespmem:s0+$0x4050];
	v37 =	vand.u32 $0xFFFFFFFC, v10;
	v6 =	vand.u32 $0x7FFFFFFC, v50;
	v53 =	vand.u32 $0x7FFFFFFC, v51  }
0x3ca: {  	v13 =	vand.u32 $0x7FFFFFFC, v54;
	v14 =	vand.u32 $0x7FFFFFFC, v55;
	v16 =	vand.u32 $0x7FFFFFFC, v56  }
0x3cb: {  	[tilespmem:s31+$0xC010] =	vst v7;
	v59 =	vshra.s32 v11, $0x1F;
	v38 =	vand.u32 $0xFFFFFFFC, v11;
	v6 =	vxor.u32 v52, v6  }
0x3cc: {  	v15 =	vld [tilespmem:s0+$0x4060];
	v20 =	vand.u32 $0x7FFFFFFC, v59;
	v7 =	vxor.u32 v58, v53;
	v13 =	vxor.u32 v62, v13  }
0x3cd: {  	v14 =	vxor.u32 v36, v14;
	v16 =	vxor.u32 v37, v16;
	v6 =	vor.u32 v0, v6  }
0x3ce: {  	v60 =	vshra.s32 v12, $0x1F;
	v31 =	vand.u32 $0xFFFFFFFC, v12;
	v39 =	vxor.u32 v38, v20  }
0x3cf: {  	v7 =	vor.u32 v0, v7;
	v13 =	vor.u32 v0, v13;
	v14 =	vor.u32 v0, v14  }
0x3d0: {  	v16 =	vor.u32 v0, v16;
	v57 =	vperm.xlane v6, v1;
	v21 =	vand.u32 $0x7FFFFFFC, v60  }
0x3d1: {  	v61 =	vshra.s32 v15, $0x1F;
	v43 =	vperm.xlane v7, v1;
	v44 =	vperm.xlane v13, v1  }
0x3d2: {  	v32 =	vand.u32 $0xFFFFFFFC, v15;
	v45 =	vperm.xlane v14, v1;
	v46 =	vperm.xlane v16, v1  }
0x3d3: {  	v23 =	vand.u32 $0x7FFFFFFC, v61;
	v40 =	vxor.u32 v31, v21;
	vm9 =	vgt.s32 v6, v57  }
0x3d4: {  	v42 =	vxor.u32 v32, v23;
	vm10 =	vgt.s32 v7, v43;
	vm11 =	vgt.s32 v13, v44  }
0x3d5: {  	vm12 =	vgt.s32 v14, v45;
	vm13 =	vgt.s32 v16, v46;
	v17 =	vsel vm9, v6, v57  }
0x3d6: {  	v20 =	vor.u32 v0, v42;
	v21 =	vsel vm10, v7, v43;
	v23 =	vsel vm11, v13, v44  }
0x3d7: {  	v24 =	vsel vm12, v14, v45;
	v63 =	vperm.xlane v17, v2;
	v49 =	vperm.xlane v20, v1  }
0x3d8: {  	v25 =	vsel vm13, v16, v46;
	v50 =	vperm.xlane v21, v2;
	v51 =	vperm.xlane v23, v2  }
0x3d9: {  	v3 =	vnsel vm0, $0x0, v3;
	v52 =	vperm.xlane v24, v2;
	v53 =	vperm.xlane v25, v2  }
0x3da: {  	vm2 =	vgt.s32 v17, v63;
	vm9 =	vgt.s32 v20, v49;
	vm10 =	vgt.s32 v21, v50  }
0x3db: {  	vm11 =	vgt.s32 v23, v51;
	vm12 =	vgt.s32 v24, v52;
	vm13 =	vgt.s32 v25, v53  }
0x3dc: {  	v17 =	vsel vm2, v17, v63;
	v28 =	vsel vm9, v20, v49;
	v55 =	vsel vm10, v21, v50  }
0x3dd: {  	v57 =	vsel vm11, v23, v51;
	vm2 =	veq.s32 v6, v17;
	v6 =	vor.u32 v0, v39  }
0x3de: {  	[tilespmem:s31+$0xC020] =	vst v8;
	v59 =	vsel vm13, v25, v53;
	v17 =	vor.u32 v0, v40;
	v47 =	vperm.xlane v6, v1  }
0x3df: {  	[tilespmem:s31+$0xC030] =	vst v9;
	v56 =	vperm.xlane v28, v2;
	vm9 =	veq.s32 v7, v55;
	v48 =	vperm.xlane v17, v1  }
0x3e0: {  	[tilespmem:s31+$0xC040] =	vst v5;
	vm10 =	veq.s32 v13, v57;
	v41 =	vnsel vm2, $0x0, v29;
	vm14 =	vgt.s32 v6, v47  }
0x3e1: {  	v58 =	vnsel vm9, $0x0, v30;
	[tilespmem:s0+$0xC070] =	vst v41;
	vm15 =	vgt.s32 v17, v48;
	v26 =	vsel vm14, v6, v47  }
0x3e2: {  	vm8 =	vgt.s32 v28, v56;
	[tilespmem:s31+$0xC050] =	vst v4;
	v27 =	vsel vm15, v17, v48;
	v54 =	vperm.xlane v26, v2  }
0x3e3: {  	[tilespmem:s31+$0xC060] =	vst v3;
	v3 =	vsel vm12, v24, v52;
	vm12 =	veq.s32 v16, v59;
	v33 =	vperm.xlane v27, v2  }
0x3e4: {  	vm11 =	veq.s32 v14, v3;
	v3 =	vnsel vm10, $0x0, v22;
	[tilespmem:s0+$0xC000] =	vst v58;
	vm14 =	vgt.s32 v26, v54  }
0x3e5: {  	v62 =	vnsel vm12, $0x0, v10;
	[tilespmem:s0+$0xC010] =	vst v3;
	vm15 =	vgt.s32 v27, v33;
	v60 =	vsel vm14, v26, v54  }
0x3e6: {  	v61 =	vnsel vm11, $0x0, v18;
	[tilespmem:s0+$0xC030] =	vst v62;
	v3 =	vsel vm15, v27, v33;
	vm13 =	veq.s32 v6, v60  }
0x3e7: {  	v63 =	vsel vm8, v28, v56;
	[tilespmem:s0+$0xC020] =	vst v61;
	vm14 =	veq.s32 v17, v3;
	v3 =	vnsel vm13, $0x0, v11  }
0x3e8: {  	vm15 =	veq.s32 v20, v63;
	[tilespmem:s0+$0xC040] =	vst v3;
	v3 =	vnsel vm14, $0x0, v12  }
0x3e9: {  	[tilespmem:s0+$0xC050] =	vst v3;
	v3 =	vnsel vm15, $0x0, v15  }
0x3ea: {  	s30 =	sadd.s32 $0x1, s30;
	[tilespmem:s0+$0xC060] =	vst v3  }
0x3eb: {  	[hbm4b:s18+s20] =	stream.strided.scatter [tilespmem:s26], [sflag:$0x4], $0x4000, s21, s20, $0x38;
	[tilespmem:$0x10000] =	vst v63  }
0x3ec: {  	p0 =	sne.s32 s30, s19;
	_ =	swait.ge [sflag:s28], $0x4000  }
.Ltmp8:
0x3ed: {  	[sflag:s28] =	ssyncset.done $0x0;
	(pc) =	sbr.rel @p0 .LBB2_1-.Ltmp8, $4  }
0x3ee: {  	[sflag:s28] =	ssyncadd.s32 $0xFFFFC000  }
0x3ef: {  	_ =	swait.ge [sflag:s29], $0x4000  }
0x3f0: {  	[sflag:s29] =	ssyncset.done $0x0  }
0x3f1: {  	[sflag:s29] =	ssyncadd.s32 $0xFFFFC000  }
0x3f2: {  	_ =	sfence.sel $0x180000  }
0x3f3: {  	[bflag:$0x0] =	sbarrier.arrive $0xFFFF  }
0x3f4: {  	_ =	strace $0x90000047  }
0x3f5: {  	s0 =	stileid.u32;
	[bflag:$0x2] =	sbarrier.arrive $0xFFFF  }
0x3f6: {  	p0 =	sne.s32 s0, $0x0;
	s0 =	rddreg [dreg:$0x2]  }
0x3f7: {  	s0 =	sadd.s32 @!p0 $0x100000, s0  }
0x3f8: {  	[sflag:s0] =	ssyncadd.tile.s32 @!p0 $0x1;
	_ =	shalt  }
.Lfunc_end2:
_tile_overlayer_lowered:
.L_overlay_start_2:
0x3f9: {  	(tag) =	ssettag $0x2  }
0x3fa: {  	s0 =	rddreg [dreg:$0x0];
	s2 =	stileid.u32  }
0x3fb: {  	s1 =	rddreg [dreg:$0x1];
	p0 =	sne.s32 s2, $0x0  }
0x3fc: {  	s3 =	rddreg [dreg:$0x2];
	[bflag:$0x3] =	sbarrier.arrive $0xFFFF;
	s2 =	simm.s32 @!p0 $0x1C05  }
0x3fd: {  	[timem:s3], [sflag:s2] =	dma.local @!p0 [hbm:s0], s1  }
0x3fe: {  	s0 =	simm.s32 @!p0 $0x5  }
0x3ff: {  	_ =	swait.ge @!p0 [sflag:s0], s1  }
0x400: {  	s1 =	ssub.s32 @!p0 $0x0, s1;
	[sflag:s0] =	ssyncset.done @!p0 $0x0  }
0x401: {  	[sflag:s0] =	ssyncadd.s32 @!p0 s1  }
0x402: {  	[bflag:$0x3] =	sbarrier.arrive $0xFFFF  }
0x403: {  	_ =	shalt  }

</sc_bundles>
